<compile_context>
chip_gen: v7x
topology: tpu7x:2x2x1
jax: 0.10.2.dev20260603
libtpu: 0.0.44.dev20260713+nightly
codegen_flags: <defaults>
</compile_context>

<pallas_src>
import jax
import jax.numpy as jnp
from jax import lax
from jax.experimental import pallas as pl
from jax.experimental.pallas import tpu as pltpu
from jax.experimental.pallas import tpu_sc as plsc

N = 10000
E = 320000
D = 128
H = 128
G = 64
OUT = 6

NC = 2
NS = 16
NW = NC * NS

NP = 10240
ROWS_PER_TILE = NP // NS
CHUNK = 128
K = 80
TOTC = NW * K

SG = 40
EPAD = TOTC * CHUNK

ACH = 64
AK = 160
ATOTC = NW * AK
ASG = 40
NBUF = 4

RB = 1024
GRID = NP // RB


DEGL = 128


def _deg_body(dst_hbm, out_hbm, dst_v, buf, acc, sem):
    c = lax.axis_index("c")
    s = lax.axis_index("s")
    wid = s * NC + c

    zv = jnp.zeros((16,), jnp.float32)

    @pl.loop(0, CHUNK)
    def _fill_zero(i):
        @pl.loop(0, DEGL // 16)
        def _fz(k):
            buf[i, pl.ds(k * 16, 16)] = zv

    @pl.loop(0, ROWS_PER_TILE // CHUNK)
    def _zero_stripe(z):
        pltpu.sync_copy(
            buf, acc.at[pl.ds(s * ROWS_PER_TILE + z * CHUNK, CHUNK)])

    @pl.loop(0, CHUNK)
    def _fill_ones(i):
        @pl.loop(0, DEGL // 16)
        def _fo(k):
            buf[i, pl.ds(k * 16, 16)] = zv + 1.0

    pltpu.sync_copy(dst_hbm.at[pl.ds(wid * K, K)], dst_v)
    plsc.subcore_barrier()

    @pl.loop(0, K)
    def _scatter(j):
        pltpu.sync_copy(buf, acc.at[dst_v.at[j]], add=True)

    plsc.subcore_barrier()
    pltpu.sync_copy(
        acc.at[pl.ds(s * ROWS_PER_TILE, ROWS_PER_TILE)],
        out_hbm.at[c].at[pl.ds(s * ROWS_PER_TILE, ROWS_PER_TILE)],
    )


def _make_deg_kernel():
    mesh = plsc.VectorSubcoreMesh(core_axis_name="c", subcore_axis_name="s")
    return pl.kernel(
        _deg_body,
        out_type=jax.ShapeDtypeStruct((NC, NP, DEGL), jnp.float32),
        mesh=mesh,
        scratch_types=[
            pltpu.VMEM((K, CHUNK), jnp.int32),
            pltpu.VMEM((CHUNK, DEGL), jnp.float32),
            pltpu.VMEM_SHARED((NP, DEGL), jnp.float32),
            pltpu.SemaphoreType.DMA,
        ],
    )


def _agg_body(g_hbm, src_hbm, dst_hbm, out_hbm, src_v, dst_v, rows,
              acc, sem0, sem1, sem2, sem3):
    c = lax.axis_index("c")
    s = lax.axis_index("s")
    sems = (sem0, sem1, sem2, sem3)

    zv = jnp.zeros((16,), jnp.float32)

    @pl.loop(0, ACH)
    def _fill_zero(i):
        @pl.loop(0, D // 16)
        def _fz(k):
            rows[0, i, pl.ds(k * 16, 16)] = zv

    @pl.loop(0, ROWS_PER_TILE // ACH)
    def _zero_stripe(z):
        pltpu.sync_copy(
            rows.at[0],
            acc.at[pl.ds(s * ROWS_PER_TILE + z * ACH, ACH)],
        )

    plsc.subcore_barrier()

    def _stage(stage_base):
        pltpu.sync_copy(src_hbm.at[pl.ds(stage_base, ASG)], src_v)
        pltpu.sync_copy(dst_hbm.at[pl.ds(stage_base, ASG)], dst_v)

        for b in range(NBUF):
            pltpu.async_copy(g_hbm.at[src_v.at[b]], rows.at[b], sems[b])

        @pl.loop(0, ASG, step=NBUF)
        def _main(j):
            for b in range(NBUF):
                jj = j + b
                sem = sems[b]
                pltpu.make_async_copy(g_hbm.at[src_v.at[jj]], rows.at[b],
                                      sem).wait()
                pltpu.sync_copy(rows.at[b], acc.at[dst_v.at[jj]], add=True)

                @pl.when(jj + NBUF < ASG)
                def _next():
                    pltpu.async_copy(g_hbm.at[src_v.at[jj + NBUF]],
                                     rows.at[b], sem)

    wid = s * NC + c
    for st in range(AK // ASG):
        _stage(wid * AK + st * ASG)

    plsc.subcore_barrier()
    pltpu.sync_copy(
        acc.at[pl.ds(s * ROWS_PER_TILE, ROWS_PER_TILE)],
        out_hbm.at[c].at[pl.ds(s * ROWS_PER_TILE, ROWS_PER_TILE)],
    )


def _make_agg_kernel():
    mesh = plsc.VectorSubcoreMesh(core_axis_name="c", subcore_axis_name="s")
    return pl.kernel(
        _agg_body,
        out_type=jax.ShapeDtypeStruct((NC, NP, D), jnp.float32),
        mesh=mesh,
        scratch_types=[
            pltpu.VMEM((ASG, ACH), jnp.int32),
            pltpu.VMEM((ASG, ACH), jnp.int32),
            pltpu.VMEM((NBUF, ACH, D), jnp.float32),
            pltpu.VMEM_SHARED((NP, D), jnp.float32),
            pltpu.SemaphoreType.DMA,
            pltpu.SemaphoreType.DMA,
            pltpu.SemaphoreType.DMA,
            pltpu.SemaphoreType.DMA,
        ],
    )


def _tc_mm_body(x_ref, w_ref, h_ref):
    h_ref[...] = jnp.dot(x_ref[...], w_ref[...],
                         preferred_element_type=jnp.float32)


def _tc_mm(x_p, W):
    return pl.pallas_call(
        _tc_mm_body,
        grid=(GRID,),
        in_specs=[
            pl.BlockSpec((RB, D), lambda i: (i, 0)),
            pl.BlockSpec((D, H), lambda i: (0, 0)),
        ],
        out_specs=pl.BlockSpec((RB, H), lambda i: (i, 0)),
        out_shape=jax.ShapeDtypeStruct((NP, H), jnp.float32),
    )(x_p, W)


def _tc_a_body(degp_ref, h_ref, g1_ref, dm_ref):
    i = pl.program_id(0)
    d = degp_ref[0, :, 0:1] + degp_ref[1, :, 0:1] + 1.0
    d = jnp.broadcast_to(d, (RB, H))
    rows = i * RB + lax.broadcasted_iota(jnp.int32, (RB, H), 0)
    dm = jnp.where(rows < N, lax.rsqrt(d), 0.0)
    g1_ref[...] = dm * h_ref[...]
    dm_ref[...] = dm


def _tc_a(degp, h1raw):
    return pl.pallas_call(
        _tc_a_body,
        grid=(GRID,),
        in_specs=[
            pl.BlockSpec((NC, RB, DEGL), lambda i: (0, i, 0)),
            pl.BlockSpec((RB, H), lambda i: (i, 0)),
        ],
        out_specs=[
            pl.BlockSpec((RB, H), lambda i: (i, 0)),
            pl.BlockSpec((RB, H), lambda i: (i, 0)),
        ],
        out_shape=[
            jax.ShapeDtypeStruct((NP, H), jnp.float32),
            jax.ShapeDtypeStruct((NP, H), jnp.float32),
        ],
    )(degp, h1raw)


def _tc_b_body(aggp_ref, g1_ref, dm_ref, w2_ref, b1_ref, g2_ref):
    dm = dm_ref[...]
    agg = aggp_ref[0] + aggp_ref[1] + g1_ref[...]
    h1 = jnp.maximum(dm * agg + b1_ref[...], 0.0)
    h2 = jnp.dot(h1, w2_ref[...], preferred_element_type=jnp.float32)
    g2_ref[...] = dm * h2


def _tc_b(aggp, g1, dm, W2, b1_2d):
    return pl.pallas_call(
        _tc_b_body,
        grid=(GRID,),
        in_specs=[
            pl.BlockSpec((NC, RB, H), lambda i: (0, i, 0)),
            pl.BlockSpec((RB, H), lambda i: (i, 0)),
            pl.BlockSpec((RB, H), lambda i: (i, 0)),
            pl.BlockSpec((H, H), lambda i: (0, 0)),
            pl.BlockSpec((1, H), lambda i: (0, 0)),
        ],
        out_specs=pl.BlockSpec((RB, H), lambda i: (i, 0)),
        out_shape=jax.ShapeDtypeStruct((NP, H), jnp.float32),
    )(aggp, g1, dm, W2, b1_2d)


def _tc_c_body(aggp_ref, g2_ref, dm_ref, b2_ref, batch_ref, linw_ref,
               linb_ref, logits_ref, emb_ref, sums, counts):
    i = pl.program_id(0)
    dm = dm_ref[...]
    agg = aggp_ref[0] + aggp_ref[1] + g2_ref[...]
    h2 = jnp.maximum(dm * agg + b2_ref[...], 0.0)

    bvec = batch_ref[0]
    oh_t = (jnp.broadcast_to(bvec, (G, RB))
            == lax.broadcasted_iota(jnp.int32, (G, RB), 0)).astype(jnp.float32)

    @pl.when(i == 0)
    def _init():
        sums[...] = jnp.zeros((G, H), jnp.float32)
        counts[...] = jnp.zeros((G, 1), jnp.float32)

    sums[...] += jnp.dot(oh_t, h2, preferred_element_type=jnp.float32)
    counts[...] += jnp.sum(oh_t, axis=1, keepdims=True)

    @pl.when(i == GRID - 1)
    def _fin():
        cnt = jnp.broadcast_to(jnp.maximum(counts[...], 1.0), (G, H))
        emb = sums[...] / cnt
        emb_ref[...] = emb
        logits_ref[...] = (
            jnp.dot(emb, linw_ref[...], preferred_element_type=jnp.float32)
            + linb_ref[...]
        )


def _tc_c(aggp, g2, dm, b2_2d, batch3d, lin_W, lin_b_2d):
    return pl.pallas_call(
        _tc_c_body,
        grid=(GRID,),
        in_specs=[
            pl.BlockSpec((NC, RB, H), lambda i: (0, i, 0)),
            pl.BlockSpec((RB, H), lambda i: (i, 0)),
            pl.BlockSpec((RB, H), lambda i: (i, 0)),
            pl.BlockSpec((1, H), lambda i: (0, 0)),
            pl.BlockSpec((1, 1, RB), lambda i: (i, 0, 0)),
            pl.BlockSpec((H, OUT), lambda i: (0, 0)),
            pl.BlockSpec((1, OUT), lambda i: (0, 0)),
        ],
        out_specs=[
            pl.BlockSpec((G, OUT), lambda i: (0, 0)),
            pl.BlockSpec((G, H), lambda i: (0, 0)),
        ],
        out_shape=[
            jax.ShapeDtypeStruct((G, OUT), jnp.float32),
            jax.ShapeDtypeStruct((G, H), jnp.float32),
        ],
        scratch_shapes=[
            pltpu.VMEM((G, H), jnp.float32),
            pltpu.VMEM((G, 1), jnp.float32),
        ],
    )(aggp, g2, dm, b2_2d, batch3d, lin_W, lin_b_2d)


@jax.jit
def kernel(x, edge_index, batch, W1, b1, W2, b2, lin_W, lin_b):
    src = edge_index[0]
    dst = edge_index[1]
    pad_i = jnp.arange(EPAD - E, dtype=jnp.int32)
    src_flat = jnp.concatenate([src, pad_i % N])
    dst_flat = jnp.concatenate([dst, N + pad_i % (NP - N)])
    srcs = src_flat.reshape(TOTC, CHUNK)
    dsts = dst_flat.reshape(TOTC, CHUNK)
    srcs_a = src_flat.reshape(ATOTC, ACH)
    dsts_a = dst_flat.reshape(ATOTC, ACH)

    x_p = jnp.pad(x, ((0, NP - N), (0, 0)))
    batch3d = jnp.pad(batch, (0, NP - N), constant_values=G).reshape(
        GRID, 1, RB)

    deg_k = _make_deg_kernel()
    agg_k = _make_agg_kernel()

    degp = deg_k(dsts)
    h1raw = _tc_mm(x_p, W1)
    g1, dm = _tc_a(degp, h1raw)
    agg1 = agg_k(g1, srcs_a, dsts_a)
    g2 = _tc_b(agg1, g1, dm, W2, b1.reshape(1, H))
    agg2 = agg_k(g2, srcs_a, dsts_a)
    logits, embedding = _tc_c(agg2, g2, dm, b2.reshape(1, H), batch3d,
                              lin_W, lin_b.reshape(1, OUT))
    return (logits, embedding)

# --- scband reference (transcript-rebuilt; emitter-appended) ---
"""Pipeline reference for scband-custom-gcn-14980845928717 (READ-ONLY COPY).

The authoritative reference and input builder live on the scoring server;
editing this copy changes nothing except your own understanding.
"""

import jax, jax.numpy as jnp
import numpy as np

N = 10000
E = 320000
D = 128
H = 128
G = 64
OUT = 6


def gcn_conv(x, edge_index, W, b, num_nodes):
    # PyG GCNConv: add self loops, symmetric D^-1/2 (A+I) D^-1/2 normalization
    src = edge_index[0]
    dst = edge_index[1]
    loop = jnp.arange(num_nodes, dtype=src.dtype)
    src = jnp.concatenate([src, loop])
    dst = jnp.concatenate([dst, loop])
    deg = jax.ops.segment_sum(jnp.ones(dst.shape[0], dtype=x.dtype), dst, num_segments=num_nodes)
    dinv = jnp.where(deg > 0, 1.0 / jnp.sqrt(deg), 0.0)
    norm = dinv[src] * dinv[dst]
    h = x @ W
    msg = h[src] * norm[:, None]
    out = jax.ops.segment_sum(msg, dst, num_segments=num_nodes)
    return out + b


def setup_inputs(seed: int = 0) -> dict:
    key = jax.random.key(seed)
    ks = jax.random.split(key, 10)
    x = jax.random.normal(ks[0], (N, D), dtype=jnp.float32)
    edge_index = jax.random.randint(ks[1], (2, E), 0, N, dtype=jnp.int32)
    batch = jnp.sort(jax.random.randint(ks[2], (N,), 0, G, dtype=jnp.int32))
    W1 = jax.random.normal(ks[3], (D, H), dtype=jnp.float32) * (1.0 / np.sqrt(D))
    b1 = jnp.zeros((H,), dtype=jnp.float32)
    W2 = jax.random.normal(ks[4], (H, H), dtype=jnp.float32) * (1.0 / np.sqrt(H))
    b2 = jnp.zeros((H,), dtype=jnp.float32)
    lin_W = jax.random.normal(ks[5], (H, OUT), dtype=jnp.float32) * (1.0 / np.sqrt(H))
    lin_b = jnp.zeros((OUT,), dtype=jnp.float32)
    return {"x": x, "edge_index": edge_index, "batch": batch, "W1": W1, "b1": b1, "W2": W2, "b2": b2, "lin_W": lin_W, "lin_b": lin_b}


def reference(x, edge_index, batch, W1, b1, W2, b2, lin_W, lin_b):
    h = jax.nn.relu(gcn_conv(x, edge_index, W1, b1, N))
    h = jax.nn.relu(gcn_conv(h, edge_index, W2, b2, N))
    # global_mean_pool over batch segment ids
    sums = jax.ops.segment_sum(h, batch, num_segments=G)
    counts = jax.ops.segment_sum(jnp.ones((h.shape[0],), dtype=h.dtype), batch, num_segments=G)
    embedding = sums / jnp.clip(counts, 1.0)[:, None]
    # dropout is identity in eval mode
    logits = embedding @ lin_W + lin_b
    return (logits, embedding)

if __name__ == "__main__":
    import jax
    _d = setup_inputs()
    print(jax.jit(kernel)(*tuple(_d.values())))

</pallas_src>

<mosaic_0001>
#map = affine_map<(d0, d1) -> (0, 0)>
#map1 = affine_map<(d0, d1) -> (0, 0, 0)>
module attributes {stable_mosaic.version = 14 : i64} {
  func.func @_deg_body(%arg0: i32, %arg1: i32, %arg2: memref<2560x128xi32, #tpu.memory_space<hbm>>, %arg3: memref<2x10240x128xf32, #tpu.memory_space<hbm>>, %arg4: memref<80x128xi32, #tpu.memory_space<vmem>>, %arg5: memref<128x128xf32, #tpu.memory_space<vmem>>, %arg6: memref<10240x128xf32, #tpu.memory_space<vmem_shared>>, %arg7: memref<!tpu.dma_semaphore, #tpu.memory_space<semaphore_mem>>) attributes {dimension_semantics = [#tpu.dimension_semantics<core_parallel>, #tpu.dimension_semantics<subcore_parallel>], iteration_bounds = array<i64: 2, 16>, scalar_prefetch = 0 : i64, scratch_operands = 4 : i64, tpu.core_type = #tpu.core_type<sc_vector_subcore>, window_params = [{transform_indices = #map}, {transform_indices = #map1}]} {
    %mul3A = arith.constant 2 : i32
    %mul3A_0 = arith.muli %arg1, %mul3A : i32
    %add3A = arith.addi %mul3A_0, %arg0 : i32
    %broadcast_in_dim3A = arith.constant 0.000000e+00 : f32
    %broadcast_in_dim3A_1 = vector.broadcast %broadcast_in_dim3A : f32 to vector<16xf32>
    %scan3A = arith.constant 0 : i32
    %scan3A_2 = arith.constant 128 : i32
    %scan3A_3 = arith.addi %scan3A, %scan3A_2 : i32
    %scan3A_4 = arith.constant 1 : i32
    scf.for %scan3A_28 = %scan3A to %scan3A_3 step %scan3A_4  : i32 {
      %mul3A_29 = arith.constant 1 : i32
      %mul3A_30 = arith.muli %scan3A_28, %mul3A_29 : i32
      %add3A_31 = arith.constant 0 : i32
      %add3A_32 = arith.addi %add3A_31, %mul3A_30 : i32
      %scan3A_33 = arith.constant 0 : i32
      %scan3A_34 = arith.constant 8 : i32
      %scan3A_35 = arith.addi %scan3A_33, %scan3A_34 : i32
      %scan3A_36 = arith.constant 1 : i32
      scf.for %scan3A_38 = %scan3A_33 to %scan3A_35 step %scan3A_36  : i32 {
        %mul3A_39 = arith.constant 1 : i32
        %mul3A_40 = arith.muli %scan3A_38, %mul3A_39 : i32
        %add3A_41 = arith.constant 0 : i32
        %add3A_42 = arith.addi %add3A_41, %mul3A_40 : i32
        %mul3A_43 = arith.constant 16 : i32
        %mul3A_44 = arith.muli %add3A_42, %mul3A_43 : i32
        %swap3A = arith.index_cast %add3A_32 : i32 to index
        %swap3A_45 = arith.index_cast %mul3A_44 : i32 to index
        %swap3A_46 = tpu.vector_load %arg5[%swap3A, %swap3A_45] {strides = array<i32>} : memref<128x128xf32, #tpu.memory_space<vmem>>, vector<1x16xf32>,
        %swap3A_47 = vector.shape_cast %swap3A_46 : vector<1x16xf32> to vector<16xf32>
        %swap3A_48 = vector.shape_cast %broadcast_in_dim3A_1 : vector<16xf32> to vector<1x16xf32>
        tpu.vector_store %arg5[%swap3A, %swap3A_45], %swap3A_48 {strides = array<i32>} : memref<128x128xf32, #tpu.memory_space<vmem>>, vector<1x16xf32>,
      }
      %scan3A_37 = arith.constant 8 : i32
    }
    %scan3A_5 = arith.constant 128 : i32
    %scan3A_6 = arith.constant 0 : i32
    %scan3A_7 = arith.constant 5 : i32
    %scan3A_8 = arith.addi %scan3A_6, %scan3A_7 : i32
    %scan3A_9 = arith.constant 1 : i32
    scf.for %scan3A_28 = %scan3A_6 to %scan3A_8 step %scan3A_9  : i32 {
      %mul3A_29 = arith.constant 1 : i32
      %mul3A_30 = arith.muli %scan3A_28, %mul3A_29 : i32
      %add3A_31 = arith.constant 0 : i32
      %add3A_32 = arith.addi %add3A_31, %mul3A_30 : i32
      %mul3A_33 = arith.constant 640 : i32
      %mul3A_34 = arith.muli %arg1, %mul3A_33 : i32
      %mul3A_35 = arith.constant 128 : i32
      %mul3A_36 = arith.muli %add3A_32, %mul3A_35 : i32
      %add3A_37 = arith.addi %mul3A_34, %mul3A_36 : i32
      "tpu.region"() ({
        %run_scoped3A = tpu.sem_alloc : memref<!tpu.dma_semaphore, #tpu.memory_space<semaphore_mem>>
        %dma_start3A = arith.constant 0 : i32
        %dma_start3A_38 = tpu.memref_slice %arg6[%add3A_37, %dma_start3A] : memref<10240x128xf32, #tpu.memory_space<vmem_shared>> -> memref<128x128xf32, #tpu.memory_space<vmem_shared>>
        %dma_start3A_39 = arith.constant 0 : i32
        %dma_start3A_40 = tpu.memref_slice %arg6[%add3A_37, %dma_start3A_39] : memref<10240x128xf32, #tpu.memory_space<vmem_shared>> -> memref<128x128xf32, #tpu.memory_space<vmem_shared>>
        tpu.enqueue_dma source(%arg5 : memref<128x128xf32, #tpu.memory_space<vmem>>) target(%dma_start3A_40 : memref<128x128xf32, #tpu.memory_space<vmem_shared>>) target_semaphore(%run_scoped3A : memref<!tpu.dma_semaphore, #tpu.memory_space<semaphore_mem>>)
        %dma_wait3A = arith.constant 0 : i32
        %dma_wait3A_41 = tpu.memref_slice %arg6[%add3A_37, %dma_wait3A] : memref<10240x128xf32, #tpu.memory_space<vmem_shared>> -> memref<128x128xf32, #tpu.memory_space<vmem_shared>>
        %dma_wait3A_42 = arith.constant 0 : i32
        %dma_wait3A_43 = tpu.memref_slice %arg6[%add3A_37, %dma_wait3A_42] : memref<10240x128xf32, #tpu.memory_space<vmem_shared>> -> memref<128x128xf32, #tpu.memory_space<vmem_shared>>
        tpu.wait_dma2 semaphore(%run_scoped3A : memref<!tpu.dma_semaphore, #tpu.memory_space<semaphore_mem>>) src(%arg5 : memref<128x128xf32, #tpu.memory_space<vmem>>) dst(%dma_wait3A_43 : memref<128x128xf32, #tpu.memory_space<vmem_shared>>)
        tpu.yield
      }) : () -> ()
    }
    %scan3A_10 = arith.constant 5 : i32
    %scan3A_11 = arith.constant 0 : i32
    %scan3A_12 = arith.constant 128 : i32
    %scan3A_13 = arith.addi %scan3A_11, %scan3A_12 : i32
    %scan3A_14 = arith.constant 1 : i32
    scf.for %scan3A_28 = %scan3A_11 to %scan3A_13 step %scan3A_14  : i32 {
      %mul3A_29 = arith.constant 1 : i32
      %mul3A_30 = arith.muli %scan3A_28, %mul3A_29 : i32
      %add3A_31 = arith.constant 0 : i32
      %add3A_32 = arith.addi %add3A_31, %mul3A_30 : i32
      %scan3A_33 = arith.constant 0 : i32
      %scan3A_34 = arith.constant 8 : i32
      %scan3A_35 = arith.addi %scan3A_33, %scan3A_34 : i32
      %scan3A_36 = arith.constant 1 : i32
      scf.for %scan3A_38 = %scan3A_33 to %scan3A_35 step %scan3A_36  : i32 {
        %mul3A_39 = arith.constant 1 : i32
        %mul3A_40 = arith.muli %scan3A_38, %mul3A_39 : i32
        %add3A_41 = arith.constant 0 : i32
        %add3A_42 = arith.addi %add3A_41, %mul3A_40 : i32
        %add3A_43 = arith.constant 1.000000e+00 : f32
        %add3A_44 = vector.broadcast %add3A_43 : f32 to vector<16xf32>
        %add3A_45 = arith.addf %broadcast_in_dim3A_1, %add3A_44 : vector<16xf32>
        %mul3A_46 = arith.constant 16 : i32
        %mul3A_47 = arith.muli %add3A_42, %mul3A_46 : i32
        %swap3A = arith.index_cast %add3A_32 : i32 to index
        %swap3A_48 = arith.index_cast %mul3A_47 : i32 to index
        %swap3A_49 = tpu.vector_load %arg5[%swap3A, %swap3A_48] {strides = array<i32>} : memref<128x128xf32, #tpu.memory_space<vmem>>, vector<1x16xf32>,
        %swap3A_50 = vector.shape_cast %swap3A_49 : vector<1x16xf32> to vector<16xf32>
        %swap3A_51 = vector.shape_cast %add3A_45 : vector<16xf32> to vector<1x16xf32>
        tpu.vector_store %arg5[%swap3A, %swap3A_48], %swap3A_51 {strides = array<i32>} : memref<128x128xf32, #tpu.memory_space<vmem>>, vector<1x16xf32>,
      }
      %scan3A_37 = arith.constant 8 : i32
    }
    %scan3A_15 = arith.constant 128 : i32
    %mul3A_16 = arith.constant 80 : i32
    %mul3A_17 = arith.muli %add3A, %mul3A_16 : i32
    "tpu.region"() ({
      %run_scoped3A = tpu.sem_alloc : memref<!tpu.dma_semaphore, #tpu.memory_space<semaphore_mem>>
      %dma_start3A = arith.constant 0 : i32
      %dma_start3A_28 = tpu.memref_slice %arg2[%mul3A_17, %dma_start3A] : memref<2560x128xi32, #tpu.memory_space<hbm>> -> memref<80x128xi32, #tpu.memory_space<hbm>>
      %dma_start3A_29 = arith.constant 0 : i32
      %dma_start3A_30 = tpu.memref_slice %arg2[%mul3A_17, %dma_start3A_29] : memref<2560x128xi32, #tpu.memory_space<hbm>> -> memref<80x128xi32, #tpu.memory_space<hbm>>
      tpu.enqueue_dma source(%dma_start3A_30 : memref<80x128xi32, #tpu.memory_space<hbm>>) target(%arg4 : memref<80x128xi32, #tpu.memory_space<vmem>>) target_semaphore(%run_scoped3A : memref<!tpu.dma_semaphore, #tpu.memory_space<semaphore_mem>>)
      %dma_wait3A = arith.constant 0 : i32
      %dma_wait3A_31 = tpu.memref_slice %arg2[%mul3A_17, %dma_wait3A] : memref<2560x128xi32, #tpu.memory_space<hbm>> -> memref<80x128xi32, #tpu.memory_space<hbm>>
      %dma_wait3A_32 = arith.constant 0 : i32
      %dma_wait3A_33 = tpu.memref_slice %arg2[%mul3A_17, %dma_wait3A_32] : memref<2560x128xi32, #tpu.memory_space<hbm>> -> memref<80x128xi32, #tpu.memory_space<hbm>>
      tpu.wait_dma2 semaphore(%run_scoped3A : memref<!tpu.dma_semaphore, #tpu.memory_space<semaphore_mem>>) src(%dma_wait3A_33 : memref<80x128xi32, #tpu.memory_space<hbm>>) dst(%arg4 : memref<80x128xi32, #tpu.memory_space<vmem>>)
      tpu.yield
    }) : () -> ()
    %barrier3A = arith.constant 0 : index
    tpu.barrier barrier_id(%barrier3A)
    %scan3A_18 = arith.constant 0 : i32
    %scan3A_19 = arith.constant 80 : i32
    %scan3A_20 = arith.addi %scan3A_18, %scan3A_19 : i32
    %scan3A_21 = arith.constant 1 : i32
    scf.for %scan3A_28 = %scan3A_18 to %scan3A_20 step %scan3A_21  : i32 {
      %mul3A_29 = arith.constant 1 : i32
      %mul3A_30 = arith.muli %scan3A_28, %mul3A_29 : i32
      %add3A_31 = arith.constant 0 : i32
      %add3A_32 = arith.addi %add3A_31, %mul3A_30 : i32
      "tpu.region"() ({
        %run_scoped3A = tpu.sem_alloc : memref<!tpu.dma_semaphore, #tpu.memory_space<semaphore_mem>>
        %dma_start3A = arith.constant 0 : i32
        %dma_start3A_33 = tpu.memref_slice %arg4[%add3A_32, %dma_start3A] : memref<80x128xi32, #tpu.memory_space<vmem>> -> memref<1x128xi32, #tpu.memory_space<vmem>>
        %dma_start3A_34 = tpu.memref_squeeze %dma_start3A_33 : memref<1x128xi32, #tpu.memory_space<vmem>> -> memref<128xi32, #tpu.memory_space<vmem>>
        %dma_start3A_35 = arith.constant 0 : i32
        %dma_start3A_36 = arith.constant 0 : i32
        %dma_start3A_37 = tpu.memref_slice %arg6[%dma_start3A_35, %dma_start3A_36] : memref<10240x128xf32, #tpu.memory_space<vmem_shared>> -> memref<10240x128xf32, #tpu.memory_space<vmem_shared>>
        tpu.enqueue_indirect_dma source(%arg5 : memref<128x128xf32, #tpu.memory_space<vmem>>) target(%dma_start3A_37 : memref<10240x128xf32, #tpu.memory_space<vmem_shared>>) offsets(%dma_start3A_34 : memref<128xi32, #tpu.memory_space<vmem>>) semaphore(%run_scoped3A : memref<!tpu.dma_semaphore, #tpu.memory_space<semaphore_mem>>) {add = true}
        %dma_wait3A = arith.constant 0 : i32
        %dma_wait3A_38 = tpu.memref_slice %arg4[%add3A_32, %dma_wait3A] : memref<80x128xi32, #tpu.memory_space<vmem>> -> memref<1x128xi32, #tpu.memory_space<vmem>>
        %dma_wait3A_39 = tpu.memref_squeeze %dma_wait3A_38 : memref<1x128xi32, #tpu.memory_space<vmem>> -> memref<128xi32, #tpu.memory_space<vmem>>
        %dma_wait3A_40 = arith.constant 0 : i32
        %dma_wait3A_41 = arith.constant 0 : i32
        %dma_wait3A_42 = tpu.memref_slice %arg6[%dma_wait3A_40, %dma_wait3A_41] : memref<10240x128xf32, #tpu.memory_space<vmem_shared>> -> memref<10240x128xf32, #tpu.memory_space<vmem_shared>>
        tpu.wait_indirect_dma semaphore(%run_scoped3A : memref<!tpu.dma_semaphore, #tpu.memory_space<semaphore_mem>>) src(%arg5 : memref<128x128xf32, #tpu.memory_space<vmem>>) dst(%dma_wait3A_42 : memref<10240x128xf32, #tpu.memory_space<vmem_shared>>)
        tpu.yield
      }) : () -> ()
    }
    %scan3A_22 = arith.constant 80 : i32
    %barrier3A_23 = arith.constant 0 : index
    tpu.barrier barrier_id(%barrier3A_23)
    %mul3A_24 = arith.constant 640 : i32
    %mul3A_25 = arith.muli %arg1, %mul3A_24 : i32
    %mul3A_26 = arith.constant 640 : i32
    %mul3A_27 = arith.muli %arg1, %mul3A_26 : i32
    "tpu.region"() ({
      %run_scoped3A = tpu.sem_alloc : memref<!tpu.dma_semaphore, #tpu.memory_space<semaphore_mem>>
      %dma_start3A = arith.constant 0 : i32
      %dma_start3A_28 = arith.constant 0 : i32
      %dma_start3A_29 = tpu.memref_slice %arg3[%arg0, %dma_start3A, %dma_start3A_28] : memref<2x10240x128xf32, #tpu.memory_space<hbm>> -> memref<1x10240x128xf32, #tpu.memory_space<hbm>>
      %dma_start3A_30 = tpu.memref_squeeze %dma_start3A_29 : memref<1x10240x128xf32, #tpu.memory_space<hbm>> -> memref<10240x128xf32, #tpu.memory_space<hbm>>
      %dma_start3A_31 = arith.constant 0 : i32
      %dma_start3A_32 = tpu.memref_slice %dma_start3A_30[%mul3A_27, %dma_start3A_31] : memref<10240x128xf32, #tpu.memory_space<hbm>> -> memref<640x128xf32, #tpu.memory_space<hbm>>
      %dma_start3A_33 = arith.constant 0 : i32
      %dma_start3A_34 = tpu.memref_slice %arg6[%mul3A_25, %dma_start3A_33] : memref<10240x128xf32, #tpu.memory_space<vmem_shared>> -> memref<640x128xf32, #tpu.memory_space<vmem_shared>>
      tpu.enqueue_dma source(%dma_start3A_34 : memref<640x128xf32, #tpu.memory_space<vmem_shared>>) target(%dma_start3A_32 : memref<640x128xf32, #tpu.memory_space<hbm>>) target_semaphore(%run_scoped3A : memref<!tpu.dma_semaphore, #tpu.memory_space<semaphore_mem>>)
      %dma_wait3A = arith.constant 0 : i32
      %dma_wait3A_35 = arith.constant 0 : i32
      %dma_wait3A_36 = tpu.memref_slice %arg3[%arg0, %dma_wait3A, %dma_wait3A_35] : memref<2x10240x128xf32, #tpu.memory_space<hbm>> -> memref<1x10240x128xf32, #tpu.memory_space<hbm>>
      %dma_wait3A_37 = tpu.memref_squeeze %dma_wait3A_36 : memref<1x10240x128xf32, #tpu.memory_space<hbm>> -> memref<10240x128xf32, #tpu.memory_space<hbm>>
      %dma_wait3A_38 = arith.constant 0 : i32
      %dma_wait3A_39 = tpu.memref_slice %dma_wait3A_37[%mul3A_27, %dma_wait3A_38] : memref<10240x128xf32, #tpu.memory_space<hbm>> -> memref<640x128xf32, #tpu.memory_space<hbm>>
      %dma_wait3A_40 = arith.constant 0 : i32
      %dma_wait3A_41 = tpu.memref_slice %arg6[%mul3A_25, %dma_wait3A_40] : memref<10240x128xf32, #tpu.memory_space<vmem_shared>> -> memref<640x128xf32, #tpu.memory_space<vmem_shared>>
      tpu.wait_dma2 semaphore(%run_scoped3A : memref<!tpu.dma_semaphore, #tpu.memory_space<semaphore_mem>>) src(%dma_wait3A_41 : memref<640x128xf32, #tpu.memory_space<vmem_shared>>) dst(%dma_wait3A_39 : memref<640x128xf32, #tpu.memory_space<hbm>>)
      tpu.yield
    }) : () -> ()
    return
  }
}

#map = affine_map<(d0, d1) -> (0, 0)>
#map1 = affine_map<(d0, d1) -> (0, 0, 0)>
module attributes {stable_mosaic.version = 14 : i64} {
  func.func @_agg_body(%arg0: i32, %arg1: i32, %arg2: memref<10240x128xf32, #tpu.memory_space<hbm>>, %arg3: memref<5120x64xi32, #tpu.memory_space<hbm>>, %arg4: memref<5120x64xi32, #tpu.memory_space<hbm>>, %arg5: memref<2x10240x128xf32, #tpu.memory_space<hbm>>, %arg6: memref<40x64xi32, #tpu.memory_space<vmem>>, %arg7: memref<40x64xi32, #tpu.memory_space<vmem>>, %arg8: memref<4x64x128xf32, #tpu.memory_space<vmem>>, %arg9: memref<10240x128xf32, #tpu.memory_space<vmem_shared>>, %arg10: memref<!tpu.dma_semaphore, #tpu.memory_space<semaphore_mem>>, %arg11: memref<!tpu.dma_semaphore, #tpu.memory_space<semaphore_mem>>, %arg12: memref<!tpu.dma_semaphore, #tpu.memory_space<semaphore_mem>>, %arg13: memref<!tpu.dma_semaphore, #tpu.memory_space<semaphore_mem>>) attributes {dimension_semantics = [#tpu.dimension_semantics<core_parallel>, #tpu.dimension_semantics<subcore_parallel>], iteration_bounds = array<i64: 2, 16>, scalar_prefetch = 0 : i64, scratch_operands = 8 : i64, tpu.core_type = #tpu.core_type<sc_vector_subcore>, window_params = [{transform_indices = #map}, {transform_indices = #map}, {transform_indices = #map}, {transform_indices = #map1}]} {
    %broadcast_in_dim3A = arith.constant 0.000000e+00 : f32
    %broadcast_in_dim3A_0 = vector.broadcast %broadcast_in_dim3A : f32 to vector<16xf32>
    %scan3A = arith.constant 0 : i32
    %scan3A_1 = arith.constant 64 : i32
    %scan3A_2 = arith.addi %scan3A, %scan3A_1 : i32
    %scan3A_3 = arith.constant 1 : i32
    scf.for %scan3A_243 = %scan3A to %scan3A_2 step %scan3A_3  : i32 {
      %mul3A_244 = arith.constant 1 : i32
      %mul3A_245 = arith.muli %scan3A_243, %mul3A_244 : i32
      %add3A_246 = arith.constant 0 : i32
      %add3A_247 = arith.addi %add3A_246, %mul3A_245 : i32
      %scan3A_248 = arith.constant 0 : i32
      %scan3A_249 = arith.constant 8 : i32
      %scan3A_250 = arith.addi %scan3A_248, %scan3A_249 : i32
      %scan3A_251 = arith.constant 1 : i32
      scf.for %scan3A_253 = %scan3A_248 to %scan3A_250 step %scan3A_251  : i32 {
        %mul3A_254 = arith.constant 1 : i32
        %mul3A_255 = arith.muli %scan3A_253, %mul3A_254 : i32
        %add3A_256 = arith.constant 0 : i32
        %add3A_257 = arith.addi %add3A_256, %mul3A_255 : i32
        %mul3A_258 = arith.constant 16 : i32
        %mul3A_259 = arith.muli %add3A_257, %mul3A_258 : i32
        %swap3A = arith.constant 0 : i32
        %swap3A_260 = arith.index_cast %swap3A : i32 to index
        %swap3A_261 = arith.index_cast %add3A_247 : i32 to index
        %swap3A_262 = arith.index_cast %mul3A_259 : i32 to index
        %swap3A_263 = tpu.vector_load %arg8[%swap3A_260, %swap3A_261, %swap3A_262] {strides = array<i32>} : memref<4x64x128xf32, #tpu.memory_space<vmem>>, vector<1x1x16xf32>,
        %swap3A_264 = vector.shape_cast %swap3A_263 : vector<1x1x16xf32> to vector<16xf32>
        %swap3A_265 = vector.shape_cast %broadcast_in_dim3A_0 : vector<16xf32> to vector<1x1x16xf32>
        tpu.vector_store %arg8[%swap3A_260, %swap3A_261, %swap3A_262], %swap3A_265 {strides = array<i32>} : memref<4x64x128xf32, #tpu.memory_space<vmem>>, vector<1x1x16xf32>,
      }
      %scan3A_252 = arith.constant 8 : i32
    }
    %scan3A_4 = arith.constant 64 : i32
    %scan3A_5 = arith.constant 0 : i32
    %scan3A_6 = arith.constant 10 : i32
    %scan3A_7 = arith.addi %scan3A_5, %scan3A_6 : i32
    %scan3A_8 = arith.constant 1 : i32
    scf.for %scan3A_243 = %scan3A_5 to %scan3A_7 step %scan3A_8  : i32 {
      %mul3A_244 = arith.constant 1 : i32
      %mul3A_245 = arith.muli %scan3A_243, %mul3A_244 : i32
      %add3A_246 = arith.constant 0 : i32
      %add3A_247 = arith.addi %add3A_246, %mul3A_245 : i32
      %mul3A_248 = arith.constant 640 : i32
      %mul3A_249 = arith.muli %arg1, %mul3A_248 : i32
      %mul3A_250 = arith.constant 64 : i32
      %mul3A_251 = arith.muli %add3A_247, %mul3A_250 : i32
      %add3A_252 = arith.addi %mul3A_249, %mul3A_251 : i32
      %run_scoped3A = arith.constant 0 : i32
      "tpu.region"() ({
        %run_scoped3A_253 = tpu.sem_alloc : memref<!tpu.dma_semaphore, #tpu.memory_space<semaphore_mem>>
        %dma_start3A_254 = arith.constant 0 : i32
        %dma_start3A_255 = arith.constant 0 : i32
        %dma_start3A_256 = tpu.memref_slice %arg8[%run_scoped3A, %dma_start3A_254, %dma_start3A_255] : memref<4x64x128xf32, #tpu.memory_space<vmem>> -> memref<1x64x128xf32, #tpu.memory_space<vmem>>
        %dma_start3A_257 = tpu.memref_squeeze %dma_start3A_256 : memref<1x64x128xf32, #tpu.memory_space<vmem>> -> memref<64x128xf32, #tpu.memory_space<vmem>>
        %dma_start3A_258 = arith.constant 0 : i32
        %dma_start3A_259 = tpu.memref_slice %arg9[%add3A_252, %dma_start3A_258] : memref<10240x128xf32, #tpu.memory_space<vmem_shared>> -> memref<64x128xf32, #tpu.memory_space<vmem_shared>>
        %dma_start3A_260 = arith.constant 0 : i32
        %dma_start3A_261 = tpu.memref_slice %arg9[%add3A_252, %dma_start3A_260] : memref<10240x128xf32, #tpu.memory_space<vmem_shared>> -> memref<64x128xf32, #tpu.memory_space<vmem_shared>>
        %dma_start3A_262 = arith.constant 0 : i32
        %dma_start3A_263 = arith.constant 0 : i32
        %dma_start3A_264 = tpu.memref_slice %arg8[%run_scoped3A, %dma_start3A_262, %dma_start3A_263] : memref<4x64x128xf32, #tpu.memory_space<vmem>> -> memref<1x64x128xf32, #tpu.memory_space<vmem>>
        %dma_start3A_265 = tpu.memref_squeeze %dma_start3A_264 : memref<1x64x128xf32, #tpu.memory_space<vmem>> -> memref<64x128xf32, #tpu.memory_space<vmem>>
        tpu.enqueue_dma source(%dma_start3A_265 : memref<64x128xf32, #tpu.memory_space<vmem>>) target(%dma_start3A_261 : memref<64x128xf32, #tpu.memory_space<vmem_shared>>) target_semaphore(%run_scoped3A_253 : memref<!tpu.dma_semaphore, #tpu.memory_space<semaphore_mem>>)
        %dma_wait3A = arith.constant 0 : i32
        %dma_wait3A_266 = arith.constant 0 : i32
        %dma_wait3A_267 = tpu.memref_slice %arg8[%run_scoped3A, %dma_wait3A, %dma_wait3A_266] : memref<4x64x128xf32, #tpu.memory_space<vmem>> -> memref<1x64x128xf32, #tpu.memory_space<vmem>>
        %dma_wait3A_268 = tpu.memref_squeeze %dma_wait3A_267 : memref<1x64x128xf32, #tpu.memory_space<vmem>> -> memref<64x128xf32, #tpu.memory_space<vmem>>
        %dma_wait3A_269 = arith.constant 0 : i32
        %dma_wait3A_270 = tpu.memref_slice %arg9[%add3A_252, %dma_wait3A_269] : memref<10240x128xf32, #tpu.memory_space<vmem_shared>> -> memref<64x128xf32, #tpu.memory_space<vmem_shared>>
        %dma_wait3A_271 = arith.constant 0 : i32
        %dma_wait3A_272 = tpu.memref_slice %arg9[%add3A_252, %dma_wait3A_271] : memref<10240x128xf32, #tpu.memory_space<vmem_shared>> -> memref<64x128xf32, #tpu.memory_space<vmem_shared>>
        %dma_wait3A_273 = arith.constant 0 : i32
        %dma_wait3A_274 = arith.constant 0 : i32
        %dma_wait3A_275 = tpu.memref_slice %arg8[%run_scoped3A, %dma_wait3A_273, %dma_wait3A_274] : memref<4x64x128xf32, #tpu.memory_space<vmem>> -> memref<1x64x128xf32, #tpu.memory_space<vmem>>
        %dma_wait3A_276 = tpu.memref_squeeze %dma_wait3A_275 : memref<1x64x128xf32, #tpu.memory_space<vmem>> -> memref<64x128xf32, #tpu.memory_space<vmem>>
        tpu.wait_dma2 semaphore(%run_scoped3A_253 : memref<!tpu.dma_semaphore, #tpu.memory_space<semaphore_mem>>) src(%dma_wait3A_276 : memref<64x128xf32, #tpu.memory_space<vmem>>) dst(%dma_wait3A_272 : memref<64x128xf32, #tpu.memory_space<vmem_shared>>)
        tpu.yield
      }) : () -> ()
    }
    %scan3A_9 = arith.constant 10 : i32
    %barrier3A = arith.constant 0 : index
    tpu.barrier barrier_id(%barrier3A)
    %mul3A = arith.constant 2 : i32
    %mul3A_10 = arith.muli %arg1, %mul3A : i32
    %add3A = arith.addi %mul3A_10, %arg0 : i32
    %mul3A_11 = arith.constant 160 : i32
    %mul3A_12 = arith.muli %add3A, %mul3A_11 : i32
    %add3A_13 = arith.constant 0 : i32
    %add3A_14 = arith.addi %mul3A_12, %add3A_13 : i32
    "tpu.region"() ({
      %run_scoped3A = tpu.sem_alloc : memref<!tpu.dma_semaphore, #tpu.memory_space<semaphore_mem>>
      %dma_start3A_243 = arith.constant 0 : i32
      %dma_start3A_244 = tpu.memref_slice %arg3[%add3A_14, %dma_start3A_243] : memref<5120x64xi32, #tpu.memory_space<hbm>> -> memref<40x64xi32, #tpu.memory_space<hbm>>
      %dma_start3A_245 = arith.constant 0 : i32
      %dma_start3A_246 = tpu.memref_slice %arg3[%add3A_14, %dma_start3A_245] : memref<5120x64xi32, #tpu.memory_space<hbm>> -> memref<40x64xi32, #tpu.memory_space<hbm>>
      tpu.enqueue_dma source(%dma_start3A_246 : memref<40x64xi32, #tpu.memory_space<hbm>>) target(%arg6 : memref<40x64xi32, #tpu.memory_space<vmem>>) target_semaphore(%run_scoped3A : memref<!tpu.dma_semaphore, #tpu.memory_space<semaphore_mem>>)
      %dma_wait3A = arith.constant 0 : i32
      %dma_wait3A_247 = tpu.memref_slice %arg3[%add3A_14, %dma_wait3A] : memref<5120x64xi32, #tpu.memory_space<hbm>> -> memref<40x64xi32, #tpu.memory_space<hbm>>
      %dma_wait3A_248 = arith.constant 0 : i32
      %dma_wait3A_249 = tpu.memref_slice %arg3[%add3A_14, %dma_wait3A_248] : memref<5120x64xi32, #tpu.memory_space<hbm>> -> memref<40x64xi32, #tpu.memory_space<hbm>>
      tpu.wait_dma2 semaphore(%run_scoped3A : memref<!tpu.dma_semaphore, #tpu.memory_space<semaphore_mem>>) src(%dma_wait3A_249 : memref<40x64xi32, #tpu.memory_space<hbm>>) dst(%arg6 : memref<40x64xi32, #tpu.memory_space<vmem>>)
      tpu.yield
    }) : () -> ()
    "tpu.region"() ({
      %run_scoped3A = tpu.sem_alloc : memref<!tpu.dma_semaphore, #tpu.memory_space<semaphore_mem>>
      %dma_start3A_243 = arith.constant 0 : i32
      %dma_start3A_244 = tpu.memref_slice %arg4[%add3A_14, %dma_start3A_243] : memref<5120x64xi32, #tpu.memory_space<hbm>> -> memref<40x64xi32, #tpu.memory_space<hbm>>
      %dma_start3A_245 = arith.constant 0 : i32
      %dma_start3A_246 = tpu.memref_slice %arg4[%add3A_14, %dma_start3A_245] : memref<5120x64xi32, #tpu.memory_space<hbm>> -> memref<40x64xi32, #tpu.memory_space<hbm>>
      tpu.enqueue_dma source(%dma_start3A_246 : memref<40x64xi32, #tpu.memory_space<hbm>>) target(%arg7 : memref<40x64xi32, #tpu.memory_space<vmem>>) target_semaphore(%run_scoped3A : memref<!tpu.dma_semaphore, #tpu.memory_space<semaphore_mem>>)
      %dma_wait3A = arith.constant 0 : i32
      %dma_wait3A_247 = tpu.memref_slice %arg4[%add3A_14, %dma_wait3A] : memref<5120x64xi32, #tpu.memory_space<hbm>> -> memref<40x64xi32, #tpu.memory_space<hbm>>
      %dma_wait3A_248 = arith.constant 0 : i32
      %dma_wait3A_249 = tpu.memref_slice %arg4[%add3A_14, %dma_wait3A_248] : memref<5120x64xi32, #tpu.memory_space<hbm>> -> memref<40x64xi32, #tpu.memory_space<hbm>>
      tpu.wait_dma2 semaphore(%run_scoped3A : memref<!tpu.dma_semaphore, #tpu.memory_space<semaphore_mem>>) src(%dma_wait3A_249 : memref<40x64xi32, #tpu.memory_space<hbm>>) dst(%arg7 : memref<40x64xi32, #tpu.memory_space<vmem>>)
      tpu.yield
    }) : () -> ()
    %dma_start3A = arith.constant 0 : i32
    %dma_start3A_15 = arith.constant 0 : i32
    %dma_start3A_16 = arith.constant 0 : i32
    %dma_start3A_17 = arith.constant 0 : i32
    %dma_start3A_18 = tpu.memref_slice %arg8[%dma_start3A_15, %dma_start3A_16, %dma_start3A_17] : memref<4x64x128xf32, #tpu.memory_space<vmem>> -> memref<1x64x128xf32, #tpu.memory_space<vmem>>
    %dma_start3A_19 = tpu.memref_squeeze %dma_start3A_18 : memref<1x64x128xf32, #tpu.memory_space<vmem>> -> memref<64x128xf32, #tpu.memory_space<vmem>>
    %dma_start3A_20 = arith.constant 0 : i32
    %dma_start3A_21 = tpu.memref_slice %arg6[%dma_start3A, %dma_start3A_20] : memref<40x64xi32, #tpu.memory_space<vmem>> -> memref<1x64xi32, #tpu.memory_space<vmem>>
    %dma_start3A_22 = tpu.memref_squeeze %dma_start3A_21 : memref<1x64xi32, #tpu.memory_space<vmem>> -> memref<64xi32, #tpu.memory_space<vmem>>
    %dma_start3A_23 = arith.constant 0 : i32
    %dma_start3A_24 = arith.constant 0 : i32
    %dma_start3A_25 = tpu.memref_slice %arg2[%dma_start3A_23, %dma_start3A_24] : memref<10240x128xf32, #tpu.memory_space<hbm>> -> memref<10240x128xf32, #tpu.memory_space<hbm>>
    tpu.enqueue_indirect_dma source(%dma_start3A_25 : memref<10240x128xf32, #tpu.memory_space<hbm>>) target(%dma_start3A_19 : memref<64x128xf32, #tpu.memory_space<vmem>>) offsets(%dma_start3A_22 : memref<64xi32, #tpu.memory_space<vmem>>) semaphore(%arg10 : memref<!tpu.dma_semaphore, #tpu.memory_space<semaphore_mem>>)
    %dma_start3A_26 = arith.constant 1 : i32
    %dma_start3A_27 = arith.constant 1 : i32
    %dma_start3A_28 = arith.constant 0 : i32
    %dma_start3A_29 = arith.constant 0 : i32
    %dma_start3A_30 = tpu.memref_slice %arg8[%dma_start3A_27, %dma_start3A_28, %dma_start3A_29] : memref<4x64x128xf32, #tpu.memory_space<vmem>> -> memref<1x64x128xf32, #tpu.memory_space<vmem>>
    %dma_start3A_31 = tpu.memref_squeeze %dma_start3A_30 : memref<1x64x128xf32, #tpu.memory_space<vmem>> -> memref<64x128xf32, #tpu.memory_space<vmem>>
    %dma_start3A_32 = arith.constant 0 : i32
    %dma_start3A_33 = tpu.memref_slice %arg6[%dma_start3A_26, %dma_start3A_32] : memref<40x64xi32, #tpu.memory_space<vmem>> -> memref<1x64xi32, #tpu.memory_space<vmem>>
    %dma_start3A_34 = tpu.memref_squeeze %dma_start3A_33 : memref<1x64xi32, #tpu.memory_space<vmem>> -> memref<64xi32, #tpu.memory_space<vmem>>
    %dma_start3A_35 = arith.constant 0 : i32
    %dma_start3A_36 = arith.constant 0 : i32
    %dma_start3A_37 = tpu.memref_slice %arg2[%dma_start3A_35, %dma_start3A_36] : memref<10240x128xf32, #tpu.memory_space<hbm>> -> memref<10240x128xf32, #tpu.memory_space<hbm>>
    tpu.enqueue_indirect_dma source(%dma_start3A_37 : memref<10240x128xf32, #tpu.memory_space<hbm>>) target(%dma_start3A_31 : memref<64x128xf32, #tpu.memory_space<vmem>>) offsets(%dma_start3A_34 : memref<64xi32, #tpu.memory_space<vmem>>) semaphore(%arg11 : memref<!tpu.dma_semaphore, #tpu.memory_space<semaphore_mem>>)
    %dma_start3A_38 = arith.constant 2 : i32
    %dma_start3A_39 = arith.constant 2 : i32
    %dma_start3A_40 = arith.constant 0 : i32
    %dma_start3A_41 = arith.constant 0 : i32
    %dma_start3A_42 = tpu.memref_slice %arg8[%dma_start3A_39, %dma_start3A_40, %dma_start3A_41] : memref<4x64x128xf32, #tpu.memory_space<vmem>> -> memref<1x64x128xf32, #tpu.memory_space<vmem>>
    %dma_start3A_43 = tpu.memref_squeeze %dma_start3A_42 : memref<1x64x128xf32, #tpu.memory_space<vmem>> -> memref<64x128xf32, #tpu.memory_space<vmem>>
    %dma_start3A_44 = arith.constant 0 : i32
    %dma_start3A_45 = tpu.memref_slice %arg6[%dma_start3A_38, %dma_start3A_44] : memref<40x64xi32, #tpu.memory_space<vmem>> -> memref<1x64xi32, #tpu.memory_space<vmem>>
    %dma_start3A_46 = tpu.memref_squeeze %dma_start3A_45 : memref<1x64xi32, #tpu.memory_space<vmem>> -> memref<64xi32, #tpu.memory_space<vmem>>
    %dma_start3A_47 = arith.constant 0 : i32
    %dma_start3A_48 = arith.constant 0 : i32
    %dma_start3A_49 = tpu.memref_slice %arg2[%dma_start3A_47, %dma_start3A_48] : memref<10240x128xf32, #tpu.memory_space<hbm>> -> memref<10240x128xf32, #tpu.memory_space<hbm>>
    tpu.enqueue_indirect_dma source(%dma_start3A_49 : memref<10240x128xf32, #tpu.memory_space<hbm>>) target(%dma_start3A_43 : memref<64x128xf32, #tpu.memory_space<vmem>>) offsets(%dma_start3A_46 : memref<64xi32, #tpu.memory_space<vmem>>) semaphore(%arg12 : memref<!tpu.dma_semaphore, #tpu.memory_space<semaphore_mem>>)
    %dma_start3A_50 = arith.constant 3 : i32
    %dma_start3A_51 = arith.constant 3 : i32
    %dma_start3A_52 = arith.constant 0 : i32
    %dma_start3A_53 = arith.constant 0 : i32
    %dma_start3A_54 = tpu.memref_slice %arg8[%dma_start3A_51, %dma_start3A_52, %dma_start3A_53] : memref<4x64x128xf32, #tpu.memory_space<vmem>> -> memref<1x64x128xf32, #tpu.memory_space<vmem>>
    %dma_start3A_55 = tpu.memref_squeeze %dma_start3A_54 : memref<1x64x128xf32, #tpu.memory_space<vmem>> -> memref<64x128xf32, #tpu.memory_space<vmem>>
    %dma_start3A_56 = arith.constant 0 : i32
    %dma_start3A_57 = tpu.memref_slice %arg6[%dma_start3A_50, %dma_start3A_56] : memref<40x64xi32, #tpu.memory_space<vmem>> -> memref<1x64xi32, #tpu.memory_space<vmem>>
    %dma_start3A_58 = tpu.memref_squeeze %dma_start3A_57 : memref<1x64xi32, #tpu.memory_space<vmem>> -> memref<64xi32, #tpu.memory_space<vmem>>
    %dma_start3A_59 = arith.constant 0 : i32
    %dma_start3A_60 = arith.constant 0 : i32
    %dma_start3A_61 = tpu.memref_slice %arg2[%dma_start3A_59, %dma_start3A_60] : memref<10240x128xf32, #tpu.memory_space<hbm>> -> memref<10240x128xf32, #tpu.memory_space<hbm>>
    tpu.enqueue_indirect_dma source(%dma_start3A_61 : memref<10240x128xf32, #tpu.memory_space<hbm>>) target(%dma_start3A_55 : memref<64x128xf32, #tpu.memory_space<vmem>>) offsets(%dma_start3A_58 : memref<64xi32, #tpu.memory_space<vmem>>) semaphore(%arg13 : memref<!tpu.dma_semaphore, #tpu.memory_space<semaphore_mem>>)
    %scan3A_62 = arith.constant 0 : i32
    %scan3A_63 = arith.constant 10 : i32
    %scan3A_64 = arith.addi %scan3A_62, %scan3A_63 : i32
    %scan3A_65 = arith.constant 1 : i32
    scf.for %scan3A_243 = %scan3A_62 to %scan3A_64 step %scan3A_65  : i32 {
      %mul3A_244 = arith.constant 4 : i32
      %mul3A_245 = arith.muli %scan3A_243, %mul3A_244 : i32
      %add3A_246 = arith.constant 0 : i32
      %add3A_247 = arith.addi %add3A_246, %mul3A_245 : i32
      %add3A_248 = arith.constant 0 : i32
      %add3A_249 = arith.addi %add3A_247, %add3A_248 : i32
      %dma_wait3A = arith.constant 0 : i32
      %dma_wait3A_250 = arith.constant 0 : i32
      %dma_wait3A_251 = arith.constant 0 : i32
      %dma_wait3A_252 = tpu.memref_slice %arg8[%dma_wait3A, %dma_wait3A_250, %dma_wait3A_251] : memref<4x64x128xf32, #tpu.memory_space<vmem>> -> memref<1x64x128xf32, #tpu.memory_space<vmem>>
      %dma_wait3A_253 = tpu.memref_squeeze %dma_wait3A_252 : memref<1x64x128xf32, #tpu.memory_space<vmem>> -> memref<64x128xf32, #tpu.memory_space<vmem>>
      %dma_wait3A_254 = arith.constant 0 : i32
      %dma_wait3A_255 = tpu.memref_slice %arg6[%add3A_249, %dma_wait3A_254] : memref<40x64xi32, #tpu.memory_space<vmem>> -> memref<1x64xi32, #tpu.memory_space<vmem>>
      %dma_wait3A_256 = tpu.memref_squeeze %dma_wait3A_255 : memref<1x64xi32, #tpu.memory_space<vmem>> -> memref<64xi32, #tpu.memory_space<vmem>>
      %dma_wait3A_257 = arith.constant 0 : i32
      %dma_wait3A_258 = arith.constant 0 : i32
      %dma_wait3A_259 = tpu.memref_slice %arg2[%dma_wait3A_257, %dma_wait3A_258] : memref<10240x128xf32, #tpu.memory_space<hbm>> -> memref<10240x128xf32, #tpu.memory_space<hbm>>
      tpu.wait_indirect_dma semaphore(%arg10 : memref<!tpu.dma_semaphore, #tpu.memory_space<semaphore_mem>>) src(%dma_wait3A_259 : memref<10240x128xf32, #tpu.memory_space<hbm>>) dst(%dma_wait3A_253 : memref<64x128xf32, #tpu.memory_space<vmem>>)
      %run_scoped3A = arith.constant 0 : i32
      "tpu.region"() ({
        %run_scoped3A_327 = tpu.sem_alloc : memref<!tpu.dma_semaphore, #tpu.memory_space<semaphore_mem>>
        %dma_start3A_328 = arith.constant 0 : i32
        %dma_start3A_329 = arith.constant 0 : i32
        %dma_start3A_330 = tpu.memref_slice %arg8[%run_scoped3A, %dma_start3A_328, %dma_start3A_329] : memref<4x64x128xf32, #tpu.memory_space<vmem>> -> memref<1x64x128xf32, #tpu.memory_space<vmem>>
        %dma_start3A_331 = tpu.memref_squeeze %dma_start3A_330 : memref<1x64x128xf32, #tpu.memory_space<vmem>> -> memref<64x128xf32, #tpu.memory_space<vmem>>
        %dma_start3A_332 = arith.constant 0 : i32
        %dma_start3A_333 = tpu.memref_slice %arg7[%add3A_249, %dma_start3A_332] : memref<40x64xi32, #tpu.memory_space<vmem>> -> memref<1x64xi32, #tpu.memory_space<vmem>>
        %dma_start3A_334 = tpu.memref_squeeze %dma_start3A_333 : memref<1x64xi32, #tpu.memory_space<vmem>> -> memref<64xi32, #tpu.memory_space<vmem>>
        %dma_start3A_335 = arith.constant 0 : i32
        %dma_start3A_336 = arith.constant 0 : i32
        %dma_start3A_337 = tpu.memref_slice %arg9[%dma_start3A_335, %dma_start3A_336] : memref<10240x128xf32, #tpu.memory_space<vmem_shared>> -> memref<10240x128xf32, #tpu.memory_space<vmem_shared>>
        tpu.enqueue_indirect_dma source(%dma_start3A_331 : memref<64x128xf32, #tpu.memory_space<vmem>>) target(%dma_start3A_337 : memref<10240x128xf32, #tpu.memory_space<vmem_shared>>) offsets(%dma_start3A_334 : memref<64xi32, #tpu.memory_space<vmem>>) semaphore(%run_scoped3A_327 : memref<!tpu.dma_semaphore, #tpu.memory_space<semaphore_mem>>) {add = true}
        %dma_wait3A_338 = arith.constant 0 : i32
        %dma_wait3A_339 = arith.constant 0 : i32
        %dma_wait3A_340 = tpu.memref_slice %arg8[%run_scoped3A, %dma_wait3A_338, %dma_wait3A_339] : memref<4x64x128xf32, #tpu.memory_space<vmem>> -> memref<1x64x128xf32, #tpu.memory_space<vmem>>
        %dma_wait3A_341 = tpu.memref_squeeze %dma_wait3A_340 : memref<1x64x128xf32, #tpu.memory_space<vmem>> -> memref<64x128xf32, #tpu.memory_space<vmem>>
        %dma_wait3A_342 = arith.constant 0 : i32
        %dma_wait3A_343 = tpu.memref_slice %arg7[%add3A_249, %dma_wait3A_342] : memref<40x64xi32, #tpu.memory_space<vmem>> -> memref<1x64xi32, #tpu.memory_space<vmem>>
        %dma_wait3A_344 = tpu.memref_squeeze %dma_wait3A_343 : memref<1x64xi32, #tpu.memory_space<vmem>> -> memref<64xi32, #tpu.memory_space<vmem>>
        %dma_wait3A_345 = arith.constant 0 : i32
        %dma_wait3A_346 = arith.constant 0 : i32
        %dma_wait3A_347 = tpu.memref_slice %arg9[%dma_wait3A_345, %dma_wait3A_346] : memref<10240x128xf32, #tpu.memory_space<vmem_shared>> -> memref<10240x128xf32, #tpu.memory_space<vmem_shared>>
        tpu.wait_indirect_dma semaphore(%run_scoped3A_327 : memref<!tpu.dma_semaphore, #tpu.memory_space<semaphore_mem>>) src(%dma_wait3A_341 : memref<64x128xf32, #tpu.memory_space<vmem>>) dst(%dma_wait3A_347 : memref<10240x128xf32, #tpu.memory_space<vmem_shared>>)
        tpu.yield
      }) : () -> ()
      %add3A_260 = arith.constant 4 : i32
      %add3A_261 = arith.addi %add3A_249, %add3A_260 : i32
      %lt3A = arith.constant 40 : i32
      %lt3A_262 = arith.cmpi slt, %add3A_261, %lt3A : i32
      %convert_element_type3A = arith.extui %lt3A_262 : i1 to i32
      %cond3A = arith.constant 0 : i32
      %cond3A_263 = arith.cmpi ne, %convert_element_type3A, %cond3A : i32
      scf.if %cond3A_263 {
        %add3A_327 = arith.constant 4 : i32
        %add3A_328 = arith.addi %add3A_249, %add3A_327 : i32
        %dma_start3A_329 = arith.constant 0 : i32
        %dma_start3A_330 = arith.constant 0 : i32
        %dma_start3A_331 = arith.constant 0 : i32
        %dma_start3A_332 = tpu.memref_slice %arg8[%dma_start3A_329, %dma_start3A_330, %dma_start3A_331] : memref<4x64x128xf32, #tpu.memory_space<vmem>> -> memref<1x64x128xf32, #tpu.memory_space<vmem>>
        %dma_start3A_333 = tpu.memref_squeeze %dma_start3A_332 : memref<1x64x128xf32, #tpu.memory_space<vmem>> -> memref<64x128xf32, #tpu.memory_space<vmem>>
        %dma_start3A_334 = arith.constant 0 : i32
        %dma_start3A_335 = tpu.memref_slice %arg6[%add3A_328, %dma_start3A_334] : memref<40x64xi32, #tpu.memory_space<vmem>> -> memref<1x64xi32, #tpu.memory_space<vmem>>
        %dma_start3A_336 = tpu.memref_squeeze %dma_start3A_335 : memref<1x64xi32, #tpu.memory_space<vmem>> -> memref<64xi32, #tpu.memory_space<vmem>>
        %dma_start3A_337 = arith.constant 0 : i32
        %dma_start3A_338 = arith.constant 0 : i32
        %dma_start3A_339 = tpu.memref_slice %arg2[%dma_start3A_337, %dma_start3A_338] : memref<10240x128xf32, #tpu.memory_space<hbm>> -> memref<10240x128xf32, #tpu.memory_space<hbm>>
        tpu.enqueue_indirect_dma source(%dma_start3A_339 : memref<10240x128xf32, #tpu.memory_space<hbm>>) target(%dma_start3A_333 : memref<64x128xf32, #tpu.memory_space<vmem>>) offsets(%dma_start3A_336 : memref<64xi32, #tpu.memory_space<vmem>>) semaphore(%arg10 : memref<!tpu.dma_semaphore, #tpu.memory_space<semaphore_mem>>)
      } else {
      }
      %add3A_264 = arith.constant 1 : i32
      %add3A_265 = arith.addi %add3A_247, %add3A_264 : i32
      %dma_wait3A_266 = arith.constant 1 : i32
      %dma_wait3A_267 = arith.constant 0 : i32
      %dma_wait3A_268 = arith.constant 0 : i32
      %dma_wait3A_269 = tpu.memref_slice %arg8[%dma_wait3A_266, %dma_wait3A_267, %dma_wait3A_268] : memref<4x64x128xf32, #tpu.memory_space<vmem>> -> memref<1x64x128xf32, #tpu.memory_space<vmem>>
      %dma_wait3A_270 = tpu.memref_squeeze %dma_wait3A_269 : memref<1x64x128xf32, #tpu.memory_space<vmem>> -> memref<64x128xf32, #tpu.memory_space<vmem>>
      %dma_wait3A_271 = arith.constant 0 : i32
      %dma_wait3A_272 = tpu.memref_slice %arg6[%add3A_265, %dma_wait3A_271] : memref<40x64xi32, #tpu.memory_space<vmem>> -> memref<1x64xi32, #tpu.memory_space<vmem>>
      %dma_wait3A_273 = tpu.memref_squeeze %dma_wait3A_272 : memref<1x64xi32, #tpu.memory_space<vmem>> -> memref<64xi32, #tpu.memory_space<vmem>>
      %dma_wait3A_274 = arith.constant 0 : i32
      %dma_wait3A_275 = arith.constant 0 : i32
      %dma_wait3A_276 = tpu.memref_slice %arg2[%dma_wait3A_274, %dma_wait3A_275] : memref<10240x128xf32, #tpu.memory_space<hbm>> -> memref<10240x128xf32, #tpu.memory_space<hbm>>
      tpu.wait_indirect_dma semaphore(%arg11 : memref<!tpu.dma_semaphore, #tpu.memory_space<semaphore_mem>>) src(%dma_wait3A_276 : memref<10240x128xf32, #tpu.memory_space<hbm>>) dst(%dma_wait3A_270 : memref<64x128xf32, #tpu.memory_space<vmem>>)
      %run_scoped3A_277 = arith.constant 1 : i32
      "tpu.region"() ({
        %run_scoped3A_327 = tpu.sem_alloc : memref<!tpu.dma_semaphore, #tpu.memory_space<semaphore_mem>>
        %dma_start3A_328 = arith.constant 0 : i32
        %dma_start3A_329 = arith.constant 0 : i32
        %dma_start3A_330 = tpu.memref_slice %arg8[%run_scoped3A_277, %dma_start3A_328, %dma_start3A_329] : memref<4x64x128xf32, #tpu.memory_space<vmem>> -> memref<1x64x128xf32, #tpu.memory_space<vmem>>
        %dma_start3A_331 = tpu.memref_squeeze %dma_start3A_330 : memref<1x64x128xf32, #tpu.memory_space<vmem>> -> memref<64x128xf32, #tpu.memory_space<vmem>>
        %dma_start3A_332 = arith.constant 0 : i32
        %dma_start3A_333 = tpu.memref_slice %arg7[%add3A_265, %dma_start3A_332] : memref<40x64xi32, #tpu.memory_space<vmem>> -> memref<1x64xi32, #tpu.memory_space<vmem>>
        %dma_start3A_334 = tpu.memref_squeeze %dma_start3A_333 : memref<1x64xi32, #tpu.memory_space<vmem>> -> memref<64xi32, #tpu.memory_space<vmem>>
        %dma_start3A_335 = arith.constant 0 : i32
        %dma_start3A_336 = arith.constant 0 : i32
        %dma_start3A_337 = tpu.memref_slice %arg9[%dma_start3A_335, %dma_start3A_336] : memref<10240x128xf32, #tpu.memory_space<vmem_shared>> -> memref<10240x128xf32, #tpu.memory_space<vmem_shared>>
        tpu.enqueue_indirect_dma source(%dma_start3A_331 : memref<64x128xf32, #tpu.memory_space<vmem>>) target(%dma_start3A_337 : memref<10240x128xf32, #tpu.memory_space<vmem_shared>>) offsets(%dma_start3A_334 : memref<64xi32, #tpu.memory_space<vmem>>) semaphore(%run_scoped3A_327 : memref<!tpu.dma_semaphore, #tpu.memory_space<semaphore_mem>>) {add = true}
        %dma_wait3A_338 = arith.constant 0 : i32
        %dma_wait3A_339 = arith.constant 0 : i32
        %dma_wait3A_340 = tpu.memref_slice %arg8[%run_scoped3A_277, %dma_wait3A_338, %dma_wait3A_339] : memref<4x64x128xf32, #tpu.memory_space<vmem>> -> memref<1x64x128xf32, #tpu.memory_space<vmem>>
        %dma_wait3A_341 = tpu.memref_squeeze %dma_wait3A_340 : memref<1x64x128xf32, #tpu.memory_space<vmem>> -> memref<64x128xf32, #tpu.memory_space<vmem>>
        %dma_wait3A_342 = arith.constant 0 : i32
        %dma_wait3A_343 = tpu.memref_slice %arg7[%add3A_265, %dma_wait3A_342] : memref<40x64xi32, #tpu.memory_space<vmem>> -> memref<1x64xi32, #tpu.memory_space<vmem>>
        %dma_wait3A_344 = tpu.memref_squeeze %dma_wait3A_343 : memref<1x64xi32, #tpu.memory_space<vmem>> -> memref<64xi32, #tpu.memory_space<vmem>>
        %dma_wait3A_345 = arith.constant 0 : i32
        %dma_wait3A_346 = arith.constant 0 : i32
        %dma_wait3A_347 = tpu.memref_slice %arg9[%dma_wait3A_345, %dma_wait3A_346] : memref<10240x128xf32, #tpu.memory_space<vmem_shared>> -> memref<10240x128xf32, #tpu.memory_space<vmem_shared>>
        tpu.wait_indirect_dma semaphore(%run_scoped3A_327 : memref<!tpu.dma_semaphore, #tpu.memory_space<semaphore_mem>>) src(%dma_wait3A_341 : memref<64x128xf32, #tpu.memory_space<vmem>>) dst(%dma_wait3A_347 : memref<10240x128xf32, #tpu.memory_space<vmem_shared>>)
        tpu.yield
      }) : () -> ()
      %add3A_278 = arith.constant 4 : i32
      %add3A_279 = arith.addi %add3A_265, %add3A_278 : i32
      %lt3A_280 = arith.constant 40 : i32
      %lt3A_281 = arith.cmpi slt, %add3A_279, %lt3A_280 : i32
      %convert_element_type3A_282 = arith.extui %lt3A_281 : i1 to i32
      %cond3A_283 = arith.constant 0 : i32
      %cond3A_284 = arith.cmpi ne, %convert_element_type3A_282, %cond3A_283 : i32
      scf.if %cond3A_284 {
        %add3A_327 = arith.constant 4 : i32
        %add3A_328 = arith.addi %add3A_265, %add3A_327 : i32
        %dma_start3A_329 = arith.constant 1 : i32
        %dma_start3A_330 = arith.constant 0 : i32
        %dma_start3A_331 = arith.constant 0 : i32
        %dma_start3A_332 = tpu.memref_slice %arg8[%dma_start3A_329, %dma_start3A_330, %dma_start3A_331] : memref<4x64x128xf32, #tpu.memory_space<vmem>> -> memref<1x64x128xf32, #tpu.memory_space<vmem>>
        %dma_start3A_333 = tpu.memref_squeeze %dma_start3A_332 : memref<1x64x128xf32, #tpu.memory_space<vmem>> -> memref<64x128xf32, #tpu.memory_space<vmem>>
        %dma_start3A_334 = arith.constant 0 : i32
        %dma_start3A_335 = tpu.memref_slice %arg6[%add3A_328, %dma_start3A_334] : memref<40x64xi32, #tpu.memory_space<vmem>> -> memref<1x64xi32, #tpu.memory_space<vmem>>
        %dma_start3A_336 = tpu.memref_squeeze %dma_start3A_335 : memref<1x64xi32, #tpu.memory_space<vmem>> -> memref<64xi32, #tpu.memory_space<vmem>>
        %dma_start3A_337 = arith.constant 0 : i32
        %dma_start3A_338 = arith.constant 0 : i32
        %dma_start3A_339 = tpu.memref_slice %arg2[%dma_start3A_337, %dma_start3A_338] : memref<10240x128xf32, #tpu.memory_space<hbm>> -> memref<10240x128xf32, #tpu.memory_space<hbm>>
        tpu.enqueue_indirect_dma source(%dma_start3A_339 : memref<10240x128xf32, #tpu.memory_space<hbm>>) target(%dma_start3A_333 : memref<64x128xf32, #tpu.memory_space<vmem>>) offsets(%dma_start3A_336 : memref<64xi32, #tpu.memory_space<vmem>>) semaphore(%arg11 : memref<!tpu.dma_semaphore, #tpu.memory_space<semaphore_mem>>)
      } else {
      }
      %add3A_285 = arith.constant 2 : i32
      %add3A_286 = arith.addi %add3A_247, %add3A_285 : i32
      %dma_wait3A_287 = arith.constant 2 : i32
      %dma_wait3A_288 = arith.constant 0 : i32
      %dma_wait3A_289 = arith.constant 0 : i32
      %dma_wait3A_290 = tpu.memref_slice %arg8[%dma_wait3A_287, %dma_wait3A_288, %dma_wait3A_289] : memref<4x64x128xf32, #tpu.memory_space<vmem>> -> memref<1x64x128xf32, #tpu.memory_space<vmem>>
      %dma_wait3A_291 = tpu.memref_squeeze %dma_wait3A_290 : memref<1x64x128xf32, #tpu.memory_space<vmem>> -> memref<64x128xf32, #tpu.memory_space<vmem>>
      %dma_wait3A_292 = arith.constant 0 : i32
      %dma_wait3A_293 = tpu.memref_slice %arg6[%add3A_286, %dma_wait3A_292] : memref<40x64xi32, #tpu.memory_space<vmem>> -> memref<1x64xi32, #tpu.memory_space<vmem>>
      %dma_wait3A_294 = tpu.memref_squeeze %dma_wait3A_293 : memref<1x64xi32, #tpu.memory_space<vmem>> -> memref<64xi32, #tpu.memory_space<vmem>>
      %dma_wait3A_295 = arith.constant 0 : i32
      %dma_wait3A_296 = arith.constant 0 : i32
      %dma_wait3A_297 = tpu.memref_slice %arg2[%dma_wait3A_295, %dma_wait3A_296] : memref<10240x128xf32, #tpu.memory_space<hbm>> -> memref<10240x128xf32, #tpu.memory_space<hbm>>
      tpu.wait_indirect_dma semaphore(%arg12 : memref<!tpu.dma_semaphore, #tpu.memory_space<semaphore_mem>>) src(%dma_wait3A_297 : memref<10240x128xf32, #tpu.memory_space<hbm>>) dst(%dma_wait3A_291 : memref<64x128xf32, #tpu.memory_space<vmem>>)
      %run_scoped3A_298 = arith.constant 2 : i32
      "tpu.region"() ({
        %run_scoped3A_327 = tpu.sem_alloc : memref<!tpu.dma_semaphore, #tpu.memory_space<semaphore_mem>>
        %dma_start3A_328 = arith.constant 0 : i32
        %dma_start3A_329 = arith.constant 0 : i32
        %dma_start3A_330 = tpu.memref_slice %arg8[%run_scoped3A_298, %dma_start3A_328, %dma_start3A_329] : memref<4x64x128xf32, #tpu.memory_space<vmem>> -> memref<1x64x128xf32, #tpu.memory_space<vmem>>
        %dma_start3A_331 = tpu.memref_squeeze %dma_start3A_330 : memref<1x64x128xf32, #tpu.memory_space<vmem>> -> memref<64x128xf32, #tpu.memory_space<vmem>>
        %dma_start3A_332 = arith.constant 0 : i32
        %dma_start3A_333 = tpu.memref_slice %arg7[%add3A_286, %dma_start3A_332] : memref<40x64xi32, #tpu.memory_space<vmem>> -> memref<1x64xi32, #tpu.memory_space<vmem>>
        %dma_start3A_334 = tpu.memref_squeeze %dma_start3A_333 : memref<1x64xi32, #tpu.memory_space<vmem>> -> memref<64xi32, #tpu.memory_space<vmem>>
        %dma_start3A_335 = arith.constant 0 : i32
        %dma_start3A_336 = arith.constant 0 : i32
        %dma_start3A_337 = tpu.memref_slice %arg9[%dma_start3A_335, %dma_start3A_336] : memref<10240x128xf32, #tpu.memory_space<vmem_shared>> -> memref<10240x128xf32, #tpu.memory_space<vmem_shared>>
        tpu.enqueue_indirect_dma source(%dma_start3A_331 : memref<64x128xf32, #tpu.memory_space<vmem>>) target(%dma_start3A_337 : memref<10240x128xf32, #tpu.memory_space<vmem_shared>>) offsets(%dma_start3A_334 : memref<64xi32, #tpu.memory_space<vmem>>) semaphore(%run_scoped3A_327 : memref<!tpu.dma_semaphore, #tpu.memory_space<semaphore_mem>>) {add = true}
        %dma_wait3A_338 = arith.constant 0 : i32
        %dma_wait3A_339 = arith.constant 0 : i32
        %dma_wait3A_340 = tpu.memref_slice %arg8[%run_scoped3A_298, %dma_wait3A_338, %dma_wait3A_339] : memref<4x64x128xf32, #tpu.memory_space<vmem>> -> memref<1x64x128xf32, #tpu.memory_space<vmem>>
        %dma_wait3A_341 = tpu.memref_squeeze %dma_wait3A_340 : memref<1x64x128xf32, #tpu.memory_space<vmem>> -> memref<64x128xf32, #tpu.memory_space<vmem>>
        %dma_wait3A_342 = arith.constant 0 : i32
        %dma_wait3A_343 = tpu.memref_slice %arg7[%add3A_286, %dma_wait3A_342] : memref<40x64xi32, #tpu.memory_space<vmem>> -> memref<1x64xi32, #tpu.memory_space<vmem>>
        %dma_wait3A_344 = tpu.memref_squeeze %dma_wait3A_343 : memref<1x64xi32, #tpu.memory_space<vmem>> -> memref<64xi32, #tpu.memory_space<vmem>>
        %dma_wait3A_345 = arith.constant 0 : i32
        %dma_wait3A_346 = arith.constant 0 : i32
        %dma_wait3A_347 = tpu.memref_slice %arg9[%dma_wait3A_345, %dma_wait3A_346] : memref<10240x128xf32, #tpu.memory_space<vmem_shared>> -> memref<10240x128xf32, #tpu.memory_space<vmem_shared>>
        tpu.wait_indirect_dma semaphore(%run_scoped3A_327 : memref<!tpu.dma_semaphore, #tpu.memory_space<semaphore_mem>>) src(%dma_wait3A_341 : memref<64x128xf32, #tpu.memory_space<vmem>>) dst(%dma_wait3A_347 : memref<10240x128xf32, #tpu.memory_space<vmem_shared>>)
        tpu.yield
      }) : () -> ()
      %add3A_299 = arith.constant 4 : i32
      %add3A_300 = arith.addi %add3A_286, %add3A_299 : i32
      %lt3A_301 = arith.constant 40 : i32
      %lt3A_302 = arith.cmpi slt, %add3A_300, %lt3A_301 : i32
      %convert_element_type3A_303 = arith.extui %lt3A_302 : i1 to i32
      %cond3A_304 = arith.constant 0 : i32
      %cond3A_305 = arith.cmpi ne, %convert_element_type3A_303, %cond3A_304 : i32
      scf.if %cond3A_305 {
        %add3A_327 = arith.constant 4 : i32
        %add3A_328 = arith.addi %add3A_286, %add3A_327 : i32
        %dma_start3A_329 = arith.constant 2 : i32
        %dma_start3A_330 = arith.constant 0 : i32
        %dma_start3A_331 = arith.constant 0 : i32
        %dma_start3A_332 = tpu.memref_slice %arg8[%dma_start3A_329, %dma_start3A_330, %dma_start3A_331] : memref<4x64x128xf32, #tpu.memory_space<vmem>> -> memref<1x64x128xf32, #tpu.memory_space<vmem>>
        %dma_start3A_333 = tpu.memref_squeeze %dma_start3A_332 : memref<1x64x128xf32, #tpu.memory_space<vmem>> -> memref<64x128xf32, #tpu.memory_space<vmem>>
        %dma_start3A_334 = arith.constant 0 : i32
        %dma_start3A_335 = tpu.memref_slice %arg6[%add3A_328, %dma_start3A_334] : memref<40x64xi32, #tpu.memory_space<vmem>> -> memref<1x64xi32, #tpu.memory_space<vmem>>
        %dma_start3A_336 = tpu.memref_squeeze %dma_start3A_335 : memref<1x64xi32, #tpu.memory_space<vmem>> -> memref<64xi32, #tpu.memory_space<vmem>>
        %dma_start3A_337 = arith.constant 0 : i32
        %dma_start3A_338 = arith.constant 0 : i32
        %dma_start3A_339 = tpu.memref_slice %arg2[%dma_start3A_337, %dma_start3A_338] : memref<10240x128xf32, #tpu.memory_space<hbm>> -> memref<10240x128xf32, #tpu.memory_space<hbm>>
        tpu.enqueue_indirect_dma source(%dma_start3A_339 : memref<10240x128xf32, #tpu.memory_space<hbm>>) target(%dma_start3A_333 : memref<64x128xf32, #tpu.memory_space<vmem>>) offsets(%dma_start3A_336 : memref<64xi32, #tpu.memory_space<vmem>>) semaphore(%arg12 : memref<!tpu.dma_semaphore, #tpu.memory_space<semaphore_mem>>)
      } else {
      }
      %add3A_306 = arith.constant 3 : i32
      %add3A_307 = arith.addi %add3A_247, %add3A_306 : i32
      %dma_wait3A_308 = arith.constant 3 : i32
      %dma_wait3A_309 = arith.constant 0 : i32
      %dma_wait3A_310 = arith.constant 0 : i32
      %dma_wait3A_311 = tpu.memref_slice %arg8[%dma_wait3A_308, %dma_wait3A_309, %dma_wait3A_310] : memref<4x64x128xf32, #tpu.memory_space<vmem>> -> memref<1x64x128xf32, #tpu.memory_space<vmem>>
      %dma_wait3A_312 = tpu.memref_squeeze %dma_wait3A_311 : memref<1x64x128xf32, #tpu.memory_space<vmem>> -> memref<64x128xf32, #tpu.memory_space<vmem>>
      %dma_wait3A_313 = arith.constant 0 : i32
      %dma_wait3A_314 = tpu.memref_slice %arg6[%add3A_307, %dma_wait3A_313] : memref<40x64xi32, #tpu.memory_space<vmem>> -> memref<1x64xi32, #tpu.memory_space<vmem>>
      %dma_wait3A_315 = tpu.memref_squeeze %dma_wait3A_314 : memref<1x64xi32, #tpu.memory_space<vmem>> -> memref<64xi32, #tpu.memory_space<vmem>>
      %dma_wait3A_316 = arith.constant 0 : i32
      %dma_wait3A_317 = arith.constant 0 : i32
      %dma_wait3A_318 = tpu.memref_slice %arg2[%dma_wait3A_316, %dma_wait3A_317] : memref<10240x128xf32, #tpu.memory_space<hbm>> -> memref<10240x128xf32, #tpu.memory_space<hbm>>
      tpu.wait_indirect_dma semaphore(%arg13 : memref<!tpu.dma_semaphore, #tpu.memory_space<semaphore_mem>>) src(%dma_wait3A_318 : memref<10240x128xf32, #tpu.memory_space<hbm>>) dst(%dma_wait3A_312 : memref<64x128xf32, #tpu.memory_space<vmem>>)
      %run_scoped3A_319 = arith.constant 3 : i32
      "tpu.region"() ({
        %run_scoped3A_327 = tpu.sem_alloc : memref<!tpu.dma_semaphore, #tpu.memory_space<semaphore_mem>>
        %dma_start3A_328 = arith.constant 0 : i32
        %dma_start3A_329 = arith.constant 0 : i32
        %dma_start3A_330 = tpu.memref_slice %arg8[%run_scoped3A_319, %dma_start3A_328, %dma_start3A_329] : memref<4x64x128xf32, #tpu.memory_space<vmem>> -> memref<1x64x128xf32, #tpu.memory_space<vmem>>
        %dma_start3A_331 = tpu.memref_squeeze %dma_start3A_330 : memref<1x64x128xf32, #tpu.memory_space<vmem>> -> memref<64x128xf32, #tpu.memory_space<vmem>>
        %dma_start3A_332 = arith.constant 0 : i32
        %dma_start3A_333 = tpu.memref_slice %arg7[%add3A_307, %dma_start3A_332] : memref<40x64xi32, #tpu.memory_space<vmem>> -> memref<1x64xi32, #tpu.memory_space<vmem>>
        %dma_start3A_334 = tpu.memref_squeeze %dma_start3A_333 : memref<1x64xi32, #tpu.memory_space<vmem>> -> memref<64xi32, #tpu.memory_space<vmem>>
        %dma_start3A_335 = arith.constant 0 : i32
        %dma_start3A_336 = arith.constant 0 : i32
        %dma_start3A_337 = tpu.memref_slice %arg9[%dma_start3A_335, %dma_start3A_336] : memref<10240x128xf32, #tpu.memory_space<vmem_shared>> -> memref<10240x128xf32, #tpu.memory_space<vmem_shared>>
        tpu.enqueue_indirect_dma source(%dma_start3A_331 : memref<64x128xf32, #tpu.memory_space<vmem>>) target(%dma_start3A_337 : memref<10240x128xf32, #tpu.memory_space<vmem_shared>>) offsets(%dma_start3A_334 : memref<64xi32, #tpu.memory_space<vmem>>) semaphore(%run_scoped3A_327 : memref<!tpu.dma_semaphore, #tpu.memory_space<semaphore_mem>>) {add = true}
        %dma_wait3A_338 = arith.constant 0 : i32
        %dma_wait3A_339 = arith.constant 0 : i32
        %dma_wait3A_340 = tpu.memref_slice %arg8[%run_scoped3A_319, %dma_wait3A_338, %dma_wait3A_339] : memref<4x64x128xf32, #tpu.memory_space<vmem>> -> memref<1x64x128xf32, #tpu.memory_space<vmem>>
        %dma_wait3A_341 = tpu.memref_squeeze %dma_wait3A_340 : memref<1x64x128xf32, #tpu.memory_space<vmem>> -> memref<64x128xf32, #tpu.memory_space<vmem>>
        %dma_wait3A_342 = arith.constant 0 : i32
        %dma_wait3A_343 = tpu.memref_slice %arg7[%add3A_307, %dma_wait3A_342] : memref<40x64xi32, #tpu.memory_space<vmem>> -> memref<1x64xi32, #tpu.memory_space<vmem>>
        %dma_wait3A_344 = tpu.memref_squeeze %dma_wait3A_343 : memref<1x64xi32, #tpu.memory_space<vmem>> -> memref<64xi32, #tpu.memory_space<vmem>>
        %dma_wait3A_345 = arith.constant 0 : i32
        %dma_wait3A_346 = arith.constant 0 : i32
        %dma_wait3A_347 = tpu.memref_slice %arg9[%dma_wait3A_345, %dma_wait3A_346] : memref<10240x128xf32, #tpu.memory_space<vmem_shared>> -> memref<10240x128xf32, #tpu.memory_space<vmem_shared>>
        tpu.wait_indirect_dma semaphore(%run_scoped3A_327 : memref<!tpu.dma_semaphore, #tpu.memory_space<semaphore_mem>>) src(%dma_wait3A_341 : memref<64x128xf32, #tpu.memory_space<vmem>>) dst(%dma_wait3A_347 : memref<10240x128xf32, #tpu.memory_space<vmem_shared>>)
        tpu.yield
      }) : () -> ()
      %add3A_320 = arith.constant 4 : i32
      %add3A_321 = arith.addi %add3A_307, %add3A_320 : i32
      %lt3A_322 = arith.constant 40 : i32
      %lt3A_323 = arith.cmpi slt, %add3A_321, %lt3A_322 : i32
      %convert_element_type3A_324 = arith.extui %lt3A_323 : i1 to i32
      %cond3A_325 = arith.constant 0 : i32
      %cond3A_326 = arith.cmpi ne, %convert_element_type3A_324, %cond3A_325 : i32
      scf.if %cond3A_326 {
        %add3A_327 = arith.constant 4 : i32
        %add3A_328 = arith.addi %add3A_307, %add3A_327 : i32
        %dma_start3A_329 = arith.constant 3 : i32
        %dma_start3A_330 = arith.constant 0 : i32
        %dma_start3A_331 = arith.constant 0 : i32
        %dma_start3A_332 = tpu.memref_slice %arg8[%dma_start3A_329, %dma_start3A_330, %dma_start3A_331] : memref<4x64x128xf32, #tpu.memory_space<vmem>> -> memref<1x64x128xf32, #tpu.memory_space<vmem>>
        %dma_start3A_333 = tpu.memref_squeeze %dma_start3A_332 : memref<1x64x128xf32, #tpu.memory_space<vmem>> -> memref<64x128xf32, #tpu.memory_space<vmem>>
        %dma_start3A_334 = arith.constant 0 : i32
        %dma_start3A_335 = tpu.memref_slice %arg6[%add3A_328, %dma_start3A_334] : memref<40x64xi32, #tpu.memory_space<vmem>> -> memref<1x64xi32, #tpu.memory_space<vmem>>
        %dma_start3A_336 = tpu.memref_squeeze %dma_start3A_335 : memref<1x64xi32, #tpu.memory_space<vmem>> -> memref<64xi32, #tpu.memory_space<vmem>>
        %dma_start3A_337 = arith.constant 0 : i32
        %dma_start3A_338 = arith.constant 0 : i32
        %dma_start3A_339 = tpu.memref_slice %arg2[%dma_start3A_337, %dma_start3A_338] : memref<10240x128xf32, #tpu.memory_space<hbm>> -> memref<10240x128xf32, #tpu.memory_space<hbm>>
        tpu.enqueue_indirect_dma source(%dma_start3A_339 : memref<10240x128xf32, #tpu.memory_space<hbm>>) target(%dma_start3A_333 : memref<64x128xf32, #tpu.memory_space<vmem>>) offsets(%dma_start3A_336 : memref<64xi32, #tpu.memory_space<vmem>>) semaphore(%arg13 : memref<!tpu.dma_semaphore, #tpu.memory_space<semaphore_mem>>)
      } else {
      }
    }
    %scan3A_66 = arith.constant 10 : i32
    %mul3A_67 = arith.constant 160 : i32
    %mul3A_68 = arith.muli %add3A, %mul3A_67 : i32
    %add3A_69 = arith.constant 40 : i32
    %add3A_70 = arith.addi %mul3A_68, %add3A_69 : i32
    "tpu.region"() ({
      %run_scoped3A = tpu.sem_alloc : memref<!tpu.dma_semaphore, #tpu.memory_space<semaphore_mem>>
      %dma_start3A_243 = arith.constant 0 : i32
      %dma_start3A_244 = tpu.memref_slice %arg3[%add3A_70, %dma_start3A_243] : memref<5120x64xi32, #tpu.memory_space<hbm>> -> memref<40x64xi32, #tpu.memory_space<hbm>>
      %dma_start3A_245 = arith.constant 0 : i32
      %dma_start3A_246 = tpu.memref_slice %arg3[%add3A_70, %dma_start3A_245] : memref<5120x64xi32, #tpu.memory_space<hbm>> -> memref<40x64xi32, #tpu.memory_space<hbm>>
      tpu.enqueue_dma source(%dma_start3A_246 : memref<40x64xi32, #tpu.memory_space<hbm>>) target(%arg6 : memref<40x64xi32, #tpu.memory_space<vmem>>) target_semaphore(%run_scoped3A : memref<!tpu.dma_semaphore, #tpu.memory_space<semaphore_mem>>)
      %dma_wait3A = arith.constant 0 : i32
      %dma_wait3A_247 = tpu.memref_slice %arg3[%add3A_70, %dma_wait3A] : memref<5120x64xi32, #tpu.memory_space<hbm>> -> memref<40x64xi32, #tpu.memory_space<hbm>>
      %dma_wait3A_248 = arith.constant 0 : i32
      %dma_wait3A_249 = tpu.memref_slice %arg3[%add3A_70, %dma_wait3A_248] : memref<5120x64xi32, #tpu.memory_space<hbm>> -> memref<40x64xi32, #tpu.memory_space<hbm>>
      tpu.wait_dma2 semaphore(%run_scoped3A : memref<!tpu.dma_semaphore, #tpu.memory_space<semaphore_mem>>) src(%dma_wait3A_249 : memref<40x64xi32, #tpu.memory_space<hbm>>) dst(%arg6 : memref<40x64xi32, #tpu.memory_space<vmem>>)
      tpu.yield
    }) : () -> ()
    "tpu.region"() ({
      %run_scoped3A = tpu.sem_alloc : memref<!tpu.dma_semaphore, #tpu.memory_space<semaphore_mem>>
      %dma_start3A_243 = arith.constant 0 : i32
      %dma_start3A_244 = tpu.memref_slice %arg4[%add3A_70, %dma_start3A_243] : memref<5120x64xi32, #tpu.memory_space<hbm>> -> memref<40x64xi32, #tpu.memory_space<hbm>>
      %dma_start3A_245 = arith.constant 0 : i32
      %dma_start3A_246 = tpu.memref_slice %arg4[%add3A_70, %dma_start3A_245] : memref<5120x64xi32, #tpu.memory_space<hbm>> -> memref<40x64xi32, #tpu.memory_space<hbm>>
      tpu.enqueue_dma source(%dma_start3A_246 : memref<40x64xi32, #tpu.memory_space<hbm>>) target(%arg7 : memref<40x64xi32, #tpu.memory_space<vmem>>) target_semaphore(%run_scoped3A : memref<!tpu.dma_semaphore, #tpu.memory_space<semaphore_mem>>)
      %dma_wait3A = arith.constant 0 : i32
      %dma_wait3A_247 = tpu.memref_slice %arg4[%add3A_70, %dma_wait3A] : memref<5120x64xi32, #tpu.memory_space<hbm>> -> memref<40x64xi32, #tpu.memory_space<hbm>>
      %dma_wait3A_248 = arith.constant 0 : i32
      %dma_wait3A_249 = tpu.memref_slice %arg4[%add3A_70, %dma_wait3A_248] : memref<5120x64xi32, #tpu.memory_space<hbm>> -> memref<40x64xi32, #tpu.memory_space<hbm>>
      tpu.wait_dma2 semaphore(%run_scoped3A : memref<!tpu.dma_semaphore, #tpu.memory_space<semaphore_mem>>) src(%dma_wait3A_249 : memref<40x64xi32, #tpu.memory_space<hbm>>) dst(%arg7 : memref<40x64xi32, #tpu.memory_space<vmem>>)
      tpu.yield
    }) : () -> ()
    %dma_start3A_71 = arith.constant 0 : i32
    %dma_start3A_72 = arith.constant 0 : i32
    %dma_start3A_73 = arith.constant 0 : i32
    %dma_start3A_74 = arith.constant 0 : i32
    %dma_start3A_75 = tpu.memref_slice %arg8[%dma_start3A_72, %dma_start3A_73, %dma_start3A_74] : memref<4x64x128xf32, #tpu.memory_space<vmem>> -> memref<1x64x128xf32, #tpu.memory_space<vmem>>
    %dma_start3A_76 = tpu.memref_squeeze %dma_start3A_75 : memref<1x64x128xf32, #tpu.memory_space<vmem>> -> memref<64x128xf32, #tpu.memory_space<vmem>>
    %dma_start3A_77 = arith.constant 0 : i32
    %dma_start3A_78 = tpu.memref_slice %arg6[%dma_start3A_71, %dma_start3A_77] : memref<40x64xi32, #tpu.memory_space<vmem>> -> memref<1x64xi32, #tpu.memory_space<vmem>>
    %dma_start3A_79 = tpu.memref_squeeze %dma_start3A_78 : memref<1x64xi32, #tpu.memory_space<vmem>> -> memref<64xi32, #tpu.memory_space<vmem>>
    %dma_start3A_80 = arith.constant 0 : i32
    %dma_start3A_81 = arith.constant 0 : i32
    %dma_start3A_82 = tpu.memref_slice %arg2[%dma_start3A_80, %dma_start3A_81] : memref<10240x128xf32, #tpu.memory_space<hbm>> -> memref<10240x128xf32, #tpu.memory_space<hbm>>
    tpu.enqueue_indirect_dma source(%dma_start3A_82 : memref<10240x128xf32, #tpu.memory_space<hbm>>) target(%dma_start3A_76 : memref<64x128xf32, #tpu.memory_space<vmem>>) offsets(%dma_start3A_79 : memref<64xi32, #tpu.memory_space<vmem>>) semaphore(%arg10 : memref<!tpu.dma_semaphore, #tpu.memory_space<semaphore_mem>>)
    %dma_start3A_83 = arith.constant 1 : i32
    %dma_start3A_84 = arith.constant 1 : i32
    %dma_start3A_85 = arith.constant 0 : i32
    %dma_start3A_86 = arith.constant 0 : i32
    %dma_start3A_87 = tpu.memref_slice %arg8[%dma_start3A_84, %dma_start3A_85, %dma_start3A_86] : memref<4x64x128xf32, #tpu.memory_space<vmem>> -> memref<1x64x128xf32, #tpu.memory_space<vmem>>
    %dma_start3A_88 = tpu.memref_squeeze %dma_start3A_87 : memref<1x64x128xf32, #tpu.memory_space<vmem>> -> memref<64x128xf32, #tpu.memory_space<vmem>>
    %dma_start3A_89 = arith.constant 0 : i32
    %dma_start3A_90 = tpu.memref_slice %arg6[%dma_start3A_83, %dma_start3A_89] : memref<40x64xi32, #tpu.memory_space<vmem>> -> memref<1x64xi32, #tpu.memory_space<vmem>>
    %dma_start3A_91 = tpu.memref_squeeze %dma_start3A_90 : memref<1x64xi32, #tpu.memory_space<vmem>> -> memref<64xi32, #tpu.memory_space<vmem>>
    %dma_start3A_92 = arith.constant 0 : i32
    %dma_start3A_93 = arith.constant 0 : i32
    %dma_start3A_94 = tpu.memref_slice %arg2[%dma_start3A_92, %dma_start3A_93] : memref<10240x128xf32, #tpu.memory_space<hbm>> -> memref<10240x128xf32, #tpu.memory_space<hbm>>
    tpu.enqueue_indirect_dma source(%dma_start3A_94 : memref<10240x128xf32, #tpu.memory_space<hbm>>) target(%dma_start3A_88 : memref<64x128xf32, #tpu.memory_space<vmem>>) offsets(%dma_start3A_91 : memref<64xi32, #tpu.memory_space<vmem>>) semaphore(%arg11 : memref<!tpu.dma_semaphore, #tpu.memory_space<semaphore_mem>>)
    %dma_start3A_95 = arith.constant 2 : i32
    %dma_start3A_96 = arith.constant 2 : i32
    %dma_start3A_97 = arith.constant 0 : i32
    %dma_start3A_98 = arith.constant 0 : i32
    %dma_start3A_99 = tpu.memref_slice %arg8[%dma_start3A_96, %dma_start3A_97, %dma_start3A_98] : memref<4x64x128xf32, #tpu.memory_space<vmem>> -> memref<1x64x128xf32, #tpu.memory_space<vmem>>
    %dma_start3A_100 = tpu.memref_squeeze %dma_start3A_99 : memref<1x64x128xf32, #tpu.memory_space<vmem>> -> memref<64x128xf32, #tpu.memory_space<vmem>>
    %dma_start3A_101 = arith.constant 0 : i32
    %dma_start3A_102 = tpu.memref_slice %arg6[%dma_start3A_95, %dma_start3A_101] : memref<40x64xi32, #tpu.memory_space<vmem>> -> memref<1x64xi32, #tpu.memory_space<vmem>>
    %dma_start3A_103 = tpu.memref_squeeze %dma_start3A_102 : memref<1x64xi32, #tpu.memory_space<vmem>> -> memref<64xi32, #tpu.memory_space<vmem>>
    %dma_start3A_104 = arith.constant 0 : i32
    %dma_start3A_105 = arith.constant 0 : i32
    %dma_start3A_106 = tpu.memref_slice %arg2[%dma_start3A_104, %dma_start3A_105] : memref<10240x128xf32, #tpu.memory_space<hbm>> -> memref<10240x128xf32, #tpu.memory_space<hbm>>
    tpu.enqueue_indirect_dma source(%dma_start3A_106 : memref<10240x128xf32, #tpu.memory_space<hbm>>) target(%dma_start3A_100 : memref<64x128xf32, #tpu.memory_space<vmem>>) offsets(%dma_start3A_103 : memref<64xi32, #tpu.memory_space<vmem>>) semaphore(%arg12 : memref<!tpu.dma_semaphore, #tpu.memory_space<semaphore_mem>>)
    %dma_start3A_107 = arith.constant 3 : i32
    %dma_start3A_108 = arith.constant 3 : i32
    %dma_start3A_109 = arith.constant 0 : i32
    %dma_start3A_110 = arith.constant 0 : i32
    %dma_start3A_111 = tpu.memref_slice %arg8[%dma_start3A_108, %dma_start3A_109, %dma_start3A_110] : memref<4x64x128xf32, #tpu.memory_space<vmem>> -> memref<1x64x128xf32, #tpu.memory_space<vmem>>
    %dma_start3A_112 = tpu.memref_squeeze %dma_start3A_111 : memref<1x64x128xf32, #tpu.memory_space<vmem>> -> memref<64x128xf32, #tpu.memory_space<vmem>>
    %dma_start3A_113 = arith.constant 0 : i32
    %dma_start3A_114 = tpu.memref_slice %arg6[%dma_start3A_107, %dma_start3A_113] : memref<40x64xi32, #tpu.memory_space<vmem>> -> memref<1x64xi32, #tpu.memory_space<vmem>>
    %dma_start3A_115 = tpu.memref_squeeze %dma_start3A_114 : memref<1x64xi32, #tpu.memory_space<vmem>> -> memref<64xi32, #tpu.memory_space<vmem>>
    %dma_start3A_116 = arith.constant 0 : i32
    %dma_start3A_117 = arith.constant 0 : i32
    %dma_start3A_118 = tpu.memref_slice %arg2[%dma_start3A_116, %dma_start3A_117] : memref<10240x128xf32, #tpu.memory_space<hbm>> -> memref<10240x128xf32, #tpu.memory_space<hbm>>
    tpu.enqueue_indirect_dma source(%dma_start3A_118 : memref<10240x128xf32, #tpu.memory_space<hbm>>) target(%dma_start3A_112 : memref<64x128xf32, #tpu.memory_space<vmem>>) offsets(%dma_start3A_115 : memref<64xi32, #tpu.memory_space<vmem>>) semaphore(%arg13 : memref<!tpu.dma_semaphore, #tpu.memory_space<semaphore_mem>>)
    %scan3A_119 = arith.constant 0 : i32
    %scan3A_120 = arith.constant 10 : i32
    %scan3A_121 = arith.addi %scan3A_119, %scan3A_120 : i32
    %scan3A_122 = arith.constant 1 : i32
    scf.for %scan3A_243 = %scan3A_119 to %scan3A_121 step %scan3A_122  : i32 {
      %mul3A_244 = arith.constant 4 : i32
      %mul3A_245 = arith.muli %scan3A_243, %mul3A_244 : i32
      %add3A_246 = arith.constant 0 : i32
      %add3A_247 = arith.addi %add3A_246, %mul3A_245 : i32
      %add3A_248 = arith.constant 0 : i32
      %add3A_249 = arith.addi %add3A_247, %add3A_248 : i32
      %dma_wait3A = arith.constant 0 : i32
      %dma_wait3A_250 = arith.constant 0 : i32
      %dma_wait3A_251 = arith.constant 0 : i32
      %dma_wait3A_252 = tpu.memref_slice %arg8[%dma_wait3A, %dma_wait3A_250, %dma_wait3A_251] : memref<4x64x128xf32, #tpu.memory_space<vmem>> -> memref<1x64x128xf32, #tpu.memory_space<vmem>>
      %dma_wait3A_253 = tpu.memref_squeeze %dma_wait3A_252 : memref<1x64x128xf32, #tpu.memory_space<vmem>> -> memref<64x128xf32, #tpu.memory_space<vmem>>
      %dma_wait3A_254 = arith.constant 0 : i32
      %dma_wait3A_255 = tpu.memref_slice %arg6[%add3A_249, %dma_wait3A_254] : memref<40x64xi32, #tpu.memory_space<vmem>> -> memref<1x64xi32, #tpu.memory_space<vmem>>
      %dma_wait3A_256 = tpu.memref_squeeze %dma_wait3A_255 : memref<1x64xi32, #tpu.memory_space<vmem>> -> memref<64xi32, #tpu.memory_space<vmem>>
      %dma_wait3A_257 = arith.constant 0 : i32
      %dma_wait3A_258 = arith.constant 0 : i32
      %dma_wait3A_259 = tpu.memref_slice %arg2[%dma_wait3A_257, %dma_wait3A_258] : memref<10240x128xf32, #tpu.memory_space<hbm>> -> memref<10240x128xf32, #tpu.memory_space<hbm>>
      tpu.wait_indirect_dma semaphore(%arg10 : memref<!tpu.dma_semaphore, #tpu.memory_space<semaphore_mem>>) src(%dma_wait3A_259 : memref<10240x128xf32, #tpu.memory_space<hbm>>) dst(%dma_wait3A_253 : memref<64x128xf32, #tpu.memory_space<vmem>>)
      %run_scoped3A = arith.constant 0 : i32
      "tpu.region"() ({
        %run_scoped3A_327 = tpu.sem_alloc : memref<!tpu.dma_semaphore, #tpu.memory_space<semaphore_mem>>
        %dma_start3A_328 = arith.constant 0 : i32
        %dma_start3A_329 = arith.constant 0 : i32
        %dma_start3A_330 = tpu.memref_slice %arg8[%run_scoped3A, %dma_start3A_328, %dma_start3A_329] : memref<4x64x128xf32, #tpu.memory_space<vmem>> -> memref<1x64x128xf32, #tpu.memory_space<vmem>>
        %dma_start3A_331 = tpu.memref_squeeze %dma_start3A_330 : memref<1x64x128xf32, #tpu.memory_space<vmem>> -> memref<64x128xf32, #tpu.memory_space<vmem>>
        %dma_start3A_332 = arith.constant 0 : i32
        %dma_start3A_333 = tpu.memref_slice %arg7[%add3A_249, %dma_start3A_332] : memref<40x64xi32, #tpu.memory_space<vmem>> -> memref<1x64xi32, #tpu.memory_space<vmem>>
        %dma_start3A_334 = tpu.memref_squeeze %dma_start3A_333 : memref<1x64xi32, #tpu.memory_space<vmem>> -> memref<64xi32, #tpu.memory_space<vmem>>
        %dma_start3A_335 = arith.constant 0 : i32
        %dma_start3A_336 = arith.constant 0 : i32
        %dma_start3A_337 = tpu.memref_slice %arg9[%dma_start3A_335, %dma_start3A_336] : memref<10240x128xf32, #tpu.memory_space<vmem_shared>> -> memref<10240x128xf32, #tpu.memory_space<vmem_shared>>
        tpu.enqueue_indirect_dma source(%dma_start3A_331 : memref<64x128xf32, #tpu.memory_space<vmem>>) target(%dma_start3A_337 : memref<10240x128xf32, #tpu.memory_space<vmem_shared>>) offsets(%dma_start3A_334 : memref<64xi32, #tpu.memory_space<vmem>>) semaphore(%run_scoped3A_327 : memref<!tpu.dma_semaphore, #tpu.memory_space<semaphore_mem>>) {add = true}
        %dma_wait3A_338 = arith.constant 0 : i32
        %dma_wait3A_339 = arith.constant 0 : i32
        %dma_wait3A_340 = tpu.memref_slice %arg8[%run_scoped3A, %dma_wait3A_338, %dma_wait3A_339] : memref<4x64x128xf32, #tpu.memory_space<vmem>> -> memref<1x64x128xf32, #tpu.memory_space<vmem>>
        %dma_wait3A_341 = tpu.memref_squeeze %dma_wait3A_340 : memref<1x64x128xf32, #tpu.memory_space<vmem>> -> memref<64x128xf32, #tpu.memory_space<vmem>>
        %dma_wait3A_342 = arith.constant 0 : i32
        %dma_wait3A_343 = tpu.memref_slice %arg7[%add3A_249, %dma_wait3A_342] : memref<40x64xi32, #tpu.memory_space<vmem>> -> memref<1x64xi32, #tpu.memory_space<vmem>>
        %dma_wait3A_344 = tpu.memref_squeeze %dma_wait3A_343 : memref<1x64xi32, #tpu.memory_space<vmem>> -> memref<64xi32, #tpu.memory_space<vmem>>
        %dma_wait3A_345 = arith.constant 0 : i32
        %dma_wait3A_346 = arith.constant 0 : i32
        %dma_wait3A_347 = tpu.memref_slice %arg9[%dma_wait3A_345, %dma_wait3A_346] : memref<10240x128xf32, #tpu.memory_space<vmem_shared>> -> memref<10240x128xf32, #tpu.memory_space<vmem_shared>>
        tpu.wait_indirect_dma semaphore(%run_scoped3A_327 : memref<!tpu.dma_semaphore, #tpu.memory_space<semaphore_mem>>) src(%dma_wait3A_341 : memref<64x128xf32, #tpu.memory_space<vmem>>) dst(%dma_wait3A_347 : memref<10240x128xf32, #tpu.memory_space<vmem_shared>>)
        tpu.yield
      }) : () -> ()
      %add3A_260 = arith.constant 4 : i32
      %add3A_261 = arith.addi %add3A_249, %add3A_260 : i32
      %lt3A = arith.constant 40 : i32
      %lt3A_262 = arith.cmpi slt, %add3A_261, %lt3A : i32
      %convert_element_type3A = arith.extui %lt3A_262 : i1 to i32
      %cond3A = arith.constant 0 : i32
      %cond3A_263 = arith.cmpi ne, %convert_element_type3A, %cond3A : i32
      scf.if %cond3A_263 {
        %add3A_327 = arith.constant 4 : i32
        %add3A_328 = arith.addi %add3A_249, %add3A_327 : i32
        %dma_start3A_329 = arith.constant 0 : i32
        %dma_start3A_330 = arith.constant 0 : i32
        %dma_start3A_331 = arith.constant 0 : i32
        %dma_start3A_332 = tpu.memref_slice %arg8[%dma_start3A_329, %dma_start3A_330, %dma_start3A_331] : memref<4x64x128xf32, #tpu.memory_space<vmem>> -> memref<1x64x128xf32, #tpu.memory_space<vmem>>
        %dma_start3A_333 = tpu.memref_squeeze %dma_start3A_332 : memref<1x64x128xf32, #tpu.memory_space<vmem>> -> memref<64x128xf32, #tpu.memory_space<vmem>>
        %dma_start3A_334 = arith.constant 0 : i32
        %dma_start3A_335 = tpu.memref_slice %arg6[%add3A_328, %dma_start3A_334] : memref<40x64xi32, #tpu.memory_space<vmem>> -> memref<1x64xi32, #tpu.memory_space<vmem>>
        %dma_start3A_336 = tpu.memref_squeeze %dma_start3A_335 : memref<1x64xi32, #tpu.memory_space<vmem>> -> memref<64xi32, #tpu.memory_space<vmem>>
        %dma_start3A_337 = arith.constant 0 : i32
        %dma_start3A_338 = arith.constant 0 : i32
        %dma_start3A_339 = tpu.memref_slice %arg2[%dma_start3A_337, %dma_start3A_338] : memref<10240x128xf32, #tpu.memory_space<hbm>> -> memref<10240x128xf32, #tpu.memory_space<hbm>>
        tpu.enqueue_indirect_dma source(%dma_start3A_339 : memref<10240x128xf32, #tpu.memory_space<hbm>>) target(%dma_start3A_333 : memref<64x128xf32, #tpu.memory_space<vmem>>) offsets(%dma_start3A_336 : memref<64xi32, #tpu.memory_space<vmem>>) semaphore(%arg10 : memref<!tpu.dma_semaphore, #tpu.memory_space<semaphore_mem>>)
      } else {
      }
      %add3A_264 = arith.constant 1 : i32
      %add3A_265 = arith.addi %add3A_247, %add3A_264 : i32
      %dma_wait3A_266 = arith.constant 1 : i32
      %dma_wait3A_267 = arith.constant 0 : i32
      %dma_wait3A_268 = arith.constant 0 : i32
      %dma_wait3A_269 = tpu.memref_slice %arg8[%dma_wait3A_266, %dma_wait3A_267, %dma_wait3A_268] : memref<4x64x128xf32, #tpu.memory_space<vmem>> -> memref<1x64x128xf32, #tpu.memory_space<vmem>>
      %dma_wait3A_270 = tpu.memref_squeeze %dma_wait3A_269 : memref<1x64x128xf32, #tpu.memory_space<vmem>> -> memref<64x128xf32, #tpu.memory_space<vmem>>
      %dma_wait3A_271 = arith.constant 0 : i32
      %dma_wait3A_272 = tpu.memref_slice %arg6[%add3A_265, %dma_wait3A_271] : memref<40x64xi32, #tpu.memory_space<vmem>> -> memref<1x64xi32, #tpu.memory_space<vmem>>
      %dma_wait3A_273 = tpu.memref_squeeze %dma_wait3A_272 : memref<1x64xi32, #tpu.memory_space<vmem>> -> memref<64xi32, #tpu.memory_space<vmem>>
      %dma_wait3A_274 = arith.constant 0 : i32
      %dma_wait3A_275 = arith.constant 0 : i32
      %dma_wait3A_276 = tpu.memref_slice %arg2[%dma_wait3A_274, %dma_wait3A_275] : memref<10240x128xf32, #tpu.memory_space<hbm>> -> memref<10240x128xf32, #tpu.memory_space<hbm>>
      tpu.wait_indirect_dma semaphore(%arg11 : memref<!tpu.dma_semaphore, #tpu.memory_space<semaphore_mem>>) src(%dma_wait3A_276 : memref<10240x128xf32, #tpu.memory_space<hbm>>) dst(%dma_wait3A_270 : memref<64x128xf32, #tpu.memory_space<vmem>>)
      %run_scoped3A_277 = arith.constant 1 : i32
      "tpu.region"() ({
        %run_scoped3A_327 = tpu.sem_alloc : memref<!tpu.dma_semaphore, #tpu.memory_space<semaphore_mem>>
        %dma_start3A_328 = arith.constant 0 : i32
        %dma_start3A_329 = arith.constant 0 : i32
        %dma_start3A_330 = tpu.memref_slice %arg8[%run_scoped3A_277, %dma_start3A_328, %dma_start3A_329] : memref<4x64x128xf32, #tpu.memory_space<vmem>> -> memref<1x64x128xf32, #tpu.memory_space<vmem>>
        %dma_start3A_331 = tpu.memref_squeeze %dma_start3A_330 : memref<1x64x128xf32, #tpu.memory_space<vmem>> -> memref<64x128xf32, #tpu.memory_space<vmem>>
        %dma_start3A_332 = arith.constant 0 : i32
        %dma_start3A_333 = tpu.memref_slice %arg7[%add3A_265, %dma_start3A_332] : memref<40x64xi32, #tpu.memory_space<vmem>> -> memref<1x64xi32, #tpu.memory_space<vmem>>
        %dma_start3A_334 = tpu.memref_squeeze %dma_start3A_333 : memref<1x64xi32, #tpu.memory_space<vmem>> -> memref<64xi32, #tpu.memory_space<vmem>>
        %dma_start3A_335 = arith.constant 0 : i32
        %dma_start3A_336 = arith.constant 0 : i32
        %dma_start3A_337 = tpu.memref_slice %arg9[%dma_start3A_335, %dma_start3A_336] : memref<10240x128xf32, #tpu.memory_space<vmem_shared>> -> memref<10240x128xf32, #tpu.memory_space<vmem_shared>>
        tpu.enqueue_indirect_dma source(%dma_start3A_331 : memref<64x128xf32, #tpu.memory_space<vmem>>) target(%dma_start3A_337 : memref<10240x128xf32, #tpu.memory_space<vmem_shared>>) offsets(%dma_start3A_334 : memref<64xi32, #tpu.memory_space<vmem>>) semaphore(%run_scoped3A_327 : memref<!tpu.dma_semaphore, #tpu.memory_space<semaphore_mem>>) {add = true}
        %dma_wait3A_338 = arith.constant 0 : i32
        %dma_wait3A_339 = arith.constant 0 : i32
        %dma_wait3A_340 = tpu.memref_slice %arg8[%run_scoped3A_277, %dma_wait3A_338, %dma_wait3A_339] : memref<4x64x128xf32, #tpu.memory_space<vmem>> -> memref<1x64x128xf32, #tpu.memory_space<vmem>>
        %dma_wait3A_341 = tpu.memref_squeeze %dma_wait3A_340 : memref<1x64x128xf32, #tpu.memory_space<vmem>> -> memref<64x128xf32, #tpu.memory_space<vmem>>
        %dma_wait3A_342 = arith.constant 0 : i32
        %dma_wait3A_343 = tpu.memref_slice %arg7[%add3A_265, %dma_wait3A_342] : memref<40x64xi32, #tpu.memory_space<vmem>> -> memref<1x64xi32, #tpu.memory_space<vmem>>
        %dma_wait3A_344 = tpu.memref_squeeze %dma_wait3A_343 : memref<1x64xi32, #tpu.memory_space<vmem>> -> memref<64xi32, #tpu.memory_space<vmem>>
        %dma_wait3A_345 = arith.constant 0 : i32
        %dma_wait3A_346 = arith.constant 0 : i32
        %dma_wait3A_347 = tpu.memref_slice %arg9[%dma_wait3A_345, %dma_wait3A_346] : memref<10240x128xf32, #tpu.memory_space<vmem_shared>> -> memref<10240x128xf32, #tpu.memory_space<vmem_shared>>
        tpu.wait_indirect_dma semaphore(%run_scoped3A_327 : memref<!tpu.dma_semaphore, #tpu.memory_space<semaphore_mem>>) src(%dma_wait3A_341 : memref<64x128xf32, #tpu.memory_space<vmem>>) dst(%dma_wait3A_347 : memref<10240x128xf32, #tpu.memory_space<vmem_shared>>)
        tpu.yield
      }) : () -> ()
      %add3A_278 = arith.constant 4 : i32
      %add3A_279 = arith.addi %add3A_265, %add3A_278 : i32
      %lt3A_280 = arith.constant 40 : i32
      %lt3A_281 = arith.cmpi slt, %add3A_279, %lt3A_280 : i32
      %convert_element_type3A_282 = arith.extui %lt3A_281 : i1 to i32
      %cond3A_283 = arith.constant 0 : i32
      %cond3A_284 = arith.cmpi ne, %convert_element_type3A_282, %cond3A_283 : i32
      scf.if %cond3A_284 {
        %add3A_327 = arith.constant 4 : i32
        %add3A_328 = arith.addi %add3A_265, %add3A_327 : i32
        %dma_start3A_329 = arith.constant 1 : i32
        %dma_start3A_330 = arith.constant 0 : i32
        %dma_start3A_331 = arith.constant 0 : i32
        %dma_start3A_332 = tpu.memref_slice %arg8[%dma_start3A_329, %dma_start3A_330, %dma_start3A_331] : memref<4x64x128xf32, #tpu.memory_space<vmem>> -> memref<1x64x128xf32, #tpu.memory_space<vmem>>
        %dma_start3A_333 = tpu.memref_squeeze %dma_start3A_332 : memref<1x64x128xf32, #tpu.memory_space<vmem>> -> memref<64x128xf32, #tpu.memory_space<vmem>>
        %dma_start3A_334 = arith.constant 0 : i32
        %dma_start3A_335 = tpu.memref_slice %arg6[%add3A_328, %dma_start3A_334] : memref<40x64xi32, #tpu.memory_space<vmem>> -> memref<1x64xi32, #tpu.memory_space<vmem>>
        %dma_start3A_336 = tpu.memref_squeeze %dma_start3A_335 : memref<1x64xi32, #tpu.memory_space<vmem>> -> memref<64xi32, #tpu.memory_space<vmem>>
        %dma_start3A_337 = arith.constant 0 : i32
        %dma_start3A_338 = arith.constant 0 : i32
        %dma_start3A_339 = tpu.memref_slice %arg2[%dma_start3A_337, %dma_start3A_338] : memref<10240x128xf32, #tpu.memory_space<hbm>> -> memref<10240x128xf32, #tpu.memory_space<hbm>>
        tpu.enqueue_indirect_dma source(%dma_start3A_339 : memref<10240x128xf32, #tpu.memory_space<hbm>>) target(%dma_start3A_333 : memref<64x128xf32, #tpu.memory_space<vmem>>) offsets(%dma_start3A_336 : memref<64xi32, #tpu.memory_space<vmem>>) semaphore(%arg11 : memref<!tpu.dma_semaphore, #tpu.memory_space<semaphore_mem>>)
      } else {
      }
      %add3A_285 = arith.constant 2 : i32
      %add3A_286 = arith.addi %add3A_247, %add3A_285 : i32
      %dma_wait3A_287 = arith.constant 2 : i32
      %dma_wait3A_288 = arith.constant 0 : i32
      %dma_wait3A_289 = arith.constant 0 : i32
      %dma_wait3A_290 = tpu.memref_slice %arg8[%dma_wait3A_287, %dma_wait3A_288, %dma_wait3A_289] : memref<4x64x128xf32, #tpu.memory_space<vmem>> -> memref<1x64x128xf32, #tpu.memory_space<vmem>>
      %dma_wait3A_291 = tpu.memref_squeeze %dma_wait3A_290 : memref<1x64x128xf32, #tpu.memory_space<vmem>> -> memref<64x128xf32, #tpu.memory_space<vmem>>
      %dma_wait3A_292 = arith.constant 0 : i32
      %dma_wait3A_293 = tpu.memref_slice %arg6[%add3A_286, %dma_wait3A_292] : memref<40x64xi32, #tpu.memory_space<vmem>> -> memref<1x64xi32, #tpu.memory_space<vmem>>
      %dma_wait3A_294 = tpu.memref_squeeze %dma_wait3A_293 : memref<1x64xi32, #tpu.memory_space<vmem>> -> memref<64xi32, #tpu.memory_space<vmem>>
      %dma_wait3A_295 = arith.constant 0 : i32
      %dma_wait3A_296 = arith.constant 0 : i32
      %dma_wait3A_297 = tpu.memref_slice %arg2[%dma_wait3A_295, %dma_wait3A_296] : memref<10240x128xf32, #tpu.memory_space<hbm>> -> memref<10240x128xf32, #tpu.memory_space<hbm>>
      tpu.wait_indirect_dma semaphore(%arg12 : memref<!tpu.dma_semaphore, #tpu.memory_space<semaphore_mem>>) src(%dma_wait3A_297 : memref<10240x128xf32, #tpu.memory_space<hbm>>) dst(%dma_wait3A_291 : memref<64x128xf32, #tpu.memory_space<vmem>>)
      %run_scoped3A_298 = arith.constant 2 : i32
      "tpu.region"() ({
        %run_scoped3A_327 = tpu.sem_alloc : memref<!tpu.dma_semaphore, #tpu.memory_space<semaphore_mem>>
        %dma_start3A_328 = arith.constant 0 : i32
        %dma_start3A_329 = arith.constant 0 : i32
        %dma_start3A_330 = tpu.memref_slice %arg8[%run_scoped3A_298, %dma_start3A_328, %dma_start3A_329] : memref<4x64x128xf32, #tpu.memory_space<vmem>> -> memref<1x64x128xf32, #tpu.memory_space<vmem>>
        %dma_start3A_331 = tpu.memref_squeeze %dma_start3A_330 : memref<1x64x128xf32, #tpu.memory_space<vmem>> -> memref<64x128xf32, #tpu.memory_space<vmem>>
        %dma_start3A_332 = arith.constant 0 : i32
        %dma_start3A_333 = tpu.memref_slice %arg7[%add3A_286, %dma_start3A_332] : memref<40x64xi32, #tpu.memory_space<vmem>> -> memref<1x64xi32, #tpu.memory_space<vmem>>
        %dma_start3A_334 = tpu.memref_squeeze %dma_start3A_333 : memref<1x64xi32, #tpu.memory_space<vmem>> -> memref<64xi32, #tpu.memory_space<vmem>>
        %dma_start3A_335 = arith.constant 0 : i32
        %dma_start3A_336 = arith.constant 0 : i32
        %dma_start3A_337 = tpu.memref_slice %arg9[%dma_start3A_335, %dma_start3A_336] : memref<10240x128xf32, #tpu.memory_space<vmem_shared>> -> memref<10240x128xf32, #tpu.memory_space<vmem_shared>>
        tpu.enqueue_indirect_dma source(%dma_start3A_331 : memref<64x128xf32, #tpu.memory_space<vmem>>) target(%dma_start3A_337 : memref<10240x128xf32, #tpu.memory_space<vmem_shared>>) offsets(%dma_start3A_334 : memref<64xi32, #tpu.memory_space<vmem>>) semaphore(%run_scoped3A_327 : memref<!tpu.dma_semaphore, #tpu.memory_space<semaphore_mem>>) {add = true}
        %dma_wait3A_338 = arith.constant 0 : i32
        %dma_wait3A_339 = arith.constant 0 : i32
        %dma_wait3A_340 = tpu.memref_slice %arg8[%run_scoped3A_298, %dma_wait3A_338, %dma_wait3A_339] : memref<4x64x128xf32, #tpu.memory_space<vmem>> -> memref<1x64x128xf32, #tpu.memory_space<vmem>>
        %dma_wait3A_341 = tpu.memref_squeeze %dma_wait3A_340 : memref<1x64x128xf32, #tpu.memory_space<vmem>> -> memref<64x128xf32, #tpu.memory_space<vmem>>
        %dma_wait3A_342 = arith.constant 0 : i32
        %dma_wait3A_343 = tpu.memref_slice %arg7[%add3A_286, %dma_wait3A_342] : memref<40x64xi32, #tpu.memory_space<vmem>> -> memref<1x64xi32, #tpu.memory_space<vmem>>
        %dma_wait3A_344 = tpu.memref_squeeze %dma_wait3A_343 : memref<1x64xi32, #tpu.memory_space<vmem>> -> memref<64xi32, #tpu.memory_space<vmem>>
        %dma_wait3A_345 = arith.constant 0 : i32
        %dma_wait3A_346 = arith.constant 0 : i32
        %dma_wait3A_347 = tpu.memref_slice %arg9[%dma_wait3A_345, %dma_wait3A_346] : memref<10240x128xf32, #tpu.memory_space<vmem_shared>> -> memref<10240x128xf32, #tpu.memory_space<vmem_shared>>
        tpu.wait_indirect_dma semaphore(%run_scoped3A_327 : memref<!tpu.dma_semaphore, #tpu.memory_space<semaphore_mem>>) src(%dma_wait3A_341 : memref<64x128xf32, #tpu.memory_space<vmem>>) dst(%dma_wait3A_347 : memref<10240x128xf32, #tpu.memory_space<vmem_shared>>)
        tpu.yield
      }) : () -> ()
      %add3A_299 = arith.constant 4 : i32
      %add3A_300 = arith.addi %add3A_286, %add3A_299 : i32
      %lt3A_301 = arith.constant 40 : i32
      %lt3A_302 = arith.cmpi slt, %add3A_300, %lt3A_301 : i32
      %convert_element_type3A_303 = arith.extui %lt3A_302 : i1 to i32
      %cond3A_304 = arith.constant 0 : i32
      %cond3A_305 = arith.cmpi ne, %convert_element_type3A_303, %cond3A_304 : i32
      scf.if %cond3A_305 {
        %add3A_327 = arith.constant 4 : i32
        %add3A_328 = arith.addi %add3A_286, %add3A_327 : i32
        %dma_start3A_329 = arith.constant 2 : i32
        %dma_start3A_330 = arith.constant 0 : i32
        %dma_start3A_331 = arith.constant 0 : i32
        %dma_start3A_332 = tpu.memref_slice %arg8[%dma_start3A_329, %dma_start3A_330, %dma_start3A_331] : memref<4x64x128xf32, #tpu.memory_space<vmem>> -> memref<1x64x128xf32, #tpu.memory_space<vmem>>
        %dma_start3A_333 = tpu.memref_squeeze %dma_start3A_332 : memref<1x64x128xf32, #tpu.memory_space<vmem>> -> memref<64x128xf32, #tpu.memory_space<vmem>>
        %dma_start3A_334 = arith.constant 0 : i32
        %dma_start3A_335 = tpu.memref_slice %arg6[%add3A_328, %dma_start3A_334] : memref<40x64xi32, #tpu.memory_space<vmem>> -> memref<1x64xi32, #tpu.memory_space<vmem>>
        %dma_start3A_336 = tpu.memref_squeeze %dma_start3A_335 : memref<1x64xi32, #tpu.memory_space<vmem>> -> memref<64xi32, #tpu.memory_space<vmem>>
        %dma_start3A_337 = arith.constant 0 : i32
        %dma_start3A_338 = arith.constant 0 : i32
        %dma_start3A_339 = tpu.memref_slice %arg2[%dma_start3A_337, %dma_start3A_338] : memref<10240x128xf32, #tpu.memory_space<hbm>> -> memref<10240x128xf32, #tpu.memory_space<hbm>>
        tpu.enqueue_indirect_dma source(%dma_start3A_339 : memref<10240x128xf32, #tpu.memory_space<hbm>>) target(%dma_start3A_333 : memref<64x128xf32, #tpu.memory_space<vmem>>) offsets(%dma_start3A_336 : memref<64xi32, #tpu.memory_space<vmem>>) semaphore(%arg12 : memref<!tpu.dma_semaphore, #tpu.memory_space<semaphore_mem>>)
      } else {
      }
      %add3A_306 = arith.constant 3 : i32
      %add3A_307 = arith.addi %add3A_247, %add3A_306 : i32
      %dma_wait3A_308 = arith.constant 3 : i32
      %dma_wait3A_309 = arith.constant 0 : i32
      %dma_wait3A_310 = arith.constant 0 : i32
      %dma_wait3A_311 = tpu.memref_slice %arg8[%dma_wait3A_308, %dma_wait3A_309, %dma_wait3A_310] : memref<4x64x128xf32, #tpu.memory_space<vmem>> -> memref<1x64x128xf32, #tpu.memory_space<vmem>>
      %dma_wait3A_312 = tpu.memref_squeeze %dma_wait3A_311 : memref<1x64x128xf32, #tpu.memory_space<vmem>> -> memref<64x128xf32, #tpu.memory_space<vmem>>
      %dma_wait3A_313 = arith.constant 0 : i32
      %dma_wait3A_314 = tpu.memref_slice %arg6[%add3A_307, %dma_wait3A_313] : memref<40x64xi32, #tpu.memory_space<vmem>> -> memref<1x64xi32, #tpu.memory_space<vmem>>
      %dma_wait3A_315 = tpu.memref_squeeze %dma_wait3A_314 : memref<1x64xi32, #tpu.memory_space<vmem>> -> memref<64xi32, #tpu.memory_space<vmem>>
      %dma_wait3A_316 = arith.constant 0 : i32
      %dma_wait3A_317 = arith.constant 0 : i32
      %dma_wait3A_318 = tpu.memref_slice %arg2[%dma_wait3A_316, %dma_wait3A_317] : memref<10240x128xf32, #tpu.memory_space<hbm>> -> memref<10240x128xf32, #tpu.memory_space<hbm>>
      tpu.wait_indirect_dma semaphore(%arg13 : memref<!tpu.dma_semaphore, #tpu.memory_space<semaphore_mem>>) src(%dma_wait3A_318 : memref<10240x128xf32, #tpu.memory_space<hbm>>) dst(%dma_wait3A_312 : memref<64x128xf32, #tpu.memory_space<vmem>>)
      %run_scoped3A_319 = arith.constant 3 : i32
      "tpu.region"() ({
        %run_scoped3A_327 = tpu.sem_alloc : memref<!tpu.dma_semaphore, #tpu.memory_space<semaphore_mem>>
        %dma_start3A_328 = arith.constant 0 : i32
        %dma_start3A_329 = arith.constant 0 : i32
        %dma_start3A_330 = tpu.memref_slice %arg8[%run_scoped3A_319, %dma_start3A_328, %dma_start3A_329] : memref<4x64x128xf32, #tpu.memory_space<vmem>> -> memref<1x64x128xf32, #tpu.memory_space<vmem>>
        %dma_start3A_331 = tpu.memref_squeeze %dma_start3A_330 : memref<1x64x128xf32, #tpu.memory_space<vmem>> -> memref<64x128xf32, #tpu.memory_space<vmem>>
        %dma_start3A_332 = arith.constant 0 : i32
        %dma_start3A_333 = tpu.memref_slice %arg7[%add3A_307, %dma_start3A_332] : memref<40x64xi32, #tpu.memory_space<vmem>> -> memref<1x64xi32, #tpu.memory_space<vmem>>
        %dma_start3A_334 = tpu.memref_squeeze %dma_start3A_333 : memref<1x64xi32, #tpu.memory_space<vmem>> -> memref<64xi32, #tpu.memory_space<vmem>>
        %dma_start3A_335 = arith.constant 0 : i32
        %dma_start3A_336 = arith.constant 0 : i32
        %dma_start3A_337 = tpu.memref_slice %arg9[%dma_start3A_335, %dma_start3A_336] : memref<10240x128xf32, #tpu.memory_space<vmem_shared>> -> memref<10240x128xf32, #tpu.memory_space<vmem_shared>>
        tpu.enqueue_indirect_dma source(%dma_start3A_331 : memref<64x128xf32, #tpu.memory_space<vmem>>) target(%dma_start3A_337 : memref<10240x128xf32, #tpu.memory_space<vmem_shared>>) offsets(%dma_start3A_334 : memref<64xi32, #tpu.memory_space<vmem>>) semaphore(%run_scoped3A_327 : memref<!tpu.dma_semaphore, #tpu.memory_space<semaphore_mem>>) {add = true}
        %dma_wait3A_338 = arith.constant 0 : i32
        %dma_wait3A_339 = arith.constant 0 : i32
        %dma_wait3A_340 = tpu.memref_slice %arg8[%run_scoped3A_319, %dma_wait3A_338, %dma_wait3A_339] : memref<4x64x128xf32, #tpu.memory_space<vmem>> -> memref<1x64x128xf32, #tpu.memory_space<vmem>>
        %dma_wait3A_341 = tpu.memref_squeeze %dma_wait3A_340 : memref<1x64x128xf32, #tpu.memory_space<vmem>> -> memref<64x128xf32, #tpu.memory_space<vmem>>
        %dma_wait3A_342 = arith.constant 0 : i32
        %dma_wait3A_343 = tpu.memref_slice %arg7[%add3A_307, %dma_wait3A_342] : memref<40x64xi32, #tpu.memory_space<vmem>> -> memref<1x64xi32, #tpu.memory_space<vmem>>
        %dma_wait3A_344 = tpu.memref_squeeze %dma_wait3A_343 : memref<1x64xi32, #tpu.memory_space<vmem>> -> memref<64xi32, #tpu.memory_space<vmem>>
        %dma_wait3A_345 = arith.constant 0 : i32
        %dma_wait3A_346 = arith.constant 0 : i32
        %dma_wait3A_347 = tpu.memref_slice %arg9[%dma_wait3A_345, %dma_wait3A_346] : memref<10240x128xf32, #tpu.memory_space<vmem_shared>> -> memref<10240x128xf32, #tpu.memory_space<vmem_shared>>
        tpu.wait_indirect_dma semaphore(%run_scoped3A_327 : memref<!tpu.dma_semaphore, #tpu.memory_space<semaphore_mem>>) src(%dma_wait3A_341 : memref<64x128xf32, #tpu.memory_space<vmem>>) dst(%dma_wait3A_347 : memref<10240x128xf32, #tpu.memory_space<vmem_shared>>)
        tpu.yield
      }) : () -> ()
      %add3A_320 = arith.constant 4 : i32
      %add3A_321 = arith.addi %add3A_307, %add3A_320 : i32
      %lt3A_322 = arith.constant 40 : i32
      %lt3A_323 = arith.cmpi slt, %add3A_321, %lt3A_322 : i32
      %convert_element_type3A_324 = arith.extui %lt3A_323 : i1 to i32
      %cond3A_325 = arith.constant 0 : i32
      %cond3A_326 = arith.cmpi ne, %convert_element_type3A_324, %cond3A_325 : i32
      scf.if %cond3A_326 {
        %add3A_327 = arith.constant 4 : i32
        %add3A_328 = arith.addi %add3A_307, %add3A_327 : i32
        %dma_start3A_329 = arith.constant 3 : i32
        %dma_start3A_330 = arith.constant 0 : i32
        %dma_start3A_331 = arith.constant 0 : i32
        %dma_start3A_332 = tpu.memref_slice %arg8[%dma_start3A_329, %dma_start3A_330, %dma_start3A_331] : memref<4x64x128xf32, #tpu.memory_space<vmem>> -> memref<1x64x128xf32, #tpu.memory_space<vmem>>
        %dma_start3A_333 = tpu.memref_squeeze %dma_start3A_332 : memref<1x64x128xf32, #tpu.memory_space<vmem>> -> memref<64x128xf32, #tpu.memory_space<vmem>>
        %dma_start3A_334 = arith.constant 0 : i32
        %dma_start3A_335 = tpu.memref_slice %arg6[%add3A_328, %dma_start3A_334] : memref<40x64xi32, #tpu.memory_space<vmem>> -> memref<1x64xi32, #tpu.memory_space<vmem>>
        %dma_start3A_336 = tpu.memref_squeeze %dma_start3A_335 : memref<1x64xi32, #tpu.memory_space<vmem>> -> memref<64xi32, #tpu.memory_space<vmem>>
        %dma_start3A_337 = arith.constant 0 : i32
        %dma_start3A_338 = arith.constant 0 : i32
        %dma_start3A_339 = tpu.memref_slice %arg2[%dma_start3A_337, %dma_start3A_338] : memref<10240x128xf32, #tpu.memory_space<hbm>> -> memref<10240x128xf32, #tpu.memory_space<hbm>>
        tpu.enqueue_indirect_dma source(%dma_start3A_339 : memref<10240x128xf32, #tpu.memory_space<hbm>>) target(%dma_start3A_333 : memref<64x128xf32, #tpu.memory_space<vmem>>) offsets(%dma_start3A_336 : memref<64xi32, #tpu.memory_space<vmem>>) semaphore(%arg13 : memref<!tpu.dma_semaphore, #tpu.memory_space<semaphore_mem>>)
      } else {
      }
    }
    %scan3A_123 = arith.constant 10 : i32
    %mul3A_124 = arith.constant 160 : i32
    %mul3A_125 = arith.muli %add3A, %mul3A_124 : i32
    %add3A_126 = arith.constant 80 : i32
    %add3A_127 = arith.addi %mul3A_125, %add3A_126 : i32
    "tpu.region"() ({
      %run_scoped3A = tpu.sem_alloc : memref<!tpu.dma_semaphore, #tpu.memory_space<semaphore_mem>>
      %dma_start3A_243 = arith.constant 0 : i32
      %dma_start3A_244 = tpu.memref_slice %arg3[%add3A_127, %dma_start3A_243] : memref<5120x64xi32, #tpu.memory_space<hbm>> -> memref<40x64xi32, #tpu.memory_space<hbm>>
      %dma_start3A_245 = arith.constant 0 : i32
      %dma_start3A_246 = tpu.memref_slice %arg3[%add3A_127, %dma_start3A_245] : memref<5120x64xi32, #tpu.memory_space<hbm>> -> memref<40x64xi32, #tpu.memory_space<hbm>>
      tpu.enqueue_dma source(%dma_start3A_246 : memref<40x64xi32, #tpu.memory_space<hbm>>) target(%arg6 : memref<40x64xi32, #tpu.memory_space<vmem>>) target_semaphore(%run_scoped3A : memref<!tpu.dma_semaphore, #tpu.memory_space<semaphore_mem>>)
      %dma_wait3A = arith.constant 0 : i32
      %dma_wait3A_247 = tpu.memref_slice %arg3[%add3A_127, %dma_wait3A] : memref<5120x64xi32, #tpu.memory_space<hbm>> -> memref<40x64xi32, #tpu.memory_space<hbm>>
      %dma_wait3A_248 = arith.constant 0 : i32
      %dma_wait3A_249 = tpu.memref_slice %arg3[%add3A_127, %dma_wait3A_248] : memref<5120x64xi32, #tpu.memory_space<hbm>> -> memref<40x64xi32, #tpu.memory_space<hbm>>
      tpu.wait_dma2 semaphore(%run_scoped3A : memref<!tpu.dma_semaphore, #tpu.memory_space<semaphore_mem>>) src(%dma_wait3A_249 : memref<40x64xi32, #tpu.memory_space<hbm>>) dst(%arg6 : memref<40x64xi32, #tpu.memory_space<vmem>>)
      tpu.yield
    }) : () -> ()
    "tpu.region"() ({
      %run_scoped3A = tpu.sem_alloc : memref<!tpu.dma_semaphore, #tpu.memory_space<semaphore_mem>>
      %dma_start3A_243 = arith.constant 0 : i32
      %dma_start3A_244 = tpu.memref_slice %arg4[%add3A_127, %dma_start3A_243] : memref<5120x64xi32, #tpu.memory_space<hbm>> -> memref<40x64xi32, #tpu.memory_space<hbm>>
      %dma_start3A_245 = arith.constant 0 : i32
      %dma_start3A_246 = tpu.memref_slice %arg4[%add3A_127, %dma_start3A_245] : memref<5120x64xi32, #tpu.memory_space<hbm>> -> memref<40x64xi32, #tpu.memory_space<hbm>>
      tpu.enqueue_dma source(%dma_start3A_246 : memref<40x64xi32, #tpu.memory_space<hbm>>) target(%arg7 : memref<40x64xi32, #tpu.memory_space<vmem>>) target_semaphore(%run_scoped3A : memref<!tpu.dma_semaphore, #tpu.memory_space<semaphore_mem>>)
      %dma_wait3A = arith.constant 0 : i32
      %dma_wait3A_247 = tpu.memref_slice %arg4[%add3A_127, %dma_wait3A] : memref<5120x64xi32, #tpu.memory_space<hbm>> -> memref<40x64xi32, #tpu.memory_space<hbm>>
      %dma_wait3A_248 = arith.constant 0 : i32
      %dma_wait3A_249 = tpu.memref_slice %arg4[%add3A_127, %dma_wait3A_248] : memref<5120x64xi32, #tpu.memory_space<hbm>> -> memref<40x64xi32, #tpu.memory_space<hbm>>
      tpu.wait_dma2 semaphore(%run_scoped3A : memref<!tpu.dma_semaphore, #tpu.memory_space<semaphore_mem>>) src(%dma_wait3A_249 : memref<40x64xi32, #tpu.memory_space<hbm>>) dst(%arg7 : memref<40x64xi32, #tpu.memory_space<vmem>>)
      tpu.yield
    }) : () -> ()
    %dma_start3A_128 = arith.constant 0 : i32
    %dma_start3A_129 = arith.constant 0 : i32
    %dma_start3A_130 = arith.constant 0 : i32
    %dma_start3A_131 = arith.constant 0 : i32
    %dma_start3A_132 = tpu.memref_slice %arg8[%dma_start3A_129, %dma_start3A_130, %dma_start3A_131] : memref<4x64x128xf32, #tpu.memory_space<vmem>> -> memref<1x64x128xf32, #tpu.memory_space<vmem>>
    %dma_start3A_133 = tpu.memref_squeeze %dma_start3A_132 : memref<1x64x128xf32, #tpu.memory_space<vmem>> -> memref<64x128xf32, #tpu.memory_space<vmem>>
    %dma_start3A_134 = arith.constant 0 : i32
    %dma_start3A_135 = tpu.memref_slice %arg6[%dma_start3A_128, %dma_start3A_134] : memref<40x64xi32, #tpu.memory_space<vmem>> -> memref<1x64xi32, #tpu.memory_space<vmem>>
    %dma_start3A_136 = tpu.memref_squeeze %dma_start3A_135 : memref<1x64xi32, #tpu.memory_space<vmem>> -> memref<64xi32, #tpu.memory_space<vmem>>
    %dma_start3A_137 = arith.constant 0 : i32
    %dma_start3A_138 = arith.constant 0 : i32
    %dma_start3A_139 = tpu.memref_slice %arg2[%dma_start3A_137, %dma_start3A_138] : memref<10240x128xf32, #tpu.memory_space<hbm>> -> memref<10240x128xf32, #tpu.memory_space<hbm>>
    tpu.enqueue_indirect_dma source(%dma_start3A_139 : memref<10240x128xf32, #tpu.memory_space<hbm>>) target(%dma_start3A_133 : memref<64x128xf32, #tpu.memory_space<vmem>>) offsets(%dma_start3A_136 : memref<64xi32, #tpu.memory_space<vmem>>) semaphore(%arg10 : memref<!tpu.dma_semaphore, #tpu.memory_space<semaphore_mem>>)
    %dma_start3A_140 = arith.constant 1 : i32
    %dma_start3A_141 = arith.constant 1 : i32
    %dma_start3A_142 = arith.constant 0 : i32
    %dma_start3A_143 = arith.constant 0 : i32
    %dma_start3A_144 = tpu.memref_slice %arg8[%dma_start3A_141, %dma_start3A_142, %dma_start3A_143] : memref<4x64x128xf32, #tpu.memory_space<vmem>> -> memref<1x64x128xf32, #tpu.memory_space<vmem>>
    %dma_start3A_145 = tpu.memref_squeeze %dma_start3A_144 : memref<1x64x128xf32, #tpu.memory_space<vmem>> -> memref<64x128xf32, #tpu.memory_space<vmem>>
    %dma_start3A_146 = arith.constant 0 : i32
    %dma_start3A_147 = tpu.memref_slice %arg6[%dma_start3A_140, %dma_start3A_146] : memref<40x64xi32, #tpu.memory_space<vmem>> -> memref<1x64xi32, #tpu.memory_space<vmem>>
    %dma_start3A_148 = tpu.memref_squeeze %dma_start3A_147 : memref<1x64xi32, #tpu.memory_space<vmem>> -> memref<64xi32, #tpu.memory_space<vmem>>
    %dma_start3A_149 = arith.constant 0 : i32
    %dma_start3A_150 = arith.constant 0 : i32
    %dma_start3A_151 = tpu.memref_slice %arg2[%dma_start3A_149, %dma_start3A_150] : memref<10240x128xf32, #tpu.memory_space<hbm>> -> memref<10240x128xf32, #tpu.memory_space<hbm>>
    tpu.enqueue_indirect_dma source(%dma_start3A_151 : memref<10240x128xf32, #tpu.memory_space<hbm>>) target(%dma_start3A_145 : memref<64x128xf32, #tpu.memory_space<vmem>>) offsets(%dma_start3A_148 : memref<64xi32, #tpu.memory_space<vmem>>) semaphore(%arg11 : memref<!tpu.dma_semaphore, #tpu.memory_space<semaphore_mem>>)
    %dma_start3A_152 = arith.constant 2 : i32
    %dma_start3A_153 = arith.constant 2 : i32
    %dma_start3A_154 = arith.constant 0 : i32
    %dma_start3A_155 = arith.constant 0 : i32
    %dma_start3A_156 = tpu.memref_slice %arg8[%dma_start3A_153, %dma_start3A_154, %dma_start3A_155] : memref<4x64x128xf32, #tpu.memory_space<vmem>> -> memref<1x64x128xf32, #tpu.memory_space<vmem>>
    %dma_start3A_157 = tpu.memref_squeeze %dma_start3A_156 : memref<1x64x128xf32, #tpu.memory_space<vmem>> -> memref<64x128xf32, #tpu.memory_space<vmem>>
    %dma_start3A_158 = arith.constant 0 : i32
    %dma_start3A_159 = tpu.memref_slice %arg6[%dma_start3A_152, %dma_start3A_158] : memref<40x64xi32, #tpu.memory_space<vmem>> -> memref<1x64xi32, #tpu.memory_space<vmem>>
    %dma_start3A_160 = tpu.memref_squeeze %dma_start3A_159 : memref<1x64xi32, #tpu.memory_space<vmem>> -> memref<64xi32, #tpu.memory_space<vmem>>
    %dma_start3A_161 = arith.constant 0 : i32
    %dma_start3A_162 = arith.constant 0 : i32
    %dma_start3A_163 = tpu.memref_slice %arg2[%dma_start3A_161, %dma_start3A_162] : memref<10240x128xf32, #tpu.memory_space<hbm>> -> memref<10240x128xf32, #tpu.memory_space<hbm>>
    tpu.enqueue_indirect_dma source(%dma_start3A_163 : memref<10240x128xf32, #tpu.memory_space<hbm>>) target(%dma_start3A_157 : memref<64x128xf32, #tpu.memory_space<vmem>>) offsets(%dma_start3A_160 : memref<64xi32, #tpu.memory_space<vmem>>) semaphore(%arg12 : memref<!tpu.dma_semaphore, #tpu.memory_space<semaphore_mem>>)
    %dma_start3A_164 = arith.constant 3 : i32
    %dma_start3A_165 = arith.constant 3 : i32
    %dma_start3A_166 = arith.constant 0 : i32
    %dma_start3A_167 = arith.constant 0 : i32
    %dma_start3A_168 = tpu.memref_slice %arg8[%dma_start3A_165, %dma_start3A_166, %dma_start3A_167] : memref<4x64x128xf32, #tpu.memory_space<vmem>> -> memref<1x64x128xf32, #tpu.memory_space<vmem>>
    %dma_start3A_169 = tpu.memref_squeeze %dma_start3A_168 : memref<1x64x128xf32, #tpu.memory_space<vmem>> -> memref<64x128xf32, #tpu.memory_space<vmem>>
    %dma_start3A_170 = arith.constant 0 : i32
    %dma_start3A_171 = tpu.memref_slice %arg6[%dma_start3A_164, %dma_start3A_170] : memref<40x64xi32, #tpu.memory_space<vmem>> -> memref<1x64xi32, #tpu.memory_space<vmem>>
    %dma_start3A_172 = tpu.memref_squeeze %dma_start3A_171 : memref<1x64xi32, #tpu.memory_space<vmem>> -> memref<64xi32, #tpu.memory_space<vmem>>
    %dma_start3A_173 = arith.constant 0 : i32
    %dma_start3A_174 = arith.constant 0 : i32
    %dma_start3A_175 = tpu.memref_slice %arg2[%dma_start3A_173, %dma_start3A_174] : memref<10240x128xf32, #tpu.memory_space<hbm>> -> memref<10240x128xf32, #tpu.memory_space<hbm>>
    tpu.enqueue_indirect_dma source(%dma_start3A_175 : memref<10240x128xf32, #tpu.memory_space<hbm>>) target(%dma_start3A_169 : memref<64x128xf32, #tpu.memory_space<vmem>>) offsets(%dma_start3A_172 : memref<64xi32, #tpu.memory_space<vmem>>) semaphore(%arg13 : memref<!tpu.dma_semaphore, #tpu.memory_space<semaphore_mem>>)
    %scan3A_176 = arith.constant 0 : i32
    %scan3A_177 = arith.constant 10 : i32
    %scan3A_178 = arith.addi %scan3A_176, %scan3A_177 : i32
    %scan3A_179 = arith.constant 1 : i32
    scf.for %scan3A_243 = %scan3A_176 to %scan3A_178 step %scan3A_179  : i32 {
      %mul3A_244 = arith.constant 4 : i32
      %mul3A_245 = arith.muli %scan3A_243, %mul3A_244 : i32
      %add3A_246 = arith.constant 0 : i32
      %add3A_247 = arith.addi %add3A_246, %mul3A_245 : i32
      %add3A_248 = arith.constant 0 : i32
      %add3A_249 = arith.addi %add3A_247, %add3A_248 : i32
      %dma_wait3A = arith.constant 0 : i32
      %dma_wait3A_250 = arith.constant 0 : i32
      %dma_wait3A_251 = arith.constant 0 : i32
      %dma_wait3A_252 = tpu.memref_slice %arg8[%dma_wait3A, %dma_wait3A_250, %dma_wait3A_251] : memref<4x64x128xf32, #tpu.memory_space<vmem>> -> memref<1x64x128xf32, #tpu.memory_space<vmem>>
      %dma_wait3A_253 = tpu.memref_squeeze %dma_wait3A_252 : memref<1x64x128xf32, #tpu.memory_space<vmem>> -> memref<64x128xf32, #tpu.memory_space<vmem>>
      %dma_wait3A_254 = arith.constant 0 : i32
      %dma_wait3A_255 = tpu.memref_slice %arg6[%add3A_249, %dma_wait3A_254] : memref<40x64xi32, #tpu.memory_space<vmem>> -> memref<1x64xi32, #tpu.memory_space<vmem>>
      %dma_wait3A_256 = tpu.memref_squeeze %dma_wait3A_255 : memref<1x64xi32, #tpu.memory_space<vmem>> -> memref<64xi32, #tpu.memory_space<vmem>>
      %dma_wait3A_257 = arith.constant 0 : i32
      %dma_wait3A_258 = arith.constant 0 : i32
      %dma_wait3A_259 = tpu.memref_slice %arg2[%dma_wait3A_257, %dma_wait3A_258] : memref<10240x128xf32, #tpu.memory_space<hbm>> -> memref<10240x128xf32, #tpu.memory_space<hbm>>
      tpu.wait_indirect_dma semaphore(%arg10 : memref<!tpu.dma_semaphore, #tpu.memory_space<semaphore_mem>>) src(%dma_wait3A_259 : memref<10240x128xf32, #tpu.memory_space<hbm>>) dst(%dma_wait3A_253 : memref<64x128xf32, #tpu.memory_space<vmem>>)
      %run_scoped3A = arith.constant 0 : i32
      "tpu.region"() ({
        %run_scoped3A_327 = tpu.sem_alloc : memref<!tpu.dma_semaphore, #tpu.memory_space<semaphore_mem>>
        %dma_start3A_328 = arith.constant 0 : i32
        %dma_start3A_329 = arith.constant 0 : i32
        %dma_start3A_330 = tpu.memref_slice %arg8[%run_scoped3A, %dma_start3A_328, %dma_start3A_329] : memref<4x64x128xf32, #tpu.memory_space<vmem>> -> memref<1x64x128xf32, #tpu.memory_space<vmem>>
        %dma_start3A_331 = tpu.memref_squeeze %dma_start3A_330 : memref<1x64x128xf32, #tpu.memory_space<vmem>> -> memref<64x128xf32, #tpu.memory_space<vmem>>
        %dma_start3A_332 = arith.constant 0 : i32
        %dma_start3A_333 = tpu.memref_slice %arg7[%add3A_249, %dma_start3A_332] : memref<40x64xi32, #tpu.memory_space<vmem>> -> memref<1x64xi32, #tpu.memory_space<vmem>>
        %dma_start3A_334 = tpu.memref_squeeze %dma_start3A_333 : memref<1x64xi32, #tpu.memory_space<vmem>> -> memref<64xi32, #tpu.memory_space<vmem>>
        %dma_start3A_335 = arith.constant 0 : i32
        %dma_start3A_336 = arith.constant 0 : i32
        %dma_start3A_337 = tpu.memref_slice %arg9[%dma_start3A_335, %dma_start3A_336] : memref<10240x128xf32, #tpu.memory_space<vmem_shared>> -> memref<10240x128xf32, #tpu.memory_space<vmem_shared>>
        tpu.enqueue_indirect_dma source(%dma_start3A_331 : memref<64x128xf32, #tpu.memory_space<vmem>>) target(%dma_start3A_337 : memref<10240x128xf32, #tpu.memory_space<vmem_shared>>) offsets(%dma_start3A_334 : memref<64xi32, #tpu.memory_space<vmem>>) semaphore(%run_scoped3A_327 : memref<!tpu.dma_semaphore, #tpu.memory_space<semaphore_mem>>) {add = true}
        %dma_wait3A_338 = arith.constant 0 : i32
        %dma_wait3A_339 = arith.constant 0 : i32
        %dma_wait3A_340 = tpu.memref_slice %arg8[%run_scoped3A, %dma_wait3A_338, %dma_wait3A_339] : memref<4x64x128xf32, #tpu.memory_space<vmem>> -> memref<1x64x128xf32, #tpu.memory_space<vmem>>
        %dma_wait3A_341 = tpu.memref_squeeze %dma_wait3A_340 : memref<1x64x128xf32, #tpu.memory_space<vmem>> -> memref<64x128xf32, #tpu.memory_space<vmem>>
        %dma_wait3A_342 = arith.constant 0 : i32
        %dma_wait3A_343 = tpu.memref_slice %arg7[%add3A_249, %dma_wait3A_342] : memref<40x64xi32, #tpu.memory_space<vmem>> -> memref<1x64xi32, #tpu.memory_space<vmem>>
        %dma_wait3A_344 = tpu.memref_squeeze %dma_wait3A_343 : memref<1x64xi32, #tpu.memory_space<vmem>> -> memref<64xi32, #tpu.memory_space<vmem>>
        %dma_wait3A_345 = arith.constant 0 : i32
        %dma_wait3A_346 = arith.constant 0 : i32
        %dma_wait3A_347 = tpu.memref_slice %arg9[%dma_wait3A_345, %dma_wait3A_346] : memref<10240x128xf32, #tpu.memory_space<vmem_shared>> -> memref<10240x128xf32, #tpu.memory_space<vmem_shared>>
        tpu.wait_indirect_dma semaphore(%run_scoped3A_327 : memref<!tpu.dma_semaphore, #tpu.memory_space<semaphore_mem>>) src(%dma_wait3A_341 : memref<64x128xf32, #tpu.memory_space<vmem>>) dst(%dma_wait3A_347 : memref<10240x128xf32, #tpu.memory_space<vmem_shared>>)
        tpu.yield
      }) : () -> ()
      %add3A_260 = arith.constant 4 : i32
      %add3A_261 = arith.addi %add3A_249, %add3A_260 : i32
      %lt3A = arith.constant 40 : i32
      %lt3A_262 = arith.cmpi slt, %add3A_261, %lt3A : i32
      %convert_element_type3A = arith.extui %lt3A_262 : i1 to i32
      %cond3A = arith.constant 0 : i32
      %cond3A_263 = arith.cmpi ne, %convert_element_type3A, %cond3A : i32
      scf.if %cond3A_263 {
        %add3A_327 = arith.constant 4 : i32
        %add3A_328 = arith.addi %add3A_249, %add3A_327 : i32
        %dma_start3A_329 = arith.constant 0 : i32
        %dma_start3A_330 = arith.constant 0 : i32
        %dma_start3A_331 = arith.constant 0 : i32
        %dma_start3A_332 = tpu.memref_slice %arg8[%dma_start3A_329, %dma_start3A_330, %dma_start3A_331] : memref<4x64x128xf32, #tpu.memory_space<vmem>> -> memref<1x64x128xf32, #tpu.memory_space<vmem>>
        %dma_start3A_333 = tpu.memref_squeeze %dma_start3A_332 : memref<1x64x128xf32, #tpu.memory_space<vmem>> -> memref<64x128xf32, #tpu.memory_space<vmem>>
        %dma_start3A_334 = arith.constant 0 : i32
        %dma_start3A_335 = tpu.memref_slice %arg6[%add3A_328, %dma_start3A_334] : memref<40x64xi32, #tpu.memory_space<vmem>> -> memref<1x64xi32, #tpu.memory_space<vmem>>
        %dma_start3A_336 = tpu.memref_squeeze %dma_start3A_335 : memref<1x64xi32, #tpu.memory_space<vmem>> -> memref<64xi32, #tpu.memory_space<vmem>>
        %dma_start3A_337 = arith.constant 0 : i32
        %dma_start3A_338 = arith.constant 0 : i32
        %dma_start3A_339 = tpu.memref_slice %arg2[%dma_start3A_337, %dma_start3A_338] : memref<10240x128xf32, #tpu.memory_space<hbm>> -> memref<10240x128xf32, #tpu.memory_space<hbm>>
        tpu.enqueue_indirect_dma source(%dma_start3A_339 : memref<10240x128xf32, #tpu.memory_space<hbm>>) target(%dma_start3A_333 : memref<64x128xf32, #tpu.memory_space<vmem>>) offsets(%dma_start3A_336 : memref<64xi32, #tpu.memory_space<vmem>>) semaphore(%arg10 : memref<!tpu.dma_semaphore, #tpu.memory_space<semaphore_mem>>)
      } else {
      }
      %add3A_264 = arith.constant 1 : i32
      %add3A_265 = arith.addi %add3A_247, %add3A_264 : i32
      %dma_wait3A_266 = arith.constant 1 : i32
      %dma_wait3A_267 = arith.constant 0 : i32
      %dma_wait3A_268 = arith.constant 0 : i32
      %dma_wait3A_269 = tpu.memref_slice %arg8[%dma_wait3A_266, %dma_wait3A_267, %dma_wait3A_268] : memref<4x64x128xf32, #tpu.memory_space<vmem>> -> memref<1x64x128xf32, #tpu.memory_space<vmem>>
      %dma_wait3A_270 = tpu.memref_squeeze %dma_wait3A_269 : memref<1x64x128xf32, #tpu.memory_space<vmem>> -> memref<64x128xf32, #tpu.memory_space<vmem>>
      %dma_wait3A_271 = arith.constant 0 : i32
      %dma_wait3A_272 = tpu.memref_slice %arg6[%add3A_265, %dma_wait3A_271] : memref<40x64xi32, #tpu.memory_space<vmem>> -> memref<1x64xi32, #tpu.memory_space<vmem>>
      %dma_wait3A_273 = tpu.memref_squeeze %dma_wait3A_272 : memref<1x64xi32, #tpu.memory_space<vmem>> -> memref<64xi32, #tpu.memory_space<vmem>>
      %dma_wait3A_274 = arith.constant 0 : i32
      %dma_wait3A_275 = arith.constant 0 : i32
      %dma_wait3A_276 = tpu.memref_slice %arg2[%dma_wait3A_274, %dma_wait3A_275] : memref<10240x128xf32, #tpu.memory_space<hbm>> -> memref<10240x128xf32, #tpu.memory_space<hbm>>
      tpu.wait_indirect_dma semaphore(%arg11 : memref<!tpu.dma_semaphore, #tpu.memory_space<semaphore_mem>>) src(%dma_wait3A_276 : memref<10240x128xf32, #tpu.memory_space<hbm>>) dst(%dma_wait3A_270 : memref<64x128xf32, #tpu.memory_space<vmem>>)
      %run_scoped3A_277 = arith.constant 1 : i32
      "tpu.region"() ({
        %run_scoped3A_327 = tpu.sem_alloc : memref<!tpu.dma_semaphore, #tpu.memory_space<semaphore_mem>>
        %dma_start3A_328 = arith.constant 0 : i32
        %dma_start3A_329 = arith.constant 0 : i32
        %dma_start3A_330 = tpu.memref_slice %arg8[%run_scoped3A_277, %dma_start3A_328, %dma_start3A_329] : memref<4x64x128xf32, #tpu.memory_space<vmem>> -> memref<1x64x128xf32, #tpu.memory_space<vmem>>
        %dma_start3A_331 = tpu.memref_squeeze %dma_start3A_330 : memref<1x64x128xf32, #tpu.memory_space<vmem>> -> memref<64x128xf32, #tpu.memory_space<vmem>>
        %dma_start3A_332 = arith.constant 0 : i32
        %dma_start3A_333 = tpu.memref_slice %arg7[%add3A_265, %dma_start3A_332] : memref<40x64xi32, #tpu.memory_space<vmem>> -> memref<1x64xi32, #tpu.memory_space<vmem>>
        %dma_start3A_334 = tpu.memref_squeeze %dma_start3A_333 : memref<1x64xi32, #tpu.memory_space<vmem>> -> memref<64xi32, #tpu.memory_space<vmem>>
        %dma_start3A_335 = arith.constant 0 : i32
        %dma_start3A_336 = arith.constant 0 : i32
        %dma_start3A_337 = tpu.memref_slice %arg9[%dma_start3A_335, %dma_start3A_336] : memref<10240x128xf32, #tpu.memory_space<vmem_shared>> -> memref<10240x128xf32, #tpu.memory_space<vmem_shared>>
        tpu.enqueue_indirect_dma source(%dma_start3A_331 : memref<64x128xf32, #tpu.memory_space<vmem>>) target(%dma_start3A_337 : memref<10240x128xf32, #tpu.memory_space<vmem_shared>>) offsets(%dma_start3A_334 : memref<64xi32, #tpu.memory_space<vmem>>) semaphore(%run_scoped3A_327 : memref<!tpu.dma_semaphore, #tpu.memory_space<semaphore_mem>>) {add = true}
        %dma_wait3A_338 = arith.constant 0 : i32
        %dma_wait3A_339 = arith.constant 0 : i32
        %dma_wait3A_340 = tpu.memref_slice %arg8[%run_scoped3A_277, %dma_wait3A_338, %dma_wait3A_339] : memref<4x64x128xf32, #tpu.memory_space<vmem>> -> memref<1x64x128xf32, #tpu.memory_space<vmem>>
        %dma_wait3A_341 = tpu.memref_squeeze %dma_wait3A_340 : memref<1x64x128xf32, #tpu.memory_space<vmem>> -> memref<64x128xf32, #tpu.memory_space<vmem>>
        %dma_wait3A_342 = arith.constant 0 : i32
        %dma_wait3A_343 = tpu.memref_slice %arg7[%add3A_265, %dma_wait3A_342] : memref<40x64xi32, #tpu.memory_space<vmem>> -> memref<1x64xi32, #tpu.memory_space<vmem>>
        %dma_wait3A_344 = tpu.memref_squeeze %dma_wait3A_343 : memref<1x64xi32, #tpu.memory_space<vmem>> -> memref<64xi32, #tpu.memory_space<vmem>>
        %dma_wait3A_345 = arith.constant 0 : i32
        %dma_wait3A_346 = arith.constant 0 : i32
        %dma_wait3A_347 = tpu.memref_slice %arg9[%dma_wait3A_345, %dma_wait3A_346] : memref<10240x128xf32, #tpu.memory_space<vmem_shared>> -> memref<10240x128xf32, #tpu.memory_space<vmem_shared>>
        tpu.wait_indirect_dma semaphore(%run_scoped3A_327 : memref<!tpu.dma_semaphore, #tpu.memory_space<semaphore_mem>>) src(%dma_wait3A_341 : memref<64x128xf32, #tpu.memory_space<vmem>>) dst(%dma_wait3A_347 : memref<10240x128xf32, #tpu.memory_space<vmem_shared>>)
        tpu.yield
      }) : () -> ()
      %add3A_278 = arith.constant 4 : i32
      %add3A_279 = arith.addi %add3A_265, %add3A_278 : i32
      %lt3A_280 = arith.constant 40 : i32
      %lt3A_281 = arith.cmpi slt, %add3A_279, %lt3A_280 : i32
      %convert_element_type3A_282 = arith.extui %lt3A_281 : i1 to i32
      %cond3A_283 = arith.constant 0 : i32
      %cond3A_284 = arith.cmpi ne, %convert_element_type3A_282, %cond3A_283 : i32
      scf.if %cond3A_284 {
        %add3A_327 = arith.constant 4 : i32
        %add3A_328 = arith.addi %add3A_265, %add3A_327 : i32
        %dma_start3A_329 = arith.constant 1 : i32
        %dma_start3A_330 = arith.constant 0 : i32
        %dma_start3A_331 = arith.constant 0 : i32
        %dma_start3A_332 = tpu.memref_slice %arg8[%dma_start3A_329, %dma_start3A_330, %dma_start3A_331] : memref<4x64x128xf32, #tpu.memory_space<vmem>> -> memref<1x64x128xf32, #tpu.memory_space<vmem>>
        %dma_start3A_333 = tpu.memref_squeeze %dma_start3A_332 : memref<1x64x128xf32, #tpu.memory_space<vmem>> -> memref<64x128xf32, #tpu.memory_space<vmem>>
        %dma_start3A_334 = arith.constant 0 : i32
        %dma_start3A_335 = tpu.memref_slice %arg6[%add3A_328, %dma_start3A_334] : memref<40x64xi32, #tpu.memory_space<vmem>> -> memref<1x64xi32, #tpu.memory_space<vmem>>
        %dma_start3A_336 = tpu.memref_squeeze %dma_start3A_335 : memref<1x64xi32, #tpu.memory_space<vmem>> -> memref<64xi32, #tpu.memory_space<vmem>>
        %dma_start3A_337 = arith.constant 0 : i32
        %dma_start3A_338 = arith.constant 0 : i32
        %dma_start3A_339 = tpu.memref_slice %arg2[%dma_start3A_337, %dma_start3A_338] : memref<10240x128xf32, #tpu.memory_space<hbm>> -> memref<10240x128xf32, #tpu.memory_space<hbm>>
        tpu.enqueue_indirect_dma source(%dma_start3A_339 : memref<10240x128xf32, #tpu.memory_space<hbm>>) target(%dma_start3A_333 : memref<64x128xf32, #tpu.memory_space<vmem>>) offsets(%dma_start3A_336 : memref<64xi32, #tpu.memory_space<vmem>>) semaphore(%arg11 : memref<!tpu.dma_semaphore, #tpu.memory_space<semaphore_mem>>)
      } else {
      }
      %add3A_285 = arith.constant 2 : i32
      %add3A_286 = arith.addi %add3A_247, %add3A_285 : i32
      %dma_wait3A_287 = arith.constant 2 : i32
      %dma_wait3A_288 = arith.constant 0 : i32
      %dma_wait3A_289 = arith.constant 0 : i32
      %dma_wait3A_290 = tpu.memref_slice %arg8[%dma_wait3A_287, %dma_wait3A_288, %dma_wait3A_289] : memref<4x64x128xf32, #tpu.memory_space<vmem>> -> memref<1x64x128xf32, #tpu.memory_space<vmem>>
      %dma_wait3A_291 = tpu.memref_squeeze %dma_wait3A_290 : memref<1x64x128xf32, #tpu.memory_space<vmem>> -> memref<64x128xf32, #tpu.memory_space<vmem>>
      %dma_wait3A_292 = arith.constant 0 : i32
      %dma_wait3A_293 = tpu.memref_slice %arg6[%add3A_286, %dma_wait3A_292] : memref<40x64xi32, #tpu.memory_space<vmem>> -> memref<1x64xi32, #tpu.memory_space<vmem>>
      %dma_wait3A_294 = tpu.memref_squeeze %dma_wait3A_293 : memref<1x64xi32, #tpu.memory_space<vmem>> -> memref<64xi32, #tpu.memory_space<vmem>>
      %dma_wait3A_295 = arith.constant 0 : i32
      %dma_wait3A_296 = arith.constant 0 : i32
      %dma_wait3A_297 = tpu.memref_slice %arg2[%dma_wait3A_295, %dma_wait3A_296] : memref<10240x128xf32, #tpu.memory_space<hbm>> -> memref<10240x128xf32, #tpu.memory_space<hbm>>
      tpu.wait_indirect_dma semaphore(%arg12 : memref<!tpu.dma_semaphore, #tpu.memory_space<semaphore_mem>>) src(%dma_wait3A_297 : memref<10240x128xf32, #tpu.memory_space<hbm>>) dst(%dma_wait3A_291 : memref<64x128xf32, #tpu.memory_space<vmem>>)
      %run_scoped3A_298 = arith.constant 2 : i32
      "tpu.region"() ({
        %run_scoped3A_327 = tpu.sem_alloc : memref<!tpu.dma_semaphore, #tpu.memory_space<semaphore_mem>>
        %dma_start3A_328 = arith.constant 0 : i32
        %dma_start3A_329 = arith.constant 0 : i32
        %dma_start3A_330 = tpu.memref_slice %arg8[%run_scoped3A_298, %dma_start3A_328, %dma_start3A_329] : memref<4x64x128xf32, #tpu.memory_space<vmem>> -> memref<1x64x128xf32, #tpu.memory_space<vmem>>
        %dma_start3A_331 = tpu.memref_squeeze %dma_start3A_330 : memref<1x64x128xf32, #tpu.memory_space<vmem>> -> memref<64x128xf32, #tpu.memory_space<vmem>>
        %dma_start3A_332 = arith.constant 0 : i32
        %dma_start3A_333 = tpu.memref_slice %arg7[%add3A_286, %dma_start3A_332] : memref<40x64xi32, #tpu.memory_space<vmem>> -> memref<1x64xi32, #tpu.memory_space<vmem>>
        %dma_start3A_334 = tpu.memref_squeeze %dma_start3A_333 : memref<1x64xi32, #tpu.memory_space<vmem>> -> memref<64xi32, #tpu.memory_space<vmem>>
        %dma_start3A_335 = arith.constant 0 : i32
        %dma_start3A_336 = arith.constant 0 : i32
        %dma_start3A_337 = tpu.memref_slice %arg9[%dma_start3A_335, %dma_start3A_336] : memref<10240x128xf32, #tpu.memory_space<vmem_shared>> -> memref<10240x128xf32, #tpu.memory_space<vmem_shared>>
        tpu.enqueue_indirect_dma source(%dma_start3A_331 : memref<64x128xf32, #tpu.memory_space<vmem>>) target(%dma_start3A_337 : memref<10240x128xf32, #tpu.memory_space<vmem_shared>>) offsets(%dma_start3A_334 : memref<64xi32, #tpu.memory_space<vmem>>) semaphore(%run_scoped3A_327 : memref<!tpu.dma_semaphore, #tpu.memory_space<semaphore_mem>>) {add = true}
        %dma_wait3A_338 = arith.constant 0 : i32
        %dma_wait3A_339 = arith.constant 0 : i32
        %dma_wait3A_340 = tpu.memref_slice %arg8[%run_scoped3A_298, %dma_wait3A_338, %dma_wait3A_339] : memref<4x64x128xf32, #tpu.memory_space<vmem>> -> memref<1x64x128xf32, #tpu.memory_space<vmem>>
        %dma_wait3A_341 = tpu.memref_squeeze %dma_wait3A_340 : memref<1x64x128xf32, #tpu.memory_space<vmem>> -> memref<64x128xf32, #tpu.memory_space<vmem>>
        %dma_wait3A_342 = arith.constant 0 : i32
        %dma_wait3A_343 = tpu.memref_slice %arg7[%add3A_286, %dma_wait3A_342] : memref<40x64xi32, #tpu.memory_space<vmem>> -> memref<1x64xi32, #tpu.memory_space<vmem>>
        %dma_wait3A_344 = tpu.memref_squeeze %dma_wait3A_343 : memref<1x64xi32, #tpu.memory_space<vmem>> -> memref<64xi32, #tpu.memory_space<vmem>>
        %dma_wait3A_345 = arith.constant 0 : i32
        %dma_wait3A_346 = arith.constant 0 : i32
        %dma_wait3A_347 = tpu.memref_slice %arg9[%dma_wait3A_345, %dma_wait3A_346] : memref<10240x128xf32, #tpu.memory_space<vmem_shared>> -> memref<10240x128xf32, #tpu.memory_space<vmem_shared>>
        tpu.wait_indirect_dma semaphore(%run_scoped3A_327 : memref<!tpu.dma_semaphore, #tpu.memory_space<semaphore_mem>>) src(%dma_wait3A_341 : memref<64x128xf32, #tpu.memory_space<vmem>>) dst(%dma_wait3A_347 : memref<10240x128xf32, #tpu.memory_space<vmem_shared>>)
        tpu.yield
      }) : () -> ()
      %add3A_299 = arith.constant 4 : i32
      %add3A_300 = arith.addi %add3A_286, %add3A_299 : i32
      %lt3A_301 = arith.constant 40 : i32
      %lt3A_302 = arith.cmpi slt, %add3A_300, %lt3A_301 : i32
      %convert_element_type3A_303 = arith.extui %lt3A_302 : i1 to i32
      %cond3A_304 = arith.constant 0 : i32
      %cond3A_305 = arith.cmpi ne, %convert_element_type3A_303, %cond3A_304 : i32
      scf.if %cond3A_305 {
        %add3A_327 = arith.constant 4 : i32
        %add3A_328 = arith.addi %add3A_286, %add3A_327 : i32
        %dma_start3A_329 = arith.constant 2 : i32
        %dma_start3A_330 = arith.constant 0 : i32
        %dma_start3A_331 = arith.constant 0 : i32
        %dma_start3A_332 = tpu.memref_slice %arg8[%dma_start3A_329, %dma_start3A_330, %dma_start3A_331] : memref<4x64x128xf32, #tpu.memory_space<vmem>> -> memref<1x64x128xf32, #tpu.memory_space<vmem>>
        %dma_start3A_333 = tpu.memref_squeeze %dma_start3A_332 : memref<1x64x128xf32, #tpu.memory_space<vmem>> -> memref<64x128xf32, #tpu.memory_space<vmem>>
        %dma_start3A_334 = arith.constant 0 : i32
        %dma_start3A_335 = tpu.memref_slice %arg6[%add3A_328, %dma_start3A_334] : memref<40x64xi32, #tpu.memory_space<vmem>> -> memref<1x64xi32, #tpu.memory_space<vmem>>
        %dma_start3A_336 = tpu.memref_squeeze %dma_start3A_335 : memref<1x64xi32, #tpu.memory_space<vmem>> -> memref<64xi32, #tpu.memory_space<vmem>>
        %dma_start3A_337 = arith.constant 0 : i32
        %dma_start3A_338 = arith.constant 0 : i32
        %dma_start3A_339 = tpu.memref_slice %arg2[%dma_start3A_337, %dma_start3A_338] : memref<10240x128xf32, #tpu.memory_space<hbm>> -> memref<10240x128xf32, #tpu.memory_space<hbm>>
        tpu.enqueue_indirect_dma source(%dma_start3A_339 : memref<10240x128xf32, #tpu.memory_space<hbm>>) target(%dma_start3A_333 : memref<64x128xf32, #tpu.memory_space<vmem>>) offsets(%dma_start3A_336 : memref<64xi32, #tpu.memory_space<vmem>>) semaphore(%arg12 : memref<!tpu.dma_semaphore, #tpu.memory_space<semaphore_mem>>)
      } else {
      }
      %add3A_306 = arith.constant 3 : i32
      %add3A_307 = arith.addi %add3A_247, %add3A_306 : i32
      %dma_wait3A_308 = arith.constant 3 : i32
      %dma_wait3A_309 = arith.constant 0 : i32
      %dma_wait3A_310 = arith.constant 0 : i32
      %dma_wait3A_311 = tpu.memref_slice %arg8[%dma_wait3A_308, %dma_wait3A_309, %dma_wait3A_310] : memref<4x64x128xf32, #tpu.memory_space<vmem>> -> memref<1x64x128xf32, #tpu.memory_space<vmem>>
      %dma_wait3A_312 = tpu.memref_squeeze %dma_wait3A_311 : memref<1x64x128xf32, #tpu.memory_space<vmem>> -> memref<64x128xf32, #tpu.memory_space<vmem>>
      %dma_wait3A_313 = arith.constant 0 : i32
      %dma_wait3A_314 = tpu.memref_slice %arg6[%add3A_307, %dma_wait3A_313] : memref<40x64xi32, #tpu.memory_space<vmem>> -> memref<1x64xi32, #tpu.memory_space<vmem>>
      %dma_wait3A_315 = tpu.memref_squeeze %dma_wait3A_314 : memref<1x64xi32, #tpu.memory_space<vmem>> -> memref<64xi32, #tpu.memory_space<vmem>>
      %dma_wait3A_316 = arith.constant 0 : i32
      %dma_wait3A_317 = arith.constant 0 : i32
      %dma_wait3A_318 = tpu.memref_slice %arg2[%dma_wait3A_316, %dma_wait3A_317] : memref<10240x128xf32, #tpu.memory_space<hbm>> -> memref<10240x128xf32, #tpu.memory_space<hbm>>
      tpu.wait_indirect_dma semaphore(%arg13 : memref<!tpu.dma_semaphore, #tpu.memory_space<semaphore_mem>>) src(%dma_wait3A_318 : memref<10240x128xf32, #tpu.memory_space<hbm>>) dst(%dma_wait3A_312 : memref<64x128xf32, #tpu.memory_space<vmem>>)
      %run_scoped3A_319 = arith.constant 3 : i32
      "tpu.region"() ({
        %run_scoped3A_327 = tpu.sem_alloc : memref<!tpu.dma_semaphore, #tpu.memory_space<semaphore_mem>>
        %dma_start3A_328 = arith.constant 0 : i32
        %dma_start3A_329 = arith.constant 0 : i32
        %dma_start3A_330 = tpu.memref_slice %arg8[%run_scoped3A_319, %dma_start3A_328, %dma_start3A_329] : memref<4x64x128xf32, #tpu.memory_space<vmem>> -> memref<1x64x128xf32, #tpu.memory_space<vmem>>
        %dma_start3A_331 = tpu.memref_squeeze %dma_start3A_330 : memref<1x64x128xf32, #tpu.memory_space<vmem>> -> memref<64x128xf32, #tpu.memory_space<vmem>>
        %dma_start3A_332 = arith.constant 0 : i32
        %dma_start3A_333 = tpu.memref_slice %arg7[%add3A_307, %dma_start3A_332] : memref<40x64xi32, #tpu.memory_space<vmem>> -> memref<1x64xi32, #tpu.memory_space<vmem>>
        %dma_start3A_334 = tpu.memref_squeeze %dma_start3A_333 : memref<1x64xi32, #tpu.memory_space<vmem>> -> memref<64xi32, #tpu.memory_space<vmem>>
        %dma_start3A_335 = arith.constant 0 : i32
        %dma_start3A_336 = arith.constant 0 : i32
        %dma_start3A_337 = tpu.memref_slice %arg9[%dma_start3A_335, %dma_start3A_336] : memref<10240x128xf32, #tpu.memory_space<vmem_shared>> -> memref<10240x128xf32, #tpu.memory_space<vmem_shared>>
        tpu.enqueue_indirect_dma source(%dma_start3A_331 : memref<64x128xf32, #tpu.memory_space<vmem>>) target(%dma_start3A_337 : memref<10240x128xf32, #tpu.memory_space<vmem_shared>>) offsets(%dma_start3A_334 : memref<64xi32, #tpu.memory_space<vmem>>) semaphore(%run_scoped3A_327 : memref<!tpu.dma_semaphore, #tpu.memory_space<semaphore_mem>>) {add = true}
        %dma_wait3A_338 = arith.constant 0 : i32
        %dma_wait3A_339 = arith.constant 0 : i32
        %dma_wait3A_340 = tpu.memref_slice %arg8[%run_scoped3A_319, %dma_wait3A_338, %dma_wait3A_339] : memref<4x64x128xf32, #tpu.memory_space<vmem>> -> memref<1x64x128xf32, #tpu.memory_space<vmem>>
        %dma_wait3A_341 = tpu.memref_squeeze %dma_wait3A_340 : memref<1x64x128xf32, #tpu.memory_space<vmem>> -> memref<64x128xf32, #tpu.memory_space<vmem>>
        %dma_wait3A_342 = arith.constant 0 : i32
        %dma_wait3A_343 = tpu.memref_slice %arg7[%add3A_307, %dma_wait3A_342] : memref<40x64xi32, #tpu.memory_space<vmem>> -> memref<1x64xi32, #tpu.memory_space<vmem>>
        %dma_wait3A_344 = tpu.memref_squeeze %dma_wait3A_343 : memref<1x64xi32, #tpu.memory_space<vmem>> -> memref<64xi32, #tpu.memory_space<vmem>>
        %dma_wait3A_345 = arith.constant 0 : i32
        %dma_wait3A_346 = arith.constant 0 : i32
        %dma_wait3A_347 = tpu.memref_slice %arg9[%dma_wait3A_345, %dma_wait3A_346] : memref<10240x128xf32, #tpu.memory_space<vmem_shared>> -> memref<10240x128xf32, #tpu.memory_space<vmem_shared>>
        tpu.wait_indirect_dma semaphore(%run_scoped3A_327 : memref<!tpu.dma_semaphore, #tpu.memory_space<semaphore_mem>>) src(%dma_wait3A_341 : memref<64x128xf32, #tpu.memory_space<vmem>>) dst(%dma_wait3A_347 : memref<10240x128xf32, #tpu.memory_space<vmem_shared>>)
        tpu.yield
      }) : () -> ()
      %add3A_320 = arith.constant 4 : i32
      %add3A_321 = arith.addi %add3A_307, %add3A_320 : i32
      %lt3A_322 = arith.constant 40 : i32
      %lt3A_323 = arith.cmpi slt, %add3A_321, %lt3A_322 : i32
      %convert_element_type3A_324 = arith.extui %lt3A_323 : i1 to i32
      %cond3A_325 = arith.constant 0 : i32
      %cond3A_326 = arith.cmpi ne, %convert_element_type3A_324, %cond3A_325 : i32
      scf.if %cond3A_326 {
        %add3A_327 = arith.constant 4 : i32
        %add3A_328 = arith.addi %add3A_307, %add3A_327 : i32
        %dma_start3A_329 = arith.constant 3 : i32
        %dma_start3A_330 = arith.constant 0 : i32
        %dma_start3A_331 = arith.constant 0 : i32
        %dma_start3A_332 = tpu.memref_slice %arg8[%dma_start3A_329, %dma_start3A_330, %dma_start3A_331] : memref<4x64x128xf32, #tpu.memory_space<vmem>> -> memref<1x64x128xf32, #tpu.memory_space<vmem>>
        %dma_start3A_333 = tpu.memref_squeeze %dma_start3A_332 : memref<1x64x128xf32, #tpu.memory_space<vmem>> -> memref<64x128xf32, #tpu.memory_space<vmem>>
        %dma_start3A_334 = arith.constant 0 : i32
        %dma_start3A_335 = tpu.memref_slice %arg6[%add3A_328, %dma_start3A_334] : memref<40x64xi32, #tpu.memory_space<vmem>> -> memref<1x64xi32, #tpu.memory_space<vmem>>
        %dma_start3A_336 = tpu.memref_squeeze %dma_start3A_335 : memref<1x64xi32, #tpu.memory_space<vmem>> -> memref<64xi32, #tpu.memory_space<vmem>>
        %dma_start3A_337 = arith.constant 0 : i32
        %dma_start3A_338 = arith.constant 0 : i32
        %dma_start3A_339 = tpu.memref_slice %arg2[%dma_start3A_337, %dma_start3A_338] : memref<10240x128xf32, #tpu.memory_space<hbm>> -> memref<10240x128xf32, #tpu.memory_space<hbm>>
        tpu.enqueue_indirect_dma source(%dma_start3A_339 : memref<10240x128xf32, #tpu.memory_space<hbm>>) target(%dma_start3A_333 : memref<64x128xf32, #tpu.memory_space<vmem>>) offsets(%dma_start3A_336 : memref<64xi32, #tpu.memory_space<vmem>>) semaphore(%arg13 : memref<!tpu.dma_semaphore, #tpu.memory_space<semaphore_mem>>)
      } else {
      }
    }
    %scan3A_180 = arith.constant 10 : i32
    %mul3A_181 = arith.constant 160 : i32
    %mul3A_182 = arith.muli %add3A, %mul3A_181 : i32
    %add3A_183 = arith.constant 120 : i32
    %add3A_184 = arith.addi %mul3A_182, %add3A_183 : i32
    "tpu.region"() ({
      %run_scoped3A = tpu.sem_alloc : memref<!tpu.dma_semaphore, #tpu.memory_space<semaphore_mem>>
      %dma_start3A_243 = arith.constant 0 : i32
      %dma_start3A_244 = tpu.memref_slice %arg3[%add3A_184, %dma_start3A_243] : memref<5120x64xi32, #tpu.memory_space<hbm>> -> memref<40x64xi32, #tpu.memory_space<hbm>>
      %dma_start3A_245 = arith.constant 0 : i32
      %dma_start3A_246 = tpu.memref_slice %arg3[%add3A_184, %dma_start3A_245] : memref<5120x64xi32, #tpu.memory_space<hbm>> -> memref<40x64xi32, #tpu.memory_space<hbm>>
      tpu.enqueue_dma source(%dma_start3A_246 : memref<40x64xi32, #tpu.memory_space<hbm>>) target(%arg6 : memref<40x64xi32, #tpu.memory_space<vmem>>) target_semaphore(%run_scoped3A : memref<!tpu.dma_semaphore, #tpu.memory_space<semaphore_mem>>)
      %dma_wait3A = arith.constant 0 : i32
      %dma_wait3A_247 = tpu.memref_slice %arg3[%add3A_184, %dma_wait3A] : memref<5120x64xi32, #tpu.memory_space<hbm>> -> memref<40x64xi32, #tpu.memory_space<hbm>>
      %dma_wait3A_248 = arith.constant 0 : i32
      %dma_wait3A_249 = tpu.memref_slice %arg3[%add3A_184, %dma_wait3A_248] : memref<5120x64xi32, #tpu.memory_space<hbm>> -> memref<40x64xi32, #tpu.memory_space<hbm>>
      tpu.wait_dma2 semaphore(%run_scoped3A : memref<!tpu.dma_semaphore, #tpu.memory_space<semaphore_mem>>) src(%dma_wait3A_249 : memref<40x64xi32, #tpu.memory_space<hbm>>) dst(%arg6 : memref<40x64xi32, #tpu.memory_space<vmem>>)
      tpu.yield
    }) : () -> ()
    "tpu.region"() ({
      %run_scoped3A = tpu.sem_alloc : memref<!tpu.dma_semaphore, #tpu.memory_space<semaphore_mem>>
      %dma_start3A_243 = arith.constant 0 : i32
      %dma_start3A_244 = tpu.memref_slice %arg4[%add3A_184, %dma_start3A_243] : memref<5120x64xi32, #tpu.memory_space<hbm>> -> memref<40x64xi32, #tpu.memory_space<hbm>>
      %dma_start3A_245 = arith.constant 0 : i32
      %dma_start3A_246 = tpu.memref_slice %arg4[%add3A_184, %dma_start3A_245] : memref<5120x64xi32, #tpu.memory_space<hbm>> -> memref<40x64xi32, #tpu.memory_space<hbm>>
      tpu.enqueue_dma source(%dma_start3A_246 : memref<40x64xi32, #tpu.memory_space<hbm>>) target(%arg7 : memref<40x64xi32, #tpu.memory_space<vmem>>) target_semaphore(%run_scoped3A : memref<!tpu.dma_semaphore, #tpu.memory_space<semaphore_mem>>)
      %dma_wait3A = arith.constant 0 : i32
      %dma_wait3A_247 = tpu.memref_slice %arg4[%add3A_184, %dma_wait3A] : memref<5120x64xi32, #tpu.memory_space<hbm>> -> memref<40x64xi32, #tpu.memory_space<hbm>>
      %dma_wait3A_248 = arith.constant 0 : i32
      %dma_wait3A_249 = tpu.memref_slice %arg4[%add3A_184, %dma_wait3A_248] : memref<5120x64xi32, #tpu.memory_space<hbm>> -> memref<40x64xi32, #tpu.memory_space<hbm>>
      tpu.wait_dma2 semaphore(%run_scoped3A : memref<!tpu.dma_semaphore, #tpu.memory_space<semaphore_mem>>) src(%dma_wait3A_249 : memref<40x64xi32, #tpu.memory_space<hbm>>) dst(%arg7 : memref<40x64xi32, #tpu.memory_space<vmem>>)
      tpu.yield
    }) : () -> ()
    %dma_start3A_185 = arith.constant 0 : i32
    %dma_start3A_186 = arith.constant 0 : i32
    %dma_start3A_187 = arith.constant 0 : i32
    %dma_start3A_188 = arith.constant 0 : i32
    %dma_start3A_189 = tpu.memref_slice %arg8[%dma_start3A_186, %dma_start3A_187, %dma_start3A_188] : memref<4x64x128xf32, #tpu.memory_space<vmem>> -> memref<1x64x128xf32, #tpu.memory_space<vmem>>
    %dma_start3A_190 = tpu.memref_squeeze %dma_start3A_189 : memref<1x64x128xf32, #tpu.memory_space<vmem>> -> memref<64x128xf32, #tpu.memory_space<vmem>>
    %dma_start3A_191 = arith.constant 0 : i32
    %dma_start3A_192 = tpu.memref_slice %arg6[%dma_start3A_185, %dma_start3A_191] : memref<40x64xi32, #tpu.memory_space<vmem>> -> memref<1x64xi32, #tpu.memory_space<vmem>>
    %dma_start3A_193 = tpu.memref_squeeze %dma_start3A_192 : memref<1x64xi32, #tpu.memory_space<vmem>> -> memref<64xi32, #tpu.memory_space<vmem>>
    %dma_start3A_194 = arith.constant 0 : i32
    %dma_start3A_195 = arith.constant 0 : i32
    %dma_start3A_196 = tpu.memref_slice %arg2[%dma_start3A_194, %dma_start3A_195] : memref<10240x128xf32, #tpu.memory_space<hbm>> -> memref<10240x128xf32, #tpu.memory_space<hbm>>
    tpu.enqueue_indirect_dma source(%dma_start3A_196 : memref<10240x128xf32, #tpu.memory_space<hbm>>) target(%dma_start3A_190 : memref<64x128xf32, #tpu.memory_space<vmem>>) offsets(%dma_start3A_193 : memref<64xi32, #tpu.memory_space<vmem>>) semaphore(%arg10 : memref<!tpu.dma_semaphore, #tpu.memory_space<semaphore_mem>>)
    %dma_start3A_197 = arith.constant 1 : i32
    %dma_start3A_198 = arith.constant 1 : i32
    %dma_start3A_199 = arith.constant 0 : i32
    %dma_start3A_200 = arith.constant 0 : i32
    %dma_start3A_201 = tpu.memref_slice %arg8[%dma_start3A_198, %dma_start3A_199, %dma_start3A_200] : memref<4x64x128xf32, #tpu.memory_space<vmem>> -> memref<1x64x128xf32, #tpu.memory_space<vmem>>
    %dma_start3A_202 = tpu.memref_squeeze %dma_start3A_201 : memref<1x64x128xf32, #tpu.memory_space<vmem>> -> memref<64x128xf32, #tpu.memory_space<vmem>>
    %dma_start3A_203 = arith.constant 0 : i32
    %dma_start3A_204 = tpu.memref_slice %arg6[%dma_start3A_197, %dma_start3A_203] : memref<40x64xi32, #tpu.memory_space<vmem>> -> memref<1x64xi32, #tpu.memory_space<vmem>>
    %dma_start3A_205 = tpu.memref_squeeze %dma_start3A_204 : memref<1x64xi32, #tpu.memory_space<vmem>> -> memref<64xi32, #tpu.memory_space<vmem>>
    %dma_start3A_206 = arith.constant 0 : i32
    %dma_start3A_207 = arith.constant 0 : i32
    %dma_start3A_208 = tpu.memref_slice %arg2[%dma_start3A_206, %dma_start3A_207] : memref<10240x128xf32, #tpu.memory_space<hbm>> -> memref<10240x128xf32, #tpu.memory_space<hbm>>
    tpu.enqueue_indirect_dma source(%dma_start3A_208 : memref<10240x128xf32, #tpu.memory_space<hbm>>) target(%dma_start3A_202 : memref<64x128xf32, #tpu.memory_space<vmem>>) offsets(%dma_start3A_205 : memref<64xi32, #tpu.memory_space<vmem>>) semaphore(%arg11 : memref<!tpu.dma_semaphore, #tpu.memory_space<semaphore_mem>>)
    %dma_start3A_209 = arith.constant 2 : i32
    %dma_start3A_210 = arith.constant 2 : i32
    %dma_start3A_211 = arith.constant 0 : i32
    %dma_start3A_212 = arith.constant 0 : i32
    %dma_start3A_213 = tpu.memref_slice %arg8[%dma_start3A_210, %dma_start3A_211, %dma_start3A_212] : memref<4x64x128xf32, #tpu.memory_space<vmem>> -> memref<1x64x128xf32, #tpu.memory_space<vmem>>
    %dma_start3A_214 = tpu.memref_squeeze %dma_start3A_213 : memref<1x64x128xf32, #tpu.memory_space<vmem>> -> memref<64x128xf32, #tpu.memory_space<vmem>>
    %dma_start3A_215 = arith.constant 0 : i32
    %dma_start3A_216 = tpu.memref_slice %arg6[%dma_start3A_209, %dma_start3A_215] : memref<40x64xi32, #tpu.memory_space<vmem>> -> memref<1x64xi32, #tpu.memory_space<vmem>>
    %dma_start3A_217 = tpu.memref_squeeze %dma_start3A_216 : memref<1x64xi32, #tpu.memory_space<vmem>> -> memref<64xi32, #tpu.memory_space<vmem>>
    %dma_start3A_218 = arith.constant 0 : i32
    %dma_start3A_219 = arith.constant 0 : i32
    %dma_start3A_220 = tpu.memref_slice %arg2[%dma_start3A_218, %dma_start3A_219] : memref<10240x128xf32, #tpu.memory_space<hbm>> -> memref<10240x128xf32, #tpu.memory_space<hbm>>
    tpu.enqueue_indirect_dma source(%dma_start3A_220 : memref<10240x128xf32, #tpu.memory_space<hbm>>) target(%dma_start3A_214 : memref<64x128xf32, #tpu.memory_space<vmem>>) offsets(%dma_start3A_217 : memref<64xi32, #tpu.memory_space<vmem>>) semaphore(%arg12 : memref<!tpu.dma_semaphore, #tpu.memory_space<semaphore_mem>>)
    %dma_start3A_221 = arith.constant 3 : i32
    %dma_start3A_222 = arith.constant 3 : i32
    %dma_start3A_223 = arith.constant 0 : i32
    %dma_start3A_224 = arith.constant 0 : i32
    %dma_start3A_225 = tpu.memref_slice %arg8[%dma_start3A_222, %dma_start3A_223, %dma_start3A_224] : memref<4x64x128xf32, #tpu.memory_space<vmem>> -> memref<1x64x128xf32, #tpu.memory_space<vmem>>
    %dma_start3A_226 = tpu.memref_squeeze %dma_start3A_225 : memref<1x64x128xf32, #tpu.memory_space<vmem>> -> memref<64x128xf32, #tpu.memory_space<vmem>>
    %dma_start3A_227 = arith.constant 0 : i32
    %dma_start3A_228 = tpu.memref_slice %arg6[%dma_start3A_221, %dma_start3A_227] : memref<40x64xi32, #tpu.memory_space<vmem>> -> memref<1x64xi32, #tpu.memory_space<vmem>>
    %dma_start3A_229 = tpu.memref_squeeze %dma_start3A_228 : memref<1x64xi32, #tpu.memory_space<vmem>> -> memref<64xi32, #tpu.memory_space<vmem>>
    %dma_start3A_230 = arith.constant 0 : i32
    %dma_start3A_231 = arith.constant 0 : i32
    %dma_start3A_232 = tpu.memref_slice %arg2[%dma_start3A_230, %dma_start3A_231] : memref<10240x128xf32, #tpu.memory_space<hbm>> -> memref<10240x128xf32, #tpu.memory_space<hbm>>
    tpu.enqueue_indirect_dma source(%dma_start3A_232 : memref<10240x128xf32, #tpu.memory_space<hbm>>) target(%dma_start3A_226 : memref<64x128xf32, #tpu.memory_space<vmem>>) offsets(%dma_start3A_229 : memref<64xi32, #tpu.memory_space<vmem>>) semaphore(%arg13 : memref<!tpu.dma_semaphore, #tpu.memory_space<semaphore_mem>>)
    %scan3A_233 = arith.constant 0 : i32
    %scan3A_234 = arith.constant 10 : i32
    %scan3A_235 = arith.addi %scan3A_233, %scan3A_234 : i32
    %scan3A_236 = arith.constant 1 : i32
    scf.for %scan3A_243 = %scan3A_233 to %scan3A_235 step %scan3A_236  : i32 {
      %mul3A_244 = arith.constant 4 : i32
      %mul3A_245 = arith.muli %scan3A_243, %mul3A_244 : i32
      %add3A_246 = arith.constant 0 : i32
      %add3A_247 = arith.addi %add3A_246, %mul3A_245 : i32
      %add3A_248 = arith.constant 0 : i32
      %add3A_249 = arith.addi %add3A_247, %add3A_248 : i32
      %dma_wait3A = arith.constant 0 : i32
      %dma_wait3A_250 = arith.constant 0 : i32
      %dma_wait3A_251 = arith.constant 0 : i32
      %dma_wait3A_252 = tpu.memref_slice %arg8[%dma_wait3A, %dma_wait3A_250, %dma_wait3A_251] : memref<4x64x128xf32, #tpu.memory_space<vmem>> -> memref<1x64x128xf32, #tpu.memory_space<vmem>>
      %dma_wait3A_253 = tpu.memref_squeeze %dma_wait3A_252 : memref<1x64x128xf32, #tpu.memory_space<vmem>> -> memref<64x128xf32, #tpu.memory_space<vmem>>
      %dma_wait3A_254 = arith.constant 0 : i32
      %dma_wait3A_255 = tpu.memref_slice %arg6[%add3A_249, %dma_wait3A_254] : memref<40x64xi32, #tpu.memory_space<vmem>> -> memref<1x64xi32, #tpu.memory_space<vmem>>
      %dma_wait3A_256 = tpu.memref_squeeze %dma_wait3A_255 : memref<1x64xi32, #tpu.memory_space<vmem>> -> memref<64xi32, #tpu.memory_space<vmem>>
      %dma_wait3A_257 = arith.constant 0 : i32
      %dma_wait3A_258 = arith.constant 0 : i32
      %dma_wait3A_259 = tpu.memref_slice %arg2[%dma_wait3A_257, %dma_wait3A_258] : memref<10240x128xf32, #tpu.memory_space<hbm>> -> memref<10240x128xf32, #tpu.memory_space<hbm>>
      tpu.wait_indirect_dma semaphore(%arg10 : memref<!tpu.dma_semaphore, #tpu.memory_space<semaphore_mem>>) src(%dma_wait3A_259 : memref<10240x128xf32, #tpu.memory_space<hbm>>) dst(%dma_wait3A_253 : memref<64x128xf32, #tpu.memory_space<vmem>>)
      %run_scoped3A = arith.constant 0 : i32
      "tpu.region"() ({
        %run_scoped3A_327 = tpu.sem_alloc : memref<!tpu.dma_semaphore, #tpu.memory_space<semaphore_mem>>
        %dma_start3A_328 = arith.constant 0 : i32
        %dma_start3A_329 = arith.constant 0 : i32
        %dma_start3A_330 = tpu.memref_slice %arg8[%run_scoped3A, %dma_start3A_328, %dma_start3A_329] : memref<4x64x128xf32, #tpu.memory_space<vmem>> -> memref<1x64x128xf32, #tpu.memory_space<vmem>>
        %dma_start3A_331 = tpu.memref_squeeze %dma_start3A_330 : memref<1x64x128xf32, #tpu.memory_space<vmem>> -> memref<64x128xf32, #tpu.memory_space<vmem>>
        %dma_start3A_332 = arith.constant 0 : i32
        %dma_start3A_333 = tpu.memref_slice %arg7[%add3A_249, %dma_start3A_332] : memref<40x64xi32, #tpu.memory_space<vmem>> -> memref<1x64xi32, #tpu.memory_space<vmem>>
        %dma_start3A_334 = tpu.memref_squeeze %dma_start3A_333 : memref<1x64xi32, #tpu.memory_space<vmem>> -> memref<64xi32, #tpu.memory_space<vmem>>
        %dma_start3A_335 = arith.constant 0 : i32
        %dma_start3A_336 = arith.constant 0 : i32
        %dma_start3A_337 = tpu.memref_slice %arg9[%dma_start3A_335, %dma_start3A_336] : memref<10240x128xf32, #tpu.memory_space<vmem_shared>> -> memref<10240x128xf32, #tpu.memory_space<vmem_shared>>
        tpu.enqueue_indirect_dma source(%dma_start3A_331 : memref<64x128xf32, #tpu.memory_space<vmem>>) target(%dma_start3A_337 : memref<10240x128xf32, #tpu.memory_space<vmem_shared>>) offsets(%dma_start3A_334 : memref<64xi32, #tpu.memory_space<vmem>>) semaphore(%run_scoped3A_327 : memref<!tpu.dma_semaphore, #tpu.memory_space<semaphore_mem>>) {add = true}
        %dma_wait3A_338 = arith.constant 0 : i32
        %dma_wait3A_339 = arith.constant 0 : i32
        %dma_wait3A_340 = tpu.memref_slice %arg8[%run_scoped3A, %dma_wait3A_338, %dma_wait3A_339] : memref<4x64x128xf32, #tpu.memory_space<vmem>> -> memref<1x64x128xf32, #tpu.memory_space<vmem>>
        %dma_wait3A_341 = tpu.memref_squeeze %dma_wait3A_340 : memref<1x64x128xf32, #tpu.memory_space<vmem>> -> memref<64x128xf32, #tpu.memory_space<vmem>>
        %dma_wait3A_342 = arith.constant 0 : i32
        %dma_wait3A_343 = tpu.memref_slice %arg7[%add3A_249, %dma_wait3A_342] : memref<40x64xi32, #tpu.memory_space<vmem>> -> memref<1x64xi32, #tpu.memory_space<vmem>>
        %dma_wait3A_344 = tpu.memref_squeeze %dma_wait3A_343 : memref<1x64xi32, #tpu.memory_space<vmem>> -> memref<64xi32, #tpu.memory_space<vmem>>
        %dma_wait3A_345 = arith.constant 0 : i32
        %dma_wait3A_346 = arith.constant 0 : i32
        %dma_wait3A_347 = tpu.memref_slice %arg9[%dma_wait3A_345, %dma_wait3A_346] : memref<10240x128xf32, #tpu.memory_space<vmem_shared>> -> memref<10240x128xf32, #tpu.memory_space<vmem_shared>>
        tpu.wait_indirect_dma semaphore(%run_scoped3A_327 : memref<!tpu.dma_semaphore, #tpu.memory_space<semaphore_mem>>) src(%dma_wait3A_341 : memref<64x128xf32, #tpu.memory_space<vmem>>) dst(%dma_wait3A_347 : memref<10240x128xf32, #tpu.memory_space<vmem_shared>>)
        tpu.yield
      }) : () -> ()
      %add3A_260 = arith.constant 4 : i32
      %add3A_261 = arith.addi %add3A_249, %add3A_260 : i32
      %lt3A = arith.constant 40 : i32
      %lt3A_262 = arith.cmpi slt, %add3A_261, %lt3A : i32
      %convert_element_type3A = arith.extui %lt3A_262 : i1 to i32
      %cond3A = arith.constant 0 : i32
      %cond3A_263 = arith.cmpi ne, %convert_element_type3A, %cond3A : i32
      scf.if %cond3A_263 {
        %add3A_327 = arith.constant 4 : i32
        %add3A_328 = arith.addi %add3A_249, %add3A_327 : i32
        %dma_start3A_329 = arith.constant 0 : i32
        %dma_start3A_330 = arith.constant 0 : i32
        %dma_start3A_331 = arith.constant 0 : i32
        %dma_start3A_332 = tpu.memref_slice %arg8[%dma_start3A_329, %dma_start3A_330, %dma_start3A_331] : memref<4x64x128xf32, #tpu.memory_space<vmem>> -> memref<1x64x128xf32, #tpu.memory_space<vmem>>
        %dma_start3A_333 = tpu.memref_squeeze %dma_start3A_332 : memref<1x64x128xf32, #tpu.memory_space<vmem>> -> memref<64x128xf32, #tpu.memory_space<vmem>>
        %dma_start3A_334 = arith.constant 0 : i32
        %dma_start3A_335 = tpu.memref_slice %arg6[%add3A_328, %dma_start3A_334] : memref<40x64xi32, #tpu.memory_space<vmem>> -> memref<1x64xi32, #tpu.memory_space<vmem>>
        %dma_start3A_336 = tpu.memref_squeeze %dma_start3A_335 : memref<1x64xi32, #tpu.memory_space<vmem>> -> memref<64xi32, #tpu.memory_space<vmem>>
        %dma_start3A_337 = arith.constant 0 : i32
        %dma_start3A_338 = arith.constant 0 : i32
        %dma_start3A_339 = tpu.memref_slice %arg2[%dma_start3A_337, %dma_start3A_338] : memref<10240x128xf32, #tpu.memory_space<hbm>> -> memref<10240x128xf32, #tpu.memory_space<hbm>>
        tpu.enqueue_indirect_dma source(%dma_start3A_339 : memref<10240x128xf32, #tpu.memory_space<hbm>>) target(%dma_start3A_333 : memref<64x128xf32, #tpu.memory_space<vmem>>) offsets(%dma_start3A_336 : memref<64xi32, #tpu.memory_space<vmem>>) semaphore(%arg10 : memref<!tpu.dma_semaphore, #tpu.memory_space<semaphore_mem>>)
      } else {
      }
      %add3A_264 = arith.constant 1 : i32
      %add3A_265 = arith.addi %add3A_247, %add3A_264 : i32
      %dma_wait3A_266 = arith.constant 1 : i32
      %dma_wait3A_267 = arith.constant 0 : i32
      %dma_wait3A_268 = arith.constant 0 : i32
      %dma_wait3A_269 = tpu.memref_slice %arg8[%dma_wait3A_266, %dma_wait3A_267, %dma_wait3A_268] : memref<4x64x128xf32, #tpu.memory_space<vmem>> -> memref<1x64x128xf32, #tpu.memory_space<vmem>>
      %dma_wait3A_270 = tpu.memref_squeeze %dma_wait3A_269 : memref<1x64x128xf32, #tpu.memory_space<vmem>> -> memref<64x128xf32, #tpu.memory_space<vmem>>
      %dma_wait3A_271 = arith.constant 0 : i32
      %dma_wait3A_272 = tpu.memref_slice %arg6[%add3A_265, %dma_wait3A_271] : memref<40x64xi32, #tpu.memory_space<vmem>> -> memref<1x64xi32, #tpu.memory_space<vmem>>
      %dma_wait3A_273 = tpu.memref_squeeze %dma_wait3A_272 : memref<1x64xi32, #tpu.memory_space<vmem>> -> memref<64xi32, #tpu.memory_space<vmem>>
      %dma_wait3A_274 = arith.constant 0 : i32
      %dma_wait3A_275 = arith.constant 0 : i32
      %dma_wait3A_276 = tpu.memref_slice %arg2[%dma_wait3A_274, %dma_wait3A_275] : memref<10240x128xf32, #tpu.memory_space<hbm>> -> memref<10240x128xf32, #tpu.memory_space<hbm>>
      tpu.wait_indirect_dma semaphore(%arg11 : memref<!tpu.dma_semaphore, #tpu.memory_space<semaphore_mem>>) src(%dma_wait3A_276 : memref<10240x128xf32, #tpu.memory_space<hbm>>) dst(%dma_wait3A_270 : memref<64x128xf32, #tpu.memory_space<vmem>>)
      %run_scoped3A_277 = arith.constant 1 : i32
      "tpu.region"() ({
        %run_scoped3A_327 = tpu.sem_alloc : memref<!tpu.dma_semaphore, #tpu.memory_space<semaphore_mem>>
        %dma_start3A_328 = arith.constant 0 : i32
        %dma_start3A_329 = arith.constant 0 : i32
        %dma_start3A_330 = tpu.memref_slice %arg8[%run_scoped3A_277, %dma_start3A_328, %dma_start3A_329] : memref<4x64x128xf32, #tpu.memory_space<vmem>> -> memref<1x64x128xf32, #tpu.memory_space<vmem>>
        %dma_start3A_331 = tpu.memref_squeeze %dma_start3A_330 : memref<1x64x128xf32, #tpu.memory_space<vmem>> -> memref<64x128xf32, #tpu.memory_space<vmem>>
        %dma_start3A_332 = arith.constant 0 : i32
        %dma_start3A_333 = tpu.memref_slice %arg7[%add3A_265, %dma_start3A_332] : memref<40x64xi32, #tpu.memory_space<vmem>> -> memref<1x64xi32, #tpu.memory_space<vmem>>
        %dma_start3A_334 = tpu.memref_squeeze %dma_start3A_333 : memref<1x64xi32, #tpu.memory_space<vmem>> -> memref<64xi32, #tpu.memory_space<vmem>>
        %dma_start3A_335 = arith.constant 0 : i32
        %dma_start3A_336 = arith.constant 0 : i32
        %dma_start3A_337 = tpu.memref_slice %arg9[%dma_start3A_335, %dma_start3A_336] : memref<10240x128xf32, #tpu.memory_space<vmem_shared>> -> memref<10240x128xf32, #tpu.memory_space<vmem_shared>>
        tpu.enqueue_indirect_dma source(%dma_start3A_331 : memref<64x128xf32, #tpu.memory_space<vmem>>) target(%dma_start3A_337 : memref<10240x128xf32, #tpu.memory_space<vmem_shared>>) offsets(%dma_start3A_334 : memref<64xi32, #tpu.memory_space<vmem>>) semaphore(%run_scoped3A_327 : memref<!tpu.dma_semaphore, #tpu.memory_space<semaphore_mem>>) {add = true}
        %dma_wait3A_338 = arith.constant 0 : i32
        %dma_wait3A_339 = arith.constant 0 : i32
        %dma_wait3A_340 = tpu.memref_slice %arg8[%run_scoped3A_277, %dma_wait3A_338, %dma_wait3A_339] : memref<4x64x128xf32, #tpu.memory_space<vmem>> -> memref<1x64x128xf32, #tpu.memory_space<vmem>>
        %dma_wait3A_341 = tpu.memref_squeeze %dma_wait3A_340 : memref<1x64x128xf32, #tpu.memory_space<vmem>> -> memref<64x128xf32, #tpu.memory_space<vmem>>
        %dma_wait3A_342 = arith.constant 0 : i32
        %dma_wait3A_343 = tpu.memref_slice %arg7[%add3A_265, %dma_wait3A_342] : memref<40x64xi32, #tpu.memory_space<vmem>> -> memref<1x64xi32, #tpu.memory_space<vmem>>
        %dma_wait3A_344 = tpu.memref_squeeze %dma_wait3A_343 : memref<1x64xi32, #tpu.memory_space<vmem>> -> memref<64xi32, #tpu.memory_space<vmem>>
        %dma_wait3A_345 = arith.constant 0 : i32
        %dma_wait3A_346 = arith.constant 0 : i32
        %dma_wait3A_347 = tpu.memref_slice %arg9[%dma_wait3A_345, %dma_wait3A_346] : memref<10240x128xf32, #tpu.memory_space<vmem_shared>> -> memref<10240x128xf32, #tpu.memory_space<vmem_shared>>
        tpu.wait_indirect_dma semaphore(%run_scoped3A_327 : memref<!tpu.dma_semaphore, #tpu.memory_space<semaphore_mem>>) src(%dma_wait3A_341 : memref<64x128xf32, #tpu.memory_space<vmem>>) dst(%dma_wait3A_347 : memref<10240x128xf32, #tpu.memory_space<vmem_shared>>)
        tpu.yield
      }) : () -> ()
      %add3A_278 = arith.constant 4 : i32
      %add3A_279 = arith.addi %add3A_265, %add3A_278 : i32
      %lt3A_280 = arith.constant 40 : i32
      %lt3A_281 = arith.cmpi slt, %add3A_279, %lt3A_280 : i32
      %convert_element_type3A_282 = arith.extui %lt3A_281 : i1 to i32
      %cond3A_283 = arith.constant 0 : i32
      %cond3A_284 = arith.cmpi ne, %convert_element_type3A_282, %cond3A_283 : i32
      scf.if %cond3A_284 {
        %add3A_327 = arith.constant 4 : i32
        %add3A_328 = arith.addi %add3A_265, %add3A_327 : i32
        %dma_start3A_329 = arith.constant 1 : i32
        %dma_start3A_330 = arith.constant 0 : i32
        %dma_start3A_331 = arith.constant 0 : i32
        %dma_start3A_332 = tpu.memref_slice %arg8[%dma_start3A_329, %dma_start3A_330, %dma_start3A_331] : memref<4x64x128xf32, #tpu.memory_space<vmem>> -> memref<1x64x128xf32, #tpu.memory_space<vmem>>
        %dma_start3A_333 = tpu.memref_squeeze %dma_start3A_332 : memref<1x64x128xf32, #tpu.memory_space<vmem>> -> memref<64x128xf32, #tpu.memory_space<vmem>>
        %dma_start3A_334 = arith.constant 0 : i32
        %dma_start3A_335 = tpu.memref_slice %arg6[%add3A_328, %dma_start3A_334] : memref<40x64xi32, #tpu.memory_space<vmem>> -> memref<1x64xi32, #tpu.memory_space<vmem>>
        %dma_start3A_336 = tpu.memref_squeeze %dma_start3A_335 : memref<1x64xi32, #tpu.memory_space<vmem>> -> memref<64xi32, #tpu.memory_space<vmem>>
        %dma_start3A_337 = arith.constant 0 : i32
        %dma_start3A_338 = arith.constant 0 : i32
        %dma_start3A_339 = tpu.memref_slice %arg2[%dma_start3A_337, %dma_start3A_338] : memref<10240x128xf32, #tpu.memory_space<hbm>> -> memref<10240x128xf32, #tpu.memory_space<hbm>>
        tpu.enqueue_indirect_dma source(%dma_start3A_339 : memref<10240x128xf32, #tpu.memory_space<hbm>>) target(%dma_start3A_333 : memref<64x128xf32, #tpu.memory_space<vmem>>) offsets(%dma_start3A_336 : memref<64xi32, #tpu.memory_space<vmem>>) semaphore(%arg11 : memref<!tpu.dma_semaphore, #tpu.memory_space<semaphore_mem>>)
      } else {
      }
      %add3A_285 = arith.constant 2 : i32
      %add3A_286 = arith.addi %add3A_247, %add3A_285 : i32
      %dma_wait3A_287 = arith.constant 2 : i32
      %dma_wait3A_288 = arith.constant 0 : i32
      %dma_wait3A_289 = arith.constant 0 : i32
      %dma_wait3A_290 = tpu.memref_slice %arg8[%dma_wait3A_287, %dma_wait3A_288, %dma_wait3A_289] : memref<4x64x128xf32, #tpu.memory_space<vmem>> -> memref<1x64x128xf32, #tpu.memory_space<vmem>>
      %dma_wait3A_291 = tpu.memref_squeeze %dma_wait3A_290 : memref<1x64x128xf32, #tpu.memory_space<vmem>> -> memref<64x128xf32, #tpu.memory_space<vmem>>
      %dma_wait3A_292 = arith.constant 0 : i32
      %dma_wait3A_293 = tpu.memref_slice %arg6[%add3A_286, %dma_wait3A_292] : memref<40x64xi32, #tpu.memory_space<vmem>> -> memref<1x64xi32, #tpu.memory_space<vmem>>
      %dma_wait3A_294 = tpu.memref_squeeze %dma_wait3A_293 : memref<1x64xi32, #tpu.memory_space<vmem>> -> memref<64xi32, #tpu.memory_space<vmem>>
      %dma_wait3A_295 = arith.constant 0 : i32
      %dma_wait3A_296 = arith.constant 0 : i32
      %dma_wait3A_297 = tpu.memref_slice %arg2[%dma_wait3A_295, %dma_wait3A_296] : memref<10240x128xf32, #tpu.memory_space<hbm>> -> memref<10240x128xf32, #tpu.memory_space<hbm>>
      tpu.wait_indirect_dma semaphore(%arg12 : memref<!tpu.dma_semaphore, #tpu.memory_space<semaphore_mem>>) src(%dma_wait3A_297 : memref<10240x128xf32, #tpu.memory_space<hbm>>) dst(%dma_wait3A_291 : memref<64x128xf32, #tpu.memory_space<vmem>>)
      %run_scoped3A_298 = arith.constant 2 : i32
      "tpu.region"() ({
        %run_scoped3A_327 = tpu.sem_alloc : memref<!tpu.dma_semaphore, #tpu.memory_space<semaphore_mem>>
        %dma_start3A_328 = arith.constant 0 : i32
        %dma_start3A_329 = arith.constant 0 : i32
        %dma_start3A_330 = tpu.memref_slice %arg8[%run_scoped3A_298, %dma_start3A_328, %dma_start3A_329] : memref<4x64x128xf32, #tpu.memory_space<vmem>> -> memref<1x64x128xf32, #tpu.memory_space<vmem>>
        %dma_start3A_331 = tpu.memref_squeeze %dma_start3A_330 : memref<1x64x128xf32, #tpu.memory_space<vmem>> -> memref<64x128xf32, #tpu.memory_space<vmem>>
        %dma_start3A_332 = arith.constant 0 : i32
        %dma_start3A_333 = tpu.memref_slice %arg7[%add3A_286, %dma_start3A_332] : memref<40x64xi32, #tpu.memory_space<vmem>> -> memref<1x64xi32, #tpu.memory_space<vmem>>
        %dma_start3A_334 = tpu.memref_squeeze %dma_start3A_333 : memref<1x64xi32, #tpu.memory_space<vmem>> -> memref<64xi32, #tpu.memory_space<vmem>>
        %dma_start3A_335 = arith.constant 0 : i32
        %dma_start3A_336 = arith.constant 0 : i32
        %dma_start3A_337 = tpu.memref_slice %arg9[%dma_start3A_335, %dma_start3A_336] : memref<10240x128xf32, #tpu.memory_space<vmem_shared>> -> memref<10240x128xf32, #tpu.memory_space<vmem_shared>>
        tpu.enqueue_indirect_dma source(%dma_start3A_331 : memref<64x128xf32, #tpu.memory_space<vmem>>) target(%dma_start3A_337 : memref<10240x128xf32, #tpu.memory_space<vmem_shared>>) offsets(%dma_start3A_334 : memref<64xi32, #tpu.memory_space<vmem>>) semaphore(%run_scoped3A_327 : memref<!tpu.dma_semaphore, #tpu.memory_space<semaphore_mem>>) {add = true}
        %dma_wait3A_338 = arith.constant 0 : i32
        %dma_wait3A_339 = arith.constant 0 : i32
        %dma_wait3A_340 = tpu.memref_slice %arg8[%run_scoped3A_298, %dma_wait3A_338, %dma_wait3A_339] : memref<4x64x128xf32, #tpu.memory_space<vmem>> -> memref<1x64x128xf32, #tpu.memory_space<vmem>>
        %dma_wait3A_341 = tpu.memref_squeeze %dma_wait3A_340 : memref<1x64x128xf32, #tpu.memory_space<vmem>> -> memref<64x128xf32, #tpu.memory_space<vmem>>
        %dma_wait3A_342 = arith.constant 0 : i32
        %dma_wait3A_343 = tpu.memref_slice %arg7[%add3A_286, %dma_wait3A_342] : memref<40x64xi32, #tpu.memory_space<vmem>> -> memref<1x64xi32, #tpu.memory_space<vmem>>
        %dma_wait3A_344 = tpu.memref_squeeze %dma_wait3A_343 : memref<1x64xi32, #tpu.memory_space<vmem>> -> memref<64xi32, #tpu.memory_space<vmem>>
        %dma_wait3A_345 = arith.constant 0 : i32
        %dma_wait3A_346 = arith.constant 0 : i32
        %dma_wait3A_347 = tpu.memref_slice %arg9[%dma_wait3A_345, %dma_wait3A_346] : memref<10240x128xf32, #tpu.memory_space<vmem_shared>> -> memref<10240x128xf32, #tpu.memory_space<vmem_shared>>
        tpu.wait_indirect_dma semaphore(%run_scoped3A_327 : memref<!tpu.dma_semaphore, #tpu.memory_space<semaphore_mem>>) src(%dma_wait3A_341 : memref<64x128xf32, #tpu.memory_space<vmem>>) dst(%dma_wait3A_347 : memref<10240x128xf32, #tpu.memory_space<vmem_shared>>)
        tpu.yield
      }) : () -> ()
      %add3A_299 = arith.constant 4 : i32
      %add3A_300 = arith.addi %add3A_286, %add3A_299 : i32
      %lt3A_301 = arith.constant 40 : i32
      %lt3A_302 = arith.cmpi slt, %add3A_300, %lt3A_301 : i32
      %convert_element_type3A_303 = arith.extui %lt3A_302 : i1 to i32
      %cond3A_304 = arith.constant 0 : i32
      %cond3A_305 = arith.cmpi ne, %convert_element_type3A_303, %cond3A_304 : i32
      scf.if %cond3A_305 {
        %add3A_327 = arith.constant 4 : i32
        %add3A_328 = arith.addi %add3A_286, %add3A_327 : i32
        %dma_start3A_329 = arith.constant 2 : i32
        %dma_start3A_330 = arith.constant 0 : i32
        %dma_start3A_331 = arith.constant 0 : i32
        %dma_start3A_332 = tpu.memref_slice %arg8[%dma_start3A_329, %dma_start3A_330, %dma_start3A_331] : memref<4x64x128xf32, #tpu.memory_space<vmem>> -> memref<1x64x128xf32, #tpu.memory_space<vmem>>
        %dma_start3A_333 = tpu.memref_squeeze %dma_start3A_332 : memref<1x64x128xf32, #tpu.memory_space<vmem>> -> memref<64x128xf32, #tpu.memory_space<vmem>>
        %dma_start3A_334 = arith.constant 0 : i32
        %dma_start3A_335 = tpu.memref_slice %arg6[%add3A_328, %dma_start3A_334] : memref<40x64xi32, #tpu.memory_space<vmem>> -> memref<1x64xi32, #tpu.memory_space<vmem>>
        %dma_start3A_336 = tpu.memref_squeeze %dma_start3A_335 : memref<1x64xi32, #tpu.memory_space<vmem>> -> memref<64xi32, #tpu.memory_space<vmem>>
        %dma_start3A_337 = arith.constant 0 : i32
        %dma_start3A_338 = arith.constant 0 : i32
        %dma_start3A_339 = tpu.memref_slice %arg2[%dma_start3A_337, %dma_start3A_338] : memref<10240x128xf32, #tpu.memory_space<hbm>> -> memref<10240x128xf32, #tpu.memory_space<hbm>>
        tpu.enqueue_indirect_dma source(%dma_start3A_339 : memref<10240x128xf32, #tpu.memory_space<hbm>>) target(%dma_start3A_333 : memref<64x128xf32, #tpu.memory_space<vmem>>) offsets(%dma_start3A_336 : memref<64xi32, #tpu.memory_space<vmem>>) semaphore(%arg12 : memref<!tpu.dma_semaphore, #tpu.memory_space<semaphore_mem>>)
      } else {
      }
      %add3A_306 = arith.constant 3 : i32
      %add3A_307 = arith.addi %add3A_247, %add3A_306 : i32
      %dma_wait3A_308 = arith.constant 3 : i32
      %dma_wait3A_309 = arith.constant 0 : i32
      %dma_wait3A_310 = arith.constant 0 : i32
      %dma_wait3A_311 = tpu.memref_slice %arg8[%dma_wait3A_308, %dma_wait3A_309, %dma_wait3A_310] : memref<4x64x128xf32, #tpu.memory_space<vmem>> -> memref<1x64x128xf32, #tpu.memory_space<vmem>>
      %dma_wait3A_312 = tpu.memref_squeeze %dma_wait3A_311 : memref<1x64x128xf32, #tpu.memory_space<vmem>> -> memref<64x128xf32, #tpu.memory_space<vmem>>
      %dma_wait3A_313 = arith.constant 0 : i32
      %dma_wait3A_314 = tpu.memref_slice %arg6[%add3A_307, %dma_wait3A_313] : memref<40x64xi32, #tpu.memory_space<vmem>> -> memref<1x64xi32, #tpu.memory_space<vmem>>
      %dma_wait3A_315 = tpu.memref_squeeze %dma_wait3A_314 : memref<1x64xi32, #tpu.memory_space<vmem>> -> memref<64xi32, #tpu.memory_space<vmem>>
      %dma_wait3A_316 = arith.constant 0 : i32
      %dma_wait3A_317 = arith.constant 0 : i32
      %dma_wait3A_318 = tpu.memref_slice %arg2[%dma_wait3A_316, %dma_wait3A_317] : memref<10240x128xf32, #tpu.memory_space<hbm>> -> memref<10240x128xf32, #tpu.memory_space<hbm>>
      tpu.wait_indirect_dma semaphore(%arg13 : memref<!tpu.dma_semaphore, #tpu.memory_space<semaphore_mem>>) src(%dma_wait3A_318 : memref<10240x128xf32, #tpu.memory_space<hbm>>) dst(%dma_wait3A_312 : memref<64x128xf32, #tpu.memory_space<vmem>>)
      %run_scoped3A_319 = arith.constant 3 : i32
      "tpu.region"() ({
        %run_scoped3A_327 = tpu.sem_alloc : memref<!tpu.dma_semaphore, #tpu.memory_space<semaphore_mem>>
        %dma_start3A_328 = arith.constant 0 : i32
        %dma_start3A_329 = arith.constant 0 : i32
        %dma_start3A_330 = tpu.memref_slice %arg8[%run_scoped3A_319, %dma_start3A_328, %dma_start3A_329] : memref<4x64x128xf32, #tpu.memory_space<vmem>> -> memref<1x64x128xf32, #tpu.memory_space<vmem>>
        %dma_start3A_331 = tpu.memref_squeeze %dma_start3A_330 : memref<1x64x128xf32, #tpu.memory_space<vmem>> -> memref<64x128xf32, #tpu.memory_space<vmem>>
        %dma_start3A_332 = arith.constant 0 : i32
        %dma_start3A_333 = tpu.memref_slice %arg7[%add3A_307, %dma_start3A_332] : memref<40x64xi32, #tpu.memory_space<vmem>> -> memref<1x64xi32, #tpu.memory_space<vmem>>
        %dma_start3A_334 = tpu.memref_squeeze %dma_start3A_333 : memref<1x64xi32, #tpu.memory_space<vmem>> -> memref<64xi32, #tpu.memory_space<vmem>>
        %dma_start3A_335 = arith.constant 0 : i32
        %dma_start3A_336 = arith.constant 0 : i32
        %dma_start3A_337 = tpu.memref_slice %arg9[%dma_start3A_335, %dma_start3A_336] : memref<10240x128xf32, #tpu.memory_space<vmem_shared>> -> memref<10240x128xf32, #tpu.memory_space<vmem_shared>>
        tpu.enqueue_indirect_dma source(%dma_start3A_331 : memref<64x128xf32, #tpu.memory_space<vmem>>) target(%dma_start3A_337 : memref<10240x128xf32, #tpu.memory_space<vmem_shared>>) offsets(%dma_start3A_334 : memref<64xi32, #tpu.memory_space<vmem>>) semaphore(%run_scoped3A_327 : memref<!tpu.dma_semaphore, #tpu.memory_space<semaphore_mem>>) {add = true}
        %dma_wait3A_338 = arith.constant 0 : i32
        %dma_wait3A_339 = arith.constant 0 : i32
        %dma_wait3A_340 = tpu.memref_slice %arg8[%run_scoped3A_319, %dma_wait3A_338, %dma_wait3A_339] : memref<4x64x128xf32, #tpu.memory_space<vmem>> -> memref<1x64x128xf32, #tpu.memory_space<vmem>>
        %dma_wait3A_341 = tpu.memref_squeeze %dma_wait3A_340 : memref<1x64x128xf32, #tpu.memory_space<vmem>> -> memref<64x128xf32, #tpu.memory_space<vmem>>
        %dma_wait3A_342 = arith.constant 0 : i32
        %dma_wait3A_343 = tpu.memref_slice %arg7[%add3A_307, %dma_wait3A_342] : memref<40x64xi32, #tpu.memory_space<vmem>> -> memref<1x64xi32, #tpu.memory_space<vmem>>
        %dma_wait3A_344 = tpu.memref_squeeze %dma_wait3A_343 : memref<1x64xi32, #tpu.memory_space<vmem>> -> memref<64xi32, #tpu.memory_space<vmem>>
        %dma_wait3A_345 = arith.constant 0 : i32
        %dma_wait3A_346 = arith.constant 0 : i32
        %dma_wait3A_347 = tpu.memref_slice %arg9[%dma_wait3A_345, %dma_wait3A_346] : memref<10240x128xf32, #tpu.memory_space<vmem_shared>> -> memref<10240x128xf32, #tpu.memory_space<vmem_shared>>
        tpu.wait_indirect_dma semaphore(%run_scoped3A_327 : memref<!tpu.dma_semaphore, #tpu.memory_space<semaphore_mem>>) src(%dma_wait3A_341 : memref<64x128xf32, #tpu.memory_space<vmem>>) dst(%dma_wait3A_347 : memref<10240x128xf32, #tpu.memory_space<vmem_shared>>)
        tpu.yield
      }) : () -> ()
      %add3A_320 = arith.constant 4 : i32
      %add3A_321 = arith.addi %add3A_307, %add3A_320 : i32
      %lt3A_322 = arith.constant 40 : i32
      %lt3A_323 = arith.cmpi slt, %add3A_321, %lt3A_322 : i32
      %convert_element_type3A_324 = arith.extui %lt3A_323 : i1 to i32
      %cond3A_325 = arith.constant 0 : i32
      %cond3A_326 = arith.cmpi ne, %convert_element_type3A_324, %cond3A_325 : i32
      scf.if %cond3A_326 {
        %add3A_327 = arith.constant 4 : i32
        %add3A_328 = arith.addi %add3A_307, %add3A_327 : i32
        %dma_start3A_329 = arith.constant 3 : i32
        %dma_start3A_330 = arith.constant 0 : i32
        %dma_start3A_331 = arith.constant 0 : i32
        %dma_start3A_332 = tpu.memref_slice %arg8[%dma_start3A_329, %dma_start3A_330, %dma_start3A_331] : memref<4x64x128xf32, #tpu.memory_space<vmem>> -> memref<1x64x128xf32, #tpu.memory_space<vmem>>
        %dma_start3A_333 = tpu.memref_squeeze %dma_start3A_332 : memref<1x64x128xf32, #tpu.memory_space<vmem>> -> memref<64x128xf32, #tpu.memory_space<vmem>>
        %dma_start3A_334 = arith.constant 0 : i32
        %dma_start3A_335 = tpu.memref_slice %arg6[%add3A_328, %dma_start3A_334] : memref<40x64xi32, #tpu.memory_space<vmem>> -> memref<1x64xi32, #tpu.memory_space<vmem>>
        %dma_start3A_336 = tpu.memref_squeeze %dma_start3A_335 : memref<1x64xi32, #tpu.memory_space<vmem>> -> memref<64xi32, #tpu.memory_space<vmem>>
        %dma_start3A_337 = arith.constant 0 : i32
        %dma_start3A_338 = arith.constant 0 : i32
        %dma_start3A_339 = tpu.memref_slice %arg2[%dma_start3A_337, %dma_start3A_338] : memref<10240x128xf32, #tpu.memory_space<hbm>> -> memref<10240x128xf32, #tpu.memory_space<hbm>>
        tpu.enqueue_indirect_dma source(%dma_start3A_339 : memref<10240x128xf32, #tpu.memory_space<hbm>>) target(%dma_start3A_333 : memref<64x128xf32, #tpu.memory_space<vmem>>) offsets(%dma_start3A_336 : memref<64xi32, #tpu.memory_space<vmem>>) semaphore(%arg13 : memref<!tpu.dma_semaphore, #tpu.memory_space<semaphore_mem>>)
      } else {
      }
    }
    %scan3A_237 = arith.constant 10 : i32
    %barrier3A_238 = arith.constant 0 : index
    tpu.barrier barrier_id(%barrier3A_238)
    %mul3A_239 = arith.constant 640 : i32
    %mul3A_240 = arith.muli %arg1, %mul3A_239 : i32
    %mul3A_241 = arith.constant 640 : i32
    %mul3A_242 = arith.muli %arg1, %mul3A_241 : i32
    "tpu.region"() ({
      %run_scoped3A = tpu.sem_alloc : memref<!tpu.dma_semaphore, #tpu.memory_space<semaphore_mem>>
      %dma_start3A_243 = arith.constant 0 : i32
      %dma_start3A_244 = arith.constant 0 : i32
      %dma_start3A_245 = tpu.memref_slice %arg5[%arg0, %dma_start3A_243, %dma_start3A_244] : memref<2x10240x128xf32, #tpu.memory_space<hbm>> -> memref<1x10240x128xf32, #tpu.memory_space<hbm>>
      %dma_start3A_246 = tpu.memref_squeeze %dma_start3A_245 : memref<1x10240x128xf32, #tpu.memory_space<hbm>> -> memref<10240x128xf32, #tpu.memory_space<hbm>>
      %dma_start3A_247 = arith.constant 0 : i32
      %dma_start3A_248 = tpu.memref_slice %dma_start3A_246[%mul3A_242, %dma_start3A_247] : memref<10240x128xf32, #tpu.memory_space<hbm>> -> memref<640x128xf32, #tpu.memory_space<hbm>>
      %dma_start3A_249 = arith.constant 0 : i32
      %dma_start3A_250 = tpu.memref_slice %arg9[%mul3A_240, %dma_start3A_249] : memref<10240x128xf32, #tpu.memory_space<vmem_shared>> -> memref<640x128xf32, #tpu.memory_space<vmem_shared>>
      tpu.enqueue_dma source(%dma_start3A_250 : memref<640x128xf32, #tpu.memory_space<vmem_shared>>) target(%dma_start3A_248 : memref<640x128xf32, #tpu.memory_space<hbm>>) target_semaphore(%run_scoped3A : memref<!tpu.dma_semaphore, #tpu.memory_space<semaphore_mem>>)
      %dma_wait3A = arith.constant 0 : i32
      %dma_wait3A_251 = arith.constant 0 : i32
      %dma_wait3A_252 = tpu.memref_slice %arg5[%arg0, %dma_wait3A, %dma_wait3A_251] : memref<2x10240x128xf32, #tpu.memory_space<hbm>> -> memref<1x10240x128xf32, #tpu.memory_space<hbm>>
      %dma_wait3A_253 = tpu.memref_squeeze %dma_wait3A_252 : memref<1x10240x128xf32, #tpu.memory_space<hbm>> -> memref<10240x128xf32, #tpu.memory_space<hbm>>
      %dma_wait3A_254 = arith.constant 0 : i32
      %dma_wait3A_255 = tpu.memref_slice %dma_wait3A_253[%mul3A_242, %dma_wait3A_254] : memref<10240x128xf32, #tpu.memory_space<hbm>> -> memref<640x128xf32, #tpu.memory_space<hbm>>
      %dma_wait3A_256 = arith.constant 0 : i32
      %dma_wait3A_257 = tpu.memref_slice %arg9[%mul3A_240, %dma_wait3A_256] : memref<10240x128xf32, #tpu.memory_space<vmem_shared>> -> memref<640x128xf32, #tpu.memory_space<vmem_shared>>
      tpu.wait_dma2 semaphore(%run_scoped3A : memref<!tpu.dma_semaphore, #tpu.memory_space<semaphore_mem>>) src(%dma_wait3A_257 : memref<640x128xf32, #tpu.memory_space<vmem_shared>>) dst(%dma_wait3A_255 : memref<640x128xf32, #tpu.memory_space<hbm>>)
      tpu.yield
    }) : () -> ()
    return
  }
}

#map = affine_map<(d0, d1) -> (0, 0)>
#map1 = affine_map<(d0, d1) -> (0, 0, 0)>
module attributes {stable_mosaic.version = 14 : i64} {
  func.func @_agg_body(%arg0: i32, %arg1: i32, %arg2: memref<10240x128xf32, #tpu.memory_space<hbm>>, %arg3: memref<5120x64xi32, #tpu.memory_space<hbm>>, %arg4: memref<5120x64xi32, #tpu.memory_space<hbm>>, %arg5: memref<2x10240x128xf32, #tpu.memory_space<hbm>>, %arg6: memref<40x64xi32, #tpu.memory_space<vmem>>, %arg7: memref<40x64xi32, #tpu.memory_space<vmem>>, %arg8: memref<4x64x128xf32, #tpu.memory_space<vmem>>, %arg9: memref<10240x128xf32, #tpu.memory_space<vmem_shared>>, %arg10: memref<!tpu.dma_semaphore, #tpu.memory_space<semaphore_mem>>, %arg11: memref<!tpu.dma_semaphore, #tpu.memory_space<semaphore_mem>>, %arg12: memref<!tpu.dma_semaphore, #tpu.memory_space<semaphore_mem>>, %arg13: memref<!tpu.dma_semaphore, #tpu.memory_space<semaphore_mem>>) attributes {dimension_semantics = [#tpu.dimension_semantics<core_parallel>, #tpu.dimension_semantics<subcore_parallel>], iteration_bounds = array<i64: 2, 16>, scalar_prefetch = 0 : i64, scratch_operands = 8 : i64, tpu.core_type = #tpu.core_type<sc_vector_subcore>, window_params = [{transform_indices = #map}, {transform_indices = #map}, {transform_indices = #map}, {transform_indices = #map1}]} {
    %broadcast_in_dim3A = arith.constant 0.000000e+00 : f32
    %broadcast_in_dim3A_0 = vector.broadcast %broadcast_in_dim3A : f32 to vector<16xf32>
    %scan3A = arith.constant 0 : i32
    %scan3A_1 = arith.constant 64 : i32
    %scan3A_2 = arith.addi %scan3A, %scan3A_1 : i32
    %scan3A_3 = arith.constant 1 : i32
    scf.for %scan3A_243 = %scan3A to %scan3A_2 step %scan3A_3  : i32 {
      %mul3A_244 = arith.constant 1 : i32
      %mul3A_245 = arith.muli %scan3A_243, %mul3A_244 : i32
      %add3A_246 = arith.constant 0 : i32
      %add3A_247 = arith.addi %add3A_246, %mul3A_245 : i32
      %scan3A_248 = arith.constant 0 : i32
      %scan3A_249 = arith.constant 8 : i32
      %scan3A_250 = arith.addi %scan3A_248, %scan3A_249 : i32
      %scan3A_251 = arith.constant 1 : i32
      scf.for %scan3A_253 = %scan3A_248 to %scan3A_250 step %scan3A_251  : i32 {
        %mul3A_254 = arith.constant 1 : i32
        %mul3A_255 = arith.muli %scan3A_253, %mul3A_254 : i32
        %add3A_256 = arith.constant 0 : i32
        %add3A_257 = arith.addi %add3A_256, %mul3A_255 : i32
        %mul3A_258 = arith.constant 16 : i32
        %mul3A_259 = arith.muli %add3A_257, %mul3A_258 : i32
        %swap3A = arith.constant 0 : i32
        %swap3A_260 = arith.index_cast %swap3A : i32 to index
        %swap3A_261 = arith.index_cast %add3A_247 : i32 to index
        %swap3A_262 = arith.index_cast %mul3A_259 : i32 to index
        %swap3A_263 = tpu.vector_load %arg8[%swap3A_260, %swap3A_261, %swap3A_262] {strides = array<i32>} : memref<4x64x128xf32, #tpu.memory_space<vmem>>, vector<1x1x16xf32>,
        %swap3A_264 = vector.shape_cast %swap3A_263 : vector<1x1x16xf32> to vector<16xf32>
        %swap3A_265 = vector.shape_cast %broadcast_in_dim3A_0 : vector<16xf32> to vector<1x1x16xf32>
        tpu.vector_store %arg8[%swap3A_260, %swap3A_261, %swap3A_262], %swap3A_265 {strides = array<i32>} : memref<4x64x128xf32, #tpu.memory_space<vmem>>, vector<1x1x16xf32>,
      }
      %scan3A_252 = arith.constant 8 : i32
    }
    %scan3A_4 = arith.constant 64 : i32
    %scan3A_5 = arith.constant 0 : i32
    %scan3A_6 = arith.constant 10 : i32
    %scan3A_7 = arith.addi %scan3A_5, %scan3A_6 : i32
    %scan3A_8 = arith.constant 1 : i32
    scf.for %scan3A_243 = %scan3A_5 to %scan3A_7 step %scan3A_8  : i32 {
      %mul3A_244 = arith.constant 1 : i32
      %mul3A_245 = arith.muli %scan3A_243, %mul3A_244 : i32
      %add3A_246 = arith.constant 0 : i32
      %add3A_247 = arith.addi %add3A_246, %mul3A_245 : i32
      %mul3A_248 = arith.constant 640 : i32
      %mul3A_249 = arith.muli %arg1, %mul3A_248 : i32
      %mul3A_250 = arith.constant 64 : i32
      %mul3A_251 = arith.muli %add3A_247, %mul3A_250 : i32
      %add3A_252 = arith.addi %mul3A_249, %mul3A_251 : i32
      %run_scoped3A = arith.constant 0 : i32
      "tpu.region"() ({
        %run_scoped3A_253 = tpu.sem_alloc : memref<!tpu.dma_semaphore, #tpu.memory_space<semaphore_mem>>
        %dma_start3A_254 = arith.constant 0 : i32
        %dma_start3A_255 = arith.constant 0 : i32
        %dma_start3A_256 = tpu.memref_slice %arg8[%run_scoped3A, %dma_start3A_254, %dma_start3A_255] : memref<4x64x128xf32, #tpu.memory_space<vmem>> -> memref<1x64x128xf32, #tpu.memory_space<vmem>>
        %dma_start3A_257 = tpu.memref_squeeze %dma_start3A_256 : memref<1x64x128xf32, #tpu.memory_space<vmem>> -> memref<64x128xf32, #tpu.memory_space<vmem>>
        %dma_start3A_258 = arith.constant 0 : i32
        %dma_start3A_259 = tpu.memref_slice %arg9[%add3A_252, %dma_start3A_258] : memref<10240x128xf32, #tpu.memory_space<vmem_shared>> -> memref<64x128xf32, #tpu.memory_space<vmem_shared>>
        %dma_start3A_260 = arith.constant 0 : i32
        %dma_start3A_261 = tpu.memref_slice %arg9[%add3A_252, %dma_start3A_260] : memref<10240x128xf32, #tpu.memory_space<vmem_shared>> -> memref<64x128xf32, #tpu.memory_space<vmem_shared>>
        %dma_start3A_262 = arith.constant 0 : i32
        %dma_start3A_263 = arith.constant 0 : i32
        %dma_start3A_264 = tpu.memref_slice %arg8[%run_scoped3A, %dma_start3A_262, %dma_start3A_263] : memref<4x64x128xf32, #tpu.memory_space<vmem>> -> memref<1x64x128xf32, #tpu.memory_space<vmem>>
        %dma_start3A_265 = tpu.memref_squeeze %dma_start3A_264 : memref<1x64x128xf32, #tpu.memory_space<vmem>> -> memref<64x128xf32, #tpu.memory_space<vmem>>
        tpu.enqueue_dma source(%dma_start3A_265 : memref<64x128xf32, #tpu.memory_space<vmem>>) target(%dma_start3A_261 : memref<64x128xf32, #tpu.memory_space<vmem_shared>>) target_semaphore(%run_scoped3A_253 : memref<!tpu.dma_semaphore, #tpu.memory_space<semaphore_mem>>)
        %dma_wait3A = arith.constant 0 : i32
        %dma_wait3A_266 = arith.constant 0 : i32
        %dma_wait3A_267 = tpu.memref_slice %arg8[%run_scoped3A, %dma_wait3A, %dma_wait3A_266] : memref<4x64x128xf32, #tpu.memory_space<vmem>> -> memref<1x64x128xf32, #tpu.memory_space<vmem>>
        %dma_wait3A_268 = tpu.memref_squeeze %dma_wait3A_267 : memref<1x64x128xf32, #tpu.memory_space<vmem>> -> memref<64x128xf32, #tpu.memory_space<vmem>>
        %dma_wait3A_269 = arith.constant 0 : i32
        %dma_wait3A_270 = tpu.memref_slice %arg9[%add3A_252, %dma_wait3A_269] : memref<10240x128xf32, #tpu.memory_space<vmem_shared>> -> memref<64x128xf32, #tpu.memory_space<vmem_shared>>
        %dma_wait3A_271 = arith.constant 0 : i32
        %dma_wait3A_272 = tpu.memref_slice %arg9[%add3A_252, %dma_wait3A_271] : memref<10240x128xf32, #tpu.memory_space<vmem_shared>> -> memref<64x128xf32, #tpu.memory_space<vmem_shared>>
        %dma_wait3A_273 = arith.constant 0 : i32
        %dma_wait3A_274 = arith.constant 0 : i32
        %dma_wait3A_275 = tpu.memref_slice %arg8[%run_scoped3A, %dma_wait3A_273, %dma_wait3A_274] : memref<4x64x128xf32, #tpu.memory_space<vmem>> -> memref<1x64x128xf32, #tpu.memory_space<vmem>>
        %dma_wait3A_276 = tpu.memref_squeeze %dma_wait3A_275 : memref<1x64x128xf32, #tpu.memory_space<vmem>> -> memref<64x128xf32, #tpu.memory_space<vmem>>
        tpu.wait_dma2 semaphore(%run_scoped3A_253 : memref<!tpu.dma_semaphore, #tpu.memory_space<semaphore_mem>>) src(%dma_wait3A_276 : memref<64x128xf32, #tpu.memory_space<vmem>>) dst(%dma_wait3A_272 : memref<64x128xf32, #tpu.memory_space<vmem_shared>>)
        tpu.yield
      }) : () -> ()
    }
    %scan3A_9 = arith.constant 10 : i32
    %barrier3A = arith.constant 0 : index
    tpu.barrier barrier_id(%barrier3A)
    %mul3A = arith.constant 2 : i32
    %mul3A_10 = arith.muli %arg1, %mul3A : i32
    %add3A = arith.addi %mul3A_10, %arg0 : i32
    %mul3A_11 = arith.constant 160 : i32
    %mul3A_12 = arith.muli %add3A, %mul3A_11 : i32
    %add3A_13 = arith.constant 0 : i32
    %add3A_14 = arith.addi %mul3A_12, %add3A_13 : i32
    "tpu.region"() ({
      %run_scoped3A = tpu.sem_alloc : memref<!tpu.dma_semaphore, #tpu.memory_space<semaphore_mem>>
      %dma_start3A_243 = arith.constant 0 : i32
      %dma_start3A_244 = tpu.memref_slice %arg3[%add3A_14, %dma_start3A_243] : memref<5120x64xi32, #tpu.memory_space<hbm>> -> memref<40x64xi32, #tpu.memory_space<hbm>>
      %dma_start3A_245 = arith.constant 0 : i32
      %dma_start3A_246 = tpu.memref_slice %arg3[%add3A_14, %dma_start3A_245] : memref<5120x64xi32, #tpu.memory_space<hbm>> -> memref<40x64xi32, #tpu.memory_space<hbm>>
      tpu.enqueue_dma source(%dma_start3A_246 : memref<40x64xi32, #tpu.memory_space<hbm>>) target(%arg6 : memref<40x64xi32, #tpu.memory_space<vmem>>) target_semaphore(%run_scoped3A : memref<!tpu.dma_semaphore, #tpu.memory_space<semaphore_mem>>)
      %dma_wait3A = arith.constant 0 : i32
      %dma_wait3A_247 = tpu.memref_slice %arg3[%add3A_14, %dma_wait3A] : memref<5120x64xi32, #tpu.memory_space<hbm>> -> memref<40x64xi32, #tpu.memory_space<hbm>>
      %dma_wait3A_248 = arith.constant 0 : i32
      %dma_wait3A_249 = tpu.memref_slice %arg3[%add3A_14, %dma_wait3A_248] : memref<5120x64xi32, #tpu.memory_space<hbm>> -> memref<40x64xi32, #tpu.memory_space<hbm>>
      tpu.wait_dma2 semaphore(%run_scoped3A : memref<!tpu.dma_semaphore, #tpu.memory_space<semaphore_mem>>) src(%dma_wait3A_249 : memref<40x64xi32, #tpu.memory_space<hbm>>) dst(%arg6 : memref<40x64xi32, #tpu.memory_space<vmem>>)
      tpu.yield
    }) : () -> ()
    "tpu.region"() ({
      %run_scoped3A = tpu.sem_alloc : memref<!tpu.dma_semaphore, #tpu.memory_space<semaphore_mem>>
      %dma_start3A_243 = arith.constant 0 : i32
      %dma_start3A_244 = tpu.memref_slice %arg4[%add3A_14, %dma_start3A_243] : memref<5120x64xi32, #tpu.memory_space<hbm>> -> memref<40x64xi32, #tpu.memory_space<hbm>>
      %dma_start3A_245 = arith.constant 0 : i32
      %dma_start3A_246 = tpu.memref_slice %arg4[%add3A_14, %dma_start3A_245] : memref<5120x64xi32, #tpu.memory_space<hbm>> -> memref<40x64xi32, #tpu.memory_space<hbm>>
      tpu.enqueue_dma source(%dma_start3A_246 : memref<40x64xi32, #tpu.memory_space<hbm>>) target(%arg7 : memref<40x64xi32, #tpu.memory_space<vmem>>) target_semaphore(%run_scoped3A : memref<!tpu.dma_semaphore, #tpu.memory_space<semaphore_mem>>)
      %dma_wait3A = arith.constant 0 : i32
      %dma_wait3A_247 = tpu.memref_slice %arg4[%add3A_14, %dma_wait3A] : memref<5120x64xi32, #tpu.memory_space<hbm>> -> memref<40x64xi32, #tpu.memory_space<hbm>>
      %dma_wait3A_248 = arith.constant 0 : i32
      %dma_wait3A_249 = tpu.memref_slice %arg4[%add3A_14, %dma_wait3A_248] : memref<5120x64xi32, #tpu.memory_space<hbm>> -> memref<40x64xi32, #tpu.memory_space<hbm>>
      tpu.wait_dma2 semaphore(%run_scoped3A : memref<!tpu.dma_semaphore, #tpu.memory_space<semaphore_mem>>) src(%dma_wait3A_249 : memref<40x64xi32, #tpu.memory_space<hbm>>) dst(%arg7 : memref<40x64xi32, #tpu.memory_space<vmem>>)
      tpu.yield
    }) : () -> ()
    %dma_start3A = arith.constant 0 : i32
    %dma_start3A_15 = arith.constant 0 : i32
    %dma_start3A_16 = arith.constant 0 : i32
    %dma_start3A_17 = arith.constant 0 : i32
    %dma_start3A_18 = tpu.memref_slice %arg8[%dma_start3A_15, %dma_start3A_16, %dma_start3A_17] : memref<4x64x128xf32, #tpu.memory_space<vmem>> -> memref<1x64x128xf32, #tpu.memory_space<vmem>>
    %dma_start3A_19 = tpu.memref_squeeze %dma_start3A_18 : memref<1x64x128xf32, #tpu.memory_space<vmem>> -> memref<64x128xf32, #tpu.memory_space<vmem>>
    %dma_start3A_20 = arith.constant 0 : i32
    %dma_start3A_21 = tpu.memref_slice %arg6[%dma_start3A, %dma_start3A_20] : memref<40x64xi32, #tpu.memory_space<vmem>> -> memref<1x64xi32, #tpu.memory_space<vmem>>
    %dma_start3A_22 = tpu.memref_squeeze %dma_start3A_21 : memref<1x64xi32, #tpu.memory_space<vmem>> -> memref<64xi32, #tpu.memory_space<vmem>>
    %dma_start3A_23 = arith.constant 0 : i32
    %dma_start3A_24 = arith.constant 0 : i32
    %dma_start3A_25 = tpu.memref_slice %arg2[%dma_start3A_23, %dma_start3A_24] : memref<10240x128xf32, #tpu.memory_space<hbm>> -> memref<10240x128xf32, #tpu.memory_space<hbm>>
    tpu.enqueue_indirect_dma source(%dma_start3A_25 : memref<10240x128xf32, #tpu.memory_space<hbm>>) target(%dma_start3A_19 : memref<64x128xf32, #tpu.memory_space<vmem>>) offsets(%dma_start3A_22 : memref<64xi32, #tpu.memory_space<vmem>>) semaphore(%arg10 : memref<!tpu.dma_semaphore, #tpu.memory_space<semaphore_mem>>)
    %dma_start3A_26 = arith.constant 1 : i32
    %dma_start3A_27 = arith.constant 1 : i32
    %dma_start3A_28 = arith.constant 0 : i32
    %dma_start3A_29 = arith.constant 0 : i32
    %dma_start3A_30 = tpu.memref_slice %arg8[%dma_start3A_27, %dma_start3A_28, %dma_start3A_29] : memref<4x64x128xf32, #tpu.memory_space<vmem>> -> memref<1x64x128xf32, #tpu.memory_space<vmem>>
    %dma_start3A_31 = tpu.memref_squeeze %dma_start3A_30 : memref<1x64x128xf32, #tpu.memory_space<vmem>> -> memref<64x128xf32, #tpu.memory_space<vmem>>
    %dma_start3A_32 = arith.constant 0 : i32
    %dma_start3A_33 = tpu.memref_slice %arg6[%dma_start3A_26, %dma_start3A_32] : memref<40x64xi32, #tpu.memory_space<vmem>> -> memref<1x64xi32, #tpu.memory_space<vmem>>
    %dma_start3A_34 = tpu.memref_squeeze %dma_start3A_33 : memref<1x64xi32, #tpu.memory_space<vmem>> -> memref<64xi32, #tpu.memory_space<vmem>>
    %dma_start3A_35 = arith.constant 0 : i32
    %dma_start3A_36 = arith.constant 0 : i32
    %dma_start3A_37 = tpu.memref_slice %arg2[%dma_start3A_35, %dma_start3A_36] : memref<10240x128xf32, #tpu.memory_space<hbm>> -> memref<10240x128xf32, #tpu.memory_space<hbm>>
    tpu.enqueue_indirect_dma source(%dma_start3A_37 : memref<10240x128xf32, #tpu.memory_space<hbm>>) target(%dma_start3A_31 : memref<64x128xf32, #tpu.memory_space<vmem>>) offsets(%dma_start3A_34 : memref<64xi32, #tpu.memory_space<vmem>>) semaphore(%arg11 : memref<!tpu.dma_semaphore, #tpu.memory_space<semaphore_mem>>)
    %dma_start3A_38 = arith.constant 2 : i32
    %dma_start3A_39 = arith.constant 2 : i32
    %dma_start3A_40 = arith.constant 0 : i32
    %dma_start3A_41 = arith.constant 0 : i32
    %dma_start3A_42 = tpu.memref_slice %arg8[%dma_start3A_39, %dma_start3A_40, %dma_start3A_41] : memref<4x64x128xf32, #tpu.memory_space<vmem>> -> memref<1x64x128xf32, #tpu.memory_space<vmem>>
    %dma_start3A_43 = tpu.memref_squeeze %dma_start3A_42 : memref<1x64x128xf32, #tpu.memory_space<vmem>> -> memref<64x128xf32, #tpu.memory_space<vmem>>
    %dma_start3A_44 = arith.constant 0 : i32
    %dma_start3A_45 = tpu.memref_slice %arg6[%dma_start3A_38, %dma_start3A_44] : memref<40x64xi32, #tpu.memory_space<vmem>> -> memref<1x64xi32, #tpu.memory_space<vmem>>
    %dma_start3A_46 = tpu.memref_squeeze %dma_start3A_45 : memref<1x64xi32, #tpu.memory_space<vmem>> -> memref<64xi32, #tpu.memory_space<vmem>>
    %dma_start3A_47 = arith.constant 0 : i32
    %dma_start3A_48 = arith.constant 0 : i32
    %dma_start3A_49 = tpu.memref_slice %arg2[%dma_start3A_47, %dma_start3A_48] : memref<10240x128xf32, #tpu.memory_space<hbm>> -> memref<10240x128xf32, #tpu.memory_space<hbm>>
    tpu.enqueue_indirect_dma source(%dma_start3A_49 : memref<10240x128xf32, #tpu.memory_space<hbm>>) target(%dma_start3A_43 : memref<64x128xf32, #tpu.memory_space<vmem>>) offsets(%dma_start3A_46 : memref<64xi32, #tpu.memory_space<vmem>>) semaphore(%arg12 : memref<!tpu.dma_semaphore, #tpu.memory_space<semaphore_mem>>)
    %dma_start3A_50 = arith.constant 3 : i32
    %dma_start3A_51 = arith.constant 3 : i32
    %dma_start3A_52 = arith.constant 0 : i32
    %dma_start3A_53 = arith.constant 0 : i32
    %dma_start3A_54 = tpu.memref_slice %arg8[%dma_start3A_51, %dma_start3A_52, %dma_start3A_53] : memref<4x64x128xf32, #tpu.memory_space<vmem>> -> memref<1x64x128xf32, #tpu.memory_space<vmem>>
    %dma_start3A_55 = tpu.memref_squeeze %dma_start3A_54 : memref<1x64x128xf32, #tpu.memory_space<vmem>> -> memref<64x128xf32, #tpu.memory_space<vmem>>
    %dma_start3A_56 = arith.constant 0 : i32
    %dma_start3A_57 = tpu.memref_slice %arg6[%dma_start3A_50, %dma_start3A_56] : memref<40x64xi32, #tpu.memory_space<vmem>> -> memref<1x64xi32, #tpu.memory_space<vmem>>
    %dma_start3A_58 = tpu.memref_squeeze %dma_start3A_57 : memref<1x64xi32, #tpu.memory_space<vmem>> -> memref<64xi32, #tpu.memory_space<vmem>>
    %dma_start3A_59 = arith.constant 0 : i32
    %dma_start3A_60 = arith.constant 0 : i32
    %dma_start3A_61 = tpu.memref_slice %arg2[%dma_start3A_59, %dma_start3A_60] : memref<10240x128xf32, #tpu.memory_space<hbm>> -> memref<10240x128xf32, #tpu.memory_space<hbm>>
    tpu.enqueue_indirect_dma source(%dma_start3A_61 : memref<10240x128xf32, #tpu.memory_space<hbm>>) target(%dma_start3A_55 : memref<64x128xf32, #tpu.memory_space<vmem>>) offsets(%dma_start3A_58 : memref<64xi32, #tpu.memory_space<vmem>>) semaphore(%arg13 : memref<!tpu.dma_semaphore, #tpu.memory_space<semaphore_mem>>)
    %scan3A_62 = arith.constant 0 : i32
    %scan3A_63 = arith.constant 10 : i32
    %scan3A_64 = arith.addi %scan3A_62, %scan3A_63 : i32
    %scan3A_65 = arith.constant 1 : i32
    scf.for %scan3A_243 = %scan3A_62 to %scan3A_64 step %scan3A_65  : i32 {
      %mul3A_244 = arith.constant 4 : i32
      %mul3A_245 = arith.muli %scan3A_243, %mul3A_244 : i32
      %add3A_246 = arith.constant 0 : i32
      %add3A_247 = arith.addi %add3A_246, %mul3A_245 : i32
      %add3A_248 = arith.constant 0 : i32
      %add3A_249 = arith.addi %add3A_247, %add3A_248 : i32
      %dma_wait3A = arith.constant 0 : i32
      %dma_wait3A_250 = arith.constant 0 : i32
      %dma_wait3A_251 = arith.constant 0 : i32
      %dma_wait3A_252 = tpu.memref_slice %arg8[%dma_wait3A, %dma_wait3A_250, %dma_wait3A_251] : memref<4x64x128xf32, #tpu.memory_space<vmem>> -> memref<1x64x128xf32, #tpu.memory_space<vmem>>
      %dma_wait3A_253 = tpu.memref_squeeze %dma_wait3A_252 : memref<1x64x128xf32, #tpu.memory_space<vmem>> -> memref<64x128xf32, #tpu.memory_space<vmem>>
      %dma_wait3A_254 = arith.constant 0 : i32
      %dma_wait3A_255 = tpu.memref_slice %arg6[%add3A_249, %dma_wait3A_254] : memref<40x64xi32, #tpu.memory_space<vmem>> -> memref<1x64xi32, #tpu.memory_space<vmem>>
      %dma_wait3A_256 = tpu.memref_squeeze %dma_wait3A_255 : memref<1x64xi32, #tpu.memory_space<vmem>> -> memref<64xi32, #tpu.memory_space<vmem>>
      %dma_wait3A_257 = arith.constant 0 : i32
      %dma_wait3A_258 = arith.constant 0 : i32
      %dma_wait3A_259 = tpu.memref_slice %arg2[%dma_wait3A_257, %dma_wait3A_258] : memref<10240x128xf32, #tpu.memory_space<hbm>> -> memref<10240x128xf32, #tpu.memory_space<hbm>>
      tpu.wait_indirect_dma semaphore(%arg10 : memref<!tpu.dma_semaphore, #tpu.memory_space<semaphore_mem>>) src(%dma_wait3A_259 : memref<10240x128xf32, #tpu.memory_space<hbm>>) dst(%dma_wait3A_253 : memref<64x128xf32, #tpu.memory_space<vmem>>)
      %run_scoped3A = arith.constant 0 : i32
      "tpu.region"() ({
        %run_scoped3A_327 = tpu.sem_alloc : memref<!tpu.dma_semaphore, #tpu.memory_space<semaphore_mem>>
        %dma_start3A_328 = arith.constant 0 : i32
        %dma_start3A_329 = arith.constant 0 : i32
        %dma_start3A_330 = tpu.memref_slice %arg8[%run_scoped3A, %dma_start3A_328, %dma_start3A_329] : memref<4x64x128xf32, #tpu.memory_space<vmem>> -> memref<1x64x128xf32, #tpu.memory_space<vmem>>
        %dma_start3A_331 = tpu.memref_squeeze %dma_start3A_330 : memref<1x64x128xf32, #tpu.memory_space<vmem>> -> memref<64x128xf32, #tpu.memory_space<vmem>>
        %dma_start3A_332 = arith.constant 0 : i32
        %dma_start3A_333 = tpu.memref_slice %arg7[%add3A_249, %dma_start3A_332] : memref<40x64xi32, #tpu.memory_space<vmem>> -> memref<1x64xi32, #tpu.memory_space<vmem>>
        %dma_start3A_334 = tpu.memref_squeeze %dma_start3A_333 : memref<1x64xi32, #tpu.memory_space<vmem>> -> memref<64xi32, #tpu.memory_space<vmem>>
        %dma_start3A_335 = arith.constant 0 : i32
        %dma_start3A_336 = arith.constant 0 : i32
        %dma_start3A_337 = tpu.memref_slice %arg9[%dma_start3A_335, %dma_start3A_336] : memref<10240x128xf32, #tpu.memory_space<vmem_shared>> -> memref<10240x128xf32, #tpu.memory_space<vmem_shared>>
        tpu.enqueue_indirect_dma source(%dma_start3A_331 : memref<64x128xf32, #tpu.memory_space<vmem>>) target(%dma_start3A_337 : memref<10240x128xf32, #tpu.memory_space<vmem_shared>>) offsets(%dma_start3A_334 : memref<64xi32, #tpu.memory_space<vmem>>) semaphore(%run_scoped3A_327 : memref<!tpu.dma_semaphore, #tpu.memory_space<semaphore_mem>>) {add = true}
        %dma_wait3A_338 = arith.constant 0 : i32
        %dma_wait3A_339 = arith.constant 0 : i32
        %dma_wait3A_340 = tpu.memref_slice %arg8[%run_scoped3A, %dma_wait3A_338, %dma_wait3A_339] : memref<4x64x128xf32, #tpu.memory_space<vmem>> -> memref<1x64x128xf32, #tpu.memory_space<vmem>>
        %dma_wait3A_341 = tpu.memref_squeeze %dma_wait3A_340 : memref<1x64x128xf32, #tpu.memory_space<vmem>> -> memref<64x128xf32, #tpu.memory_space<vmem>>
        %dma_wait3A_342 = arith.constant 0 : i32
        %dma_wait3A_343 = tpu.memref_slice %arg7[%add3A_249, %dma_wait3A_342] : memref<40x64xi32, #tpu.memory_space<vmem>> -> memref<1x64xi32, #tpu.memory_space<vmem>>
        %dma_wait3A_344 = tpu.memref_squeeze %dma_wait3A_343 : memref<1x64xi32, #tpu.memory_space<vmem>> -> memref<64xi32, #tpu.memory_space<vmem>>
        %dma_wait3A_345 = arith.constant 0 : i32
        %dma_wait3A_346 = arith.constant 0 : i32
        %dma_wait3A_347 = tpu.memref_slice %arg9[%dma_wait3A_345, %dma_wait3A_346] : memref<10240x128xf32, #tpu.memory_space<vmem_shared>> -> memref<10240x128xf32, #tpu.memory_space<vmem_shared>>
        tpu.wait_indirect_dma semaphore(%run_scoped3A_327 : memref<!tpu.dma_semaphore, #tpu.memory_space<semaphore_mem>>) src(%dma_wait3A_341 : memref<64x128xf32, #tpu.memory_space<vmem>>) dst(%dma_wait3A_347 : memref<10240x128xf32, #tpu.memory_space<vmem_shared>>)
        tpu.yield
      }) : () -> ()
      %add3A_260 = arith.constant 4 : i32
      %add3A_261 = arith.addi %add3A_249, %add3A_260 : i32
      %lt3A = arith.constant 40 : i32
      %lt3A_262 = arith.cmpi slt, %add3A_261, %lt3A : i32
      %convert_element_type3A = arith.extui %lt3A_262 : i1 to i32
      %cond3A = arith.constant 0 : i32
      %cond3A_263 = arith.cmpi ne, %convert_element_type3A, %cond3A : i32
      scf.if %cond3A_263 {
        %add3A_327 = arith.constant 4 : i32
        %add3A_328 = arith.addi %add3A_249, %add3A_327 : i32
        %dma_start3A_329 = arith.constant 0 : i32
        %dma_start3A_330 = arith.constant 0 : i32
        %dma_start3A_331 = arith.constant 0 : i32
        %dma_start3A_332 = tpu.memref_slice %arg8[%dma_start3A_329, %dma_start3A_330, %dma_start3A_331] : memref<4x64x128xf32, #tpu.memory_space<vmem>> -> memref<1x64x128xf32, #tpu.memory_space<vmem>>
        %dma_start3A_333 = tpu.memref_squeeze %dma_start3A_332 : memref<1x64x128xf32, #tpu.memory_space<vmem>> -> memref<64x128xf32, #tpu.memory_space<vmem>>
        %dma_start3A_334 = arith.constant 0 : i32
        %dma_start3A_335 = tpu.memref_slice %arg6[%add3A_328, %dma_start3A_334] : memref<40x64xi32, #tpu.memory_space<vmem>> -> memref<1x64xi32, #tpu.memory_space<vmem>>
        %dma_start3A_336 = tpu.memref_squeeze %dma_start3A_335 : memref<1x64xi32, #tpu.memory_space<vmem>> -> memref<64xi32, #tpu.memory_space<vmem>>
        %dma_start3A_337 = arith.constant 0 : i32
        %dma_start3A_338 = arith.constant 0 : i32
        %dma_start3A_339 = tpu.memref_slice %arg2[%dma_start3A_337, %dma_start3A_338] : memref<10240x128xf32, #tpu.memory_space<hbm>> -> memref<10240x128xf32, #tpu.memory_space<hbm>>
        tpu.enqueue_indirect_dma source(%dma_start3A_339 : memref<10240x128xf32, #tpu.memory_space<hbm>>) target(%dma_start3A_333 : memref<64x128xf32, #tpu.memory_space<vmem>>) offsets(%dma_start3A_336 : memref<64xi32, #tpu.memory_space<vmem>>) semaphore(%arg10 : memref<!tpu.dma_semaphore, #tpu.memory_space<semaphore_mem>>)
      } else {
      }
      %add3A_264 = arith.constant 1 : i32
      %add3A_265 = arith.addi %add3A_247, %add3A_264 : i32
      %dma_wait3A_266 = arith.constant 1 : i32
      %dma_wait3A_267 = arith.constant 0 : i32
      %dma_wait3A_268 = arith.constant 0 : i32
      %dma_wait3A_269 = tpu.memref_slice %arg8[%dma_wait3A_266, %dma_wait3A_267, %dma_wait3A_268] : memref<4x64x128xf32, #tpu.memory_space<vmem>> -> memref<1x64x128xf32, #tpu.memory_space<vmem>>
      %dma_wait3A_270 = tpu.memref_squeeze %dma_wait3A_269 : memref<1x64x128xf32, #tpu.memory_space<vmem>> -> memref<64x128xf32, #tpu.memory_space<vmem>>
      %dma_wait3A_271 = arith.constant 0 : i32
      %dma_wait3A_272 = tpu.memref_slice %arg6[%add3A_265, %dma_wait3A_271] : memref<40x64xi32, #tpu.memory_space<vmem>> -> memref<1x64xi32, #tpu.memory_space<vmem>>
      %dma_wait3A_273 = tpu.memref_squeeze %dma_wait3A_272 : memref<1x64xi32, #tpu.memory_space<vmem>> -> memref<64xi32, #tpu.memory_space<vmem>>
      %dma_wait3A_274 = arith.constant 0 : i32
      %dma_wait3A_275 = arith.constant 0 : i32
      %dma_wait3A_276 = tpu.memref_slice %arg2[%dma_wait3A_274, %dma_wait3A_275] : memref<10240x128xf32, #tpu.memory_space<hbm>> -> memref<10240x128xf32, #tpu.memory_space<hbm>>
      tpu.wait_indirect_dma semaphore(%arg11 : memref<!tpu.dma_semaphore, #tpu.memory_space<semaphore_mem>>) src(%dma_wait3A_276 : memref<10240x128xf32, #tpu.memory_space<hbm>>) dst(%dma_wait3A_270 : memref<64x128xf32, #tpu.memory_space<vmem>>)
      %run_scoped3A_277 = arith.constant 1 : i32
      "tpu.region"() ({
        %run_scoped3A_327 = tpu.sem_alloc : memref<!tpu.dma_semaphore, #tpu.memory_space<semaphore_mem>>
        %dma_start3A_328 = arith.constant 0 : i32
        %dma_start3A_329 = arith.constant 0 : i32
        %dma_start3A_330 = tpu.memref_slice %arg8[%run_scoped3A_277, %dma_start3A_328, %dma_start3A_329] : memref<4x64x128xf32, #tpu.memory_space<vmem>> -> memref<1x64x128xf32, #tpu.memory_space<vmem>>
        %dma_start3A_331 = tpu.memref_squeeze %dma_start3A_330 : memref<1x64x128xf32, #tpu.memory_space<vmem>> -> memref<64x128xf32, #tpu.memory_space<vmem>>
        %dma_start3A_332 = arith.constant 0 : i32
        %dma_start3A_333 = tpu.memref_slice %arg7[%add3A_265, %dma_start3A_332] : memref<40x64xi32, #tpu.memory_space<vmem>> -> memref<1x64xi32, #tpu.memory_space<vmem>>
        %dma_start3A_334 = tpu.memref_squeeze %dma_start3A_333 : memref<1x64xi32, #tpu.memory_space<vmem>> -> memref<64xi32, #tpu.memory_space<vmem>>
        %dma_start3A_335 = arith.constant 0 : i32
        %dma_start3A_336 = arith.constant 0 : i32
        %dma_start3A_337 = tpu.memref_slice %arg9[%dma_start3A_335, %dma_start3A_336] : memref<10240x128xf32, #tpu.memory_space<vmem_shared>> -> memref<10240x128xf32, #tpu.memory_space<vmem_shared>>
        tpu.enqueue_indirect_dma source(%dma_start3A_331 : memref<64x128xf32, #tpu.memory_space<vmem>>) target(%dma_start3A_337 : memref<10240x128xf32, #tpu.memory_space<vmem_shared>>) offsets(%dma_start3A_334 : memref<64xi32, #tpu.memory_space<vmem>>) semaphore(%run_scoped3A_327 : memref<!tpu.dma_semaphore, #tpu.memory_space<semaphore_mem>>) {add = true}
        %dma_wait3A_338 = arith.constant 0 : i32
        %dma_wait3A_339 = arith.constant 0 : i32
        %dma_wait3A_340 = tpu.memref_slice %arg8[%run_scoped3A_277, %dma_wait3A_338, %dma_wait3A_339] : memref<4x64x128xf32, #tpu.memory_space<vmem>> -> memref<1x64x128xf32, #tpu.memory_space<vmem>>
        %dma_wait3A_341 = tpu.memref_squeeze %dma_wait3A_340 : memref<1x64x128xf32, #tpu.memory_space<vmem>> -> memref<64x128xf32, #tpu.memory_space<vmem>>
        %dma_wait3A_342 = arith.constant 0 : i32
        %dma_wait3A_343 = tpu.memref_slice %arg7[%add3A_265, %dma_wait3A_342] : memref<40x64xi32, #tpu.memory_space<vmem>> -> memref<1x64xi32, #tpu.memory_space<vmem>>
        %dma_wait3A_344 = tpu.memref_squeeze %dma_wait3A_343 : memref<1x64xi32, #tpu.memory_space<vmem>> -> memref<64xi32, #tpu.memory_space<vmem>>
        %dma_wait3A_345 = arith.constant 0 : i32
        %dma_wait3A_346 = arith.constant 0 : i32
        %dma_wait3A_347 = tpu.memref_slice %arg9[%dma_wait3A_345, %dma_wait3A_346] : memref<10240x128xf32, #tpu.memory_space<vmem_shared>> -> memref<10240x128xf32, #tpu.memory_space<vmem_shared>>
        tpu.wait_indirect_dma semaphore(%run_scoped3A_327 : memref<!tpu.dma_semaphore, #tpu.memory_space<semaphore_mem>>) src(%dma_wait3A_341 : memref<64x128xf32, #tpu.memory_space<vmem>>) dst(%dma_wait3A_347 : memref<10240x128xf32, #tpu.memory_space<vmem_shared>>)
        tpu.yield
      }) : () -> ()
      %add3A_278 = arith.constant 4 : i32
      %add3A_279 = arith.addi %add3A_265, %add3A_278 : i32
      %lt3A_280 = arith.constant 40 : i32
      %lt3A_281 = arith.cmpi slt, %add3A_279, %lt3A_280 : i32
      %convert_element_type3A_282 = arith.extui %lt3A_281 : i1 to i32
      %cond3A_283 = arith.constant 0 : i32
      %cond3A_284 = arith.cmpi ne, %convert_element_type3A_282, %cond3A_283 : i32
      scf.if %cond3A_284 {
        %add3A_327 = arith.constant 4 : i32
        %add3A_328 = arith.addi %add3A_265, %add3A_327 : i32
        %dma_start3A_329 = arith.constant 1 : i32
        %dma_start3A_330 = arith.constant 0 : i32
        %dma_start3A_331 = arith.constant 0 : i32
        %dma_start3A_332 = tpu.memref_slice %arg8[%dma_start3A_329, %dma_start3A_330, %dma_start3A_331] : memref<4x64x128xf32, #tpu.memory_space<vmem>> -> memref<1x64x128xf32, #tpu.memory_space<vmem>>
        %dma_start3A_333 = tpu.memref_squeeze %dma_start3A_332 : memref<1x64x128xf32, #tpu.memory_space<vmem>> -> memref<64x128xf32, #tpu.memory_space<vmem>>
        %dma_start3A_334 = arith.constant 0 : i32
        %dma_start3A_335 = tpu.memref_slice %arg6[%add3A_328, %dma_start3A_334] : memref<40x64xi32, #tpu.memory_space<vmem>> -> memref<1x64xi32, #tpu.memory_space<vmem>>
        %dma_start3A_336 = tpu.memref_squeeze %dma_start3A_335 : memref<1x64xi32, #tpu.memory_space<vmem>> -> memref<64xi32, #tpu.memory_space<vmem>>
        %dma_start3A_337 = arith.constant 0 : i32
        %dma_start3A_338 = arith.constant 0 : i32
        %dma_start3A_339 = tpu.memref_slice %arg2[%dma_start3A_337, %dma_start3A_338] : memref<10240x128xf32, #tpu.memory_space<hbm>> -> memref<10240x128xf32, #tpu.memory_space<hbm>>
        tpu.enqueue_indirect_dma source(%dma_start3A_339 : memref<10240x128xf32, #tpu.memory_space<hbm>>) target(%dma_start3A_333 : memref<64x128xf32, #tpu.memory_space<vmem>>) offsets(%dma_start3A_336 : memref<64xi32, #tpu.memory_space<vmem>>) semaphore(%arg11 : memref<!tpu.dma_semaphore, #tpu.memory_space<semaphore_mem>>)
      } else {
      }
      %add3A_285 = arith.constant 2 : i32
      %add3A_286 = arith.addi %add3A_247, %add3A_285 : i32
      %dma_wait3A_287 = arith.constant 2 : i32
      %dma_wait3A_288 = arith.constant 0 : i32
      %dma_wait3A_289 = arith.constant 0 : i32
      %dma_wait3A_290 = tpu.memref_slice %arg8[%dma_wait3A_287, %dma_wait3A_288, %dma_wait3A_289] : memref<4x64x128xf32, #tpu.memory_space<vmem>> -> memref<1x64x128xf32, #tpu.memory_space<vmem>>
      %dma_wait3A_291 = tpu.memref_squeeze %dma_wait3A_290 : memref<1x64x128xf32, #tpu.memory_space<vmem>> -> memref<64x128xf32, #tpu.memory_space<vmem>>
      %dma_wait3A_292 = arith.constant 0 : i32
      %dma_wait3A_293 = tpu.memref_slice %arg6[%add3A_286, %dma_wait3A_292] : memref<40x64xi32, #tpu.memory_space<vmem>> -> memref<1x64xi32, #tpu.memory_space<vmem>>
      %dma_wait3A_294 = tpu.memref_squeeze %dma_wait3A_293 : memref<1x64xi32, #tpu.memory_space<vmem>> -> memref<64xi32, #tpu.memory_space<vmem>>
      %dma_wait3A_295 = arith.constant 0 : i32
      %dma_wait3A_296 = arith.constant 0 : i32
      %dma_wait3A_297 = tpu.memref_slice %arg2[%dma_wait3A_295, %dma_wait3A_296] : memref<10240x128xf32, #tpu.memory_space<hbm>> -> memref<10240x128xf32, #tpu.memory_space<hbm>>
      tpu.wait_indirect_dma semaphore(%arg12 : memref<!tpu.dma_semaphore, #tpu.memory_space<semaphore_mem>>) src(%dma_wait3A_297 : memref<10240x128xf32, #tpu.memory_space<hbm>>) dst(%dma_wait3A_291 : memref<64x128xf32, #tpu.memory_space<vmem>>)
      %run_scoped3A_298 = arith.constant 2 : i32
      "tpu.region"() ({
        %run_scoped3A_327 = tpu.sem_alloc : memref<!tpu.dma_semaphore, #tpu.memory_space<semaphore_mem>>
        %dma_start3A_328 = arith.constant 0 : i32
        %dma_start3A_329 = arith.constant 0 : i32
        %dma_start3A_330 = tpu.memref_slice %arg8[%run_scoped3A_298, %dma_start3A_328, %dma_start3A_329] : memref<4x64x128xf32, #tpu.memory_space<vmem>> -> memref<1x64x128xf32, #tpu.memory_space<vmem>>
        %dma_start3A_331 = tpu.memref_squeeze %dma_start3A_330 : memref<1x64x128xf32, #tpu.memory_space<vmem>> -> memref<64x128xf32, #tpu.memory_space<vmem>>
        %dma_start3A_332 = arith.constant 0 : i32
        %dma_start3A_333 = tpu.memref_slice %arg7[%add3A_286, %dma_start3A_332] : memref<40x64xi32, #tpu.memory_space<vmem>> -> memref<1x64xi32, #tpu.memory_space<vmem>>
        %dma_start3A_334 = tpu.memref_squeeze %dma_start3A_333 : memref<1x64xi32, #tpu.memory_space<vmem>> -> memref<64xi32, #tpu.memory_space<vmem>>
        %dma_start3A_335 = arith.constant 0 : i32
        %dma_start3A_336 = arith.constant 0 : i32
        %dma_start3A_337 = tpu.memref_slice %arg9[%dma_start3A_335, %dma_start3A_336] : memref<10240x128xf32, #tpu.memory_space<vmem_shared>> -> memref<10240x128xf32, #tpu.memory_space<vmem_shared>>
        tpu.enqueue_indirect_dma source(%dma_start3A_331 : memref<64x128xf32, #tpu.memory_space<vmem>>) target(%dma_start3A_337 : memref<10240x128xf32, #tpu.memory_space<vmem_shared>>) offsets(%dma_start3A_334 : memref<64xi32, #tpu.memory_space<vmem>>) semaphore(%run_scoped3A_327 : memref<!tpu.dma_semaphore, #tpu.memory_space<semaphore_mem>>) {add = true}
        %dma_wait3A_338 = arith.constant 0 : i32
        %dma_wait3A_339 = arith.constant 0 : i32
        %dma_wait3A_340 = tpu.memref_slice %arg8[%run_scoped3A_298, %dma_wait3A_338, %dma_wait3A_339] : memref<4x64x128xf32, #tpu.memory_space<vmem>> -> memref<1x64x128xf32, #tpu.memory_space<vmem>>
        %dma_wait3A_341 = tpu.memref_squeeze %dma_wait3A_340 : memref<1x64x128xf32, #tpu.memory_space<vmem>> -> memref<64x128xf32, #tpu.memory_space<vmem>>
        %dma_wait3A_342 = arith.constant 0 : i32
        %dma_wait3A_343 = tpu.memref_slice %arg7[%add3A_286, %dma_wait3A_342] : memref<40x64xi32, #tpu.memory_space<vmem>> -> memref<1x64xi32, #tpu.memory_space<vmem>>
        %dma_wait3A_344 = tpu.memref_squeeze %dma_wait3A_343 : memref<1x64xi32, #tpu.memory_space<vmem>> -> memref<64xi32, #tpu.memory_space<vmem>>
        %dma_wait3A_345 = arith.constant 0 : i32
        %dma_wait3A_346 = arith.constant 0 : i32
        %dma_wait3A_347 = tpu.memref_slice %arg9[%dma_wait3A_345, %dma_wait3A_346] : memref<10240x128xf32, #tpu.memory_space<vmem_shared>> -> memref<10240x128xf32, #tpu.memory_space<vmem_shared>>
        tpu.wait_indirect_dma semaphore(%run_scoped3A_327 : memref<!tpu.dma_semaphore, #tpu.memory_space<semaphore_mem>>) src(%dma_wait3A_341 : memref<64x128xf32, #tpu.memory_space<vmem>>) dst(%dma_wait3A_347 : memref<10240x128xf32, #tpu.memory_space<vmem_shared>>)
        tpu.yield
      }) : () -> ()
      %add3A_299 = arith.constant 4 : i32
      %add3A_300 = arith.addi %add3A_286, %add3A_299 : i32
      %lt3A_301 = arith.constant 40 : i32
      %lt3A_302 = arith.cmpi slt, %add3A_300, %lt3A_301 : i32
      %convert_element_type3A_303 = arith.extui %lt3A_302 : i1 to i32
      %cond3A_304 = arith.constant 0 : i32
      %cond3A_305 = arith.cmpi ne, %convert_element_type3A_303, %cond3A_304 : i32
      scf.if %cond3A_305 {
        %add3A_327 = arith.constant 4 : i32
        %add3A_328 = arith.addi %add3A_286, %add3A_327 : i32
        %dma_start3A_329 = arith.constant 2 : i32
        %dma_start3A_330 = arith.constant 0 : i32
        %dma_start3A_331 = arith.constant 0 : i32
        %dma_start3A_332 = tpu.memref_slice %arg8[%dma_start3A_329, %dma_start3A_330, %dma_start3A_331] : memref<4x64x128xf32, #tpu.memory_space<vmem>> -> memref<1x64x128xf32, #tpu.memory_space<vmem>>
        %dma_start3A_333 = tpu.memref_squeeze %dma_start3A_332 : memref<1x64x128xf32, #tpu.memory_space<vmem>> -> memref<64x128xf32, #tpu.memory_space<vmem>>
        %dma_start3A_334 = arith.constant 0 : i32
        %dma_start3A_335 = tpu.memref_slice %arg6[%add3A_328, %dma_start3A_334] : memref<40x64xi32, #tpu.memory_space<vmem>> -> memref<1x64xi32, #tpu.memory_space<vmem>>
        %dma_start3A_336 = tpu.memref_squeeze %dma_start3A_335 : memref<1x64xi32, #tpu.memory_space<vmem>> -> memref<64xi32, #tpu.memory_space<vmem>>
        %dma_start3A_337 = arith.constant 0 : i32
        %dma_start3A_338 = arith.constant 0 : i32
        %dma_start3A_339 = tpu.memref_slice %arg2[%dma_start3A_337, %dma_start3A_338] : memref<10240x128xf32, #tpu.memory_space<hbm>> -> memref<10240x128xf32, #tpu.memory_space<hbm>>
        tpu.enqueue_indirect_dma source(%dma_start3A_339 : memref<10240x128xf32, #tpu.memory_space<hbm>>) target(%dma_start3A_333 : memref<64x128xf32, #tpu.memory_space<vmem>>) offsets(%dma_start3A_336 : memref<64xi32, #tpu.memory_space<vmem>>) semaphore(%arg12 : memref<!tpu.dma_semaphore, #tpu.memory_space<semaphore_mem>>)
      } else {
      }
      %add3A_306 = arith.constant 3 : i32
      %add3A_307 = arith.addi %add3A_247, %add3A_306 : i32
      %dma_wait3A_308 = arith.constant 3 : i32
      %dma_wait3A_309 = arith.constant 0 : i32
      %dma_wait3A_310 = arith.constant 0 : i32
      %dma_wait3A_311 = tpu.memref_slice %arg8[%dma_wait3A_308, %dma_wait3A_309, %dma_wait3A_310] : memref<4x64x128xf32, #tpu.memory_space<vmem>> -> memref<1x64x128xf32, #tpu.memory_space<vmem>>
      %dma_wait3A_312 = tpu.memref_squeeze %dma_wait3A_311 : memref<1x64x128xf32, #tpu.memory_space<vmem>> -> memref<64x128xf32, #tpu.memory_space<vmem>>
      %dma_wait3A_313 = arith.constant 0 : i32
      %dma_wait3A_314 = tpu.memref_slice %arg6[%add3A_307, %dma_wait3A_313] : memref<40x64xi32, #tpu.memory_space<vmem>> -> memref<1x64xi32, #tpu.memory_space<vmem>>
      %dma_wait3A_315 = tpu.memref_squeeze %dma_wait3A_314 : memref<1x64xi32, #tpu.memory_space<vmem>> -> memref<64xi32, #tpu.memory_space<vmem>>
      %dma_wait3A_316 = arith.constant 0 : i32
      %dma_wait3A_317 = arith.constant 0 : i32
      %dma_wait3A_318 = tpu.memref_slice %arg2[%dma_wait3A_316, %dma_wait3A_317] : memref<10240x128xf32, #tpu.memory_space<hbm>> -> memref<10240x128xf32, #tpu.memory_space<hbm>>
      tpu.wait_indirect_dma semaphore(%arg13 : memref<!tpu.dma_semaphore, #tpu.memory_space<semaphore_mem>>) src(%dma_wait3A_318 : memref<10240x128xf32, #tpu.memory_space<hbm>>) dst(%dma_wait3A_312 : memref<64x128xf32, #tpu.memory_space<vmem>>)
      %run_scoped3A_319 = arith.constant 3 : i32
      "tpu.region"() ({
        %run_scoped3A_327 = tpu.sem_alloc : memref<!tpu.dma_semaphore, #tpu.memory_space<semaphore_mem>>
        %dma_start3A_328 = arith.constant 0 : i32
        %dma_start3A_329 = arith.constant 0 : i32
        %dma_start3A_330 = tpu.memref_slice %arg8[%run_scoped3A_319, %dma_start3A_328, %dma_start3A_329] : memref<4x64x128xf32, #tpu.memory_space<vmem>> -> memref<1x64x128xf32, #tpu.memory_space<vmem>>
        %dma_start3A_331 = tpu.memref_squeeze %dma_start3A_330 : memref<1x64x128xf32, #tpu.memory_space<vmem>> -> memref<64x128xf32, #tpu.memory_space<vmem>>
        %dma_start3A_332 = arith.constant 0 : i32
        %dma_start3A_333 = tpu.memref_slice %arg7[%add3A_307, %dma_start3A_332] : memref<40x64xi32, #tpu.memory_space<vmem>> -> memref<1x64xi32, #tpu.memory_space<vmem>>
        %dma_start3A_334 = tpu.memref_squeeze %dma_start3A_333 : memref<1x64xi32, #tpu.memory_space<vmem>> -> memref<64xi32, #tpu.memory_space<vmem>>
        %dma_start3A_335 = arith.constant 0 : i32
        %dma_start3A_336 = arith.constant 0 : i32
        %dma_start3A_337 = tpu.memref_slice %arg9[%dma_start3A_335, %dma_start3A_336] : memref<10240x128xf32, #tpu.memory_space<vmem_shared>> -> memref<10240x128xf32, #tpu.memory_space<vmem_shared>>
        tpu.enqueue_indirect_dma source(%dma_start3A_331 : memref<64x128xf32, #tpu.memory_space<vmem>>) target(%dma_start3A_337 : memref<10240x128xf32, #tpu.memory_space<vmem_shared>>) offsets(%dma_start3A_334 : memref<64xi32, #tpu.memory_space<vmem>>) semaphore(%run_scoped3A_327 : memref<!tpu.dma_semaphore, #tpu.memory_space<semaphore_mem>>) {add = true}
        %dma_wait3A_338 = arith.constant 0 : i32
        %dma_wait3A_339 = arith.constant 0 : i32
        %dma_wait3A_340 = tpu.memref_slice %arg8[%run_scoped3A_319, %dma_wait3A_338, %dma_wait3A_339] : memref<4x64x128xf32, #tpu.memory_space<vmem>> -> memref<1x64x128xf32, #tpu.memory_space<vmem>>
        %dma_wait3A_341 = tpu.memref_squeeze %dma_wait3A_340 : memref<1x64x128xf32, #tpu.memory_space<vmem>> -> memref<64x128xf32, #tpu.memory_space<vmem>>
        %dma_wait3A_342 = arith.constant 0 : i32
        %dma_wait3A_343 = tpu.memref_slice %arg7[%add3A_307, %dma_wait3A_342] : memref<40x64xi32, #tpu.memory_space<vmem>> -> memref<1x64xi32, #tpu.memory_space<vmem>>
        %dma_wait3A_344 = tpu.memref_squeeze %dma_wait3A_343 : memref<1x64xi32, #tpu.memory_space<vmem>> -> memref<64xi32, #tpu.memory_space<vmem>>
        %dma_wait3A_345 = arith.constant 0 : i32
        %dma_wait3A_346 = arith.constant 0 : i32
        %dma_wait3A_347 = tpu.memref_slice %arg9[%dma_wait3A_345, %dma_wait3A_346] : memref<10240x128xf32, #tpu.memory_space<vmem_shared>> -> memref<10240x128xf32, #tpu.memory_space<vmem_shared>>
        tpu.wait_indirect_dma semaphore(%run_scoped3A_327 : memref<!tpu.dma_semaphore, #tpu.memory_space<semaphore_mem>>) src(%dma_wait3A_341 : memref<64x128xf32, #tpu.memory_space<vmem>>) dst(%dma_wait3A_347 : memref<10240x128xf32, #tpu.memory_space<vmem_shared>>)
        tpu.yield
      }) : () -> ()
      %add3A_320 = arith.constant 4 : i32
      %add3A_321 = arith.addi %add3A_307, %add3A_320 : i32
      %lt3A_322 = arith.constant 40 : i32
      %lt3A_323 = arith.cmpi slt, %add3A_321, %lt3A_322 : i32
      %convert_element_type3A_324 = arith.extui %lt3A_323 : i1 to i32
      %cond3A_325 = arith.constant 0 : i32
      %cond3A_326 = arith.cmpi ne, %convert_element_type3A_324, %cond3A_325 : i32
      scf.if %cond3A_326 {
        %add3A_327 = arith.constant 4 : i32
        %add3A_328 = arith.addi %add3A_307, %add3A_327 : i32
        %dma_start3A_329 = arith.constant 3 : i32
        %dma_start3A_330 = arith.constant 0 : i32
        %dma_start3A_331 = arith.constant 0 : i32
        %dma_start3A_332 = tpu.memref_slice %arg8[%dma_start3A_329, %dma_start3A_330, %dma_start3A_331] : memref<4x64x128xf32, #tpu.memory_space<vmem>> -> memref<1x64x128xf32, #tpu.memory_space<vmem>>
        %dma_start3A_333 = tpu.memref_squeeze %dma_start3A_332 : memref<1x64x128xf32, #tpu.memory_space<vmem>> -> memref<64x128xf32, #tpu.memory_space<vmem>>
        %dma_start3A_334 = arith.constant 0 : i32
        %dma_start3A_335 = tpu.memref_slice %arg6[%add3A_328, %dma_start3A_334] : memref<40x64xi32, #tpu.memory_space<vmem>> -> memref<1x64xi32, #tpu.memory_space<vmem>>
        %dma_start3A_336 = tpu.memref_squeeze %dma_start3A_335 : memref<1x64xi32, #tpu.memory_space<vmem>> -> memref<64xi32, #tpu.memory_space<vmem>>
        %dma_start3A_337 = arith.constant 0 : i32
        %dma_start3A_338 = arith.constant 0 : i32
        %dma_start3A_339 = tpu.memref_slice %arg2[%dma_start3A_337, %dma_start3A_338] : memref<10240x128xf32, #tpu.memory_space<hbm>> -> memref<10240x128xf32, #tpu.memory_space<hbm>>
        tpu.enqueue_indirect_dma source(%dma_start3A_339 : memref<10240x128xf32, #tpu.memory_space<hbm>>) target(%dma_start3A_333 : memref<64x128xf32, #tpu.memory_space<vmem>>) offsets(%dma_start3A_336 : memref<64xi32, #tpu.memory_space<vmem>>) semaphore(%arg13 : memref<!tpu.dma_semaphore, #tpu.memory_space<semaphore_mem>>)
      } else {
      }
    }
    %scan3A_66 = arith.constant 10 : i32
    %mul3A_67 = arith.constant 160 : i32
    %mul3A_68 = arith.muli %add3A, %mul3A_67 : i32
    %add3A_69 = arith.constant 40 : i32
    %add3A_70 = arith.addi %mul3A_68, %add3A_69 : i32
    "tpu.region"() ({
      %run_scoped3A = tpu.sem_alloc : memref<!tpu.dma_semaphore, #tpu.memory_space<semaphore_mem>>
      %dma_start3A_243 = arith.constant 0 : i32
      %dma_start3A_244 = tpu.memref_slice %arg3[%add3A_70, %dma_start3A_243] : memref<5120x64xi32, #tpu.memory_space<hbm>> -> memref<40x64xi32, #tpu.memory_space<hbm>>
      %dma_start3A_245 = arith.constant 0 : i32
      %dma_start3A_246 = tpu.memref_slice %arg3[%add3A_70, %dma_start3A_245] : memref<5120x64xi32, #tpu.memory_space<hbm>> -> memref<40x64xi32, #tpu.memory_space<hbm>>
      tpu.enqueue_dma source(%dma_start3A_246 : memref<40x64xi32, #tpu.memory_space<hbm>>) target(%arg6 : memref<40x64xi32, #tpu.memory_space<vmem>>) target_semaphore(%run_scoped3A : memref<!tpu.dma_semaphore, #tpu.memory_space<semaphore_mem>>)
      %dma_wait3A = arith.constant 0 : i32
      %dma_wait3A_247 = tpu.memref_slice %arg3[%add3A_70, %dma_wait3A] : memref<5120x64xi32, #tpu.memory_space<hbm>> -> memref<40x64xi32, #tpu.memory_space<hbm>>
      %dma_wait3A_248 = arith.constant 0 : i32
      %dma_wait3A_249 = tpu.memref_slice %arg3[%add3A_70, %dma_wait3A_248] : memref<5120x64xi32, #tpu.memory_space<hbm>> -> memref<40x64xi32, #tpu.memory_space<hbm>>
      tpu.wait_dma2 semaphore(%run_scoped3A : memref<!tpu.dma_semaphore, #tpu.memory_space<semaphore_mem>>) src(%dma_wait3A_249 : memref<40x64xi32, #tpu.memory_space<hbm>>) dst(%arg6 : memref<40x64xi32, #tpu.memory_space<vmem>>)
      tpu.yield
    }) : () -> ()
    "tpu.region"() ({
      %run_scoped3A = tpu.sem_alloc : memref<!tpu.dma_semaphore, #tpu.memory_space<semaphore_mem>>
      %dma_start3A_243 = arith.constant 0 : i32
      %dma_start3A_244 = tpu.memref_slice %arg4[%add3A_70, %dma_start3A_243] : memref<5120x64xi32, #tpu.memory_space<hbm>> -> memref<40x64xi32, #tpu.memory_space<hbm>>
      %dma_start3A_245 = arith.constant 0 : i32
      %dma_start3A_246 = tpu.memref_slice %arg4[%add3A_70, %dma_start3A_245] : memref<5120x64xi32, #tpu.memory_space<hbm>> -> memref<40x64xi32, #tpu.memory_space<hbm>>
      tpu.enqueue_dma source(%dma_start3A_246 : memref<40x64xi32, #tpu.memory_space<hbm>>) target(%arg7 : memref<40x64xi32, #tpu.memory_space<vmem>>) target_semaphore(%run_scoped3A : memref<!tpu.dma_semaphore, #tpu.memory_space<semaphore_mem>>)
      %dma_wait3A = arith.constant 0 : i32
      %dma_wait3A_247 = tpu.memref_slice %arg4[%add3A_70, %dma_wait3A] : memref<5120x64xi32, #tpu.memory_space<hbm>> -> memref<40x64xi32, #tpu.memory_space<hbm>>
      %dma_wait3A_248 = arith.constant 0 : i32
      %dma_wait3A_249 = tpu.memref_slice %arg4[%add3A_70, %dma_wait3A_248] : memref<5120x64xi32, #tpu.memory_space<hbm>> -> memref<40x64xi32, #tpu.memory_space<hbm>>
      tpu.wait_dma2 semaphore(%run_scoped3A : memref<!tpu.dma_semaphore, #tpu.memory_space<semaphore_mem>>) src(%dma_wait3A_249 : memref<40x64xi32, #tpu.memory_space<hbm>>) dst(%arg7 : memref<40x64xi32, #tpu.memory_space<vmem>>)
      tpu.yield
    }) : () -> ()
    %dma_start3A_71 = arith.constant 0 : i32
    %dma_start3A_72 = arith.constant 0 : i32
    %dma_start3A_73 = arith.constant 0 : i32
    %dma_start3A_74 = arith.constant 0 : i32
    %dma_start3A_75 = tpu.memref_slice %arg8[%dma_start3A_72, %dma_start3A_73, %dma_start3A_74] : memref<4x64x128xf32, #tpu.memory_space<vmem>> -> memref<1x64x128xf32, #tpu.memory_space<vmem>>
    %dma_start3A_76 = tpu.memref_squeeze %dma_start3A_75 : memref<1x64x128xf32, #tpu.memory_space<vmem>> -> memref<64x128xf32, #tpu.memory_space<vmem>>
    %dma_start3A_77 = arith.constant 0 : i32
    %dma_start3A_78 = tpu.memref_slice %arg6[%dma_start3A_71, %dma_start3A_77] : memref<40x64xi32, #tpu.memory_space<vmem>> -> memref<1x64xi32, #tpu.memory_space<vmem>>
    %dma_start3A_79 = tpu.memref_squeeze %dma_start3A_78 : memref<1x64xi32, #tpu.memory_space<vmem>> -> memref<64xi32, #tpu.memory_space<vmem>>
    %dma_start3A_80 = arith.constant 0 : i32
    %dma_start3A_81 = arith.constant 0 : i32
    %dma_start3A_82 = tpu.memref_slice %arg2[%dma_start3A_80, %dma_start3A_81] : memref<10240x128xf32, #tpu.memory_space<hbm>> -> memref<10240x128xf32, #tpu.memory_space<hbm>>
    tpu.enqueue_indirect_dma source(%dma_start3A_82 : memref<10240x128xf32, #tpu.memory_space<hbm>>) target(%dma_start3A_76 : memref<64x128xf32, #tpu.memory_space<vmem>>) offsets(%dma_start3A_79 : memref<64xi32, #tpu.memory_space<vmem>>) semaphore(%arg10 : memref<!tpu.dma_semaphore, #tpu.memory_space<semaphore_mem>>)
    %dma_start3A_83 = arith.constant 1 : i32
    %dma_start3A_84 = arith.constant 1 : i32
    %dma_start3A_85 = arith.constant 0 : i32
    %dma_start3A_86 = arith.constant 0 : i32
    %dma_start3A_87 = tpu.memref_slice %arg8[%dma_start3A_84, %dma_start3A_85, %dma_start3A_86] : memref<4x64x128xf32, #tpu.memory_space<vmem>> -> memref<1x64x128xf32, #tpu.memory_space<vmem>>
    %dma_start3A_88 = tpu.memref_squeeze %dma_start3A_87 : memref<1x64x128xf32, #tpu.memory_space<vmem>> -> memref<64x128xf32, #tpu.memory_space<vmem>>
    %dma_start3A_89 = arith.constant 0 : i32
    %dma_start3A_90 = tpu.memref_slice %arg6[%dma_start3A_83, %dma_start3A_89] : memref<40x64xi32, #tpu.memory_space<vmem>> -> memref<1x64xi32, #tpu.memory_space<vmem>>
    %dma_start3A_91 = tpu.memref_squeeze %dma_start3A_90 : memref<1x64xi32, #tpu.memory_space<vmem>> -> memref<64xi32, #tpu.memory_space<vmem>>
    %dma_start3A_92 = arith.constant 0 : i32
    %dma_start3A_93 = arith.constant 0 : i32
    %dma_start3A_94 = tpu.memref_slice %arg2[%dma_start3A_92, %dma_start3A_93] : memref<10240x128xf32, #tpu.memory_space<hbm>> -> memref<10240x128xf32, #tpu.memory_space<hbm>>
    tpu.enqueue_indirect_dma source(%dma_start3A_94 : memref<10240x128xf32, #tpu.memory_space<hbm>>) target(%dma_start3A_88 : memref<64x128xf32, #tpu.memory_space<vmem>>) offsets(%dma_start3A_91 : memref<64xi32, #tpu.memory_space<vmem>>) semaphore(%arg11 : memref<!tpu.dma_semaphore, #tpu.memory_space<semaphore_mem>>)
    %dma_start3A_95 = arith.constant 2 : i32
    %dma_start3A_96 = arith.constant 2 : i32
    %dma_start3A_97 = arith.constant 0 : i32
    %dma_start3A_98 = arith.constant 0 : i32
    %dma_start3A_99 = tpu.memref_slice %arg8[%dma_start3A_96, %dma_start3A_97, %dma_start3A_98] : memref<4x64x128xf32, #tpu.memory_space<vmem>> -> memref<1x64x128xf32, #tpu.memory_space<vmem>>
    %dma_start3A_100 = tpu.memref_squeeze %dma_start3A_99 : memref<1x64x128xf32, #tpu.memory_space<vmem>> -> memref<64x128xf32, #tpu.memory_space<vmem>>
    %dma_start3A_101 = arith.constant 0 : i32
    %dma_start3A_102 = tpu.memref_slice %arg6[%dma_start3A_95, %dma_start3A_101] : memref<40x64xi32, #tpu.memory_space<vmem>> -> memref<1x64xi32, #tpu.memory_space<vmem>>
    %dma_start3A_103 = tpu.memref_squeeze %dma_start3A_102 : memref<1x64xi32, #tpu.memory_space<vmem>> -> memref<64xi32, #tpu.memory_space<vmem>>
    %dma_start3A_104 = arith.constant 0 : i32
    %dma_start3A_105 = arith.constant 0 : i32
    %dma_start3A_106 = tpu.memref_slice %arg2[%dma_start3A_104, %dma_start3A_105] : memref<10240x128xf32, #tpu.memory_space<hbm>> -> memref<10240x128xf32, #tpu.memory_space<hbm>>
    tpu.enqueue_indirect_dma source(%dma_start3A_106 : memref<10240x128xf32, #tpu.memory_space<hbm>>) target(%dma_start3A_100 : memref<64x128xf32, #tpu.memory_space<vmem>>) offsets(%dma_start3A_103 : memref<64xi32, #tpu.memory_space<vmem>>) semaphore(%arg12 : memref<!tpu.dma_semaphore, #tpu.memory_space<semaphore_mem>>)
    %dma_start3A_107 = arith.constant 3 : i32
    %dma_start3A_108 = arith.constant 3 : i32
    %dma_start3A_109 = arith.constant 0 : i32
    %dma_start3A_110 = arith.constant 0 : i32
    %dma_start3A_111 = tpu.memref_slice %arg8[%dma_start3A_108, %dma_start3A_109, %dma_start3A_110] : memref<4x64x128xf32, #tpu.memory_space<vmem>> -> memref<1x64x128xf32, #tpu.memory_space<vmem>>
    %dma_start3A_112 = tpu.memref_squeeze %dma_start3A_111 : memref<1x64x128xf32, #tpu.memory_space<vmem>> -> memref<64x128xf32, #tpu.memory_space<vmem>>
    %dma_start3A_113 = arith.constant 0 : i32
    %dma_start3A_114 = tpu.memref_slice %arg6[%dma_start3A_107, %dma_start3A_113] : memref<40x64xi32, #tpu.memory_space<vmem>> -> memref<1x64xi32, #tpu.memory_space<vmem>>
    %dma_start3A_115 = tpu.memref_squeeze %dma_start3A_114 : memref<1x64xi32, #tpu.memory_space<vmem>> -> memref<64xi32, #tpu.memory_space<vmem>>
    %dma_start3A_116 = arith.constant 0 : i32
    %dma_start3A_117 = arith.constant 0 : i32
    %dma_start3A_118 = tpu.memref_slice %arg2[%dma_start3A_116, %dma_start3A_117] : memref<10240x128xf32, #tpu.memory_space<hbm>> -> memref<10240x128xf32, #tpu.memory_space<hbm>>
    tpu.enqueue_indirect_dma source(%dma_start3A_118 : memref<10240x128xf32, #tpu.memory_space<hbm>>) target(%dma_start3A_112 : memref<64x128xf32, #tpu.memory_space<vmem>>) offsets(%dma_start3A_115 : memref<64xi32, #tpu.memory_space<vmem>>) semaphore(%arg13 : memref<!tpu.dma_semaphore, #tpu.memory_space<semaphore_mem>>)
    %scan3A_119 = arith.constant 0 : i32
    %scan3A_120 = arith.constant 10 : i32
    %scan3A_121 = arith.addi %scan3A_119, %scan3A_120 : i32
    %scan3A_122 = arith.constant 1 : i32
    scf.for %scan3A_243 = %scan3A_119 to %scan3A_121 step %scan3A_122  : i32 {
      %mul3A_244 = arith.constant 4 : i32
      %mul3A_245 = arith.muli %scan3A_243, %mul3A_244 : i32
      %add3A_246 = arith.constant 0 : i32
      %add3A_247 = arith.addi %add3A_246, %mul3A_245 : i32
      %add3A_248 = arith.constant 0 : i32
      %add3A_249 = arith.addi %add3A_247, %add3A_248 : i32
      %dma_wait3A = arith.constant 0 : i32
      %dma_wait3A_250 = arith.constant 0 : i32
      %dma_wait3A_251 = arith.constant 0 : i32
      %dma_wait3A_252 = tpu.memref_slice %arg8[%dma_wait3A, %dma_wait3A_250, %dma_wait3A_251] : memref<4x64x128xf32, #tpu.memory_space<vmem>> -> memref<1x64x128xf32, #tpu.memory_space<vmem>>
      %dma_wait3A_253 = tpu.memref_squeeze %dma_wait3A_252 : memref<1x64x128xf32, #tpu.memory_space<vmem>> -> memref<64x128xf32, #tpu.memory_space<vmem>>
      %dma_wait3A_254 = arith.constant 0 : i32
      %dma_wait3A_255 = tpu.memref_slice %arg6[%add3A_249, %dma_wait3A_254] : memref<40x64xi32, #tpu.memory_space<vmem>> -> memref<1x64xi32, #tpu.memory_space<vmem>>
      %dma_wait3A_256 = tpu.memref_squeeze %dma_wait3A_255 : memref<1x64xi32, #tpu.memory_space<vmem>> -> memref<64xi32, #tpu.memory_space<vmem>>
      %dma_wait3A_257 = arith.constant 0 : i32
      %dma_wait3A_258 = arith.constant 0 : i32
      %dma_wait3A_259 = tpu.memref_slice %arg2[%dma_wait3A_257, %dma_wait3A_258] : memref<10240x128xf32, #tpu.memory_space<hbm>> -> memref<10240x128xf32, #tpu.memory_space<hbm>>
      tpu.wait_indirect_dma semaphore(%arg10 : memref<!tpu.dma_semaphore, #tpu.memory_space<semaphore_mem>>) src(%dma_wait3A_259 : memref<10240x128xf32, #tpu.memory_space<hbm>>) dst(%dma_wait3A_253 : memref<64x128xf32, #tpu.memory_space<vmem>>)
      %run_scoped3A = arith.constant 0 : i32
      "tpu.region"() ({
        %run_scoped3A_327 = tpu.sem_alloc : memref<!tpu.dma_semaphore, #tpu.memory_space<semaphore_mem>>
        %dma_start3A_328 = arith.constant 0 : i32
        %dma_start3A_329 = arith.constant 0 : i32
        %dma_start3A_330 = tpu.memref_slice %arg8[%run_scoped3A, %dma_start3A_328, %dma_start3A_329] : memref<4x64x128xf32, #tpu.memory_space<vmem>> -> memref<1x64x128xf32, #tpu.memory_space<vmem>>
        %dma_start3A_331 = tpu.memref_squeeze %dma_start3A_330 : memref<1x64x128xf32, #tpu.memory_space<vmem>> -> memref<64x128xf32, #tpu.memory_space<vmem>>
        %dma_start3A_332 = arith.constant 0 : i32
        %dma_start3A_333 = tpu.memref_slice %arg7[%add3A_249, %dma_start3A_332] : memref<40x64xi32, #tpu.memory_space<vmem>> -> memref<1x64xi32, #tpu.memory_space<vmem>>
        %dma_start3A_334 = tpu.memref_squeeze %dma_start3A_333 : memref<1x64xi32, #tpu.memory_space<vmem>> -> memref<64xi32, #tpu.memory_space<vmem>>
        %dma_start3A_335 = arith.constant 0 : i32
        %dma_start3A_336 = arith.constant 0 : i32
        %dma_start3A_337 = tpu.memref_slice %arg9[%dma_start3A_335, %dma_start3A_336] : memref<10240x128xf32, #tpu.memory_space<vmem_shared>> -> memref<10240x128xf32, #tpu.memory_space<vmem_shared>>
        tpu.enqueue_indirect_dma source(%dma_start3A_331 : memref<64x128xf32, #tpu.memory_space<vmem>>) target(%dma_start3A_337 : memref<10240x128xf32, #tpu.memory_space<vmem_shared>>) offsets(%dma_start3A_334 : memref<64xi32, #tpu.memory_space<vmem>>) semaphore(%run_scoped3A_327 : memref<!tpu.dma_semaphore, #tpu.memory_space<semaphore_mem>>) {add = true}
        %dma_wait3A_338 = arith.constant 0 : i32
        %dma_wait3A_339 = arith.constant 0 : i32
        %dma_wait3A_340 = tpu.memref_slice %arg8[%run_scoped3A, %dma_wait3A_338, %dma_wait3A_339] : memref<4x64x128xf32, #tpu.memory_space<vmem>> -> memref<1x64x128xf32, #tpu.memory_space<vmem>>
        %dma_wait3A_341 = tpu.memref_squeeze %dma_wait3A_340 : memref<1x64x128xf32, #tpu.memory_space<vmem>> -> memref<64x128xf32, #tpu.memory_space<vmem>>
        %dma_wait3A_342 = arith.constant 0 : i32
        %dma_wait3A_343 = tpu.memref_slice %arg7[%add3A_249, %dma_wait3A_342] : memref<40x64xi32, #tpu.memory_space<vmem>> -> memref<1x64xi32, #tpu.memory_space<vmem>>
        %dma_wait3A_344 = tpu.memref_squeeze %dma_wait3A_343 : memref<1x64xi32, #tpu.memory_space<vmem>> -> memref<64xi32, #tpu.memory_space<vmem>>
        %dma_wait3A_345 = arith.constant 0 : i32
        %dma_wait3A_346 = arith.constant 0 : i32
        %dma_wait3A_347 = tpu.memref_slice %arg9[%dma_wait3A_345, %dma_wait3A_346] : memref<10240x128xf32, #tpu.memory_space<vmem_shared>> -> memref<10240x128xf32, #tpu.memory_space<vmem_shared>>
        tpu.wait_indirect_dma semaphore(%run_scoped3A_327 : memref<!tpu.dma_semaphore, #tpu.memory_space<semaphore_mem>>) src(%dma_wait3A_341 : memref<64x128xf32, #tpu.memory_space<vmem>>) dst(%dma_wait3A_347 : memref<10240x128xf32, #tpu.memory_space<vmem_shared>>)
        tpu.yield
      }) : () -> ()
      %add3A_260 = arith.constant 4 : i32
      %add3A_261 = arith.addi %add3A_249, %add3A_260 : i32
      %lt3A = arith.constant 40 : i32
      %lt3A_262 = arith.cmpi slt, %add3A_261, %lt3A : i32
      %convert_element_type3A = arith.extui %lt3A_262 : i1 to i32
      %cond3A = arith.constant 0 : i32
      %cond3A_263 = arith.cmpi ne, %convert_element_type3A, %cond3A : i32
      scf.if %cond3A_263 {
        %add3A_327 = arith.constant 4 : i32
        %add3A_328 = arith.addi %add3A_249, %add3A_327 : i32
        %dma_start3A_329 = arith.constant 0 : i32
        %dma_start3A_330 = arith.constant 0 : i32
        %dma_start3A_331 = arith.constant 0 : i32
        %dma_start3A_332 = tpu.memref_slice %arg8[%dma_start3A_329, %dma_start3A_330, %dma_start3A_331] : memref<4x64x128xf32, #tpu.memory_space<vmem>> -> memref<1x64x128xf32, #tpu.memory_space<vmem>>
        %dma_start3A_333 = tpu.memref_squeeze %dma_start3A_332 : memref<1x64x128xf32, #tpu.memory_space<vmem>> -> memref<64x128xf32, #tpu.memory_space<vmem>>
        %dma_start3A_334 = arith.constant 0 : i32
        %dma_start3A_335 = tpu.memref_slice %arg6[%add3A_328, %dma_start3A_334] : memref<40x64xi32, #tpu.memory_space<vmem>> -> memref<1x64xi32, #tpu.memory_space<vmem>>
        %dma_start3A_336 = tpu.memref_squeeze %dma_start3A_335 : memref<1x64xi32, #tpu.memory_space<vmem>> -> memref<64xi32, #tpu.memory_space<vmem>>
        %dma_start3A_337 = arith.constant 0 : i32
        %dma_start3A_338 = arith.constant 0 : i32
        %dma_start3A_339 = tpu.memref_slice %arg2[%dma_start3A_337, %dma_start3A_338] : memref<10240x128xf32, #tpu.memory_space<hbm>> -> memref<10240x128xf32, #tpu.memory_space<hbm>>
        tpu.enqueue_indirect_dma source(%dma_start3A_339 : memref<10240x128xf32, #tpu.memory_space<hbm>>) target(%dma_start3A_333 : memref<64x128xf32, #tpu.memory_space<vmem>>) offsets(%dma_start3A_336 : memref<64xi32, #tpu.memory_space<vmem>>) semaphore(%arg10 : memref<!tpu.dma_semaphore, #tpu.memory_space<semaphore_mem>>)
      } else {
      }
      %add3A_264 = arith.constant 1 : i32
      %add3A_265 = arith.addi %add3A_247, %add3A_264 : i32
      %dma_wait3A_266 = arith.constant 1 : i32
      %dma_wait3A_267 = arith.constant 0 : i32
      %dma_wait3A_268 = arith.constant 0 : i32
      %dma_wait3A_269 = tpu.memref_slice %arg8[%dma_wait3A_266, %dma_wait3A_267, %dma_wait3A_268] : memref<4x64x128xf32, #tpu.memory_space<vmem>> -> memref<1x64x128xf32, #tpu.memory_space<vmem>>
      %dma_wait3A_270 = tpu.memref_squeeze %dma_wait3A_269 : memref<1x64x128xf32, #tpu.memory_space<vmem>> -> memref<64x128xf32, #tpu.memory_space<vmem>>
      %dma_wait3A_271 = arith.constant 0 : i32
      %dma_wait3A_272 = tpu.memref_slice %arg6[%add3A_265, %dma_wait3A_271] : memref<40x64xi32, #tpu.memory_space<vmem>> -> memref<1x64xi32, #tpu.memory_space<vmem>>
      %dma_wait3A_273 = tpu.memref_squeeze %dma_wait3A_272 : memref<1x64xi32, #tpu.memory_space<vmem>> -> memref<64xi32, #tpu.memory_space<vmem>>
      %dma_wait3A_274 = arith.constant 0 : i32
      %dma_wait3A_275 = arith.constant 0 : i32
      %dma_wait3A_276 = tpu.memref_slice %arg2[%dma_wait3A_274, %dma_wait3A_275] : memref<10240x128xf32, #tpu.memory_space<hbm>> -> memref<10240x128xf32, #tpu.memory_space<hbm>>
      tpu.wait_indirect_dma semaphore(%arg11 : memref<!tpu.dma_semaphore, #tpu.memory_space<semaphore_mem>>) src(%dma_wait3A_276 : memref<10240x128xf32, #tpu.memory_space<hbm>>) dst(%dma_wait3A_270 : memref<64x128xf32, #tpu.memory_space<vmem>>)
      %run_scoped3A_277 = arith.constant 1 : i32
      "tpu.region"() ({
        %run_scoped3A_327 = tpu.sem_alloc : memref<!tpu.dma_semaphore, #tpu.memory_space<semaphore_mem>>
        %dma_start3A_328 = arith.constant 0 : i32
        %dma_start3A_329 = arith.constant 0 : i32
        %dma_start3A_330 = tpu.memref_slice %arg8[%run_scoped3A_277, %dma_start3A_328, %dma_start3A_329] : memref<4x64x128xf32, #tpu.memory_space<vmem>> -> memref<1x64x128xf32, #tpu.memory_space<vmem>>
        %dma_start3A_331 = tpu.memref_squeeze %dma_start3A_330 : memref<1x64x128xf32, #tpu.memory_space<vmem>> -> memref<64x128xf32, #tpu.memory_space<vmem>>
        %dma_start3A_332 = arith.constant 0 : i32
        %dma_start3A_333 = tpu.memref_slice %arg7[%add3A_265, %dma_start3A_332] : memref<40x64xi32, #tpu.memory_space<vmem>> -> memref<1x64xi32, #tpu.memory_space<vmem>>
        %dma_start3A_334 = tpu.memref_squeeze %dma_start3A_333 : memref<1x64xi32, #tpu.memory_space<vmem>> -> memref<64xi32, #tpu.memory_space<vmem>>
        %dma_start3A_335 = arith.constant 0 : i32
        %dma_start3A_336 = arith.constant 0 : i32
        %dma_start3A_337 = tpu.memref_slice %arg9[%dma_start3A_335, %dma_start3A_336] : memref<10240x128xf32, #tpu.memory_space<vmem_shared>> -> memref<10240x128xf32, #tpu.memory_space<vmem_shared>>
        tpu.enqueue_indirect_dma source(%dma_start3A_331 : memref<64x128xf32, #tpu.memory_space<vmem>>) target(%dma_start3A_337 : memref<10240x128xf32, #tpu.memory_space<vmem_shared>>) offsets(%dma_start3A_334 : memref<64xi32, #tpu.memory_space<vmem>>) semaphore(%run_scoped3A_327 : memref<!tpu.dma_semaphore, #tpu.memory_space<semaphore_mem>>) {add = true}
        %dma_wait3A_338 = arith.constant 0 : i32
        %dma_wait3A_339 = arith.constant 0 : i32
        %dma_wait3A_340 = tpu.memref_slice %arg8[%run_scoped3A_277, %dma_wait3A_338, %dma_wait3A_339] : memref<4x64x128xf32, #tpu.memory_space<vmem>> -> memref<1x64x128xf32, #tpu.memory_space<vmem>>
        %dma_wait3A_341 = tpu.memref_squeeze %dma_wait3A_340 : memref<1x64x128xf32, #tpu.memory_space<vmem>> -> memref<64x128xf32, #tpu.memory_space<vmem>>
        %dma_wait3A_342 = arith.constant 0 : i32
        %dma_wait3A_343 = tpu.memref_slice %arg7[%add3A_265, %dma_wait3A_342] : memref<40x64xi32, #tpu.memory_space<vmem>> -> memref<1x64xi32, #tpu.memory_space<vmem>>
        %dma_wait3A_344 = tpu.memref_squeeze %dma_wait3A_343 : memref<1x64xi32, #tpu.memory_space<vmem>> -> memref<64xi32, #tpu.memory_space<vmem>>
        %dma_wait3A_345 = arith.constant 0 : i32
        %dma_wait3A_346 = arith.constant 0 : i32
        %dma_wait3A_347 = tpu.memref_slice %arg9[%dma_wait3A_345, %dma_wait3A_346] : memref<10240x128xf32, #tpu.memory_space<vmem_shared>> -> memref<10240x128xf32, #tpu.memory_space<vmem_shared>>
        tpu.wait_indirect_dma semaphore(%run_scoped3A_327 : memref<!tpu.dma_semaphore, #tpu.memory_space<semaphore_mem>>) src(%dma_wait3A_341 : memref<64x128xf32, #tpu.memory_space<vmem>>) dst(%dma_wait3A_347 : memref<10240x128xf32, #tpu.memory_space<vmem_shared>>)
        tpu.yield
      }) : () -> ()
      %add3A_278 = arith.constant 4 : i32
      %add3A_279 = arith.addi %add3A_265, %add3A_278 : i32
      %lt3A_280 = arith.constant 40 : i32
      %lt3A_281 = arith.cmpi slt, %add3A_279, %lt3A_280 : i32
      %convert_element_type3A_282 = arith.extui %lt3A_281 : i1 to i32
      %cond3A_283 = arith.constant 0 : i32
      %cond3A_284 = arith.cmpi ne, %convert_element_type3A_282, %cond3A_283 : i32
      scf.if %cond3A_284 {
        %add3A_327 = arith.constant 4 : i32
        %add3A_328 = arith.addi %add3A_265, %add3A_327 : i32
        %dma_start3A_329 = arith.constant 1 : i32
        %dma_start3A_330 = arith.constant 0 : i32
        %dma_start3A_331 = arith.constant 0 : i32
        %dma_start3A_332 = tpu.memref_slice %arg8[%dma_start3A_329, %dma_start3A_330, %dma_start3A_331] : memref<4x64x128xf32, #tpu.memory_space<vmem>> -> memref<1x64x128xf32, #tpu.memory_space<vmem>>
        %dma_start3A_333 = tpu.memref_squeeze %dma_start3A_332 : memref<1x64x128xf32, #tpu.memory_space<vmem>> -> memref<64x128xf32, #tpu.memory_space<vmem>>
        %dma_start3A_334 = arith.constant 0 : i32
        %dma_start3A_335 = tpu.memref_slice %arg6[%add3A_328, %dma_start3A_334] : memref<40x64xi32, #tpu.memory_space<vmem>> -> memref<1x64xi32, #tpu.memory_space<vmem>>
        %dma_start3A_336 = tpu.memref_squeeze %dma_start3A_335 : memref<1x64xi32, #tpu.memory_space<vmem>> -> memref<64xi32, #tpu.memory_space<vmem>>
        %dma_start3A_337 = arith.constant 0 : i32
        %dma_start3A_338 = arith.constant 0 : i32
        %dma_start3A_339 = tpu.memref_slice %arg2[%dma_start3A_337, %dma_start3A_338] : memref<10240x128xf32, #tpu.memory_space<hbm>> -> memref<10240x128xf32, #tpu.memory_space<hbm>>
        tpu.enqueue_indirect_dma source(%dma_start3A_339 : memref<10240x128xf32, #tpu.memory_space<hbm>>) target(%dma_start3A_333 : memref<64x128xf32, #tpu.memory_space<vmem>>) offsets(%dma_start3A_336 : memref<64xi32, #tpu.memory_space<vmem>>) semaphore(%arg11 : memref<!tpu.dma_semaphore, #tpu.memory_space<semaphore_mem>>)
      } else {
      }
      %add3A_285 = arith.constant 2 : i32
      %add3A_286 = arith.addi %add3A_247, %add3A_285 : i32
      %dma_wait3A_287 = arith.constant 2 : i32
      %dma_wait3A_288 = arith.constant 0 : i32
      %dma_wait3A_289 = arith.constant 0 : i32
      %dma_wait3A_290 = tpu.memref_slice %arg8[%dma_wait3A_287, %dma_wait3A_288, %dma_wait3A_289] : memref<4x64x128xf32, #tpu.memory_space<vmem>> -> memref<1x64x128xf32, #tpu.memory_space<vmem>>
      %dma_wait3A_291 = tpu.memref_squeeze %dma_wait3A_290 : memref<1x64x128xf32, #tpu.memory_space<vmem>> -> memref<64x128xf32, #tpu.memory_space<vmem>>
      %dma_wait3A_292 = arith.constant 0 : i32
      %dma_wait3A_293 = tpu.memref_slice %arg6[%add3A_286, %dma_wait3A_292] : memref<40x64xi32, #tpu.memory_space<vmem>> -> memref<1x64xi32, #tpu.memory_space<vmem>>
      %dma_wait3A_294 = tpu.memref_squeeze %dma_wait3A_293 : memref<1x64xi32, #tpu.memory_space<vmem>> -> memref<64xi32, #tpu.memory_space<vmem>>
      %dma_wait3A_295 = arith.constant 0 : i32
      %dma_wait3A_296 = arith.constant 0 : i32
      %dma_wait3A_297 = tpu.memref_slice %arg2[%dma_wait3A_295, %dma_wait3A_296] : memref<10240x128xf32, #tpu.memory_space<hbm>> -> memref<10240x128xf32, #tpu.memory_space<hbm>>
      tpu.wait_indirect_dma semaphore(%arg12 : memref<!tpu.dma_semaphore, #tpu.memory_space<semaphore_mem>>) src(%dma_wait3A_297 : memref<10240x128xf32, #tpu.memory_space<hbm>>) dst(%dma_wait3A_291 : memref<64x128xf32, #tpu.memory_space<vmem>>)
      %run_scoped3A_298 = arith.constant 2 : i32
      "tpu.region"() ({
        %run_scoped3A_327 = tpu.sem_alloc : memref<!tpu.dma_semaphore, #tpu.memory_space<semaphore_mem>>
        %dma_start3A_328 = arith.constant 0 : i32
        %dma_start3A_329 = arith.constant 0 : i32
        %dma_start3A_330 = tpu.memref_slice %arg8[%run_scoped3A_298, %dma_start3A_328, %dma_start3A_329] : memref<4x64x128xf32, #tpu.memory_space<vmem>> -> memref<1x64x128xf32, #tpu.memory_space<vmem>>
        %dma_start3A_331 = tpu.memref_squeeze %dma_start3A_330 : memref<1x64x128xf32, #tpu.memory_space<vmem>> -> memref<64x128xf32, #tpu.memory_space<vmem>>
        %dma_start3A_332 = arith.constant 0 : i32
        %dma_start3A_333 = tpu.memref_slice %arg7[%add3A_286, %dma_start3A_332] : memref<40x64xi32, #tpu.memory_space<vmem>> -> memref<1x64xi32, #tpu.memory_space<vmem>>
        %dma_start3A_334 = tpu.memref_squeeze %dma_start3A_333 : memref<1x64xi32, #tpu.memory_space<vmem>> -> memref<64xi32, #tpu.memory_space<vmem>>
        %dma_start3A_335 = arith.constant 0 : i32
        %dma_start3A_336 = arith.constant 0 : i32
        %dma_start3A_337 = tpu.memref_slice %arg9[%dma_start3A_335, %dma_start3A_336] : memref<10240x128xf32, #tpu.memory_space<vmem_shared>> -> memref<10240x128xf32, #tpu.memory_space<vmem_shared>>
        tpu.enqueue_indirect_dma source(%dma_start3A_331 : memref<64x128xf32, #tpu.memory_space<vmem>>) target(%dma_start3A_337 : memref<10240x128xf32, #tpu.memory_space<vmem_shared>>) offsets(%dma_start3A_334 : memref<64xi32, #tpu.memory_space<vmem>>) semaphore(%run_scoped3A_327 : memref<!tpu.dma_semaphore, #tpu.memory_space<semaphore_mem>>) {add = true}
        %dma_wait3A_338 = arith.constant 0 : i32
        %dma_wait3A_339 = arith.constant 0 : i32
        %dma_wait3A_340 = tpu.memref_slice %arg8[%run_scoped3A_298, %dma_wait3A_338, %dma_wait3A_339] : memref<4x64x128xf32, #tpu.memory_space<vmem>> -> memref<1x64x128xf32, #tpu.memory_space<vmem>>
        %dma_wait3A_341 = tpu.memref_squeeze %dma_wait3A_340 : memref<1x64x128xf32, #tpu.memory_space<vmem>> -> memref<64x128xf32, #tpu.memory_space<vmem>>
        %dma_wait3A_342 = arith.constant 0 : i32
        %dma_wait3A_343 = tpu.memref_slice %arg7[%add3A_286, %dma_wait3A_342] : memref<40x64xi32, #tpu.memory_space<vmem>> -> memref<1x64xi32, #tpu.memory_space<vmem>>
        %dma_wait3A_344 = tpu.memref_squeeze %dma_wait3A_343 : memref<1x64xi32, #tpu.memory_space<vmem>> -> memref<64xi32, #tpu.memory_space<vmem>>
        %dma_wait3A_345 = arith.constant 0 : i32
        %dma_wait3A_346 = arith.constant 0 : i32
        %dma_wait3A_347 = tpu.memref_slice %arg9[%dma_wait3A_345, %dma_wait3A_346] : memref<10240x128xf32, #tpu.memory_space<vmem_shared>> -> memref<10240x128xf32, #tpu.memory_space<vmem_shared>>
        tpu.wait_indirect_dma semaphore(%run_scoped3A_327 : memref<!tpu.dma_semaphore, #tpu.memory_space<semaphore_mem>>) src(%dma_wait3A_341 : memref<64x128xf32, #tpu.memory_space<vmem>>) dst(%dma_wait3A_347 : memref<10240x128xf32, #tpu.memory_space<vmem_shared>>)
        tpu.yield
      }) : () -> ()
      %add3A_299 = arith.constant 4 : i32
      %add3A_300 = arith.addi %add3A_286, %add3A_299 : i32
      %lt3A_301 = arith.constant 40 : i32
      %lt3A_302 = arith.cmpi slt, %add3A_300, %lt3A_301 : i32
      %convert_element_type3A_303 = arith.extui %lt3A_302 : i1 to i32
      %cond3A_304 = arith.constant 0 : i32
      %cond3A_305 = arith.cmpi ne, %convert_element_type3A_303, %cond3A_304 : i32
      scf.if %cond3A_305 {
        %add3A_327 = arith.constant 4 : i32
        %add3A_328 = arith.addi %add3A_286, %add3A_327 : i32
        %dma_start3A_329 = arith.constant 2 : i32
        %dma_start3A_330 = arith.constant 0 : i32
        %dma_start3A_331 = arith.constant 0 : i32
        %dma_start3A_332 = tpu.memref_slice %arg8[%dma_start3A_329, %dma_start3A_330, %dma_start3A_331] : memref<4x64x128xf32, #tpu.memory_space<vmem>> -> memref<1x64x128xf32, #tpu.memory_space<vmem>>
        %dma_start3A_333 = tpu.memref_squeeze %dma_start3A_332 : memref<1x64x128xf32, #tpu.memory_space<vmem>> -> memref<64x128xf32, #tpu.memory_space<vmem>>
        %dma_start3A_334 = arith.constant 0 : i32
        %dma_start3A_335 = tpu.memref_slice %arg6[%add3A_328, %dma_start3A_334] : memref<40x64xi32, #tpu.memory_space<vmem>> -> memref<1x64xi32, #tpu.memory_space<vmem>>
        %dma_start3A_336 = tpu.memref_squeeze %dma_start3A_335 : memref<1x64xi32, #tpu.memory_space<vmem>> -> memref<64xi32, #tpu.memory_space<vmem>>
        %dma_start3A_337 = arith.constant 0 : i32
        %dma_start3A_338 = arith.constant 0 : i32
        %dma_start3A_339 = tpu.memref_slice %arg2[%dma_start3A_337, %dma_start3A_338] : memref<10240x128xf32, #tpu.memory_space<hbm>> -> memref<10240x128xf32, #tpu.memory_space<hbm>>
        tpu.enqueue_indirect_dma source(%dma_start3A_339 : memref<10240x128xf32, #tpu.memory_space<hbm>>) target(%dma_start3A_333 : memref<64x128xf32, #tpu.memory_space<vmem>>) offsets(%dma_start3A_336 : memref<64xi32, #tpu.memory_space<vmem>>) semaphore(%arg12 : memref<!tpu.dma_semaphore, #tpu.memory_space<semaphore_mem>>)
      } else {
      }
      %add3A_306 = arith.constant 3 : i32
      %add3A_307 = arith.addi %add3A_247, %add3A_306 : i32
      %dma_wait3A_308 = arith.constant 3 : i32
      %dma_wait3A_309 = arith.constant 0 : i32
      %dma_wait3A_310 = arith.constant 0 : i32
      %dma_wait3A_311 = tpu.memref_slice %arg8[%dma_wait3A_308, %dma_wait3A_309, %dma_wait3A_310] : memref<4x64x128xf32, #tpu.memory_space<vmem>> -> memref<1x64x128xf32, #tpu.memory_space<vmem>>
      %dma_wait3A_312 = tpu.memref_squeeze %dma_wait3A_311 : memref<1x64x128xf32, #tpu.memory_space<vmem>> -> memref<64x128xf32, #tpu.memory_space<vmem>>
      %dma_wait3A_313 = arith.constant 0 : i32
      %dma_wait3A_314 = tpu.memref_slice %arg6[%add3A_307, %dma_wait3A_313] : memref<40x64xi32, #tpu.memory_space<vmem>> -> memref<1x64xi32, #tpu.memory_space<vmem>>
      %dma_wait3A_315 = tpu.memref_squeeze %dma_wait3A_314 : memref<1x64xi32, #tpu.memory_space<vmem>> -> memref<64xi32, #tpu.memory_space<vmem>>
      %dma_wait3A_316 = arith.constant 0 : i32
      %dma_wait3A_317 = arith.constant 0 : i32
      %dma_wait3A_318 = tpu.memref_slice %arg2[%dma_wait3A_316, %dma_wait3A_317] : memref<10240x128xf32, #tpu.memory_space<hbm>> -> memref<10240x128xf32, #tpu.memory_space<hbm>>
      tpu.wait_indirect_dma semaphore(%arg13 : memref<!tpu.dma_semaphore, #tpu.memory_space<semaphore_mem>>) src(%dma_wait3A_318 : memref<10240x128xf32, #tpu.memory_space<hbm>>) dst(%dma_wait3A_312 : memref<64x128xf32, #tpu.memory_space<vmem>>)
      %run_scoped3A_319 = arith.constant 3 : i32
      "tpu.region"() ({
        %run_scoped3A_327 = tpu.sem_alloc : memref<!tpu.dma_semaphore, #tpu.memory_space<semaphore_mem>>
        %dma_start3A_328 = arith.constant 0 : i32
        %dma_start3A_329 = arith.constant 0 : i32
        %dma_start3A_330 = tpu.memref_slice %arg8[%run_scoped3A_319, %dma_start3A_328, %dma_start3A_329] : memref<4x64x128xf32, #tpu.memory_space<vmem>> -> memref<1x64x128xf32, #tpu.memory_space<vmem>>
        %dma_start3A_331 = tpu.memref_squeeze %dma_start3A_330 : memref<1x64x128xf32, #tpu.memory_space<vmem>> -> memref<64x128xf32, #tpu.memory_space<vmem>>
        %dma_start3A_332 = arith.constant 0 : i32
        %dma_start3A_333 = tpu.memref_slice %arg7[%add3A_307, %dma_start3A_332] : memref<40x64xi32, #tpu.memory_space<vmem>> -> memref<1x64xi32, #tpu.memory_space<vmem>>
        %dma_start3A_334 = tpu.memref_squeeze %dma_start3A_333 : memref<1x64xi32, #tpu.memory_space<vmem>> -> memref<64xi32, #tpu.memory_space<vmem>>
        %dma_start3A_335 = arith.constant 0 : i32
        %dma_start3A_336 = arith.constant 0 : i32
        %dma_start3A_337 = tpu.memref_slice %arg9[%dma_start3A_335, %dma_start3A_336] : memref<10240x128xf32, #tpu.memory_space<vmem_shared>> -> memref<10240x128xf32, #tpu.memory_space<vmem_shared>>
        tpu.enqueue_indirect_dma source(%dma_start3A_331 : memref<64x128xf32, #tpu.memory_space<vmem>>) target(%dma_start3A_337 : memref<10240x128xf32, #tpu.memory_space<vmem_shared>>) offsets(%dma_start3A_334 : memref<64xi32, #tpu.memory_space<vmem>>) semaphore(%run_scoped3A_327 : memref<!tpu.dma_semaphore, #tpu.memory_space<semaphore_mem>>) {add = true}
        %dma_wait3A_338 = arith.constant 0 : i32
        %dma_wait3A_339 = arith.constant 0 : i32
        %dma_wait3A_340 = tpu.memref_slice %arg8[%run_scoped3A_319, %dma_wait3A_338, %dma_wait3A_339] : memref<4x64x128xf32, #tpu.memory_space<vmem>> -> memref<1x64x128xf32, #tpu.memory_space<vmem>>
        %dma_wait3A_341 = tpu.memref_squeeze %dma_wait3A_340 : memref<1x64x128xf32, #tpu.memory_space<vmem>> -> memref<64x128xf32, #tpu.memory_space<vmem>>
        %dma_wait3A_342 = arith.constant 0 : i32
        %dma_wait3A_343 = tpu.memref_slice %arg7[%add3A_307, %dma_wait3A_342] : memref<40x64xi32, #tpu.memory_space<vmem>> -> memref<1x64xi32, #tpu.memory_space<vmem>>
        %dma_wait3A_344 = tpu.memref_squeeze %dma_wait3A_343 : memref<1x64xi32, #tpu.memory_space<vmem>> -> memref<64xi32, #tpu.memory_space<vmem>>
        %dma_wait3A_345 = arith.constant 0 : i32
        %dma_wait3A_346 = arith.constant 0 : i32
        %dma_wait3A_347 = tpu.memref_slice %arg9[%dma_wait3A_345, %dma_wait3A_346] : memref<10240x128xf32, #tpu.memory_space<vmem_shared>> -> memref<10240x128xf32, #tpu.memory_space<vmem_shared>>
        tpu.wait_indirect_dma semaphore(%run_scoped3A_327 : memref<!tpu.dma_semaphore, #tpu.memory_space<semaphore_mem>>) src(%dma_wait3A_341 : memref<64x128xf32, #tpu.memory_space<vmem>>) dst(%dma_wait3A_347 : memref<10240x128xf32, #tpu.memory_space<vmem_shared>>)
        tpu.yield
      }) : () -> ()
      %add3A_320 = arith.constant 4 : i32
      %add3A_321 = arith.addi %add3A_307, %add3A_320 : i32
      %lt3A_322 = arith.constant 40 : i32
      %lt3A_323 = arith.cmpi slt, %add3A_321, %lt3A_322 : i32
      %convert_element_type3A_324 = arith.extui %lt3A_323 : i1 to i32
      %cond3A_325 = arith.constant 0 : i32
      %cond3A_326 = arith.cmpi ne, %convert_element_type3A_324, %cond3A_325 : i32
      scf.if %cond3A_326 {
        %add3A_327 = arith.constant 4 : i32
        %add3A_328 = arith.addi %add3A_307, %add3A_327 : i32
        %dma_start3A_329 = arith.constant 3 : i32
        %dma_start3A_330 = arith.constant 0 : i32
        %dma_start3A_331 = arith.constant 0 : i32
        %dma_start3A_332 = tpu.memref_slice %arg8[%dma_start3A_329, %dma_start3A_330, %dma_start3A_331] : memref<4x64x128xf32, #tpu.memory_space<vmem>> -> memref<1x64x128xf32, #tpu.memory_space<vmem>>
        %dma_start3A_333 = tpu.memref_squeeze %dma_start3A_332 : memref<1x64x128xf32, #tpu.memory_space<vmem>> -> memref<64x128xf32, #tpu.memory_space<vmem>>
        %dma_start3A_334 = arith.constant 0 : i32
        %dma_start3A_335 = tpu.memref_slice %arg6[%add3A_328, %dma_start3A_334] : memref<40x64xi32, #tpu.memory_space<vmem>> -> memref<1x64xi32, #tpu.memory_space<vmem>>
        %dma_start3A_336 = tpu.memref_squeeze %dma_start3A_335 : memref<1x64xi32, #tpu.memory_space<vmem>> -> memref<64xi32, #tpu.memory_space<vmem>>
        %dma_start3A_337 = arith.constant 0 : i32
        %dma_start3A_338 = arith.constant 0 : i32
        %dma_start3A_339 = tpu.memref_slice %arg2[%dma_start3A_337, %dma_start3A_338] : memref<10240x128xf32, #tpu.memory_space<hbm>> -> memref<10240x128xf32, #tpu.memory_space<hbm>>
        tpu.enqueue_indirect_dma source(%dma_start3A_339 : memref<10240x128xf32, #tpu.memory_space<hbm>>) target(%dma_start3A_333 : memref<64x128xf32, #tpu.memory_space<vmem>>) offsets(%dma_start3A_336 : memref<64xi32, #tpu.memory_space<vmem>>) semaphore(%arg13 : memref<!tpu.dma_semaphore, #tpu.memory_space<semaphore_mem>>)
      } else {
      }
    }
    %scan3A_123 = arith.constant 10 : i32
    %mul3A_124 = arith.constant 160 : i32
    %mul3A_125 = arith.muli %add3A, %mul3A_124 : i32
    %add3A_126 = arith.constant 80 : i32
    %add3A_127 = arith.addi %mul3A_125, %add3A_126 : i32
    "tpu.region"() ({
      %run_scoped3A = tpu.sem_alloc : memref<!tpu.dma_semaphore, #tpu.memory_space<semaphore_mem>>
      %dma_start3A_243 = arith.constant 0 : i32
      %dma_start3A_244 = tpu.memref_slice %arg3[%add3A_127, %dma_start3A_243] : memref<5120x64xi32, #tpu.memory_space<hbm>> -> memref<40x64xi32, #tpu.memory_space<hbm>>
      %dma_start3A_245 = arith.constant 0 : i32
      %dma_start3A_246 = tpu.memref_slice %arg3[%add3A_127, %dma_start3A_245] : memref<5120x64xi32, #tpu.memory_space<hbm>> -> memref<40x64xi32, #tpu.memory_space<hbm>>
      tpu.enqueue_dma source(%dma_start3A_246 : memref<40x64xi32, #tpu.memory_space<hbm>>) target(%arg6 : memref<40x64xi32, #tpu.memory_space<vmem>>) target_semaphore(%run_scoped3A : memref<!tpu.dma_semaphore, #tpu.memory_space<semaphore_mem>>)
      %dma_wait3A = arith.constant 0 : i32
      %dma_wait3A_247 = tpu.memref_slice %arg3[%add3A_127, %dma_wait3A] : memref<5120x64xi32, #tpu.memory_space<hbm>> -> memref<40x64xi32, #tpu.memory_space<hbm>>
      %dma_wait3A_248 = arith.constant 0 : i32
      %dma_wait3A_249 = tpu.memref_slice %arg3[%add3A_127, %dma_wait3A_248] : memref<5120x64xi32, #tpu.memory_space<hbm>> -> memref<40x64xi32, #tpu.memory_space<hbm>>
      tpu.wait_dma2 semaphore(%run_scoped3A : memref<!tpu.dma_semaphore, #tpu.memory_space<semaphore_mem>>) src(%dma_wait3A_249 : memref<40x64xi32, #tpu.memory_space<hbm>>) dst(%arg6 : memref<40x64xi32, #tpu.memory_space<vmem>>)
      tpu.yield
    }) : () -> ()
    "tpu.region"() ({
      %run_scoped3A = tpu.sem_alloc : memref<!tpu.dma_semaphore, #tpu.memory_space<semaphore_mem>>
      %dma_start3A_243 = arith.constant 0 : i32
      %dma_start3A_244 = tpu.memref_slice %arg4[%add3A_127, %dma_start3A_243] : memref<5120x64xi32, #tpu.memory_space<hbm>> -> memref<40x64xi32, #tpu.memory_space<hbm>>
      %dma_start3A_245 = arith.constant 0 : i32
      %dma_start3A_246 = tpu.memref_slice %arg4[%add3A_127, %dma_start3A_245] : memref<5120x64xi32, #tpu.memory_space<hbm>> -> memref<40x64xi32, #tpu.memory_space<hbm>>
      tpu.enqueue_dma source(%dma_start3A_246 : memref<40x64xi32, #tpu.memory_space<hbm>>) target(%arg7 : memref<40x64xi32, #tpu.memory_space<vmem>>) target_semaphore(%run_scoped3A : memref<!tpu.dma_semaphore, #tpu.memory_space<semaphore_mem>>)
      %dma_wait3A = arith.constant 0 : i32
      %dma_wait3A_247 = tpu.memref_slice %arg4[%add3A_127, %dma_wait3A] : memref<5120x64xi32, #tpu.memory_space<hbm>> -> memref<40x64xi32, #tpu.memory_space<hbm>>
      %dma_wait3A_248 = arith.constant 0 : i32
      %dma_wait3A_249 = tpu.memref_slice %arg4[%add3A_127, %dma_wait3A_248] : memref<5120x64xi32, #tpu.memory_space<hbm>> -> memref<40x64xi32, #tpu.memory_space<hbm>>
      tpu.wait_dma2 semaphore(%run_scoped3A : memref<!tpu.dma_semaphore, #tpu.memory_space<semaphore_mem>>) src(%dma_wait3A_249 : memref<40x64xi32, #tpu.memory_space<hbm>>) dst(%arg7 : memref<40x64xi32, #tpu.memory_space<vmem>>)
      tpu.yield
    }) : () -> ()
    %dma_start3A_128 = arith.constant 0 : i32
    %dma_start3A_129 = arith.constant 0 : i32
    %dma_start3A_130 = arith.constant 0 : i32
    %dma_start3A_131 = arith.constant 0 : i32
    %dma_start3A_132 = tpu.memref_slice %arg8[%dma_start3A_129, %dma_start3A_130, %dma_start3A_131] : memref<4x64x128xf32, #tpu.memory_space<vmem>> -> memref<1x64x128xf32, #tpu.memory_space<vmem>>
    %dma_start3A_133 = tpu.memref_squeeze %dma_start3A_132 : memref<1x64x128xf32, #tpu.memory_space<vmem>> -> memref<64x128xf32, #tpu.memory_space<vmem>>
    %dma_start3A_134 = arith.constant 0 : i32
    %dma_start3A_135 = tpu.memref_slice %arg6[%dma_start3A_128, %dma_start3A_134] : memref<40x64xi32, #tpu.memory_space<vmem>> -> memref<1x64xi32, #tpu.memory_space<vmem>>
    %dma_start3A_136 = tpu.memref_squeeze %dma_start3A_135 : memref<1x64xi32, #tpu.memory_space<vmem>> -> memref<64xi32, #tpu.memory_space<vmem>>
    %dma_start3A_137 = arith.constant 0 : i32
    %dma_start3A_138 = arith.constant 0 : i32
    %dma_start3A_139 = tpu.memref_slice %arg2[%dma_start3A_137, %dma_start3A_138] : memref<10240x128xf32, #tpu.memory_space<hbm>> -> memref<10240x128xf32, #tpu.memory_space<hbm>>
    tpu.enqueue_indirect_dma source(%dma_start3A_139 : memref<10240x128xf32, #tpu.memory_space<hbm>>) target(%dma_start3A_133 : memref<64x128xf32, #tpu.memory_space<vmem>>) offsets(%dma_start3A_136 : memref<64xi32, #tpu.memory_space<vmem>>) semaphore(%arg10 : memref<!tpu.dma_semaphore, #tpu.memory_space<semaphore_mem>>)
    %dma_start3A_140 = arith.constant 1 : i32
    %dma_start3A_141 = arith.constant 1 : i32
    %dma_start3A_142 = arith.constant 0 : i32
    %dma_start3A_143 = arith.constant 0 : i32
    %dma_start3A_144 = tpu.memref_slice %arg8[%dma_start3A_141, %dma_start3A_142, %dma_start3A_143] : memref<4x64x128xf32, #tpu.memory_space<vmem>> -> memref<1x64x128xf32, #tpu.memory_space<vmem>>
    %dma_start3A_145 = tpu.memref_squeeze %dma_start3A_144 : memref<1x64x128xf32, #tpu.memory_space<vmem>> -> memref<64x128xf32, #tpu.memory_space<vmem>>
    %dma_start3A_146 = arith.constant 0 : i32
    %dma_start3A_147 = tpu.memref_slice %arg6[%dma_start3A_140, %dma_start3A_146] : memref<40x64xi32, #tpu.memory_space<vmem>> -> memref<1x64xi32, #tpu.memory_space<vmem>>
    %dma_start3A_148 = tpu.memref_squeeze %dma_start3A_147 : memref<1x64xi32, #tpu.memory_space<vmem>> -> memref<64xi32, #tpu.memory_space<vmem>>
    %dma_start3A_149 = arith.constant 0 : i32
    %dma_start3A_150 = arith.constant 0 : i32
    %dma_start3A_151 = tpu.memref_slice %arg2[%dma_start3A_149, %dma_start3A_150] : memref<10240x128xf32, #tpu.memory_space<hbm>> -> memref<10240x128xf32, #tpu.memory_space<hbm>>
    tpu.enqueue_indirect_dma source(%dma_start3A_151 : memref<10240x128xf32, #tpu.memory_space<hbm>>) target(%dma_start3A_145 : memref<64x128xf32, #tpu.memory_space<vmem>>) offsets(%dma_start3A_148 : memref<64xi32, #tpu.memory_space<vmem>>) semaphore(%arg11 : memref<!tpu.dma_semaphore, #tpu.memory_space<semaphore_mem>>)
    %dma_start3A_152 = arith.constant 2 : i32
    %dma_start3A_153 = arith.constant 2 : i32
    %dma_start3A_154 = arith.constant 0 : i32
    %dma_start3A_155 = arith.constant 0 : i32
    %dma_start3A_156 = tpu.memref_slice %arg8[%dma_start3A_153, %dma_start3A_154, %dma_start3A_155] : memref<4x64x128xf32, #tpu.memory_space<vmem>> -> memref<1x64x128xf32, #tpu.memory_space<vmem>>
    %dma_start3A_157 = tpu.memref_squeeze %dma_start3A_156 : memref<1x64x128xf32, #tpu.memory_space<vmem>> -> memref<64x128xf32, #tpu.memory_space<vmem>>
    %dma_start3A_158 = arith.constant 0 : i32
    %dma_start3A_159 = tpu.memref_slice %arg6[%dma_start3A_152, %dma_start3A_158] : memref<40x64xi32, #tpu.memory_space<vmem>> -> memref<1x64xi32, #tpu.memory_space<vmem>>
    %dma_start3A_160 = tpu.memref_squeeze %dma_start3A_159 : memref<1x64xi32, #tpu.memory_space<vmem>> -> memref<64xi32, #tpu.memory_space<vmem>>
    %dma_start3A_161 = arith.constant 0 : i32
    %dma_start3A_162 = arith.constant 0 : i32
    %dma_start3A_163 = tpu.memref_slice %arg2[%dma_start3A_161, %dma_start3A_162] : memref<10240x128xf32, #tpu.memory_space<hbm>> -> memref<10240x128xf32, #tpu.memory_space<hbm>>
    tpu.enqueue_indirect_dma source(%dma_start3A_163 : memref<10240x128xf32, #tpu.memory_space<hbm>>) target(%dma_start3A_157 : memref<64x128xf32, #tpu.memory_space<vmem>>) offsets(%dma_start3A_160 : memref<64xi32, #tpu.memory_space<vmem>>) semaphore(%arg12 : memref<!tpu.dma_semaphore, #tpu.memory_space<semaphore_mem>>)
    %dma_start3A_164 = arith.constant 3 : i32
    %dma_start3A_165 = arith.constant 3 : i32
    %dma_start3A_166 = arith.constant 0 : i32
    %dma_start3A_167 = arith.constant 0 : i32
    %dma_start3A_168 = tpu.memref_slice %arg8[%dma_start3A_165, %dma_start3A_166, %dma_start3A_167] : memref<4x64x128xf32, #tpu.memory_space<vmem>> -> memref<1x64x128xf32, #tpu.memory_space<vmem>>
    %dma_start3A_169 = tpu.memref_squeeze %dma_start3A_168 : memref<1x64x128xf32, #tpu.memory_space<vmem>> -> memref<64x128xf32, #tpu.memory_space<vmem>>
    %dma_start3A_170 = arith.constant 0 : i32
    %dma_start3A_171 = tpu.memref_slice %arg6[%dma_start3A_164, %dma_start3A_170] : memref<40x64xi32, #tpu.memory_space<vmem>> -> memref<1x64xi32, #tpu.memory_space<vmem>>
    %dma_start3A_172 = tpu.memref_squeeze %dma_start3A_171 : memref<1x64xi32, #tpu.memory_space<vmem>> -> memref<64xi32, #tpu.memory_space<vmem>>
    %dma_start3A_173 = arith.constant 0 : i32
    %dma_start3A_174 = arith.constant 0 : i32
    %dma_start3A_175 = tpu.memref_slice %arg2[%dma_start3A_173, %dma_start3A_174] : memref<10240x128xf32, #tpu.memory_space<hbm>> -> memref<10240x128xf32, #tpu.memory_space<hbm>>
    tpu.enqueue_indirect_dma source(%dma_start3A_175 : memref<10240x128xf32, #tpu.memory_space<hbm>>) target(%dma_start3A_169 : memref<64x128xf32, #tpu.memory_space<vmem>>) offsets(%dma_start3A_172 : memref<64xi32, #tpu.memory_space<vmem>>) semaphore(%arg13 : memref<!tpu.dma_semaphore, #tpu.memory_space<semaphore_mem>>)
    %scan3A_176 = arith.constant 0 : i32
    %scan3A_177 = arith.constant 10 : i32
    %scan3A_178 = arith.addi %scan3A_176, %scan3A_177 : i32
    %scan3A_179 = arith.constant 1 : i32
    scf.for %scan3A_243 = %scan3A_176 to %scan3A_178 step %scan3A_179  : i32 {
      %mul3A_244 = arith.constant 4 : i32
      %mul3A_245 = arith.muli %scan3A_243, %mul3A_244 : i32
      %add3A_246 = arith.constant 0 : i32
      %add3A_247 = arith.addi %add3A_246, %mul3A_245 : i32
      %add3A_248 = arith.constant 0 : i32
      %add3A_249 = arith.addi %add3A_247, %add3A_248 : i32
      %dma_wait3A = arith.constant 0 : i32
      %dma_wait3A_250 = arith.constant 0 : i32
      %dma_wait3A_251 = arith.constant 0 : i32
      %dma_wait3A_252 = tpu.memref_slice %arg8[%dma_wait3A, %dma_wait3A_250, %dma_wait3A_251] : memref<4x64x128xf32, #tpu.memory_space<vmem>> -> memref<1x64x128xf32, #tpu.memory_space<vmem>>
      %dma_wait3A_253 = tpu.memref_squeeze %dma_wait3A_252 : memref<1x64x128xf32, #tpu.memory_space<vmem>> -> memref<64x128xf32, #tpu.memory_space<vmem>>
      %dma_wait3A_254 = arith.constant 0 : i32
      %dma_wait3A_255 = tpu.memref_slice %arg6[%add3A_249, %dma_wait3A_254] : memref<40x64xi32, #tpu.memory_space<vmem>> -> memref<1x64xi32, #tpu.memory_space<vmem>>
      %dma_wait3A_256 = tpu.memref_squeeze %dma_wait3A_255 : memref<1x64xi32, #tpu.memory_space<vmem>> -> memref<64xi32, #tpu.memory_space<vmem>>
      %dma_wait3A_257 = arith.constant 0 : i32
      %dma_wait3A_258 = arith.constant 0 : i32
      %dma_wait3A_259 = tpu.memref_slice %arg2[%dma_wait3A_257, %dma_wait3A_258] : memref<10240x128xf32, #tpu.memory_space<hbm>> -> memref<10240x128xf32, #tpu.memory_space<hbm>>
      tpu.wait_indirect_dma semaphore(%arg10 : memref<!tpu.dma_semaphore, #tpu.memory_space<semaphore_mem>>) src(%dma_wait3A_259 : memref<10240x128xf32, #tpu.memory_space<hbm>>) dst(%dma_wait3A_253 : memref<64x128xf32, #tpu.memory_space<vmem>>)
      %run_scoped3A = arith.constant 0 : i32
      "tpu.region"() ({
        %run_scoped3A_327 = tpu.sem_alloc : memref<!tpu.dma_semaphore, #tpu.memory_space<semaphore_mem>>
        %dma_start3A_328 = arith.constant 0 : i32
        %dma_start3A_329 = arith.constant 0 : i32
        %dma_start3A_330 = tpu.memref_slice %arg8[%run_scoped3A, %dma_start3A_328, %dma_start3A_329] : memref<4x64x128xf32, #tpu.memory_space<vmem>> -> memref<1x64x128xf32, #tpu.memory_space<vmem>>
        %dma_start3A_331 = tpu.memref_squeeze %dma_start3A_330 : memref<1x64x128xf32, #tpu.memory_space<vmem>> -> memref<64x128xf32, #tpu.memory_space<vmem>>
        %dma_start3A_332 = arith.constant 0 : i32
        %dma_start3A_333 = tpu.memref_slice %arg7[%add3A_249, %dma_start3A_332] : memref<40x64xi32, #tpu.memory_space<vmem>> -> memref<1x64xi32, #tpu.memory_space<vmem>>
        %dma_start3A_334 = tpu.memref_squeeze %dma_start3A_333 : memref<1x64xi32, #tpu.memory_space<vmem>> -> memref<64xi32, #tpu.memory_space<vmem>>
        %dma_start3A_335 = arith.constant 0 : i32
        %dma_start3A_336 = arith.constant 0 : i32
        %dma_start3A_337 = tpu.memref_slice %arg9[%dma_start3A_335, %dma_start3A_336] : memref<10240x128xf32, #tpu.memory_space<vmem_shared>> -> memref<10240x128xf32, #tpu.memory_space<vmem_shared>>
        tpu.enqueue_indirect_dma source(%dma_start3A_331 : memref<64x128xf32, #tpu.memory_space<vmem>>) target(%dma_start3A_337 : memref<10240x128xf32, #tpu.memory_space<vmem_shared>>) offsets(%dma_start3A_334 : memref<64xi32, #tpu.memory_space<vmem>>) semaphore(%run_scoped3A_327 : memref<!tpu.dma_semaphore, #tpu.memory_space<semaphore_mem>>) {add = true}
        %dma_wait3A_338 = arith.constant 0 : i32
        %dma_wait3A_339 = arith.constant 0 : i32
        %dma_wait3A_340 = tpu.memref_slice %arg8[%run_scoped3A, %dma_wait3A_338, %dma_wait3A_339] : memref<4x64x128xf32, #tpu.memory_space<vmem>> -> memref<1x64x128xf32, #tpu.memory_space<vmem>>
        %dma_wait3A_341 = tpu.memref_squeeze %dma_wait3A_340 : memref<1x64x128xf32, #tpu.memory_space<vmem>> -> memref<64x128xf32, #tpu.memory_space<vmem>>
        %dma_wait3A_342 = arith.constant 0 : i32
        %dma_wait3A_343 = tpu.memref_slice %arg7[%add3A_249, %dma_wait3A_342] : memref<40x64xi32, #tpu.memory_space<vmem>> -> memref<1x64xi32, #tpu.memory_space<vmem>>
        %dma_wait3A_344 = tpu.memref_squeeze %dma_wait3A_343 : memref<1x64xi32, #tpu.memory_space<vmem>> -> memref<64xi32, #tpu.memory_space<vmem>>
        %dma_wait3A_345 = arith.constant 0 : i32
        %dma_wait3A_346 = arith.constant 0 : i32
        %dma_wait3A_347 = tpu.memref_slice %arg9[%dma_wait3A_345, %dma_wait3A_346] : memref<10240x128xf32, #tpu.memory_space<vmem_shared>> -> memref<10240x128xf32, #tpu.memory_space<vmem_shared>>
        tpu.wait_indirect_dma semaphore(%run_scoped3A_327 : memref<!tpu.dma_semaphore, #tpu.memory_space<semaphore_mem>>) src(%dma_wait3A_341 : memref<64x128xf32, #tpu.memory_space<vmem>>) dst(%dma_wait3A_347 : memref<10240x128xf32, #tpu.memory_space<vmem_shared>>)
        tpu.yield
      }) : () -> ()
      %add3A_260 = arith.constant 4 : i32
      %add3A_261 = arith.addi %add3A_249, %add3A_260 : i32
      %lt3A = arith.constant 40 : i32
      %lt3A_262 = arith.cmpi slt, %add3A_261, %lt3A : i32
      %convert_element_type3A = arith.extui %lt3A_262 : i1 to i32
      %cond3A = arith.constant 0 : i32
      %cond3A_263 = arith.cmpi ne, %convert_element_type3A, %cond3A : i32
      scf.if %cond3A_263 {
        %add3A_327 = arith.constant 4 : i32
        %add3A_328 = arith.addi %add3A_249, %add3A_327 : i32
        %dma_start3A_329 = arith.constant 0 : i32
        %dma_start3A_330 = arith.constant 0 : i32
        %dma_start3A_331 = arith.constant 0 : i32
        %dma_start3A_332 = tpu.memref_slice %arg8[%dma_start3A_329, %dma_start3A_330, %dma_start3A_331] : memref<4x64x128xf32, #tpu.memory_space<vmem>> -> memref<1x64x128xf32, #tpu.memory_space<vmem>>
        %dma_start3A_333 = tpu.memref_squeeze %dma_start3A_332 : memref<1x64x128xf32, #tpu.memory_space<vmem>> -> memref<64x128xf32, #tpu.memory_space<vmem>>
        %dma_start3A_334 = arith.constant 0 : i32
        %dma_start3A_335 = tpu.memref_slice %arg6[%add3A_328, %dma_start3A_334] : memref<40x64xi32, #tpu.memory_space<vmem>> -> memref<1x64xi32, #tpu.memory_space<vmem>>
        %dma_start3A_336 = tpu.memref_squeeze %dma_start3A_335 : memref<1x64xi32, #tpu.memory_space<vmem>> -> memref<64xi32, #tpu.memory_space<vmem>>
        %dma_start3A_337 = arith.constant 0 : i32
        %dma_start3A_338 = arith.constant 0 : i32
        %dma_start3A_339 = tpu.memref_slice %arg2[%dma_start3A_337, %dma_start3A_338] : memref<10240x128xf32, #tpu.memory_space<hbm>> -> memref<10240x128xf32, #tpu.memory_space<hbm>>
        tpu.enqueue_indirect_dma source(%dma_start3A_339 : memref<10240x128xf32, #tpu.memory_space<hbm>>) target(%dma_start3A_333 : memref<64x128xf32, #tpu.memory_space<vmem>>) offsets(%dma_start3A_336 : memref<64xi32, #tpu.memory_space<vmem>>) semaphore(%arg10 : memref<!tpu.dma_semaphore, #tpu.memory_space<semaphore_mem>>)
      } else {
      }
      %add3A_264 = arith.constant 1 : i32
      %add3A_265 = arith.addi %add3A_247, %add3A_264 : i32
      %dma_wait3A_266 = arith.constant 1 : i32
      %dma_wait3A_267 = arith.constant 0 : i32
      %dma_wait3A_268 = arith.constant 0 : i32
      %dma_wait3A_269 = tpu.memref_slice %arg8[%dma_wait3A_266, %dma_wait3A_267, %dma_wait3A_268] : memref<4x64x128xf32, #tpu.memory_space<vmem>> -> memref<1x64x128xf32, #tpu.memory_space<vmem>>
      %dma_wait3A_270 = tpu.memref_squeeze %dma_wait3A_269 : memref<1x64x128xf32, #tpu.memory_space<vmem>> -> memref<64x128xf32, #tpu.memory_space<vmem>>
      %dma_wait3A_271 = arith.constant 0 : i32
      %dma_wait3A_272 = tpu.memref_slice %arg6[%add3A_265, %dma_wait3A_271] : memref<40x64xi32, #tpu.memory_space<vmem>> -> memref<1x64xi32, #tpu.memory_space<vmem>>
      %dma_wait3A_273 = tpu.memref_squeeze %dma_wait3A_272 : memref<1x64xi32, #tpu.memory_space<vmem>> -> memref<64xi32, #tpu.memory_space<vmem>>
      %dma_wait3A_274 = arith.constant 0 : i32
      %dma_wait3A_275 = arith.constant 0 : i32
      %dma_wait3A_276 = tpu.memref_slice %arg2[%dma_wait3A_274, %dma_wait3A_275] : memref<10240x128xf32, #tpu.memory_space<hbm>> -> memref<10240x128xf32, #tpu.memory_space<hbm>>
      tpu.wait_indirect_dma semaphore(%arg11 : memref<!tpu.dma_semaphore, #tpu.memory_space<semaphore_mem>>) src(%dma_wait3A_276 : memref<10240x128xf32, #tpu.memory_space<hbm>>) dst(%dma_wait3A_270 : memref<64x128xf32, #tpu.memory_space<vmem>>)
      %run_scoped3A_277 = arith.constant 1 : i32
      "tpu.region"() ({
        %run_scoped3A_327 = tpu.sem_alloc : memref<!tpu.dma_semaphore, #tpu.memory_space<semaphore_mem>>
        %dma_start3A_328 = arith.constant 0 : i32
        %dma_start3A_329 = arith.constant 0 : i32
        %dma_start3A_330 = tpu.memref_slice %arg8[%run_scoped3A_277, %dma_start3A_328, %dma_start3A_329] : memref<4x64x128xf32, #tpu.memory_space<vmem>> -> memref<1x64x128xf32, #tpu.memory_space<vmem>>
        %dma_start3A_331 = tpu.memref_squeeze %dma_start3A_330 : memref<1x64x128xf32, #tpu.memory_space<vmem>> -> memref<64x128xf32, #tpu.memory_space<vmem>>
        %dma_start3A_332 = arith.constant 0 : i32
        %dma_start3A_333 = tpu.memref_slice %arg7[%add3A_265, %dma_start3A_332] : memref<40x64xi32, #tpu.memory_space<vmem>> -> memref<1x64xi32, #tpu.memory_space<vmem>>
        %dma_start3A_334 = tpu.memref_squeeze %dma_start3A_333 : memref<1x64xi32, #tpu.memory_space<vmem>> -> memref<64xi32, #tpu.memory_space<vmem>>
        %dma_start3A_335 = arith.constant 0 : i32
        %dma_start3A_336 = arith.constant 0 : i32
        %dma_start3A_337 = tpu.memref_slice %arg9[%dma_start3A_335, %dma_start3A_336] : memref<10240x128xf32, #tpu.memory_space<vmem_shared>> -> memref<10240x128xf32, #tpu.memory_space<vmem_shared>>
        tpu.enqueue_indirect_dma source(%dma_start3A_331 : memref<64x128xf32, #tpu.memory_space<vmem>>) target(%dma_start3A_337 : memref<10240x128xf32, #tpu.memory_space<vmem_shared>>) offsets(%dma_start3A_334 : memref<64xi32, #tpu.memory_space<vmem>>) semaphore(%run_scoped3A_327 : memref<!tpu.dma_semaphore, #tpu.memory_space<semaphore_mem>>) {add = true}
        %dma_wait3A_338 = arith.constant 0 : i32
        %dma_wait3A_339 = arith.constant 0 : i32
        %dma_wait3A_340 = tpu.memref_slice %arg8[%run_scoped3A_277, %dma_wait3A_338, %dma_wait3A_339] : memref<4x64x128xf32, #tpu.memory_space<vmem>> -> memref<1x64x128xf32, #tpu.memory_space<vmem>>
        %dma_wait3A_341 = tpu.memref_squeeze %dma_wait3A_340 : memref<1x64x128xf32, #tpu.memory_space<vmem>> -> memref<64x128xf32, #tpu.memory_space<vmem>>
        %dma_wait3A_342 = arith.constant 0 : i32
        %dma_wait3A_343 = tpu.memref_slice %arg7[%add3A_265, %dma_wait3A_342] : memref<40x64xi32, #tpu.memory_space<vmem>> -> memref<1x64xi32, #tpu.memory_space<vmem>>
        %dma_wait3A_344 = tpu.memref_squeeze %dma_wait3A_343 : memref<1x64xi32, #tpu.memory_space<vmem>> -> memref<64xi32, #tpu.memory_space<vmem>>
        %dma_wait3A_345 = arith.constant 0 : i32
        %dma_wait3A_346 = arith.constant 0 : i32
        %dma_wait3A_347 = tpu.memref_slice %arg9[%dma_wait3A_345, %dma_wait3A_346] : memref<10240x128xf32, #tpu.memory_space<vmem_shared>> -> memref<10240x128xf32, #tpu.memory_space<vmem_shared>>
        tpu.wait_indirect_dma semaphore(%run_scoped3A_327 : memref<!tpu.dma_semaphore, #tpu.memory_space<semaphore_mem>>) src(%dma_wait3A_341 : memref<64x128xf32, #tpu.memory_space<vmem>>) dst(%dma_wait3A_347 : memref<10240x128xf32, #tpu.memory_space<vmem_shared>>)
        tpu.yield
      }) : () -> ()
      %add3A_278 = arith.constant 4 : i32
      %add3A_279 = arith.addi %add3A_265, %add3A_278 : i32
      %lt3A_280 = arith.constant 40 : i32
      %lt3A_281 = arith.cmpi slt, %add3A_279, %lt3A_280 : i32
      %convert_element_type3A_282 = arith.extui %lt3A_281 : i1 to i32
      %cond3A_283 = arith.constant 0 : i32
      %cond3A_284 = arith.cmpi ne, %convert_element_type3A_282, %cond3A_283 : i32
      scf.if %cond3A_284 {
        %add3A_327 = arith.constant 4 : i32
        %add3A_328 = arith.addi %add3A_265, %add3A_327 : i32
        %dma_start3A_329 = arith.constant 1 : i32
        %dma_start3A_330 = arith.constant 0 : i32
        %dma_start3A_331 = arith.constant 0 : i32
        %dma_start3A_332 = tpu.memref_slice %arg8[%dma_start3A_329, %dma_start3A_330, %dma_start3A_331] : memref<4x64x128xf32, #tpu.memory_space<vmem>> -> memref<1x64x128xf32, #tpu.memory_space<vmem>>
        %dma_start3A_333 = tpu.memref_squeeze %dma_start3A_332 : memref<1x64x128xf32, #tpu.memory_space<vmem>> -> memref<64x128xf32, #tpu.memory_space<vmem>>
        %dma_start3A_334 = arith.constant 0 : i32
        %dma_start3A_335 = tpu.memref_slice %arg6[%add3A_328, %dma_start3A_334] : memref<40x64xi32, #tpu.memory_space<vmem>> -> memref<1x64xi32, #tpu.memory_space<vmem>>
        %dma_start3A_336 = tpu.memref_squeeze %dma_start3A_335 : memref<1x64xi32, #tpu.memory_space<vmem>> -> memref<64xi32, #tpu.memory_space<vmem>>
        %dma_start3A_337 = arith.constant 0 : i32
        %dma_start3A_338 = arith.constant 0 : i32
        %dma_start3A_339 = tpu.memref_slice %arg2[%dma_start3A_337, %dma_start3A_338] : memref<10240x128xf32, #tpu.memory_space<hbm>> -> memref<10240x128xf32, #tpu.memory_space<hbm>>
        tpu.enqueue_indirect_dma source(%dma_start3A_339 : memref<10240x128xf32, #tpu.memory_space<hbm>>) target(%dma_start3A_333 : memref<64x128xf32, #tpu.memory_space<vmem>>) offsets(%dma_start3A_336 : memref<64xi32, #tpu.memory_space<vmem>>) semaphore(%arg11 : memref<!tpu.dma_semaphore, #tpu.memory_space<semaphore_mem>>)
      } else {
      }
      %add3A_285 = arith.constant 2 : i32
      %add3A_286 = arith.addi %add3A_247, %add3A_285 : i32
      %dma_wait3A_287 = arith.constant 2 : i32
      %dma_wait3A_288 = arith.constant 0 : i32
      %dma_wait3A_289 = arith.constant 0 : i32
      %dma_wait3A_290 = tpu.memref_slice %arg8[%dma_wait3A_287, %dma_wait3A_288, %dma_wait3A_289] : memref<4x64x128xf32, #tpu.memory_space<vmem>> -> memref<1x64x128xf32, #tpu.memory_space<vmem>>
      %dma_wait3A_291 = tpu.memref_squeeze %dma_wait3A_290 : memref<1x64x128xf32, #tpu.memory_space<vmem>> -> memref<64x128xf32, #tpu.memory_space<vmem>>
      %dma_wait3A_292 = arith.constant 0 : i32
      %dma_wait3A_293 = tpu.memref_slice %arg6[%add3A_286, %dma_wait3A_292] : memref<40x64xi32, #tpu.memory_space<vmem>> -> memref<1x64xi32, #tpu.memory_space<vmem>>
      %dma_wait3A_294 = tpu.memref_squeeze %dma_wait3A_293 : memref<1x64xi32, #tpu.memory_space<vmem>> -> memref<64xi32, #tpu.memory_space<vmem>>
      %dma_wait3A_295 = arith.constant 0 : i32
      %dma_wait3A_296 = arith.constant 0 : i32
      %dma_wait3A_297 = tpu.memref_slice %arg2[%dma_wait3A_295, %dma_wait3A_296] : memref<10240x128xf32, #tpu.memory_space<hbm>> -> memref<10240x128xf32, #tpu.memory_space<hbm>>
      tpu.wait_indirect_dma semaphore(%arg12 : memref<!tpu.dma_semaphore, #tpu.memory_space<semaphore_mem>>) src(%dma_wait3A_297 : memref<10240x128xf32, #tpu.memory_space<hbm>>) dst(%dma_wait3A_291 : memref<64x128xf32, #tpu.memory_space<vmem>>)
      %run_scoped3A_298 = arith.constant 2 : i32
      "tpu.region"() ({
        %run_scoped3A_327 = tpu.sem_alloc : memref<!tpu.dma_semaphore, #tpu.memory_space<semaphore_mem>>
        %dma_start3A_328 = arith.constant 0 : i32
        %dma_start3A_329 = arith.constant 0 : i32
        %dma_start3A_330 = tpu.memref_slice %arg8[%run_scoped3A_298, %dma_start3A_328, %dma_start3A_329] : memref<4x64x128xf32, #tpu.memory_space<vmem>> -> memref<1x64x128xf32, #tpu.memory_space<vmem>>
        %dma_start3A_331 = tpu.memref_squeeze %dma_start3A_330 : memref<1x64x128xf32, #tpu.memory_space<vmem>> -> memref<64x128xf32, #tpu.memory_space<vmem>>
        %dma_start3A_332 = arith.constant 0 : i32
        %dma_start3A_333 = tpu.memref_slice %arg7[%add3A_286, %dma_start3A_332] : memref<40x64xi32, #tpu.memory_space<vmem>> -> memref<1x64xi32, #tpu.memory_space<vmem>>
        %dma_start3A_334 = tpu.memref_squeeze %dma_start3A_333 : memref<1x64xi32, #tpu.memory_space<vmem>> -> memref<64xi32, #tpu.memory_space<vmem>>
        %dma_start3A_335 = arith.constant 0 : i32
        %dma_start3A_336 = arith.constant 0 : i32
        %dma_start3A_337 = tpu.memref_slice %arg9[%dma_start3A_335, %dma_start3A_336] : memref<10240x128xf32, #tpu.memory_space<vmem_shared>> -> memref<10240x128xf32, #tpu.memory_space<vmem_shared>>
        tpu.enqueue_indirect_dma source(%dma_start3A_331 : memref<64x128xf32, #tpu.memory_space<vmem>>) target(%dma_start3A_337 : memref<10240x128xf32, #tpu.memory_space<vmem_shared>>) offsets(%dma_start3A_334 : memref<64xi32, #tpu.memory_space<vmem>>) semaphore(%run_scoped3A_327 : memref<!tpu.dma_semaphore, #tpu.memory_space<semaphore_mem>>) {add = true}
        %dma_wait3A_338 = arith.constant 0 : i32
        %dma_wait3A_339 = arith.constant 0 : i32
        %dma_wait3A_340 = tpu.memref_slice %arg8[%run_scoped3A_298, %dma_wait3A_338, %dma_wait3A_339] : memref<4x64x128xf32, #tpu.memory_space<vmem>> -> memref<1x64x128xf32, #tpu.memory_space<vmem>>
        %dma_wait3A_341 = tpu.memref_squeeze %dma_wait3A_340 : memref<1x64x128xf32, #tpu.memory_space<vmem>> -> memref<64x128xf32, #tpu.memory_space<vmem>>
        %dma_wait3A_342 = arith.constant 0 : i32
        %dma_wait3A_343 = tpu.memref_slice %arg7[%add3A_286, %dma_wait3A_342] : memref<40x64xi32, #tpu.memory_space<vmem>> -> memref<1x64xi32, #tpu.memory_space<vmem>>
        %dma_wait3A_344 = tpu.memref_squeeze %dma_wait3A_343 : memref<1x64xi32, #tpu.memory_space<vmem>> -> memref<64xi32, #tpu.memory_space<vmem>>
        %dma_wait3A_345 = arith.constant 0 : i32
        %dma_wait3A_346 = arith.constant 0 : i32
        %dma_wait3A_347 = tpu.memref_slice %arg9[%dma_wait3A_345, %dma_wait3A_346] : memref<10240x128xf32, #tpu.memory_space<vmem_shared>> -> memref<10240x128xf32, #tpu.memory_space<vmem_shared>>
        tpu.wait_indirect_dma semaphore(%run_scoped3A_327 : memref<!tpu.dma_semaphore, #tpu.memory_space<semaphore_mem>>) src(%dma_wait3A_341 : memref<64x128xf32, #tpu.memory_space<vmem>>) dst(%dma_wait3A_347 : memref<10240x128xf32, #tpu.memory_space<vmem_shared>>)
        tpu.yield
      }) : () -> ()
      %add3A_299 = arith.constant 4 : i32
      %add3A_300 = arith.addi %add3A_286, %add3A_299 : i32
      %lt3A_301 = arith.constant 40 : i32
      %lt3A_302 = arith.cmpi slt, %add3A_300, %lt3A_301 : i32
      %convert_element_type3A_303 = arith.extui %lt3A_302 : i1 to i32
      %cond3A_304 = arith.constant 0 : i32
      %cond3A_305 = arith.cmpi ne, %convert_element_type3A_303, %cond3A_304 : i32
      scf.if %cond3A_305 {
        %add3A_327 = arith.constant 4 : i32
        %add3A_328 = arith.addi %add3A_286, %add3A_327 : i32
        %dma_start3A_329 = arith.constant 2 : i32
        %dma_start3A_330 = arith.constant 0 : i32
        %dma_start3A_331 = arith.constant 0 : i32
        %dma_start3A_332 = tpu.memref_slice %arg8[%dma_start3A_329, %dma_start3A_330, %dma_start3A_331] : memref<4x64x128xf32, #tpu.memory_space<vmem>> -> memref<1x64x128xf32, #tpu.memory_space<vmem>>
        %dma_start3A_333 = tpu.memref_squeeze %dma_start3A_332 : memref<1x64x128xf32, #tpu.memory_space<vmem>> -> memref<64x128xf32, #tpu.memory_space<vmem>>
        %dma_start3A_334 = arith.constant 0 : i32
        %dma_start3A_335 = tpu.memref_slice %arg6[%add3A_328, %dma_start3A_334] : memref<40x64xi32, #tpu.memory_space<vmem>> -> memref<1x64xi32, #tpu.memory_space<vmem>>
        %dma_start3A_336 = tpu.memref_squeeze %dma_start3A_335 : memref<1x64xi32, #tpu.memory_space<vmem>> -> memref<64xi32, #tpu.memory_space<vmem>>
        %dma_start3A_337 = arith.constant 0 : i32
        %dma_start3A_338 = arith.constant 0 : i32
        %dma_start3A_339 = tpu.memref_slice %arg2[%dma_start3A_337, %dma_start3A_338] : memref<10240x128xf32, #tpu.memory_space<hbm>> -> memref<10240x128xf32, #tpu.memory_space<hbm>>
        tpu.enqueue_indirect_dma source(%dma_start3A_339 : memref<10240x128xf32, #tpu.memory_space<hbm>>) target(%dma_start3A_333 : memref<64x128xf32, #tpu.memory_space<vmem>>) offsets(%dma_start3A_336 : memref<64xi32, #tpu.memory_space<vmem>>) semaphore(%arg12 : memref<!tpu.dma_semaphore, #tpu.memory_space<semaphore_mem>>)
      } else {
      }
      %add3A_306 = arith.constant 3 : i32
      %add3A_307 = arith.addi %add3A_247, %add3A_306 : i32
      %dma_wait3A_308 = arith.constant 3 : i32
      %dma_wait3A_309 = arith.constant 0 : i32
      %dma_wait3A_310 = arith.constant 0 : i32
      %dma_wait3A_311 = tpu.memref_slice %arg8[%dma_wait3A_308, %dma_wait3A_309, %dma_wait3A_310] : memref<4x64x128xf32, #tpu.memory_space<vmem>> -> memref<1x64x128xf32, #tpu.memory_space<vmem>>
      %dma_wait3A_312 = tpu.memref_squeeze %dma_wait3A_311 : memref<1x64x128xf32, #tpu.memory_space<vmem>> -> memref<64x128xf32, #tpu.memory_space<vmem>>
      %dma_wait3A_313 = arith.constant 0 : i32
      %dma_wait3A_314 = tpu.memref_slice %arg6[%add3A_307, %dma_wait3A_313] : memref<40x64xi32, #tpu.memory_space<vmem>> -> memref<1x64xi32, #tpu.memory_space<vmem>>
      %dma_wait3A_315 = tpu.memref_squeeze %dma_wait3A_314 : memref<1x64xi32, #tpu.memory_space<vmem>> -> memref<64xi32, #tpu.memory_space<vmem>>
      %dma_wait3A_316 = arith.constant 0 : i32
      %dma_wait3A_317 = arith.constant 0 : i32
      %dma_wait3A_318 = tpu.memref_slice %arg2[%dma_wait3A_316, %dma_wait3A_317] : memref<10240x128xf32, #tpu.memory_space<hbm>> -> memref<10240x128xf32, #tpu.memory_space<hbm>>
      tpu.wait_indirect_dma semaphore(%arg13 : memref<!tpu.dma_semaphore, #tpu.memory_space<semaphore_mem>>) src(%dma_wait3A_318 : memref<10240x128xf32, #tpu.memory_space<hbm>>) dst(%dma_wait3A_312 : memref<64x128xf32, #tpu.memory_space<vmem>>)
      %run_scoped3A_319 = arith.constant 3 : i32
      "tpu.region"() ({
        %run_scoped3A_327 = tpu.sem_alloc : memref<!tpu.dma_semaphore, #tpu.memory_space<semaphore_mem>>
        %dma_start3A_328 = arith.constant 0 : i32
        %dma_start3A_329 = arith.constant 0 : i32
        %dma_start3A_330 = tpu.memref_slice %arg8[%run_scoped3A_319, %dma_start3A_328, %dma_start3A_329] : memref<4x64x128xf32, #tpu.memory_space<vmem>> -> memref<1x64x128xf32, #tpu.memory_space<vmem>>
        %dma_start3A_331 = tpu.memref_squeeze %dma_start3A_330 : memref<1x64x128xf32, #tpu.memory_space<vmem>> -> memref<64x128xf32, #tpu.memory_space<vmem>>
        %dma_start3A_332 = arith.constant 0 : i32
        %dma_start3A_333 = tpu.memref_slice %arg7[%add3A_307, %dma_start3A_332] : memref<40x64xi32, #tpu.memory_space<vmem>> -> memref<1x64xi32, #tpu.memory_space<vmem>>
        %dma_start3A_334 = tpu.memref_squeeze %dma_start3A_333 : memref<1x64xi32, #tpu.memory_space<vmem>> -> memref<64xi32, #tpu.memory_space<vmem>>
        %dma_start3A_335 = arith.constant 0 : i32
        %dma_start3A_336 = arith.constant 0 : i32
        %dma_start3A_337 = tpu.memref_slice %arg9[%dma_start3A_335, %dma_start3A_336] : memref<10240x128xf32, #tpu.memory_space<vmem_shared>> -> memref<10240x128xf32, #tpu.memory_space<vmem_shared>>
        tpu.enqueue_indirect_dma source(%dma_start3A_331 : memref<64x128xf32, #tpu.memory_space<vmem>>) target(%dma_start3A_337 : memref<10240x128xf32, #tpu.memory_space<vmem_shared>>) offsets(%dma_start3A_334 : memref<64xi32, #tpu.memory_space<vmem>>) semaphore(%run_scoped3A_327 : memref<!tpu.dma_semaphore, #tpu.memory_space<semaphore_mem>>) {add = true}
        %dma_wait3A_338 = arith.constant 0 : i32
        %dma_wait3A_339 = arith.constant 0 : i32
        %dma_wait3A_340 = tpu.memref_slice %arg8[%run_scoped3A_319, %dma_wait3A_338, %dma_wait3A_339] : memref<4x64x128xf32, #tpu.memory_space<vmem>> -> memref<1x64x128xf32, #tpu.memory_space<vmem>>
        %dma_wait3A_341 = tpu.memref_squeeze %dma_wait3A_340 : memref<1x64x128xf32, #tpu.memory_space<vmem>> -> memref<64x128xf32, #tpu.memory_space<vmem>>
        %dma_wait3A_342 = arith.constant 0 : i32
        %dma_wait3A_343 = tpu.memref_slice %arg7[%add3A_307, %dma_wait3A_342] : memref<40x64xi32, #tpu.memory_space<vmem>> -> memref<1x64xi32, #tpu.memory_space<vmem>>
        %dma_wait3A_344 = tpu.memref_squeeze %dma_wait3A_343 : memref<1x64xi32, #tpu.memory_space<vmem>> -> memref<64xi32, #tpu.memory_space<vmem>>
        %dma_wait3A_345 = arith.constant 0 : i32
        %dma_wait3A_346 = arith.constant 0 : i32
        %dma_wait3A_347 = tpu.memref_slice %arg9[%dma_wait3A_345, %dma_wait3A_346] : memref<10240x128xf32, #tpu.memory_space<vmem_shared>> -> memref<10240x128xf32, #tpu.memory_space<vmem_shared>>
        tpu.wait_indirect_dma semaphore(%run_scoped3A_327 : memref<!tpu.dma_semaphore, #tpu.memory_space<semaphore_mem>>) src(%dma_wait3A_341 : memref<64x128xf32, #tpu.memory_space<vmem>>) dst(%dma_wait3A_347 : memref<10240x128xf32, #tpu.memory_space<vmem_shared>>)
        tpu.yield
      }) : () -> ()
      %add3A_320 = arith.constant 4 : i32
      %add3A_321 = arith.addi %add3A_307, %add3A_320 : i32
      %lt3A_322 = arith.constant 40 : i32
      %lt3A_323 = arith.cmpi slt, %add3A_321, %lt3A_322 : i32
      %convert_element_type3A_324 = arith.extui %lt3A_323 : i1 to i32
      %cond3A_325 = arith.constant 0 : i32
      %cond3A_326 = arith.cmpi ne, %convert_element_type3A_324, %cond3A_325 : i32
      scf.if %cond3A_326 {
        %add3A_327 = arith.constant 4 : i32
        %add3A_328 = arith.addi %add3A_307, %add3A_327 : i32
        %dma_start3A_329 = arith.constant 3 : i32
        %dma_start3A_330 = arith.constant 0 : i32
        %dma_start3A_331 = arith.constant 0 : i32
        %dma_start3A_332 = tpu.memref_slice %arg8[%dma_start3A_329, %dma_start3A_330, %dma_start3A_331] : memref<4x64x128xf32, #tpu.memory_space<vmem>> -> memref<1x64x128xf32, #tpu.memory_space<vmem>>
        %dma_start3A_333 = tpu.memref_squeeze %dma_start3A_332 : memref<1x64x128xf32, #tpu.memory_space<vmem>> -> memref<64x128xf32, #tpu.memory_space<vmem>>
        %dma_start3A_334 = arith.constant 0 : i32
        %dma_start3A_335 = tpu.memref_slice %arg6[%add3A_328, %dma_start3A_334] : memref<40x64xi32, #tpu.memory_space<vmem>> -> memref<1x64xi32, #tpu.memory_space<vmem>>
        %dma_start3A_336 = tpu.memref_squeeze %dma_start3A_335 : memref<1x64xi32, #tpu.memory_space<vmem>> -> memref<64xi32, #tpu.memory_space<vmem>>
        %dma_start3A_337 = arith.constant 0 : i32
        %dma_start3A_338 = arith.constant 0 : i32
        %dma_start3A_339 = tpu.memref_slice %arg2[%dma_start3A_337, %dma_start3A_338] : memref<10240x128xf32, #tpu.memory_space<hbm>> -> memref<10240x128xf32, #tpu.memory_space<hbm>>
        tpu.enqueue_indirect_dma source(%dma_start3A_339 : memref<10240x128xf32, #tpu.memory_space<hbm>>) target(%dma_start3A_333 : memref<64x128xf32, #tpu.memory_space<vmem>>) offsets(%dma_start3A_336 : memref<64xi32, #tpu.memory_space<vmem>>) semaphore(%arg13 : memref<!tpu.dma_semaphore, #tpu.memory_space<semaphore_mem>>)
      } else {
      }
    }
    %scan3A_180 = arith.constant 10 : i32
    %mul3A_181 = arith.constant 160 : i32
    %mul3A_182 = arith.muli %add3A, %mul3A_181 : i32
    %add3A_183 = arith.constant 120 : i32
    %add3A_184 = arith.addi %mul3A_182, %add3A_183 : i32
    "tpu.region"() ({
      %run_scoped3A = tpu.sem_alloc : memref<!tpu.dma_semaphore, #tpu.memory_space<semaphore_mem>>
      %dma_start3A_243 = arith.constant 0 : i32
      %dma_start3A_244 = tpu.memref_slice %arg3[%add3A_184, %dma_start3A_243] : memref<5120x64xi32, #tpu.memory_space<hbm>> -> memref<40x64xi32, #tpu.memory_space<hbm>>
      %dma_start3A_245 = arith.constant 0 : i32
      %dma_start3A_246 = tpu.memref_slice %arg3[%add3A_184, %dma_start3A_245] : memref<5120x64xi32, #tpu.memory_space<hbm>> -> memref<40x64xi32, #tpu.memory_space<hbm>>
      tpu.enqueue_dma source(%dma_start3A_246 : memref<40x64xi32, #tpu.memory_space<hbm>>) target(%arg6 : memref<40x64xi32, #tpu.memory_space<vmem>>) target_semaphore(%run_scoped3A : memref<!tpu.dma_semaphore, #tpu.memory_space<semaphore_mem>>)
      %dma_wait3A = arith.constant 0 : i32
      %dma_wait3A_247 = tpu.memref_slice %arg3[%add3A_184, %dma_wait3A] : memref<5120x64xi32, #tpu.memory_space<hbm>> -> memref<40x64xi32, #tpu.memory_space<hbm>>
      %dma_wait3A_248 = arith.constant 0 : i32
      %dma_wait3A_249 = tpu.memref_slice %arg3[%add3A_184, %dma_wait3A_248] : memref<5120x64xi32, #tpu.memory_space<hbm>> -> memref<40x64xi32, #tpu.memory_space<hbm>>
      tpu.wait_dma2 semaphore(%run_scoped3A : memref<!tpu.dma_semaphore, #tpu.memory_space<semaphore_mem>>) src(%dma_wait3A_249 : memref<40x64xi32, #tpu.memory_space<hbm>>) dst(%arg6 : memref<40x64xi32, #tpu.memory_space<vmem>>)
      tpu.yield
    }) : () -> ()
    "tpu.region"() ({
      %run_scoped3A = tpu.sem_alloc : memref<!tpu.dma_semaphore, #tpu.memory_space<semaphore_mem>>
      %dma_start3A_243 = arith.constant 0 : i32
      %dma_start3A_244 = tpu.memref_slice %arg4[%add3A_184, %dma_start3A_243] : memref<5120x64xi32, #tpu.memory_space<hbm>> -> memref<40x64xi32, #tpu.memory_space<hbm>>
      %dma_start3A_245 = arith.constant 0 : i32
      %dma_start3A_246 = tpu.memref_slice %arg4[%add3A_184, %dma_start3A_245] : memref<5120x64xi32, #tpu.memory_space<hbm>> -> memref<40x64xi32, #tpu.memory_space<hbm>>
      tpu.enqueue_dma source(%dma_start3A_246 : memref<40x64xi32, #tpu.memory_space<hbm>>) target(%arg7 : memref<40x64xi32, #tpu.memory_space<vmem>>) target_semaphore(%run_scoped3A : memref<!tpu.dma_semaphore, #tpu.memory_space<semaphore_mem>>)
      %dma_wait3A = arith.constant 0 : i32
      %dma_wait3A_247 = tpu.memref_slice %arg4[%add3A_184, %dma_wait3A] : memref<5120x64xi32, #tpu.memory_space<hbm>> -> memref<40x64xi32, #tpu.memory_space<hbm>>
      %dma_wait3A_248 = arith.constant 0 : i32
      %dma_wait3A_249 = tpu.memref_slice %arg4[%add3A_184, %dma_wait3A_248] : memref<5120x64xi32, #tpu.memory_space<hbm>> -> memref<40x64xi32, #tpu.memory_space<hbm>>
      tpu.wait_dma2 semaphore(%run_scoped3A : memref<!tpu.dma_semaphore, #tpu.memory_space<semaphore_mem>>) src(%dma_wait3A_249 : memref<40x64xi32, #tpu.memory_space<hbm>>) dst(%arg7 : memref<40x64xi32, #tpu.memory_space<vmem>>)
      tpu.yield
    }) : () -> ()
    %dma_start3A_185 = arith.constant 0 : i32
    %dma_start3A_186 = arith.constant 0 : i32
    %dma_start3A_187 = arith.constant 0 : i32
    %dma_start3A_188 = arith.constant 0 : i32
    %dma_start3A_189 = tpu.memref_slice %arg8[%dma_start3A_186, %dma_start3A_187, %dma_start3A_188] : memref<4x64x128xf32, #tpu.memory_space<vmem>> -> memref<1x64x128xf32, #tpu.memory_space<vmem>>
    %dma_start3A_190 = tpu.memref_squeeze %dma_start3A_189 : memref<1x64x128xf32, #tpu.memory_space<vmem>> -> memref<64x128xf32, #tpu.memory_space<vmem>>
    %dma_start3A_191 = arith.constant 0 : i32
    %dma_start3A_192 = tpu.memref_slice %arg6[%dma_start3A_185, %dma_start3A_191] : memref<40x64xi32, #tpu.memory_space<vmem>> -> memref<1x64xi32, #tpu.memory_space<vmem>>
    %dma_start3A_193 = tpu.memref_squeeze %dma_start3A_192 : memref<1x64xi32, #tpu.memory_space<vmem>> -> memref<64xi32, #tpu.memory_space<vmem>>
    %dma_start3A_194 = arith.constant 0 : i32
    %dma_start3A_195 = arith.constant 0 : i32
    %dma_start3A_196 = tpu.memref_slice %arg2[%dma_start3A_194, %dma_start3A_195] : memref<10240x128xf32, #tpu.memory_space<hbm>> -> memref<10240x128xf32, #tpu.memory_space<hbm>>
    tpu.enqueue_indirect_dma source(%dma_start3A_196 : memref<10240x128xf32, #tpu.memory_space<hbm>>) target(%dma_start3A_190 : memref<64x128xf32, #tpu.memory_space<vmem>>) offsets(%dma_start3A_193 : memref<64xi32, #tpu.memory_space<vmem>>) semaphore(%arg10 : memref<!tpu.dma_semaphore, #tpu.memory_space<semaphore_mem>>)
    %dma_start3A_197 = arith.constant 1 : i32
    %dma_start3A_198 = arith.constant 1 : i32
    %dma_start3A_199 = arith.constant 0 : i32
    %dma_start3A_200 = arith.constant 0 : i32
    %dma_start3A_201 = tpu.memref_slice %arg8[%dma_start3A_198, %dma_start3A_199, %dma_start3A_200] : memref<4x64x128xf32, #tpu.memory_space<vmem>> -> memref<1x64x128xf32, #tpu.memory_space<vmem>>
    %dma_start3A_202 = tpu.memref_squeeze %dma_start3A_201 : memref<1x64x128xf32, #tpu.memory_space<vmem>> -> memref<64x128xf32, #tpu.memory_space<vmem>>
    %dma_start3A_203 = arith.constant 0 : i32
    %dma_start3A_204 = tpu.memref_slice %arg6[%dma_start3A_197, %dma_start3A_203] : memref<40x64xi32, #tpu.memory_space<vmem>> -> memref<1x64xi32, #tpu.memory_space<vmem>>
    %dma_start3A_205 = tpu.memref_squeeze %dma_start3A_204 : memref<1x64xi32, #tpu.memory_space<vmem>> -> memref<64xi32, #tpu.memory_space<vmem>>
    %dma_start3A_206 = arith.constant 0 : i32
    %dma_start3A_207 = arith.constant 0 : i32
    %dma_start3A_208 = tpu.memref_slice %arg2[%dma_start3A_206, %dma_start3A_207] : memref<10240x128xf32, #tpu.memory_space<hbm>> -> memref<10240x128xf32, #tpu.memory_space<hbm>>
    tpu.enqueue_indirect_dma source(%dma_start3A_208 : memref<10240x128xf32, #tpu.memory_space<hbm>>) target(%dma_start3A_202 : memref<64x128xf32, #tpu.memory_space<vmem>>) offsets(%dma_start3A_205 : memref<64xi32, #tpu.memory_space<vmem>>) semaphore(%arg11 : memref<!tpu.dma_semaphore, #tpu.memory_space<semaphore_mem>>)
    %dma_start3A_209 = arith.constant 2 : i32
    %dma_start3A_210 = arith.constant 2 : i32
    %dma_start3A_211 = arith.constant 0 : i32
    %dma_start3A_212 = arith.constant 0 : i32
    %dma_start3A_213 = tpu.memref_slice %arg8[%dma_start3A_210, %dma_start3A_211, %dma_start3A_212] : memref<4x64x128xf32, #tpu.memory_space<vmem>> -> memref<1x64x128xf32, #tpu.memory_space<vmem>>
    %dma_start3A_214 = tpu.memref_squeeze %dma_start3A_213 : memref<1x64x128xf32, #tpu.memory_space<vmem>> -> memref<64x128xf32, #tpu.memory_space<vmem>>
    %dma_start3A_215 = arith.constant 0 : i32
    %dma_start3A_216 = tpu.memref_slice %arg6[%dma_start3A_209, %dma_start3A_215] : memref<40x64xi32, #tpu.memory_space<vmem>> -> memref<1x64xi32, #tpu.memory_space<vmem>>
    %dma_start3A_217 = tpu.memref_squeeze %dma_start3A_216 : memref<1x64xi32, #tpu.memory_space<vmem>> -> memref<64xi32, #tpu.memory_space<vmem>>
    %dma_start3A_218 = arith.constant 0 : i32
    %dma_start3A_219 = arith.constant 0 : i32
    %dma_start3A_220 = tpu.memref_slice %arg2[%dma_start3A_218, %dma_start3A_219] : memref<10240x128xf32, #tpu.memory_space<hbm>> -> memref<10240x128xf32, #tpu.memory_space<hbm>>
    tpu.enqueue_indirect_dma source(%dma_start3A_220 : memref<10240x128xf32, #tpu.memory_space<hbm>>) target(%dma_start3A_214 : memref<64x128xf32, #tpu.memory_space<vmem>>) offsets(%dma_start3A_217 : memref<64xi32, #tpu.memory_space<vmem>>) semaphore(%arg12 : memref<!tpu.dma_semaphore, #tpu.memory_space<semaphore_mem>>)
    %dma_start3A_221 = arith.constant 3 : i32
    %dma_start3A_222 = arith.constant 3 : i32
    %dma_start3A_223 = arith.constant 0 : i32
    %dma_start3A_224 = arith.constant 0 : i32
    %dma_start3A_225 = tpu.memref_slice %arg8[%dma_start3A_222, %dma_start3A_223, %dma_start3A_224] : memref<4x64x128xf32, #tpu.memory_space<vmem>> -> memref<1x64x128xf32, #tpu.memory_space<vmem>>
    %dma_start3A_226 = tpu.memref_squeeze %dma_start3A_225 : memref<1x64x128xf32, #tpu.memory_space<vmem>> -> memref<64x128xf32, #tpu.memory_space<vmem>>
    %dma_start3A_227 = arith.constant 0 : i32
    %dma_start3A_228 = tpu.memref_slice %arg6[%dma_start3A_221, %dma_start3A_227] : memref<40x64xi32, #tpu.memory_space<vmem>> -> memref<1x64xi32, #tpu.memory_space<vmem>>
    %dma_start3A_229 = tpu.memref_squeeze %dma_start3A_228 : memref<1x64xi32, #tpu.memory_space<vmem>> -> memref<64xi32, #tpu.memory_space<vmem>>
    %dma_start3A_230 = arith.constant 0 : i32
    %dma_start3A_231 = arith.constant 0 : i32
    %dma_start3A_232 = tpu.memref_slice %arg2[%dma_start3A_230, %dma_start3A_231] : memref<10240x128xf32, #tpu.memory_space<hbm>> -> memref<10240x128xf32, #tpu.memory_space<hbm>>
    tpu.enqueue_indirect_dma source(%dma_start3A_232 : memref<10240x128xf32, #tpu.memory_space<hbm>>) target(%dma_start3A_226 : memref<64x128xf32, #tpu.memory_space<vmem>>) offsets(%dma_start3A_229 : memref<64xi32, #tpu.memory_space<vmem>>) semaphore(%arg13 : memref<!tpu.dma_semaphore, #tpu.memory_space<semaphore_mem>>)
    %scan3A_233 = arith.constant 0 : i32
    %scan3A_234 = arith.constant 10 : i32
    %scan3A_235 = arith.addi %scan3A_233, %scan3A_234 : i32
    %scan3A_236 = arith.constant 1 : i32
    scf.for %scan3A_243 = %scan3A_233 to %scan3A_235 step %scan3A_236  : i32 {
      %mul3A_244 = arith.constant 4 : i32
      %mul3A_245 = arith.muli %scan3A_243, %mul3A_244 : i32
      %add3A_246 = arith.constant 0 : i32
      %add3A_247 = arith.addi %add3A_246, %mul3A_245 : i32
      %add3A_248 = arith.constant 0 : i32
      %add3A_249 = arith.addi %add3A_247, %add3A_248 : i32
      %dma_wait3A = arith.constant 0 : i32
      %dma_wait3A_250 = arith.constant 0 : i32
      %dma_wait3A_251 = arith.constant 0 : i32
      %dma_wait3A_252 = tpu.memref_slice %arg8[%dma_wait3A, %dma_wait3A_250, %dma_wait3A_251] : memref<4x64x128xf32, #tpu.memory_space<vmem>> -> memref<1x64x128xf32, #tpu.memory_space<vmem>>
      %dma_wait3A_253 = tpu.memref_squeeze %dma_wait3A_252 : memref<1x64x128xf32, #tpu.memory_space<vmem>> -> memref<64x128xf32, #tpu.memory_space<vmem>>
      %dma_wait3A_254 = arith.constant 0 : i32
      %dma_wait3A_255 = tpu.memref_slice %arg6[%add3A_249, %dma_wait3A_254] : memref<40x64xi32, #tpu.memory_space<vmem>> -> memref<1x64xi32, #tpu.memory_space<vmem>>
      %dma_wait3A_256 = tpu.memref_squeeze %dma_wait3A_255 : memref<1x64xi32, #tpu.memory_space<vmem>> -> memref<64xi32, #tpu.memory_space<vmem>>
      %dma_wait3A_257 = arith.constant 0 : i32
      %dma_wait3A_258 = arith.constant 0 : i32
      %dma_wait3A_259 = tpu.memref_slice %arg2[%dma_wait3A_257, %dma_wait3A_258] : memref<10240x128xf32, #tpu.memory_space<hbm>> -> memref<10240x128xf32, #tpu.memory_space<hbm>>
      tpu.wait_indirect_dma semaphore(%arg10 : memref<!tpu.dma_semaphore, #tpu.memory_space<semaphore_mem>>) src(%dma_wait3A_259 : memref<10240x128xf32, #tpu.memory_space<hbm>>) dst(%dma_wait3A_253 : memref<64x128xf32, #tpu.memory_space<vmem>>)
      %run_scoped3A = arith.constant 0 : i32
      "tpu.region"() ({
        %run_scoped3A_327 = tpu.sem_alloc : memref<!tpu.dma_semaphore, #tpu.memory_space<semaphore_mem>>
        %dma_start3A_328 = arith.constant 0 : i32
        %dma_start3A_329 = arith.constant 0 : i32
        %dma_start3A_330 = tpu.memref_slice %arg8[%run_scoped3A, %dma_start3A_328, %dma_start3A_329] : memref<4x64x128xf32, #tpu.memory_space<vmem>> -> memref<1x64x128xf32, #tpu.memory_space<vmem>>
        %dma_start3A_331 = tpu.memref_squeeze %dma_start3A_330 : memref<1x64x128xf32, #tpu.memory_space<vmem>> -> memref<64x128xf32, #tpu.memory_space<vmem>>
        %dma_start3A_332 = arith.constant 0 : i32
        %dma_start3A_333 = tpu.memref_slice %arg7[%add3A_249, %dma_start3A_332] : memref<40x64xi32, #tpu.memory_space<vmem>> -> memref<1x64xi32, #tpu.memory_space<vmem>>
        %dma_start3A_334 = tpu.memref_squeeze %dma_start3A_333 : memref<1x64xi32, #tpu.memory_space<vmem>> -> memref<64xi32, #tpu.memory_space<vmem>>
        %dma_start3A_335 = arith.constant 0 : i32
        %dma_start3A_336 = arith.constant 0 : i32
        %dma_start3A_337 = tpu.memref_slice %arg9[%dma_start3A_335, %dma_start3A_336] : memref<10240x128xf32, #tpu.memory_space<vmem_shared>> -> memref<10240x128xf32, #tpu.memory_space<vmem_shared>>
        tpu.enqueue_indirect_dma source(%dma_start3A_331 : memref<64x128xf32, #tpu.memory_space<vmem>>) target(%dma_start3A_337 : memref<10240x128xf32, #tpu.memory_space<vmem_shared>>) offsets(%dma_start3A_334 : memref<64xi32, #tpu.memory_space<vmem>>) semaphore(%run_scoped3A_327 : memref<!tpu.dma_semaphore, #tpu.memory_space<semaphore_mem>>) {add = true}
        %dma_wait3A_338 = arith.constant 0 : i32
        %dma_wait3A_339 = arith.constant 0 : i32
        %dma_wait3A_340 = tpu.memref_slice %arg8[%run_scoped3A, %dma_wait3A_338, %dma_wait3A_339] : memref<4x64x128xf32, #tpu.memory_space<vmem>> -> memref<1x64x128xf32, #tpu.memory_space<vmem>>
        %dma_wait3A_341 = tpu.memref_squeeze %dma_wait3A_340 : memref<1x64x128xf32, #tpu.memory_space<vmem>> -> memref<64x128xf32, #tpu.memory_space<vmem>>
        %dma_wait3A_342 = arith.constant 0 : i32
        %dma_wait3A_343 = tpu.memref_slice %arg7[%add3A_249, %dma_wait3A_342] : memref<40x64xi32, #tpu.memory_space<vmem>> -> memref<1x64xi32, #tpu.memory_space<vmem>>
        %dma_wait3A_344 = tpu.memref_squeeze %dma_wait3A_343 : memref<1x64xi32, #tpu.memory_space<vmem>> -> memref<64xi32, #tpu.memory_space<vmem>>
        %dma_wait3A_345 = arith.constant 0 : i32
        %dma_wait3A_346 = arith.constant 0 : i32
        %dma_wait3A_347 = tpu.memref_slice %arg9[%dma_wait3A_345, %dma_wait3A_346] : memref<10240x128xf32, #tpu.memory_space<vmem_shared>> -> memref<10240x128xf32, #tpu.memory_space<vmem_shared>>
        tpu.wait_indirect_dma semaphore(%run_scoped3A_327 : memref<!tpu.dma_semaphore, #tpu.memory_space<semaphore_mem>>) src(%dma_wait3A_341 : memref<64x128xf32, #tpu.memory_space<vmem>>) dst(%dma_wait3A_347 : memref<10240x128xf32, #tpu.memory_space<vmem_shared>>)
        tpu.yield
      }) : () -> ()
      %add3A_260 = arith.constant 4 : i32
      %add3A_261 = arith.addi %add3A_249, %add3A_260 : i32
      %lt3A = arith.constant 40 : i32
      %lt3A_262 = arith.cmpi slt, %add3A_261, %lt3A : i32
      %convert_element_type3A = arith.extui %lt3A_262 : i1 to i32
      %cond3A = arith.constant 0 : i32
      %cond3A_263 = arith.cmpi ne, %convert_element_type3A, %cond3A : i32
      scf.if %cond3A_263 {
        %add3A_327 = arith.constant 4 : i32
        %add3A_328 = arith.addi %add3A_249, %add3A_327 : i32
        %dma_start3A_329 = arith.constant 0 : i32
        %dma_start3A_330 = arith.constant 0 : i32
        %dma_start3A_331 = arith.constant 0 : i32
        %dma_start3A_332 = tpu.memref_slice %arg8[%dma_start3A_329, %dma_start3A_330, %dma_start3A_331] : memref<4x64x128xf32, #tpu.memory_space<vmem>> -> memref<1x64x128xf32, #tpu.memory_space<vmem>>
        %dma_start3A_333 = tpu.memref_squeeze %dma_start3A_332 : memref<1x64x128xf32, #tpu.memory_space<vmem>> -> memref<64x128xf32, #tpu.memory_space<vmem>>
        %dma_start3A_334 = arith.constant 0 : i32
        %dma_start3A_335 = tpu.memref_slice %arg6[%add3A_328, %dma_start3A_334] : memref<40x64xi32, #tpu.memory_space<vmem>> -> memref<1x64xi32, #tpu.memory_space<vmem>>
        %dma_start3A_336 = tpu.memref_squeeze %dma_start3A_335 : memref<1x64xi32, #tpu.memory_space<vmem>> -> memref<64xi32, #tpu.memory_space<vmem>>
        %dma_start3A_337 = arith.constant 0 : i32
        %dma_start3A_338 = arith.constant 0 : i32
        %dma_start3A_339 = tpu.memref_slice %arg2[%dma_start3A_337, %dma_start3A_338] : memref<10240x128xf32, #tpu.memory_space<hbm>> -> memref<10240x128xf32, #tpu.memory_space<hbm>>
        tpu.enqueue_indirect_dma source(%dma_start3A_339 : memref<10240x128xf32, #tpu.memory_space<hbm>>) target(%dma_start3A_333 : memref<64x128xf32, #tpu.memory_space<vmem>>) offsets(%dma_start3A_336 : memref<64xi32, #tpu.memory_space<vmem>>) semaphore(%arg10 : memref<!tpu.dma_semaphore, #tpu.memory_space<semaphore_mem>>)
      } else {
      }
      %add3A_264 = arith.constant 1 : i32
      %add3A_265 = arith.addi %add3A_247, %add3A_264 : i32
      %dma_wait3A_266 = arith.constant 1 : i32
      %dma_wait3A_267 = arith.constant 0 : i32
      %dma_wait3A_268 = arith.constant 0 : i32
      %dma_wait3A_269 = tpu.memref_slice %arg8[%dma_wait3A_266, %dma_wait3A_267, %dma_wait3A_268] : memref<4x64x128xf32, #tpu.memory_space<vmem>> -> memref<1x64x128xf32, #tpu.memory_space<vmem>>
      %dma_wait3A_270 = tpu.memref_squeeze %dma_wait3A_269 : memref<1x64x128xf32, #tpu.memory_space<vmem>> -> memref<64x128xf32, #tpu.memory_space<vmem>>
      %dma_wait3A_271 = arith.constant 0 : i32
      %dma_wait3A_272 = tpu.memref_slice %arg6[%add3A_265, %dma_wait3A_271] : memref<40x64xi32, #tpu.memory_space<vmem>> -> memref<1x64xi32, #tpu.memory_space<vmem>>
      %dma_wait3A_273 = tpu.memref_squeeze %dma_wait3A_272 : memref<1x64xi32, #tpu.memory_space<vmem>> -> memref<64xi32, #tpu.memory_space<vmem>>
      %dma_wait3A_274 = arith.constant 0 : i32
      %dma_wait3A_275 = arith.constant 0 : i32
      %dma_wait3A_276 = tpu.memref_slice %arg2[%dma_wait3A_274, %dma_wait3A_275] : memref<10240x128xf32, #tpu.memory_space<hbm>> -> memref<10240x128xf32, #tpu.memory_space<hbm>>
      tpu.wait_indirect_dma semaphore(%arg11 : memref<!tpu.dma_semaphore, #tpu.memory_space<semaphore_mem>>) src(%dma_wait3A_276 : memref<10240x128xf32, #tpu.memory_space<hbm>>) dst(%dma_wait3A_270 : memref<64x128xf32, #tpu.memory_space<vmem>>)
      %run_scoped3A_277 = arith.constant 1 : i32
      "tpu.region"() ({
        %run_scoped3A_327 = tpu.sem_alloc : memref<!tpu.dma_semaphore, #tpu.memory_space<semaphore_mem>>
        %dma_start3A_328 = arith.constant 0 : i32
        %dma_start3A_329 = arith.constant 0 : i32
        %dma_start3A_330 = tpu.memref_slice %arg8[%run_scoped3A_277, %dma_start3A_328, %dma_start3A_329] : memref<4x64x128xf32, #tpu.memory_space<vmem>> -> memref<1x64x128xf32, #tpu.memory_space<vmem>>
        %dma_start3A_331 = tpu.memref_squeeze %dma_start3A_330 : memref<1x64x128xf32, #tpu.memory_space<vmem>> -> memref<64x128xf32, #tpu.memory_space<vmem>>
        %dma_start3A_332 = arith.constant 0 : i32
        %dma_start3A_333 = tpu.memref_slice %arg7[%add3A_265, %dma_start3A_332] : memref<40x64xi32, #tpu.memory_space<vmem>> -> memref<1x64xi32, #tpu.memory_space<vmem>>
        %dma_start3A_334 = tpu.memref_squeeze %dma_start3A_333 : memref<1x64xi32, #tpu.memory_space<vmem>> -> memref<64xi32, #tpu.memory_space<vmem>>
        %dma_start3A_335 = arith.constant 0 : i32
        %dma_start3A_336 = arith.constant 0 : i32
        %dma_start3A_337 = tpu.memref_slice %arg9[%dma_start3A_335, %dma_start3A_336] : memref<10240x128xf32, #tpu.memory_space<vmem_shared>> -> memref<10240x128xf32, #tpu.memory_space<vmem_shared>>
        tpu.enqueue_indirect_dma source(%dma_start3A_331 : memref<64x128xf32, #tpu.memory_space<vmem>>) target(%dma_start3A_337 : memref<10240x128xf32, #tpu.memory_space<vmem_shared>>) offsets(%dma_start3A_334 : memref<64xi32, #tpu.memory_space<vmem>>) semaphore(%run_scoped3A_327 : memref<!tpu.dma_semaphore, #tpu.memory_space<semaphore_mem>>) {add = true}
        %dma_wait3A_338 = arith.constant 0 : i32
        %dma_wait3A_339 = arith.constant 0 : i32
        %dma_wait3A_340 = tpu.memref_slice %arg8[%run_scoped3A_277, %dma_wait3A_338, %dma_wait3A_339] : memref<4x64x128xf32, #tpu.memory_space<vmem>> -> memref<1x64x128xf32, #tpu.memory_space<vmem>>
        %dma_wait3A_341 = tpu.memref_squeeze %dma_wait3A_340 : memref<1x64x128xf32, #tpu.memory_space<vmem>> -> memref<64x128xf32, #tpu.memory_space<vmem>>
        %dma_wait3A_342 = arith.constant 0 : i32
        %dma_wait3A_343 = tpu.memref_slice %arg7[%add3A_265, %dma_wait3A_342] : memref<40x64xi32, #tpu.memory_space<vmem>> -> memref<1x64xi32, #tpu.memory_space<vmem>>
        %dma_wait3A_344 = tpu.memref_squeeze %dma_wait3A_343 : memref<1x64xi32, #tpu.memory_space<vmem>> -> memref<64xi32, #tpu.memory_space<vmem>>
        %dma_wait3A_345 = arith.constant 0 : i32
        %dma_wait3A_346 = arith.constant 0 : i32
        %dma_wait3A_347 = tpu.memref_slice %arg9[%dma_wait3A_345, %dma_wait3A_346] : memref<10240x128xf32, #tpu.memory_space<vmem_shared>> -> memref<10240x128xf32, #tpu.memory_space<vmem_shared>>
        tpu.wait_indirect_dma semaphore(%run_scoped3A_327 : memref<!tpu.dma_semaphore, #tpu.memory_space<semaphore_mem>>) src(%dma_wait3A_341 : memref<64x128xf32, #tpu.memory_space<vmem>>) dst(%dma_wait3A_347 : memref<10240x128xf32, #tpu.memory_space<vmem_shared>>)
        tpu.yield
      }) : () -> ()
      %add3A_278 = arith.constant 4 : i32
      %add3A_279 = arith.addi %add3A_265, %add3A_278 : i32
      %lt3A_280 = arith.constant 40 : i32
      %lt3A_281 = arith.cmpi slt, %add3A_279, %lt3A_280 : i32
      %convert_element_type3A_282 = arith.extui %lt3A_281 : i1 to i32
      %cond3A_283 = arith.constant 0 : i32
      %cond3A_284 = arith.cmpi ne, %convert_element_type3A_282, %cond3A_283 : i32
      scf.if %cond3A_284 {
        %add3A_327 = arith.constant 4 : i32
        %add3A_328 = arith.addi %add3A_265, %add3A_327 : i32
        %dma_start3A_329 = arith.constant 1 : i32
        %dma_start3A_330 = arith.constant 0 : i32
        %dma_start3A_331 = arith.constant 0 : i32
        %dma_start3A_332 = tpu.memref_slice %arg8[%dma_start3A_329, %dma_start3A_330, %dma_start3A_331] : memref<4x64x128xf32, #tpu.memory_space<vmem>> -> memref<1x64x128xf32, #tpu.memory_space<vmem>>
        %dma_start3A_333 = tpu.memref_squeeze %dma_start3A_332 : memref<1x64x128xf32, #tpu.memory_space<vmem>> -> memref<64x128xf32, #tpu.memory_space<vmem>>
        %dma_start3A_334 = arith.constant 0 : i32
        %dma_start3A_335 = tpu.memref_slice %arg6[%add3A_328, %dma_start3A_334] : memref<40x64xi32, #tpu.memory_space<vmem>> -> memref<1x64xi32, #tpu.memory_space<vmem>>
        %dma_start3A_336 = tpu.memref_squeeze %dma_start3A_335 : memref<1x64xi32, #tpu.memory_space<vmem>> -> memref<64xi32, #tpu.memory_space<vmem>>
        %dma_start3A_337 = arith.constant 0 : i32
        %dma_start3A_338 = arith.constant 0 : i32
        %dma_start3A_339 = tpu.memref_slice %arg2[%dma_start3A_337, %dma_start3A_338] : memref<10240x128xf32, #tpu.memory_space<hbm>> -> memref<10240x128xf32, #tpu.memory_space<hbm>>
        tpu.enqueue_indirect_dma source(%dma_start3A_339 : memref<10240x128xf32, #tpu.memory_space<hbm>>) target(%dma_start3A_333 : memref<64x128xf32, #tpu.memory_space<vmem>>) offsets(%dma_start3A_336 : memref<64xi32, #tpu.memory_space<vmem>>) semaphore(%arg11 : memref<!tpu.dma_semaphore, #tpu.memory_space<semaphore_mem>>)
      } else {
      }
      %add3A_285 = arith.constant 2 : i32
      %add3A_286 = arith.addi %add3A_247, %add3A_285 : i32
      %dma_wait3A_287 = arith.constant 2 : i32
      %dma_wait3A_288 = arith.constant 0 : i32
      %dma_wait3A_289 = arith.constant 0 : i32
      %dma_wait3A_290 = tpu.memref_slice %arg8[%dma_wait3A_287, %dma_wait3A_288, %dma_wait3A_289] : memref<4x64x128xf32, #tpu.memory_space<vmem>> -> memref<1x64x128xf32, #tpu.memory_space<vmem>>
      %dma_wait3A_291 = tpu.memref_squeeze %dma_wait3A_290 : memref<1x64x128xf32, #tpu.memory_space<vmem>> -> memref<64x128xf32, #tpu.memory_space<vmem>>
      %dma_wait3A_292 = arith.constant 0 : i32
      %dma_wait3A_293 = tpu.memref_slice %arg6[%add3A_286, %dma_wait3A_292] : memref<40x64xi32, #tpu.memory_space<vmem>> -> memref<1x64xi32, #tpu.memory_space<vmem>>
      %dma_wait3A_294 = tpu.memref_squeeze %dma_wait3A_293 : memref<1x64xi32, #tpu.memory_space<vmem>> -> memref<64xi32, #tpu.memory_space<vmem>>
      %dma_wait3A_295 = arith.constant 0 : i32
      %dma_wait3A_296 = arith.constant 0 : i32
      %dma_wait3A_297 = tpu.memref_slice %arg2[%dma_wait3A_295, %dma_wait3A_296] : memref<10240x128xf32, #tpu.memory_space<hbm>> -> memref<10240x128xf32, #tpu.memory_space<hbm>>
      tpu.wait_indirect_dma semaphore(%arg12 : memref<!tpu.dma_semaphore, #tpu.memory_space<semaphore_mem>>) src(%dma_wait3A_297 : memref<10240x128xf32, #tpu.memory_space<hbm>>) dst(%dma_wait3A_291 : memref<64x128xf32, #tpu.memory_space<vmem>>)
      %run_scoped3A_298 = arith.constant 2 : i32
      "tpu.region"() ({
        %run_scoped3A_327 = tpu.sem_alloc : memref<!tpu.dma_semaphore, #tpu.memory_space<semaphore_mem>>
        %dma_start3A_328 = arith.constant 0 : i32
        %dma_start3A_329 = arith.constant 0 : i32
        %dma_start3A_330 = tpu.memref_slice %arg8[%run_scoped3A_298, %dma_start3A_328, %dma_start3A_329] : memref<4x64x128xf32, #tpu.memory_space<vmem>> -> memref<1x64x128xf32, #tpu.memory_space<vmem>>
        %dma_start3A_331 = tpu.memref_squeeze %dma_start3A_330 : memref<1x64x128xf32, #tpu.memory_space<vmem>> -> memref<64x128xf32, #tpu.memory_space<vmem>>
        %dma_start3A_332 = arith.constant 0 : i32
        %dma_start3A_333 = tpu.memref_slice %arg7[%add3A_286, %dma_start3A_332] : memref<40x64xi32, #tpu.memory_space<vmem>> -> memref<1x64xi32, #tpu.memory_space<vmem>>
        %dma_start3A_334 = tpu.memref_squeeze %dma_start3A_333 : memref<1x64xi32, #tpu.memory_space<vmem>> -> memref<64xi32, #tpu.memory_space<vmem>>
        %dma_start3A_335 = arith.constant 0 : i32
        %dma_start3A_336 = arith.constant 0 : i32
        %dma_start3A_337 = tpu.memref_slice %arg9[%dma_start3A_335, %dma_start3A_336] : memref<10240x128xf32, #tpu.memory_space<vmem_shared>> -> memref<10240x128xf32, #tpu.memory_space<vmem_shared>>
        tpu.enqueue_indirect_dma source(%dma_start3A_331 : memref<64x128xf32, #tpu.memory_space<vmem>>) target(%dma_start3A_337 : memref<10240x128xf32, #tpu.memory_space<vmem_shared>>) offsets(%dma_start3A_334 : memref<64xi32, #tpu.memory_space<vmem>>) semaphore(%run_scoped3A_327 : memref<!tpu.dma_semaphore, #tpu.memory_space<semaphore_mem>>) {add = true}
        %dma_wait3A_338 = arith.constant 0 : i32
        %dma_wait3A_339 = arith.constant 0 : i32
        %dma_wait3A_340 = tpu.memref_slice %arg8[%run_scoped3A_298, %dma_wait3A_338, %dma_wait3A_339] : memref<4x64x128xf32, #tpu.memory_space<vmem>> -> memref<1x64x128xf32, #tpu.memory_space<vmem>>
        %dma_wait3A_341 = tpu.memref_squeeze %dma_wait3A_340 : memref<1x64x128xf32, #tpu.memory_space<vmem>> -> memref<64x128xf32, #tpu.memory_space<vmem>>
        %dma_wait3A_342 = arith.constant 0 : i32
        %dma_wait3A_343 = tpu.memref_slice %arg7[%add3A_286, %dma_wait3A_342] : memref<40x64xi32, #tpu.memory_space<vmem>> -> memref<1x64xi32, #tpu.memory_space<vmem>>
        %dma_wait3A_344 = tpu.memref_squeeze %dma_wait3A_343 : memref<1x64xi32, #tpu.memory_space<vmem>> -> memref<64xi32, #tpu.memory_space<vmem>>
        %dma_wait3A_345 = arith.constant 0 : i32
        %dma_wait3A_346 = arith.constant 0 : i32
        %dma_wait3A_347 = tpu.memref_slice %arg9[%dma_wait3A_345, %dma_wait3A_346] : memref<10240x128xf32, #tpu.memory_space<vmem_shared>> -> memref<10240x128xf32, #tpu.memory_space<vmem_shared>>
        tpu.wait_indirect_dma semaphore(%run_scoped3A_327 : memref<!tpu.dma_semaphore, #tpu.memory_space<semaphore_mem>>) src(%dma_wait3A_341 : memref<64x128xf32, #tpu.memory_space<vmem>>) dst(%dma_wait3A_347 : memref<10240x128xf32, #tpu.memory_space<vmem_shared>>)
        tpu.yield
      }) : () -> ()
      %add3A_299 = arith.constant 4 : i32
      %add3A_300 = arith.addi %add3A_286, %add3A_299 : i32
      %lt3A_301 = arith.constant 40 : i32
      %lt3A_302 = arith.cmpi slt, %add3A_300, %lt3A_301 : i32
      %convert_element_type3A_303 = arith.extui %lt3A_302 : i1 to i32
      %cond3A_304 = arith.constant 0 : i32
      %cond3A_305 = arith.cmpi ne, %convert_element_type3A_303, %cond3A_304 : i32
      scf.if %cond3A_305 {
        %add3A_327 = arith.constant 4 : i32
        %add3A_328 = arith.addi %add3A_286, %add3A_327 : i32
        %dma_start3A_329 = arith.constant 2 : i32
        %dma_start3A_330 = arith.constant 0 : i32
        %dma_start3A_331 = arith.constant 0 : i32
        %dma_start3A_332 = tpu.memref_slice %arg8[%dma_start3A_329, %dma_start3A_330, %dma_start3A_331] : memref<4x64x128xf32, #tpu.memory_space<vmem>> -> memref<1x64x128xf32, #tpu.memory_space<vmem>>
        %dma_start3A_333 = tpu.memref_squeeze %dma_start3A_332 : memref<1x64x128xf32, #tpu.memory_space<vmem>> -> memref<64x128xf32, #tpu.memory_space<vmem>>
        %dma_start3A_334 = arith.constant 0 : i32
        %dma_start3A_335 = tpu.memref_slice %arg6[%add3A_328, %dma_start3A_334] : memref<40x64xi32, #tpu.memory_space<vmem>> -> memref<1x64xi32, #tpu.memory_space<vmem>>
        %dma_start3A_336 = tpu.memref_squeeze %dma_start3A_335 : memref<1x64xi32, #tpu.memory_space<vmem>> -> memref<64xi32, #tpu.memory_space<vmem>>
        %dma_start3A_337 = arith.constant 0 : i32
        %dma_start3A_338 = arith.constant 0 : i32
        %dma_start3A_339 = tpu.memref_slice %arg2[%dma_start3A_337, %dma_start3A_338] : memref<10240x128xf32, #tpu.memory_space<hbm>> -> memref<10240x128xf32, #tpu.memory_space<hbm>>
        tpu.enqueue_indirect_dma source(%dma_start3A_339 : memref<10240x128xf32, #tpu.memory_space<hbm>>) target(%dma_start3A_333 : memref<64x128xf32, #tpu.memory_space<vmem>>) offsets(%dma_start3A_336 : memref<64xi32, #tpu.memory_space<vmem>>) semaphore(%arg12 : memref<!tpu.dma_semaphore, #tpu.memory_space<semaphore_mem>>)
      } else {
      }
      %add3A_306 = arith.constant 3 : i32
      %add3A_307 = arith.addi %add3A_247, %add3A_306 : i32
      %dma_wait3A_308 = arith.constant 3 : i32
      %dma_wait3A_309 = arith.constant 0 : i32
      %dma_wait3A_310 = arith.constant 0 : i32
      %dma_wait3A_311 = tpu.memref_slice %arg8[%dma_wait3A_308, %dma_wait3A_309, %dma_wait3A_310] : memref<4x64x128xf32, #tpu.memory_space<vmem>> -> memref<1x64x128xf32, #tpu.memory_space<vmem>>
      %dma_wait3A_312 = tpu.memref_squeeze %dma_wait3A_311 : memref<1x64x128xf32, #tpu.memory_space<vmem>> -> memref<64x128xf32, #tpu.memory_space<vmem>>
      %dma_wait3A_313 = arith.constant 0 : i32
      %dma_wait3A_314 = tpu.memref_slice %arg6[%add3A_307, %dma_wait3A_313] : memref<40x64xi32, #tpu.memory_space<vmem>> -> memref<1x64xi32, #tpu.memory_space<vmem>>
      %dma_wait3A_315 = tpu.memref_squeeze %dma_wait3A_314 : memref<1x64xi32, #tpu.memory_space<vmem>> -> memref<64xi32, #tpu.memory_space<vmem>>
      %dma_wait3A_316 = arith.constant 0 : i32
      %dma_wait3A_317 = arith.constant 0 : i32
      %dma_wait3A_318 = tpu.memref_slice %arg2[%dma_wait3A_316, %dma_wait3A_317] : memref<10240x128xf32, #tpu.memory_space<hbm>> -> memref<10240x128xf32, #tpu.memory_space<hbm>>
      tpu.wait_indirect_dma semaphore(%arg13 : memref<!tpu.dma_semaphore, #tpu.memory_space<semaphore_mem>>) src(%dma_wait3A_318 : memref<10240x128xf32, #tpu.memory_space<hbm>>) dst(%dma_wait3A_312 : memref<64x128xf32, #tpu.memory_space<vmem>>)
      %run_scoped3A_319 = arith.constant 3 : i32
      "tpu.region"() ({
        %run_scoped3A_327 = tpu.sem_alloc : memref<!tpu.dma_semaphore, #tpu.memory_space<semaphore_mem>>
        %dma_start3A_328 = arith.constant 0 : i32
        %dma_start3A_329 = arith.constant 0 : i32
        %dma_start3A_330 = tpu.memref_slice %arg8[%run_scoped3A_319, %dma_start3A_328, %dma_start3A_329] : memref<4x64x128xf32, #tpu.memory_space<vmem>> -> memref<1x64x128xf32, #tpu.memory_space<vmem>>
        %dma_start3A_331 = tpu.memref_squeeze %dma_start3A_330 : memref<1x64x128xf32, #tpu.memory_space<vmem>> -> memref<64x128xf32, #tpu.memory_space<vmem>>
        %dma_start3A_332 = arith.constant 0 : i32
        %dma_start3A_333 = tpu.memref_slice %arg7[%add3A_307, %dma_start3A_332] : memref<40x64xi32, #tpu.memory_space<vmem>> -> memref<1x64xi32, #tpu.memory_space<vmem>>
        %dma_start3A_334 = tpu.memref_squeeze %dma_start3A_333 : memref<1x64xi32, #tpu.memory_space<vmem>> -> memref<64xi32, #tpu.memory_space<vmem>>
        %dma_start3A_335 = arith.constant 0 : i32
        %dma_start3A_336 = arith.constant 0 : i32
        %dma_start3A_337 = tpu.memref_slice %arg9[%dma_start3A_335, %dma_start3A_336] : memref<10240x128xf32, #tpu.memory_space<vmem_shared>> -> memref<10240x128xf32, #tpu.memory_space<vmem_shared>>
        tpu.enqueue_indirect_dma source(%dma_start3A_331 : memref<64x128xf32, #tpu.memory_space<vmem>>) target(%dma_start3A_337 : memref<10240x128xf32, #tpu.memory_space<vmem_shared>>) offsets(%dma_start3A_334 : memref<64xi32, #tpu.memory_space<vmem>>) semaphore(%run_scoped3A_327 : memref<!tpu.dma_semaphore, #tpu.memory_space<semaphore_mem>>) {add = true}
        %dma_wait3A_338 = arith.constant 0 : i32
        %dma_wait3A_339 = arith.constant 0 : i32
        %dma_wait3A_340 = tpu.memref_slice %arg8[%run_scoped3A_319, %dma_wait3A_338, %dma_wait3A_339] : memref<4x64x128xf32, #tpu.memory_space<vmem>> -> memref<1x64x128xf32, #tpu.memory_space<vmem>>
        %dma_wait3A_341 = tpu.memref_squeeze %dma_wait3A_340 : memref<1x64x128xf32, #tpu.memory_space<vmem>> -> memref<64x128xf32, #tpu.memory_space<vmem>>
        %dma_wait3A_342 = arith.constant 0 : i32
        %dma_wait3A_343 = tpu.memref_slice %arg7[%add3A_307, %dma_wait3A_342] : memref<40x64xi32, #tpu.memory_space<vmem>> -> memref<1x64xi32, #tpu.memory_space<vmem>>
        %dma_wait3A_344 = tpu.memref_squeeze %dma_wait3A_343 : memref<1x64xi32, #tpu.memory_space<vmem>> -> memref<64xi32, #tpu.memory_space<vmem>>
        %dma_wait3A_345 = arith.constant 0 : i32
        %dma_wait3A_346 = arith.constant 0 : i32
        %dma_wait3A_347 = tpu.memref_slice %arg9[%dma_wait3A_345, %dma_wait3A_346] : memref<10240x128xf32, #tpu.memory_space<vmem_shared>> -> memref<10240x128xf32, #tpu.memory_space<vmem_shared>>
        tpu.wait_indirect_dma semaphore(%run_scoped3A_327 : memref<!tpu.dma_semaphore, #tpu.memory_space<semaphore_mem>>) src(%dma_wait3A_341 : memref<64x128xf32, #tpu.memory_space<vmem>>) dst(%dma_wait3A_347 : memref<10240x128xf32, #tpu.memory_space<vmem_shared>>)
        tpu.yield
      }) : () -> ()
      %add3A_320 = arith.constant 4 : i32
      %add3A_321 = arith.addi %add3A_307, %add3A_320 : i32
      %lt3A_322 = arith.constant 40 : i32
      %lt3A_323 = arith.cmpi slt, %add3A_321, %lt3A_322 : i32
      %convert_element_type3A_324 = arith.extui %lt3A_323 : i1 to i32
      %cond3A_325 = arith.constant 0 : i32
      %cond3A_326 = arith.cmpi ne, %convert_element_type3A_324, %cond3A_325 : i32
      scf.if %cond3A_326 {
        %add3A_327 = arith.constant 4 : i32
        %add3A_328 = arith.addi %add3A_307, %add3A_327 : i32
        %dma_start3A_329 = arith.constant 3 : i32
        %dma_start3A_330 = arith.constant 0 : i32
        %dma_start3A_331 = arith.constant 0 : i32
        %dma_start3A_332 = tpu.memref_slice %arg8[%dma_start3A_329, %dma_start3A_330, %dma_start3A_331] : memref<4x64x128xf32, #tpu.memory_space<vmem>> -> memref<1x64x128xf32, #tpu.memory_space<vmem>>
        %dma_start3A_333 = tpu.memref_squeeze %dma_start3A_332 : memref<1x64x128xf32, #tpu.memory_space<vmem>> -> memref<64x128xf32, #tpu.memory_space<vmem>>
        %dma_start3A_334 = arith.constant 0 : i32
        %dma_start3A_335 = tpu.memref_slice %arg6[%add3A_328, %dma_start3A_334] : memref<40x64xi32, #tpu.memory_space<vmem>> -> memref<1x64xi32, #tpu.memory_space<vmem>>
        %dma_start3A_336 = tpu.memref_squeeze %dma_start3A_335 : memref<1x64xi32, #tpu.memory_space<vmem>> -> memref<64xi32, #tpu.memory_space<vmem>>
        %dma_start3A_337 = arith.constant 0 : i32
        %dma_start3A_338 = arith.constant 0 : i32
        %dma_start3A_339 = tpu.memref_slice %arg2[%dma_start3A_337, %dma_start3A_338] : memref<10240x128xf32, #tpu.memory_space<hbm>> -> memref<10240x128xf32, #tpu.memory_space<hbm>>
        tpu.enqueue_indirect_dma source(%dma_start3A_339 : memref<10240x128xf32, #tpu.memory_space<hbm>>) target(%dma_start3A_333 : memref<64x128xf32, #tpu.memory_space<vmem>>) offsets(%dma_start3A_336 : memref<64xi32, #tpu.memory_space<vmem>>) semaphore(%arg13 : memref<!tpu.dma_semaphore, #tpu.memory_space<semaphore_mem>>)
      } else {
      }
    }
    %scan3A_237 = arith.constant 10 : i32
    %barrier3A_238 = arith.constant 0 : index
    tpu.barrier barrier_id(%barrier3A_238)
    %mul3A_239 = arith.constant 640 : i32
    %mul3A_240 = arith.muli %arg1, %mul3A_239 : i32
    %mul3A_241 = arith.constant 640 : i32
    %mul3A_242 = arith.muli %arg1, %mul3A_241 : i32
    "tpu.region"() ({
      %run_scoped3A = tpu.sem_alloc : memref<!tpu.dma_semaphore, #tpu.memory_space<semaphore_mem>>
      %dma_start3A_243 = arith.constant 0 : i32
      %dma_start3A_244 = arith.constant 0 : i32
      %dma_start3A_245 = tpu.memref_slice %arg5[%arg0, %dma_start3A_243, %dma_start3A_244] : memref<2x10240x128xf32, #tpu.memory_space<hbm>> -> memref<1x10240x128xf32, #tpu.memory_space<hbm>>
      %dma_start3A_246 = tpu.memref_squeeze %dma_start3A_245 : memref<1x10240x128xf32, #tpu.memory_space<hbm>> -> memref<10240x128xf32, #tpu.memory_space<hbm>>
      %dma_start3A_247 = arith.constant 0 : i32
      %dma_start3A_248 = tpu.memref_slice %dma_start3A_246[%mul3A_242, %dma_start3A_247] : memref<10240x128xf32, #tpu.memory_space<hbm>> -> memref<640x128xf32, #tpu.memory_space<hbm>>
      %dma_start3A_249 = arith.constant 0 : i32
      %dma_start3A_250 = tpu.memref_slice %arg9[%mul3A_240, %dma_start3A_249] : memref<10240x128xf32, #tpu.memory_space<vmem_shared>> -> memref<640x128xf32, #tpu.memory_space<vmem_shared>>
      tpu.enqueue_dma source(%dma_start3A_250 : memref<640x128xf32, #tpu.memory_space<vmem_shared>>) target(%dma_start3A_248 : memref<640x128xf32, #tpu.memory_space<hbm>>) target_semaphore(%run_scoped3A : memref<!tpu.dma_semaphore, #tpu.memory_space<semaphore_mem>>)
      %dma_wait3A = arith.constant 0 : i32
      %dma_wait3A_251 = arith.constant 0 : i32
      %dma_wait3A_252 = tpu.memref_slice %arg5[%arg0, %dma_wait3A, %dma_wait3A_251] : memref<2x10240x128xf32, #tpu.memory_space<hbm>> -> memref<1x10240x128xf32, #tpu.memory_space<hbm>>
      %dma_wait3A_253 = tpu.memref_squeeze %dma_wait3A_252 : memref<1x10240x128xf32, #tpu.memory_space<hbm>> -> memref<10240x128xf32, #tpu.memory_space<hbm>>
      %dma_wait3A_254 = arith.constant 0 : i32
      %dma_wait3A_255 = tpu.memref_slice %dma_wait3A_253[%mul3A_242, %dma_wait3A_254] : memref<10240x128xf32, #tpu.memory_space<hbm>> -> memref<640x128xf32, #tpu.memory_space<hbm>>
      %dma_wait3A_256 = arith.constant 0 : i32
      %dma_wait3A_257 = tpu.memref_slice %arg9[%mul3A_240, %dma_wait3A_256] : memref<10240x128xf32, #tpu.memory_space<vmem_shared>> -> memref<640x128xf32, #tpu.memory_space<vmem_shared>>
      tpu.wait_dma2 semaphore(%run_scoped3A : memref<!tpu.dma_semaphore, #tpu.memory_space<semaphore_mem>>) src(%dma_wait3A_257 : memref<640x128xf32, #tpu.memory_space<vmem_shared>>) dst(%dma_wait3A_255 : memref<640x128xf32, #tpu.memory_space<hbm>>)
      tpu.yield
    }) : () -> ()
    return
  }
}

module attributes {stable_mosaic.version = 14 : i64} {
  func.func @_tc_mm_body(%arg0: i32, %arg1: memref<1024x128xf32, #tpu.memory_space<vmem>>, %arg2: memref<128x128xf32, #tpu.memory_space<vmem>>, %arg3: memref<1024x128xf32, #tpu.memory_space<vmem>>) attributes {dimension_semantics = [#tpu.dimension_semantics<arbitrary>], iteration_bounds = array<i64: 10>, scalar_prefetch = 0 : i64, scratch_operands = 0 : i64, tpu.core_type = #tpu.core_type<tc>, window_params = [{transform_indices = @transform_0, window_bounds = array<i64: 1024, 128>}, {pipeline_mode = #tpu.pipeline_mode<synchronous>, transform_indices = @transform_1, window_bounds = array<i64: 128, 128>}, {transform_indices = @transform_2, window_bounds = array<i64: 1024, 128>}]} {
    %get3A = arith.constant 0 : index
    %get3A_0 = arith.constant 0 : index
    %get3A_1 = vector.load %arg1[%get3A, %get3A_0] : memref<1024x128xf32, #tpu.memory_space<vmem>>, vector<1024x128xf32>
    %get3A_2 = arith.constant 0 : index
    %get3A_3 = arith.constant 0 : index
    %get3A_4 = vector.load %arg2[%get3A_2, %get3A_3] : memref<128x128xf32, #tpu.memory_space<vmem>>, vector<128x128xf32>
    %dot_general3A = arith.constant dense<0.000000e+00> : vector<1024x128xf32>
    %dot_general3A_5 = tpu.matmul %get3A_1, %get3A_4, %dot_general3A {dimension_numbers = #tpu.dot_dimension_numbers<[1], [0], [0], [1], [0, 0, 1, 1], [], []>, transpose_lhs_hint = false} : vector<1024x128xf32>, vector<128x128xf32>, vector<1024x128xf32> -> vector<1024x128xf32>
    %swap3A = arith.constant 0 : index
    %swap3A_6 = arith.constant 0 : index
    %swap3A_7 = vector.load %arg3[%swap3A, %swap3A_6] : memref<1024x128xf32, #tpu.memory_space<vmem>>, vector<1024x128xf32>
    tpu.vector_store %arg3[%swap3A, %swap3A_6], %dot_general3A_5 {strides = array<i32>} : memref<1024x128xf32, #tpu.memory_space<vmem>>, vector<1024x128xf32>,
    return
  }
  func.func @transform_0(%arg0: i32) -> (i32, i32) {
    %c0_i32 = arith.constant 0 : i32
    %c0_i32_0 = arith.constant 0 : i32
    return %arg0, %c0_i32 : i32, i32
  }
  func.func @transform_1(%arg0: i32) -> (i32, i32) {
    %c0_i32 = arith.constant 0 : i32
    %c0_i32_0 = arith.constant 0 : i32
    %c0_i32_1 = arith.constant 0 : i32
    return %c0_i32, %c0_i32_0 : i32, i32
  }
  func.func @transform_2(%arg0: i32) -> (i32, i32) {
    %c0_i32 = arith.constant 0 : i32
    %c0_i32_0 = arith.constant 0 : i32
    return %arg0, %c0_i32 : i32, i32
  }
}

module attributes {stable_mosaic.version = 14 : i64} {
  func.func @_tc_a_body(%arg0: i32, %arg1: memref<2x1024x128xf32, #tpu.memory_space<vmem>>, %arg2: memref<1024x128xf32, #tpu.memory_space<vmem>>, %arg3: memref<1024x128xf32, #tpu.memory_space<vmem>>, %arg4: memref<1024x128xf32, #tpu.memory_space<vmem>>) attributes {dimension_semantics = [#tpu.dimension_semantics<arbitrary>], iteration_bounds = array<i64: 10>, scalar_prefetch = 0 : i64, scratch_operands = 0 : i64, tpu.core_type = #tpu.core_type<tc>, window_params = [{transform_indices = @transform_0, window_bounds = array<i64: 2, 1024, 128>}, {transform_indices = @transform_1, window_bounds = array<i64: 1024, 128>}, {transform_indices = @transform_2, window_bounds = array<i64: 1024, 128>}, {transform_indices = @transform_3, window_bounds = array<i64: 1024, 128>}]} {
    %get3A = arith.constant 0 : index
    %get3A_0 = arith.constant 0 : index
    %get3A_1 = arith.constant 0 : index
    %get3A_2 = vector.load %arg1[%get3A, %get3A_0, %get3A_1] : memref<2x1024x128xf32, #tpu.memory_space<vmem>>, vector<1x1024x1xf32>
    %get3A_3 = vector.shape_cast %get3A_2 : vector<1x1024x1xf32> to vector<1024x1xf32>
    %get3A_4 = arith.constant 1 : index
    %get3A_5 = arith.constant 0 : index
    %get3A_6 = arith.constant 0 : index
    %get3A_7 = vector.load %arg1[%get3A_4, %get3A_5, %get3A_6] : memref<2x1024x128xf32, #tpu.memory_space<vmem>>, vector<1x1024x1xf32>
    %get3A_8 = vector.shape_cast %get3A_7 : vector<1x1024x1xf32> to vector<1024x1xf32>
    %add3A = arith.addf %get3A_3, %get3A_8 : vector<1024x1xf32>
    %add3A_9 = arith.constant 1.000000e+00 : f32
    %add3A_10 = vector.broadcast %add3A_9 : f32 to vector<1024x1xf32>
    %add3A_11 = arith.addf %add3A, %add3A_10 : vector<1024x1xf32>
    %broadcast_in_dim3A = vector.shape_cast %add3A_11 : vector<1024x1xf32> to vector<1024x1xf32>
    %broadcast_in_dim3A_12 = vector.broadcast %broadcast_in_dim3A : vector<1024x1xf32> to vector<1024x128xf32>
    %mul3A = arith.constant 1024 : i32
    %mul3A_13 = arith.muli %arg0, %mul3A : i32
    %iota3A = tpu.iota {dimensions = array<i32: 0>} : vector<1024x128xi32>
    %add3A_14 = vector.broadcast %mul3A_13 : i32 to vector<1024x128xi32>
    %add3A_15 = arith.addi %add3A_14, %iota3A : vector<1024x128xi32>
    %lt3A = arith.constant 10000 : i32
    %lt3A_16 = vector.broadcast %lt3A : i32 to vector<1024x128xi32>
    %lt3A_17 = arith.cmpi slt, %add3A_15, %lt3A_16 : vector<1024x128xi32>
    %rsqrt3A = math.rsqrt %broadcast_in_dim3A_12 : vector<1024x128xf32>
    %jit3A = arith.constant 0.000000e+00 : f32
    %broadcast_in_dim3A_18 = vector.broadcast %jit3A : f32 to vector<1024x128xf32>
    %select_n3A = arith.select %lt3A_17, %rsqrt3A, %broadcast_in_dim3A_18 : vector<1024x128xi1>, vector<1024x128xf32>
    %get3A_19 = arith.constant 0 : index
    %get3A_20 = arith.constant 0 : index
    %get3A_21 = vector.load %arg2[%get3A_19, %get3A_20] : memref<1024x128xf32, #tpu.memory_space<vmem>>, vector<1024x128xf32>
    %mul3A_22 = arith.mulf %select_n3A, %get3A_21 : vector<1024x128xf32>
    %swap3A = arith.constant 0 : index
    %swap3A_23 = arith.constant 0 : index
    %swap3A_24 = vector.load %arg3[%swap3A, %swap3A_23] : memref<1024x128xf32, #tpu.memory_space<vmem>>, vector<1024x128xf32>
    tpu.vector_store %arg3[%swap3A, %swap3A_23], %mul3A_22 {strides = array<i32>} : memref<1024x128xf32, #tpu.memory_space<vmem>>, vector<1024x128xf32>,
    %swap3A_25 = arith.constant 0 : index
    %swap3A_26 = arith.constant 0 : index
    %swap3A_27 = vector.load %arg4[%swap3A_25, %swap3A_26] : memref<1024x128xf32, #tpu.memory_space<vmem>>, vector<1024x128xf32>
    tpu.vector_store %arg4[%swap3A_25, %swap3A_26], %select_n3A {strides = array<i32>} : memref<1024x128xf32, #tpu.memory_space<vmem>>, vector<1024x128xf32>,
    return
  }
  func.func @transform_0(%arg0: i32) -> (i32, i32, i32) {
    %c0_i32 = arith.constant 0 : i32
    %c0_i32_0 = arith.constant 0 : i32
    %c0_i32_1 = arith.constant 0 : i32
    return %c0_i32, %arg0, %c0_i32_0 : i32, i32, i32
  }
  func.func @transform_1(%arg0: i32) -> (i32, i32) {
    %c0_i32 = arith.constant 0 : i32
    %c0_i32_0 = arith.constant 0 : i32
    return %arg0, %c0_i32 : i32, i32
  }
  func.func @transform_2(%arg0: i32) -> (i32, i32) {
    %c0_i32 = arith.constant 0 : i32
    %c0_i32_0 = arith.constant 0 : i32
    return %arg0, %c0_i32 : i32, i32
  }
  func.func @transform_3(%arg0: i32) -> (i32, i32) {
    %c0_i32 = arith.constant 0 : i32
    %c0_i32_0 = arith.constant 0 : i32
    return %arg0, %c0_i32 : i32, i32
  }
}

module attributes {stable_mosaic.version = 14 : i64} {
  func.func @_tc_b_body(%arg0: i32, %arg1: memref<2x1024x128xf32, #tpu.memory_space<vmem>>, %arg2: memref<1024x128xf32, #tpu.memory_space<vmem>>, %arg3: memref<1024x128xf32, #tpu.memory_space<vmem>>, %arg4: memref<128x128xf32, #tpu.memory_space<vmem>>, %arg5: memref<1x128xf32, #tpu.memory_space<vmem>>, %arg6: memref<1024x128xf32, #tpu.memory_space<vmem>>) attributes {dimension_semantics = [#tpu.dimension_semantics<arbitrary>], iteration_bounds = array<i64: 10>, scalar_prefetch = 0 : i64, scratch_operands = 0 : i64, tpu.core_type = #tpu.core_type<tc>, window_params = [{transform_indices = @transform_0, window_bounds = array<i64: 2, 1024, 128>}, {transform_indices = @transform_1, window_bounds = array<i64: 1024, 128>}, {transform_indices = @transform_2, window_bounds = array<i64: 1024, 128>}, {pipeline_mode = #tpu.pipeline_mode<synchronous>, transform_indices = @transform_3, window_bounds = array<i64: 128, 128>}, {pipeline_mode = #tpu.pipeline_mode<synchronous>, transform_indices = @transform_4, window_bounds = array<i64: 1, 128>}, {transform_indices = @transform_5, window_bounds = array<i64: 1024, 128>}]} {
    %get3A = arith.constant 0 : index
    %get3A_0 = arith.constant 0 : index
    %get3A_1 = vector.load %arg3[%get3A, %get3A_0] : memref<1024x128xf32, #tpu.memory_space<vmem>>, vector<1024x128xf32>
    %get3A_2 = arith.constant 0 : index
    %get3A_3 = arith.constant 0 : index
    %get3A_4 = arith.constant 0 : index
    %get3A_5 = vector.load %arg1[%get3A_2, %get3A_3, %get3A_4] : memref<2x1024x128xf32, #tpu.memory_space<vmem>>, vector<1x1024x128xf32>
    %get3A_6 = vector.shape_cast %get3A_5 : vector<1x1024x128xf32> to vector<1024x128xf32>
    %get3A_7 = arith.constant 1 : index
    %get3A_8 = arith.constant 0 : index
    %get3A_9 = arith.constant 0 : index
    %get3A_10 = vector.load %arg1[%get3A_7, %get3A_8, %get3A_9] : memref<2x1024x128xf32, #tpu.memory_space<vmem>>, vector<1x1024x128xf32>
    %get3A_11 = vector.shape_cast %get3A_10 : vector<1x1024x128xf32> to vector<1024x128xf32>
    %add3A = arith.addf %get3A_6, %get3A_11 : vector<1024x128xf32>
    %get3A_12 = arith.constant 0 : index
    %get3A_13 = arith.constant 0 : index
    %get3A_14 = vector.load %arg2[%get3A_12, %get3A_13] : memref<1024x128xf32, #tpu.memory_space<vmem>>, vector<1024x128xf32>
    %add3A_15 = arith.addf %add3A, %get3A_14 : vector<1024x128xf32>
    %mul3A = arith.mulf %get3A_1, %add3A_15 : vector<1024x128xf32>
    %get3A_16 = arith.constant 0 : index
    %get3A_17 = arith.constant 0 : index
    %get3A_18 = vector.load %arg5[%get3A_16, %get3A_17] : memref<1x128xf32, #tpu.memory_space<vmem>>, vector<1x128xf32>
    %add3A_19 = vector.broadcast %get3A_18 : vector<1x128xf32> to vector<1024x128xf32>
    %add3A_20 = arith.addf %mul3A, %add3A_19 : vector<1024x128xf32>
    %max3A = arith.constant 0.000000e+00 : f32
    %max3A_21 = vector.broadcast %max3A : f32 to vector<1024x128xf32>
    %max3A_22 = arith.maximumf %add3A_20, %max3A_21 : vector<1024x128xf32>
    %get3A_23 = arith.constant 0 : index
    %get3A_24 = arith.constant 0 : index
    %get3A_25 = vector.load %arg4[%get3A_23, %get3A_24] : memref<128x128xf32, #tpu.memory_space<vmem>>, vector<128x128xf32>
    %dot_general3A = arith.constant dense<0.000000e+00> : vector<1024x128xf32>
    %dot_general3A_26 = tpu.matmul %max3A_22, %get3A_25, %dot_general3A {dimension_numbers = #tpu.dot_dimension_numbers<[1], [0], [0], [1], [0, 0, 1, 1], [], []>, transpose_lhs_hint = false} : vector<1024x128xf32>, vector<128x128xf32>, vector<1024x128xf32> -> vector<1024x128xf32>
    %mul3A_27 = arith.mulf %get3A_1, %dot_general3A_26 : vector<1024x128xf32>
    %swap3A = arith.constant 0 : index
    %swap3A_28 = arith.constant 0 : index
    %swap3A_29 = vector.load %arg6[%swap3A, %swap3A_28] : memref<1024x128xf32, #tpu.memory_space<vmem>>, vector<1024x128xf32>
    tpu.vector_store %arg6[%swap3A, %swap3A_28], %mul3A_27 {strides = array<i32>} : memref<1024x128xf32, #tpu.memory_space<vmem>>, vector<1024x128xf32>,
    return
  }
  func.func @transform_0(%arg0: i32) -> (i32, i32, i32) {
    %c0_i32 = arith.constant 0 : i32
    %c0_i32_0 = arith.constant 0 : i32
    %c0_i32_1 = arith.constant 0 : i32
    return %c0_i32, %arg0, %c0_i32_0 : i32, i32, i32
  }
  func.func @transform_1(%arg0: i32) -> (i32, i32) {
    %c0_i32 = arith.constant 0 : i32
    %c0_i32_0 = arith.constant 0 : i32
    return %arg0, %c0_i32 : i32, i32
  }
  func.func @transform_2(%arg0: i32) -> (i32, i32) {
    %c0_i32 = arith.constant 0 : i32
    %c0_i32_0 = arith.constant 0 : i32
    return %arg0, %c0_i32 : i32, i32
  }
  func.func @transform_3(%arg0: i32) -> (i32, i32) {
    %c0_i32 = arith.constant 0 : i32
    %c0_i32_0 = arith.constant 0 : i32
    %c0_i32_1 = arith.constant 0 : i32
    return %c0_i32, %c0_i32_0 : i32, i32
  }
  func.func @transform_4(%arg0: i32) -> (i32, i32) {
    %c0_i32 = arith.constant 0 : i32
    %c0_i32_0 = arith.constant 0 : i32
    %c0_i32_1 = arith.constant 0 : i32
    return %c0_i32, %c0_i32_0 : i32, i32
  }
  func.func @transform_5(%arg0: i32) -> (i32, i32) {
    %c0_i32 = arith.constant 0 : i32
    %c0_i32_0 = arith.constant 0 : i32
    return %arg0, %c0_i32 : i32, i32
  }
}

module attributes {stable_mosaic.version = 14 : i64} {
  func.func @_tc_c_body(%arg0: i32, %arg1: memref<2x1024x128xf32, #tpu.memory_space<vmem>>, %arg2: memref<1024x128xf32, #tpu.memory_space<vmem>>, %arg3: memref<1024x128xf32, #tpu.memory_space<vmem>>, %arg4: memref<1x128xf32, #tpu.memory_space<vmem>>, %arg5: memref<1x1x1024xi32, #tpu.memory_space<vmem>>, %arg6: memref<128x6xf32, #tpu.memory_space<vmem>>, %arg7: memref<1x6xf32, #tpu.memory_space<vmem>>, %arg8: memref<64x6xf32, #tpu.memory_space<vmem>>, %arg9: memref<64x128xf32, #tpu.memory_space<vmem>>, %arg10: memref<64x128xf32, #tpu.memory_space<vmem>>, %arg11: memref<64x1xf32, #tpu.memory_space<vmem>>) attributes {dimension_semantics = [#tpu.dimension_semantics<arbitrary>], iteration_bounds = array<i64: 10>, scalar_prefetch = 0 : i64, scratch_operands = 2 : i64, tpu.core_type = #tpu.core_type<tc>, window_params = [{transform_indices = @transform_0, window_bounds = array<i64: 2, 1024, 128>}, {transform_indices = @transform_1, window_bounds = array<i64: 1024, 128>}, {transform_indices = @transform_2, window_bounds = array<i64: 1024, 128>}, {pipeline_mode = #tpu.pipeline_mode<synchronous>, transform_indices = @transform_3, window_bounds = array<i64: 1, 128>}, {transform_indices = @transform_4, window_bounds = array<i64: 1, 1, 1024>}, {pipeline_mode = #tpu.pipeline_mode<synchronous>, transform_indices = @transform_5, window_bounds = array<i64: 128, 6>}, {pipeline_mode = #tpu.pipeline_mode<synchronous>, transform_indices = @transform_6, window_bounds = array<i64: 1, 6>}, {pipeline_mode = #tpu.pipeline_mode<synchronous>, transform_indices = @transform_7, window_bounds = array<i64: 64, 6>}, {pipeline_mode = #tpu.pipeline_mode<synchronous>, transform_indices = @transform_8, window_bounds = array<i64: 64, 128>}]} {
    %get3A = arith.constant 0 : index
    %get3A_0 = arith.constant 0 : index
    %get3A_1 = vector.load %arg3[%get3A, %get3A_0] : memref<1024x128xf32, #tpu.memory_space<vmem>>, vector<1024x128xf32>
    %get3A_2 = arith.constant 0 : index
    %get3A_3 = arith.constant 0 : index
    %get3A_4 = arith.constant 0 : index
    %get3A_5 = vector.load %arg1[%get3A_2, %get3A_3, %get3A_4] : memref<2x1024x128xf32, #tpu.memory_space<vmem>>, vector<1x1024x128xf32>
    %get3A_6 = vector.shape_cast %get3A_5 : vector<1x1024x128xf32> to vector<1024x128xf32>
    %get3A_7 = arith.constant 1 : index
    %get3A_8 = arith.constant 0 : index
    %get3A_9 = arith.constant 0 : index
    %get3A_10 = vector.load %arg1[%get3A_7, %get3A_8, %get3A_9] : memref<2x1024x128xf32, #tpu.memory_space<vmem>>, vector<1x1024x128xf32>
    %get3A_11 = vector.shape_cast %get3A_10 : vector<1x1024x128xf32> to vector<1024x128xf32>
    %add3A = arith.addf %get3A_6, %get3A_11 : vector<1024x128xf32>
    %get3A_12 = arith.constant 0 : index
    %get3A_13 = arith.constant 0 : index
    %get3A_14 = vector.load %arg2[%get3A_12, %get3A_13] : memref<1024x128xf32, #tpu.memory_space<vmem>>, vector<1024x128xf32>
    %add3A_15 = arith.addf %add3A, %get3A_14 : vector<1024x128xf32>
    %mul3A = arith.mulf %get3A_1, %add3A_15 : vector<1024x128xf32>
    %get3A_16 = arith.constant 0 : index
    %get3A_17 = arith.constant 0 : index
    %get3A_18 = vector.load %arg4[%get3A_16, %get3A_17] : memref<1x128xf32, #tpu.memory_space<vmem>>, vector<1x128xf32>
    %add3A_19 = vector.broadcast %get3A_18 : vector<1x128xf32> to vector<1024x128xf32>
    %add3A_20 = arith.addf %mul3A, %add3A_19 : vector<1024x128xf32>
    %max3A = arith.constant 0.000000e+00 : f32
    %max3A_21 = vector.broadcast %max3A : f32 to vector<1024x128xf32>
    %max3A_22 = arith.maximumf %add3A_20, %max3A_21 : vector<1024x128xf32>
    %get3A_23 = arith.constant 0 : index
    %get3A_24 = arith.constant 0 : index
    %get3A_25 = arith.constant 0 : index
    %get3A_26 = vector.load %arg5[%get3A_23, %get3A_24, %get3A_25] : memref<1x1x1024xi32, #tpu.memory_space<vmem>>, vector<1x1x1024xi32>
    %get3A_27 = vector.shape_cast %get3A_26 : vector<1x1x1024xi32> to vector<1x1024xi32>
    %broadcast_in_dim3A = vector.shape_cast %get3A_27 : vector<1x1024xi32> to vector<1x1024xi32>
    %broadcast_in_dim3A_28 = vector.broadcast %broadcast_in_dim3A : vector<1x1024xi32> to vector<64x1024xi32>
    %iota3A = tpu.iota {dimensions = array<i32: 0>} : vector<64x1024xi32>
    %eq3A = arith.cmpi eq, %broadcast_in_dim3A_28, %iota3A : vector<64x1024xi32>
    %convert_element_type3A = arith.extui %eq3A : vector<64x1024xi1> to vector<64x1024xi32>
    %convert_element_type3A_29 = arith.sitofp %convert_element_type3A : vector<64x1024xi32> to vector<64x1024xf32>
    %eq3A_30 = arith.constant 0 : i32
    %eq3A_31 = arith.cmpi eq, %arg0, %eq3A_30 : i32
    %convert_element_type3A_32 = arith.extui %eq3A_31 : i1 to i32
    %cond3A = arith.constant 0 : i32
    %cond3A_33 = arith.cmpi ne, %convert_element_type3A_32, %cond3A : i32
    scf.if %cond3A_33 {
      %broadcast_in_dim3A_55 = arith.constant 0.000000e+00 : f32
      %broadcast_in_dim3A_56 = vector.broadcast %broadcast_in_dim3A_55 : f32 to vector<64x128xf32>
      %swap3A_57 = arith.constant 0 : index
      %swap3A_58 = arith.constant 0 : index
      %swap3A_59 = vector.load %arg10[%swap3A_57, %swap3A_58] : memref<64x128xf32, #tpu.memory_space<vmem>>, vector<64x128xf32>
      tpu.vector_store %arg10[%swap3A_57, %swap3A_58], %broadcast_in_dim3A_56 {strides = array<i32>} : memref<64x128xf32, #tpu.memory_space<vmem>>, vector<64x128xf32>,
      %broadcast_in_dim3A_60 = arith.constant 0.000000e+00 : f32
      %broadcast_in_dim3A_61 = vector.broadcast %broadcast_in_dim3A_60 : f32 to vector<64x1xf32>
      %swap3A_62 = arith.constant 0 : index
      %swap3A_63 = arith.constant 0 : index
      %swap3A_64 = vector.load %arg11[%swap3A_62, %swap3A_63] : memref<64x1xf32, #tpu.memory_space<vmem>>, vector<64x1xf32>
      tpu.vector_store %arg11[%swap3A_62, %swap3A_63], %broadcast_in_dim3A_61 {strides = array<i32>} : memref<64x1xf32, #tpu.memory_space<vmem>>, vector<64x1xf32>,
    } else {
    }
    %get3A_34 = arith.constant 0 : index
    %get3A_35 = arith.constant 0 : index
    %get3A_36 = vector.load %arg10[%get3A_34, %get3A_35] : memref<64x128xf32, #tpu.memory_space<vmem>>, vector<64x128xf32>
    %dot_general3A = arith.constant dense<0.000000e+00> : vector<64x128xf32>
    %dot_general3A_37 = tpu.matmul %convert_element_type3A_29, %max3A_22, %dot_general3A {dimension_numbers = #tpu.dot_dimension_numbers<[1], [0], [0], [1], [0, 0, 1, 1], [], []>, transpose_lhs_hint = false} : vector<64x1024xf32>, vector<1024x128xf32>, vector<64x128xf32> -> vector<64x128xf32>
    %add3A_38 = arith.addf %get3A_36, %dot_general3A_37 : vector<64x128xf32>
    %swap3A = arith.constant 0 : index
    %swap3A_39 = arith.constant 0 : index
    %swap3A_40 = vector.load %arg10[%swap3A, %swap3A_39] : memref<64x128xf32, #tpu.memory_space<vmem>>, vector<64x128xf32>
    tpu.vector_store %arg10[%swap3A, %swap3A_39], %add3A_38 {strides = array<i32>} : memref<64x128xf32, #tpu.memory_space<vmem>>, vector<64x128xf32>,
    %get3A_41 = arith.constant 0 : index
    %get3A_42 = arith.constant 0 : index
    %get3A_43 = vector.load %arg11[%get3A_41, %get3A_42] : memref<64x1xf32, #tpu.memory_space<vmem>>, vector<64x1xf32>
    %reduce_sum3A = arith.constant dense<0.000000e+00> : vector<64xf32>
    %reduce_sum3A_44 = vector.multi_reduction <add>, %convert_element_type3A_29, %reduce_sum3A [1] : vector<64x1024xf32> to vector<64xf32>
    %broadcast_in_dim3A_45 = vector.shape_cast %reduce_sum3A_44 : vector<64xf32> to vector<64x1xf32>
    %add3A_46 = arith.addf %get3A_43, %broadcast_in_dim3A_45 : vector<64x1xf32>
    %swap3A_47 = arith.constant 0 : index
    %swap3A_48 = arith.constant 0 : index
    %swap3A_49 = vector.load %arg11[%swap3A_47, %swap3A_48] : memref<64x1xf32, #tpu.memory_space<vmem>>, vector<64x1xf32>
    tpu.vector_store %arg11[%swap3A_47, %swap3A_48], %add3A_46 {strides = array<i32>} : memref<64x1xf32, #tpu.memory_space<vmem>>, vector<64x1xf32>,
    %eq3A_50 = arith.constant 9 : i32
    %eq3A_51 = arith.cmpi eq, %arg0, %eq3A_50 : i32
    %convert_element_type3A_52 = arith.extui %eq3A_51 : i1 to i32
    %cond3A_53 = arith.constant 0 : i32
    %cond3A_54 = arith.cmpi ne, %convert_element_type3A_52, %cond3A_53 : i32
    scf.if %cond3A_54 {
      %get3A_55 = arith.constant 0 : index
      %get3A_56 = arith.constant 0 : index
      %get3A_57 = vector.load %arg11[%get3A_55, %get3A_56] : memref<64x1xf32, #tpu.memory_space<vmem>>, vector<64x1xf32>
      %max3A_58 = arith.constant 1.000000e+00 : f32
      %max3A_59 = vector.broadcast %max3A_58 : f32 to vector<64x1xf32>
      %max3A_60 = arith.maximumf %get3A_57, %max3A_59 : vector<64x1xf32>
      %broadcast_in_dim3A_61 = vector.shape_cast %max3A_60 : vector<64x1xf32> to vector<64x1xf32>
      %broadcast_in_dim3A_62 = vector.broadcast %broadcast_in_dim3A_61 : vector<64x1xf32> to vector<64x128xf32>
      %get3A_63 = arith.constant 0 : index
      %get3A_64 = arith.constant 0 : index
      %get3A_65 = vector.load %arg10[%get3A_63, %get3A_64] : memref<64x128xf32, #tpu.memory_space<vmem>>, vector<64x128xf32>
      %div3A = arith.divf %get3A_65, %broadcast_in_dim3A_62 : vector<64x128xf32>
      %swap3A_66 = arith.constant 0 : index
      %swap3A_67 = arith.constant 0 : index
      %swap3A_68 = vector.load %arg9[%swap3A_66, %swap3A_67] : memref<64x128xf32, #tpu.memory_space<vmem>>, vector<64x128xf32>
      tpu.vector_store %arg9[%swap3A_66, %swap3A_67], %div3A {strides = array<i32>} : memref<64x128xf32, #tpu.memory_space<vmem>>, vector<64x128xf32>,
      %get3A_69 = arith.constant 0 : index
      %get3A_70 = arith.constant 0 : index
      %get3A_71 = vector.load %arg6[%get3A_69, %get3A_70] : memref<128x6xf32, #tpu.memory_space<vmem>>, vector<128x6xf32>
      %dot_general3A_72 = arith.constant dense<0.000000e+00> : vector<64x6xf32>
      %dot_general3A_73 = tpu.matmul %div3A, %get3A_71, %dot_general3A_72 {dimension_numbers = #tpu.dot_dimension_numbers<[1], [0], [0], [1], [0, 0, 1, 1], [], []>, transpose_lhs_hint = false} : vector<64x128xf32>, vector<128x6xf32>, vector<64x6xf32> -> vector<64x6xf32>
      %get3A_74 = arith.constant 0 : index
      %get3A_75 = arith.constant 0 : index
      %get3A_76 = vector.load %arg7[%get3A_74, %get3A_75] : memref<1x6xf32, #tpu.memory_space<vmem>>, vector<1x6xf32>
      %add3A_77 = vector.broadcast %get3A_76 : vector<1x6xf32> to vector<64x6xf32>
      %add3A_78 = arith.addf %dot_general3A_73, %add3A_77 : vector<64x6xf32>
      %swap3A_79 = arith.constant 0 : index
      %swap3A_80 = arith.constant 0 : index
      %swap3A_81 = vector.load %arg8[%swap3A_79, %swap3A_80] : memref<64x6xf32, #tpu.memory_space<vmem>>, vector<64x6xf32>
      tpu.vector_store %arg8[%swap3A_79, %swap3A_80], %add3A_78 {strides = array<i32>} : memref<64x6xf32, #tpu.memory_space<vmem>>, vector<64x6xf32>,
    } else {
    }
    return
  }
  func.func @transform_0(%arg0: i32) -> (i32, i32, i32) {
    %c0_i32 = arith.constant 0 : i32
    %c0_i32_0 = arith.constant 0 : i32
    %c0_i32_1 = arith.constant 0 : i32
    return %c0_i32, %arg0, %c0_i32_0 : i32, i32, i32
  }
  func.func @transform_1(%arg0: i32) -> (i32, i32) {
    %c0_i32 = arith.constant 0 : i32
    %c0_i32_0 = arith.constant 0 : i32
    return %arg0, %c0_i32 : i32, i32
  }
  func.func @transform_2(%arg0: i32) -> (i32, i32) {
    %c0_i32 = arith.constant 0 : i32
    %c0_i32_0 = arith.constant 0 : i32
    return %arg0, %c0_i32 : i32, i32
  }
  func.func @transform_3(%arg0: i32) -> (i32, i32) {
    %c0_i32 = arith.constant 0 : i32
    %c0_i32_0 = arith.constant 0 : i32
    %c0_i32_1 = arith.constant 0 : i32
    return %c0_i32, %c0_i32_0 : i32, i32
  }
  func.func @transform_4(%arg0: i32) -> (i32, i32, i32) {
    %c0_i32 = arith.constant 0 : i32
    %c0_i32_0 = arith.constant 0 : i32
    %c0_i32_1 = arith.constant 0 : i32
    return %arg0, %c0_i32, %c0_i32_0 : i32, i32, i32
  }
  func.func @transform_5(%arg0: i32) -> (i32, i32) {
    %c0_i32 = arith.constant 0 : i32
    %c0_i32_0 = arith.constant 0 : i32
    %c0_i32_1 = arith.constant 0 : i32
    return %c0_i32, %c0_i32_0 : i32, i32
  }
  func.func @transform_6(%arg0: i32) -> (i32, i32) {
    %c0_i32 = arith.constant 0 : i32
    %c0_i32_0 = arith.constant 0 : i32
    %c0_i32_1 = arith.constant 0 : i32
    return %c0_i32, %c0_i32_0 : i32, i32
  }
  func.func @transform_7(%arg0: i32) -> (i32, i32) {
    %c0_i32 = arith.constant 0 : i32
    %c0_i32_0 = arith.constant 0 : i32
    %c0_i32_1 = arith.constant 0 : i32
    return %c0_i32, %c0_i32_0 : i32, i32
  }
  func.func @transform_8(%arg0: i32) -> (i32, i32) {
    %c0_i32 = arith.constant 0 : i32
    %c0_i32_0 = arith.constant 0 : i32
    %c0_i32_1 = arith.constant 0 : i32
    return %c0_i32, %c0_i32_0 : i32, i32
  }
}

</mosaic_0001>

<sc_bundles>
// kernel: kernel.12.cloned.1.call-start
scs
__scs_entry_jumppad:
0x0: {  	(pc) =	sbr.rel $0x88, $3  }
0x1: {  	(tag) =	ssettag $0x0;
	lr =	simm.s32 $0x1  }
0x2: {  	[smem:$0x3F98] =	sst lr;
	_ =	strace $0xD0000000  }
0x3: {  	_ = 	snop  }
0x4: {  	_ = 	snop  }
0x5: {  	_ = 	snop  }
0x6: {  	_ = 	snop  }
0x7: {  	_ = 	snop  }
__scs_overlays_trampoline_lowered:
0x8: {  	[smem:$0x3FA7] =	sst s0  }
0x9: {  	[smem:$0x3FA8] =	sst s1  }
0xa: {  	[smem:$0x3FA9] =	sst s2  }
0xb: {  	[smem:$0x3FAA] =	sst s3  }
0xc: {  	[smem:$0x3FAB] =	sst s4  }
0xd: {  	[smem:$0x3FAC] =	sst s5  }
0xe: {  	[smem:$0x3FAD] =	sst s6  }
0xf: {  	[smem:$0x3FAE] =	sst s7  }
0x10: {  	[smem:$0x3FAF] =	sst s8  }
0x11: {  	[smem:$0x3FB0] =	sst s9;
	s0 =	simm.s32 @!p0 $0x0  }
0x12: {  	s1 =	sld [smem:$0x3F96];
	s0 =	simm.s32 @p0 $0x1  }
0x13: {  	[smem:$0x3FB1] =	sst s0;
	s0 =	simm.s32 @!p1 $0x0  }
0x14: {  	s2 =	sld [smem:$0x3F95];
	s0 =	simm.s32 @p1 $0x1  }
0x15: {  	[smem:$0x3FB2] =	sst s0;
	s0 =	simm.s32 @!p2 $0x0  }
0x16: {  	s3 =	sld [smem:$0x3FDB];
	s0 =	simm.s32 @p2 $0x1  }
0x17: {  	s4 =	simm.s32 $0x1BF5;
	[smem:$0x3FB4] =	sst s0  }
0x18: {  	s0 =	sld [smem:$0x3F97];
	_ =	swait.ge [sflag:s4], $0x0  }
0x19: {  	s7 =	sld [smem:$0x3F98]  }
0x1a: {  	s8 =	sadd.s32 $0xFFFFE003, lr  }
0x1b: {  	s9 =	sadd.s32 $0xFFFFFEF7, lr;
	s5 =	simm.s32 $0xFFFFFFFF;
	p2 =	slt.u32 s8, $0xFFFFF086  }
0x1c: {  	p1 =	slt.u32 s9, $0xF7A;
	s5 =	simm.s32 @!p2 $0x0  }
0x1d: {  	s5 =	simm.s32 @p1 $0x1;
	p0 =	seq.s32 s7, s2  }
0x1e: {  	s7 =	smul.u32 @!p0 $0xF7A, s2;
	p2 =	seq.s32 @!p0 s5, $0x0  }
0x1f: {  	s9 =	smul.u32 $0xF7A, s1;
	s8 =	simm.s32 @!p0 $0x1BF5;
	p2 =	por !p2, p0  }
0x20: {  	[sflag:s8] =	ssyncset.s32 @!p0 $0xFFFFF086;
	s6 =	sadd.s32 @!p0 s3, s7;
	s7 =	simm.s32 @!p0 $0x108  }
0x21: {  	s3 =	sadd.s32 s3, s9;
	s6 =	sadd.s32 @!p0 $0x88, s6;
	s7 =	simm.s32 @p2 $0x1082  }
0x22: {  	[simem:s7], [sflag:s8] =	dma.local @!p0 [hbm:s6], $0xF7A  }
0x23: {  	s9 =	sor.u32 $0xD0000000, s2;
	s6 =	simm.s32 $0x108;
	_ =	swait.ge @!p0 [sflag:s8], $0x0  }
0x24: {  	s3 =	sadd.s32 $0x88, s3;
	s6 =	simm.s32 @!p1 $0x1082;
	[sflag:s4] =	ssyncset.s32 $0xFFFFF086  }
0x25: {  	[simem:s6], [sflag:s4] =	dma.local [hbm:s3], $0xF7A  }
0x26: {  	[smem:$0x3F98] =	sst s1;
	(tag) =	ssettag s2;
	_ =	strace s9  }
0x27: {  	s1 =	sld [smem:$0x3FA8]  }
0x28: {  	s2 =	sld [smem:$0x3FA9]  }
0x29: {  	s4 =	sld [smem:$0x3FAB]  }
0x2a: {  	p0 =	seq.s32 s5, $0x0;
	s5 =	sld [smem:$0x3FAC]  }
0x2b: {  	s6 =	sld [smem:$0x3FAD]  }
0x2c: {  	s7 =	sld [smem:$0x3FAE]  }
0x2d: {  	s3 =	simm.s32 $0x108;
	s8 =	sld [smem:$0x3FAF]  }
0x2e: {  	s3 =	simm.s32 @!p0 $0x1082;
	s9 =	sld [smem:$0x3FB0]  }
0x2f: {  	lr =	sadd.s32 s0, s3;
	s0 =	sld [smem:$0x3FA7]  }
0x30: {  	s3 =	sld [smem:$0x3FAA]  }
0x31: {  	[smem:$0x3FB3] =	sst s10  }
0x32: {  	s10 =	sld [smem:$0x3FB1];
	_ =	sdelay $0x3  }
0x33: {  	p0 =	seq.s32 s10, $0x1;
	s10 =	sld [smem:$0x3FB3];
	_ =	sdelay $0x3  }
0x34: {  	[smem:$0x3FB3] =	sst s10  }
0x35: {  	s10 =	sld [smem:$0x3FB2];
	_ =	sdelay $0x3  }
0x36: {  	p1 =	seq.s32 s10, $0x1;
	s10 =	sld [smem:$0x3FB3];
	_ =	sdelay $0x3  }
0x37: {  	[smem:$0x3FB3] =	sst s10  }
0x38: {  	s10 =	sld [smem:$0x3FB4]  }
0x39: {  	_ = 	snop;
	(pc) =	sbr.ind lr, $3  }
0x3a: {  	_ = 	snop  }
0x3b: {  	_ = 	snop  }
0x3c: {  	p2 =	seq.s32 s10, $0x1;
	s10 =	sld [smem:$0x3FB3]  }
0x3d: {  	_ =	shalt  }
0x3e: {  	_ =	shalt  }
0x3f: {  	_ =	shalt  }
0x40: {  	_ =	shalt  }
0x41: {  	_ =	shalt  }
0x42: {  	_ =	shalt  }
0x43: {  	_ =	shalt  }
0x44: {  	_ =	shalt  }
0x45: {  	_ =	shalt  }
0x46: {  	_ =	shalt  }
0x47: {  	_ =	shalt  }
0x48: {  	_ =	shalt  }
0x49: {  	_ =	shalt  }
0x4a: {  	_ =	shalt  }
0x4b: {  	_ =	shalt  }
0x4c: {  	_ =	shalt  }
0x4d: {  	_ =	shalt  }
0x4e: {  	_ =	shalt  }
0x4f: {  	_ =	shalt  }
0x50: {  	_ =	shalt  }
0x51: {  	_ =	shalt  }
0x52: {  	_ =	shalt  }
0x53: {  	_ =	shalt  }
0x54: {  	_ =	shalt  }
0x55: {  	_ =	shalt  }
0x56: {  	_ =	shalt  }
0x57: {  	_ =	shalt  }
0x58: {  	_ =	shalt  }
0x59: {  	_ =	shalt  }
0x5a: {  	_ =	shalt  }
0x5b: {  	_ =	shalt  }
0x5c: {  	_ =	shalt  }
0x5d: {  	_ =	shalt  }
0x5e: {  	_ =	shalt  }
0x5f: {  	_ =	shalt  }
0x60: {  	_ =	shalt  }
0x61: {  	_ =	shalt  }
0x62: {  	_ =	shalt  }
0x63: {  	_ =	shalt  }
0x64: {  	_ =	shalt  }
0x65: {  	_ =	shalt  }
0x66: {  	_ =	shalt  }
0x67: {  	_ =	shalt  }
0x68: {  	_ =	shalt  }
0x69: {  	_ =	shalt  }
0x6a: {  	_ =	shalt  }
0x6b: {  	_ =	shalt  }
0x6c: {  	_ =	shalt  }
0x6d: {  	_ =	shalt  }
0x6e: {  	_ =	shalt  }
0x6f: {  	_ =	shalt  }
0x70: {  	_ =	shalt  }
0x71: {  	_ =	shalt  }
0x72: {  	_ =	shalt  }
0x73: {  	_ =	shalt  }
0x74: {  	_ =	shalt  }
0x75: {  	_ =	shalt  }
0x76: {  	_ =	shalt  }
0x77: {  	_ =	shalt  }
0x78: {  	_ =	shalt  }
0x79: {  	_ =	shalt  }
0x7a: {  	_ =	shalt  }
0x7b: {  	_ =	shalt  }
0x7c: {  	_ =	shalt  }
0x7d: {  	_ =	shalt  }
0x7e: {  	_ =	shalt  }
0x7f: {  	_ =	shalt  }
0x80: {  	_ =	shalt  }
0x81: {  	_ =	shalt  }
0x82: {  	_ =	shalt  }
0x83: {  	_ =	shalt  }
0x84: {  	_ =	shalt  }
0x85: {  	_ =	shalt  }
0x86: {  	_ =	shalt  }
0x87: {  	_ =	shalt  }
.Lfunc_end0:
.L_simem_size_0:
called_computation.1_lowered:
.L_overlay_start_0:
0x88: {  	s2 =	sld [smem:$0x3FD9]  }
0x89: {  	s3 =	sld [smem:$0x3FFE];
	_ =	sdelay $0x1  }
0x8a: {  	s1 =	srdreg.scid  }
0x8b: {  	s0 =	sand.u32 $0x1, s1  }
0x8c: {  	s16 =	sshll.u32 s0, $0xA;
	s2 =	sadd.s32 s3, s2  }
0x8d: {  	s2 =	sadd.s32 s2, s16  }
0x8e: {  	[smem:$0x3FBF] =	sst s2  }
0x8f: {  	_ = 	snop  }
0x90: {  	(tm) =	ssettm $0x1  }
0x91: {  	s17 =	sld [smem:$0x3FFB];
	_ =	sdelay $0x3  }
0x92: {  	_ =	strace s17  }
0x93: {  	s2 =	sld [smem:$0x3FFC];
	_ =	sdelay $0x3  }
0x94: {  	_ =	strace s2  }
0x95: {  	s2 =	sld [smem:$0x3FFD];
	_ =	sdelay $0x3  }
0x96: {  	_ =	strace s2  }
0x97: {  	_ =	strace $0x8FFFFFFF  }
0x98: {  	s18 =	sld [smem:$0x3FDB];
	_ =	sdelay $0x1  }
0x99: {  	s19 =	simm.s32 $_scs_section_size  }
0x9a: {  	s4 =	simm.s32 $_size__tile_overlayer_lowered;
	s5 =	simm.s32 $_tile_overlayer_lowered  }
0x9b: {  	s22 =	simm.s32 $0x1BFF;
	s21 =	sshll.u32 s5, $0x1;
	s2 =	sadd.s32 s19, s18  }
0x9c: {  	s6 =	simm.s32 $0x0;
	s20 =	sshll.u32 s4, $0x1;
	s4 =	sadd.s32 s21, s2  }
0x9d: {  	[timem:s6], [sflag:s22] =	dma.local [hbm:s4], s20  }
0x9e: {  	_ =	swait.ge [sflag:s22], s20  }
0x9f: {  	s3 =	ssub.s32 $0x0, s20;
	[sflag:s22] =	ssyncset.done $0x0  }
0xa0: {  	[sflag:s22] =	ssyncadd.s32 s3;
	_ =	sdelay $0x1  }
0xa1: {  	s23 =	simm.s32 $0x1B8B  }
0xa2: {  	_ =	swait.ge [sflag:s23], $0x1  }
0xa3: {  	[sflag:s23] =	ssyncset.done $0x0  }
0xa4: {  	s25 =	simm.s32 $0x1B8E;
	s24 =	sld [smem:$0x3FFE];
	[sflag:s23] =	ssyncadd.s32 $0xFFFFFFFF  }
0xa5: {  	s26 =	simm.s32 $execute0_lowered;
	[smem:$0x3FD2] =	sst s25  }
0xa6: {  	s4 =	sshll.u32 s26, $0x1;
	_ =	strace $0x80000049;
	[dreg:$0x1] =	wrdreg $0xFFFFFFFF  }
0xa7: {  	s28 =	simm.s32 $_size_execute0_lowered;
	s2 =	sadd.s32 s2, s4;
	[dreg:$0x0] =	wrdreg $0x0  }
0xa8: {  	s4 =	sshll.u32 s28, $0x1;
	[dreg:$0x2] =	wrdreg s2  }
0xa9: {  	[dreg:$0x3] =	wrdreg s4  }
0xaa: {  	[dreg:$0x4] =	wrdreg $0xC0  }
0xab: {  	_ =	task [dreg:s6], $0x5FFFF  }
0xac: {  	[dreg:$0x1] =	wrdreg $0xFFFFFFFF  }
0xad: {  	[dreg:$0x0] =	wrdreg $0x60  }
0xae: {  	[dreg:$0x2] =	wrdreg s24  }
0xaf: {  	[dreg:$0x3] =	wrdreg $0xA8000  }
0xb0: {  	[dreg:$0x4] =	wrdreg $0x9  }
0xb1: {  	_ =	task.clear_ibuf [dreg:s6], $0x5FFFF;
	_ =	strace $0x90000049  }
0xb2: {  	s29 =	simm.s32 $0x9;
	_ =	strace $0x8000004B  }
0xb3: {  	_ =	swait.ge [sflag:s29], $0x1  }
0xb4: {  	[sflag:s29] =	ssyncadd.s32 $0xFFFFFFFF  }
0xb5: {  	_ =	strace $0x9000004B  }
0xb6: {  	_ =	sfence  }
0xb7: {  	s30 =	sld [smem:$0x0];
	_ =	sdelay $0x2  }
0xb8: {  	s31 =	sshll.u32 s1, $0xD;
	s1 =	sshrl.u32 s1, $0x2  }
0xb9: {  	s3 =	sand.u32 $0x4000, s31;
	s1 =	sadd.s32 s1, s30  }
0xba: {  	s0 =	sor.u32 s3, s0;
	s1 =	sshll.u32 s1, $0x11  }
0xbb: {  	s0 =	sor.u32 s1, s0  }
0xbc: {  	s0 =	sadd.s32 $0x8F2B, s0  }
0xbd: {  	[sflag:s0] =	ssyncadd.remote.s32 $0x1  }
0xbe: {  	_ =	sfence.sel $0xFFFF  }
0xbf: {  	[dreg:$0x0] =	wrdreg $0xFFFFFFFF;
	(pc) =	sbr.abs _section_cstart, $3  }
0xc0: {  	[dreg:$0x1] =	wrdreg $0xFFFFFFFF  }
0xc1: {  	_ =	task.clear_ibuf [dreg:s6], $0x2FFFF;
	_ =	strace $0x9FFFFFFF  }
0xc2: {  	(tm) =	ssettm $0x7FFFFFFF  }
0xc3: {  	_ =	shalt  }
tec
execute0_lowered:
.L_overlay_start_1:
0x0: {  	(tag) =	ssettag $0x1  }
0x1: {  	s0 =	rddreg [dreg:$0x0]  }
0x2: {  	s1 =	rddreg [dreg:$0x1];
	s2 =	simm.s32 $0x0;
	s3 =	srdreg.scid  }
0x3: {  	s11 =	stileid.u32;
	s28 =	simm.s32 $0x1400;
	s29 =	simm.s32 $0x40  }
0x4: {  	s30 =	simm.s32 $0x80;
	s31 =	simm.s32 $0x4800;
	[smem:$0x7FF] =	sst s2  }
0x5: {  	s4 =	sadd.s32 $0x3200, s0;
	s3 =	sand.u32 $0x1, s3;
	s6 =	sadd.s32 $0x71200, s0  }
0x6: {  	s7 =	sshll.u32 s11, $0x1;
	s8 =	sadd.s32 $0x5D200, s0;
	s9 =	smul.u32 $0x50000, s11  }
0x7: {  	s18 =	smul.u32 $0x2800, s11;
	s11 =	simm.s32 $0x4;
	_ =	strace $0x8000004A  }
0x8: {  	s5 =	smul.u32 $0x28000, s3;
	s7 =	sor.u32 s3, s7;
	s3 =	ssub.s32 $0x2, s3  }
0x9: {  	s10 =	smul.u32 $0x5000, s7;
	s24 =	sshrl.u32 s3, $0x1;
	s9 =	sshrl.u32 s9, $0x2  }
0xa: {  	s7 =	smul.u32 $0xA00, s7;
	s0 =	sadd.s32 s5, s0;
	s3 =	ssub.s32 s3, s24  }
0xb: {  	s5 =	sadd.s32 s9, s1;
	s9 =	simm.s32 $0x2;
	s25 =	sshrl.u32 s10, $0x3  }
0xc: {  	s26 =	sadd.s32 s6, s7;
	s7 =	sadd.s32 s8, s7;
	s0 =	sadd.s32 $0x85200, s0  }
0xd: {  	s3 =	smax.u32 s3, $0x1;
	s23 =	sadd.s32 $0x2000, s5;
	s24 =	sadd.s32 $0x4000, s5  }
0xe: {  	s19 =	sadd.s32 $0xA000, s5;
	s20 =	sadd.s32 $0xC000, s5;
	[dreg:$0x3] =	wrdreg s26  }
0xf: {  	s21 =	sadd.s32 $0xE000, s5;
	s22 =	sadd.s32 $0x10000, s5;
	[dreg:$0x4] =	wrdreg s7  }
0x10: {  	s10 =	simm.s32 $0x3;
	s12 =	sadd.s32 $0x280, s25;
	[dreg:$0xb] =	wrdreg s3  }
0x11: {  	s14 =	sadd.s32 $0x500, s25;
	s16 =	sadd.s32 $0x780, s25;
	[dreg:$0xc] =	wrdreg s23  }
0x12: {  	[dreg:$0xd] =	wrdreg s24;
	s25 =	sadd.s32 $0x6000, s5;
	s26 =	sadd.s32 $0x8000, s5  }
0x13: {  	s23 =	sadd.s32 $0x12000, s5;
	s24 =	sadd.s32 s18, s0;
	[dreg:$0xe] =	wrdreg s25  }
0x14: {  	s0 =	simm.s32 $0x100;
	s13 =	sadd.s32 s6, s12;
	[dreg:$0xf] =	wrdreg s26  }
0x15: {  	s3 =	simm.s32 $0x6800;
	s7 =	sadd.s32 s8, s12;
	[dreg:$0x5] =	wrdreg s13  }
0x16: {  	s15 =	sadd.s32 s6, s14;
	s6 =	sadd.s32 s6, s16;
	[dreg:$0x6] =	wrdreg s7  }
0x17: {  	s17 =	sadd.s32 s8, s16;
	s25 =	simm.s32 $0x2800;
	[dreg:$0x7] =	wrdreg s15  }
0x18: {  	s26 =	simm.s32 $0x5;
	s12 =	simm.s32 $0x2600;
	[dreg:$0x9] =	wrdreg s6  }
0x19: {  	s7 =	sadd.s32 s8, s14;
	[dreg:$0xa] =	wrdreg s17;
	s6 =	simm.s32 $0x180  }
0x1a: {  	s8 =	simm.s32 $0x1;
	s13 =	simm.s32 $0x2680;
	s14 =	simm.s32 $0x2700  }
0x1b: {  	v0 =	vimm.f32 $0.0e+00;
	s15 =	simm.s32 $0x2780;
	[dreg:$0x8] =	wrdreg s7;
	s7 =	simm.s32 $0x8800  }
.LBB2_1:
0x1c: {  	s16 =	simm.s32 $0x0;
	s17 =	simm.s32 $0x200  }
.LBB2_2:
0x1d: {  	p0 =	sne.s32 s17, $0x7E00;
	[tilespmem:s16+$0x2870] =	vst v0  }
0x1e: {  	[tilespmem:s16+$0x2800] =	vst v0  }
0x1f: {  	[tilespmem:s16+$0x2810] =	vst v0  }
.Ltmp0:
0x20: {  	[tilespmem:s16+$0x2820] =	vst v0;
	(pc) =	sbr.rel @p0 .LBB2_2-.Ltmp0, $4  }
0x21: {  	[tilespmem:s16+$0x2830] =	vst v0  }
0x22: {  	[tilespmem:s16+$0x2840] =	vst v0  }
0x23: {  	[tilespmem:s16+$0x2850] =	vst v0  }
0x24: {  	[tilespmem:s16+$0x2860] =	vst v0;
	s16 =	sshra.s32 s17, $0x2;
	s17 =	sadd.s32 $0x200, s17  }
0x25: {  	[tilespmem:s16+$0x2870] =	vst v0  }
0x26: {  	[tilespmem:s16+$0x2800] =	vst v0  }
0x27: {  	[tilespmem:s16+$0x2810] =	vst v0  }
0x28: {  	[tilespmem:s16+$0x2820] =	vst v0  }
0x29: {  	[tilespmem:s16+$0x2830] =	vst v0  }
0x2a: {  	[tilespmem:s16+$0x2840] =	vst v0  }
0x2b: {  	[tilespmem:s16+$0x2850] =	vst v0  }
0x2c: {  	[tilespmem:s16+$0x2860] =	vst v0  }
0x2d: {  	[spmem:s5] =	stream.linear.scatter [tilespmem:s25], [sflag:$0x5], $0x2000, $0x38;
	[tilespmem:$0x1E800] =	vst v63  }
0x2e: {  	_ =	swait.ge [sflag:s26], $0x2000  }
0x2f: {  	[sflag:s26] =	ssyncset.done $0x0  }
0x30: {  	s18 =	rddreg [dreg:$0xc];
	[sflag:s26] =	ssyncadd.s32 $0xFFFFE000  }
0x31: {  	[spmem:s18] =	stream.linear.scatter [tilespmem:s25], [sflag:$0x5], $0x2000, $0x38;
	[tilespmem:$0x1E800] =	vst v63  }
0x32: {  	_ =	swait.ge [sflag:s26], $0x2000  }
0x33: {  	[sflag:s26] =	ssyncset.done $0x0  }
0x34: {  	s17 =	rddreg [dreg:$0xd];
	[sflag:s26] =	ssyncadd.s32 $0xFFFFE000  }
0x35: {  	[spmem:s17] =	stream.linear.scatter [tilespmem:s25], [sflag:$0x5], $0x2000, $0x38;
	[tilespmem:$0x1E800] =	vst v63  }
0x36: {  	_ =	swait.ge [sflag:s26], $0x2000  }
0x37: {  	[sflag:s26] =	ssyncset.done $0x0  }
0x38: {  	s18 =	rddreg [dreg:$0xe];
	[sflag:s26] =	ssyncadd.s32 $0xFFFFE000  }
0x39: {  	[spmem:s18] =	stream.linear.scatter [tilespmem:s25], [sflag:$0x5], $0x2000, $0x38;
	[tilespmem:$0x1E800] =	vst v63  }
0x3a: {  	_ =	swait.ge [sflag:s26], $0x2000  }
0x3b: {  	[sflag:s26] =	ssyncset.done $0x0  }
0x3c: {  	s17 =	rddreg [dreg:$0xf];
	[sflag:s26] =	ssyncadd.s32 $0xFFFFE000  }
0x3d: {  	[spmem:s17] =	stream.linear.scatter [tilespmem:s25], [sflag:$0x5], $0x2000, $0x38;
	[tilespmem:$0x1E800] =	vst v63  }
0x3e: {  	_ =	swait.ge [sflag:s26], $0x2000  }
0x3f: {  	[sflag:s26] =	ssyncset.done $0x0  }
0x40: {  	[sflag:s26] =	ssyncadd.s32 $0xFFFFE000  }
0x41: {  	[spmem:s19] =	stream.linear.scatter [tilespmem:s25], [sflag:$0x5], $0x2000, $0x38;
	[tilespmem:$0x1E800] =	vst v63  }
0x42: {  	_ =	swait.ge [sflag:s26], $0x2000  }
0x43: {  	[sflag:s26] =	ssyncset.done $0x0  }
0x44: {  	[sflag:s26] =	ssyncadd.s32 $0xFFFFE000  }
0x45: {  	[spmem:s20] =	stream.linear.scatter [tilespmem:s25], [sflag:$0x5], $0x2000, $0x38;
	[tilespmem:$0x1E800] =	vst v63  }
0x46: {  	_ =	swait.ge [sflag:s26], $0x2000  }
0x47: {  	[sflag:s26] =	ssyncset.done $0x0  }
0x48: {  	[sflag:s26] =	ssyncadd.s32 $0xFFFFE000  }
0x49: {  	[spmem:s21] =	stream.linear.scatter [tilespmem:s25], [sflag:$0x5], $0x2000, $0x38;
	[tilespmem:$0x1E800] =	vst v63  }
0x4a: {  	_ =	swait.ge [sflag:s26], $0x2000  }
0x4b: {  	[sflag:s26] =	ssyncset.done $0x0  }
0x4c: {  	[sflag:s26] =	ssyncadd.s32 $0xFFFFE000  }
0x4d: {  	[spmem:s22] =	stream.linear.scatter [tilespmem:s25], [sflag:$0x5], $0x2000, $0x38;
	[tilespmem:$0x1E800] =	vst v63  }
0x4e: {  	_ =	swait.ge [sflag:s26], $0x2000  }
0x4f: {  	[sflag:s26] =	ssyncset.done $0x0  }
0x50: {  	[sflag:s26] =	ssyncadd.s32 $0xFFFFE000  }
0x51: {  	[spmem:s23] =	stream.linear.scatter [tilespmem:s25], [sflag:$0x5], $0x2000, $0x38;
	[tilespmem:$0x1E800] =	vst v63  }
0x52: {  	_ =	swait.ge [sflag:s26], $0x2000  }
0x53: {  	[sflag:s26] =	ssyncset.done $0x0  }
0x54: {  	[sflag:s26] =	ssyncadd.s32 $0xFFFFE000  }
0x55: {  	[bflag:$0x0] =	sbarrier.arrive $0xFFFF  }
0x56: {  	s16 =	simm.s32 $0x0;
	s17 =	rddreg [dreg:$0x3]  }
0x57: {  	[tilespmem:s16], [sflag:$0x5] =	stream.linear.gather [hbm4b:s17+s16], $0x1400, $0x38;
	[tilespmem:$0x1E800] =	vst v63  }
0x58: {  	_ =	swait.ge [sflag:s26], $0x1400  }
0x59: {  	[sflag:s26] =	ssyncset.done $0x0  }
0x5a: {  	s18 =	rddreg [dreg:$0x4];
	[sflag:s26] =	ssyncadd.s32 $0xFFFFEC00  }
0x5b: {  	[tilespmem:s28], [sflag:$0x5] =	stream.linear.gather [hbm4b:s18+s16], $0x1400, $0x38;
	[tilespmem:$0x1E800] =	vst v63  }
0x5c: {  	_ =	swait.ge [sflag:s26], $0x1400  }
0x5d: {  	[sflag:s26] =	ssyncset.done $0x0  }
0x5e: {  	[sflag:s26] =	ssyncadd.s32 $0xFFFFEC00  }
0x5f: {  	[tilespmem:s25], [sflag:$0x1] =	stream.indirect.gather [hbm4b:s4+s29], $0x80, s16, s29, $0xb8;
	[tilespmem:$0x1E800] =	vst v63  }
0x60: {  	_ = 	snop  }
0x61: {  	[tilespmem:s31], [sflag:$0x2] =	stream.indirect.gather [hbm4b:s4+s29], $0x80, s30, s29, $0xb8;
	[tilespmem:$0x1E800] =	vst v63  }
0x62: {  	_ = 	snop  }
0x63: {  	[tilespmem:s3], [sflag:$0x3] =	stream.indirect.gather [hbm4b:s4+s29], $0x80, s0, s29, $0xb8;
	[tilespmem:$0x1E800] =	vst v63  }
0x64: {  	_ = 	snop  }
0x65: {  	[tilespmem:s7], [sflag:$0x4] =	stream.indirect.gather [hbm4b:s4+s29], $0x80, s6, s29, $0xb8;
	[tilespmem:$0x1E800] =	vst v63  }
0x66: {  	_ =	swait.ge [sflag:s8], $0x2000  }
0x67: {  	[sflag:s8] =	ssyncset.done $0x0  }
0x68: {  	s18 =	simm.s32 $0x1400;
	[sflag:s8] =	ssyncadd.s32 $0xFFFFE000  }
0x69: {  	[spmem:s1] =	stream.indirect.scatter.add.f32 [tilespmem:s25], [sflag:$0x5], $0x80, s18, s29, $0xb8;
	[tilespmem:$0x1E800] =	vst v63  }
0x6a: {  	_ =	swait.ge [sflag:s26], $0x2000  }
0x6b: {  	[sflag:s26] =	ssyncset.done $0x0  }
0x6c: {  	s17 =	simm.s32 $0x200;
	[sflag:s26] =	ssyncadd.s32 $0xFFFFE000  }
0x6d: {  	[tilespmem:s25], [sflag:$0x1] =	stream.indirect.gather [hbm4b:s4+s29], $0x80, s17, s29, $0xb8;
	[tilespmem:$0x1E800] =	vst v63  }
0x6e: {  	_ =	swait.ge [sflag:s9], $0x2000  }
0x6f: {  	[sflag:s9] =	ssyncset.done $0x0  }
0x70: {  	s18 =	simm.s32 $0x1480;
	[sflag:s9] =	ssyncadd.s32 $0xFFFFE000  }
0x71: {  	[spmem:s1] =	stream.indirect.scatter.add.f32 [tilespmem:s31], [sflag:$0x5], $0x80, s18, s29, $0xb8;
	[tilespmem:$0x1E800] =	vst v63  }
0x72: {  	_ =	swait.ge [sflag:s26], $0x2000  }
0x73: {  	[sflag:s26] =	ssyncset.done $0x0  }
0x74: {  	s17 =	simm.s32 $0x280;
	[sflag:s26] =	ssyncadd.s32 $0xFFFFE000  }
0x75: {  	[tilespmem:s31], [sflag:$0x2] =	stream.indirect.gather [hbm4b:s4+s29], $0x80, s17, s29, $0xb8;
	[tilespmem:$0x1E800] =	vst v63  }
0x76: {  	_ =	swait.ge [sflag:s10], $0x2000  }
0x77: {  	[sflag:s10] =	ssyncset.done $0x0  }
0x78: {  	s18 =	simm.s32 $0x1500;
	[sflag:s10] =	ssyncadd.s32 $0xFFFFE000  }
0x79: {  	[spmem:s1] =	stream.indirect.scatter.add.f32 [tilespmem:s3], [sflag:$0x5], $0x80, s18, s29, $0xb8;
	[tilespmem:$0x1E800] =	vst v63  }
0x7a: {  	_ =	swait.ge [sflag:s26], $0x2000  }
0x7b: {  	[sflag:s26] =	ssyncset.done $0x0  }
0x7c: {  	s17 =	simm.s32 $0x300;
	[sflag:s26] =	ssyncadd.s32 $0xFFFFE000  }
0x7d: {  	[tilespmem:s3], [sflag:$0x3] =	stream.indirect.gather [hbm4b:s4+s29], $0x80, s17, s29, $0xb8;
	[tilespmem:$0x1E800] =	vst v63  }
0x7e: {  	_ =	swait.ge [sflag:s11], $0x2000  }
0x7f: {  	[sflag:s11] =	ssyncset.done $0x0  }
0x80: {  	s18 =	simm.s32 $0x1580;
	[sflag:s11] =	ssyncadd.s32 $0xFFFFE000  }
0x81: {  	[spmem:s1] =	stream.indirect.scatter.add.f32 [tilespmem:s7], [sflag:$0x5], $0x80, s18, s29, $0xb8;
	[tilespmem:$0x1E800] =	vst v63  }
0x82: {  	_ =	swait.ge [sflag:s26], $0x2000  }
0x83: {  	[sflag:s26] =	ssyncset.done $0x0  }
0x84: {  	s16 =	simm.s32 $0x800;
	s17 =	simm.s32 $0x380;
	[sflag:s26] =	ssyncadd.s32 $0xFFFFE000  }
.LBB2_4:
0x85: {  	[tilespmem:s7], [sflag:$0x4] =	stream.indirect.gather [hbm4b:s4+s29], $0x80, s17, s29, $0xb8;
	[tilespmem:$0x1E800] =	vst v63  }
0x86: {  	s17 =	smov.u32 s16  }
0x87: {  	p0 =	sne.s32 s16, $0x4000;
	s16 =	sadd.s32 $0x800, s16;
	_ =	swait.ge [sflag:s8], $0x2000  }
0x88: {  	s17 =	sshra.s32 s17, $0x2;
	[sflag:s8] =	ssyncset.done $0x0  }
0x89: {  	s18 =	sadd.s32 $0x1400, s17;
	[sflag:s8] =	ssyncadd.s32 $0xFFFFE000  }
0x8a: {  	[spmem:s1] =	stream.indirect.scatter.add.f32 [tilespmem:s25], [sflag:$0x5], $0x80, s18, s29, $0xb8;
	[tilespmem:$0x1E800] =	vst v63  }
0x8b: {  	_ =	swait.ge [sflag:s26], $0x2000  }
0x8c: {  	[sflag:s26] =	ssyncset.done $0x0  }
0x8d: {  	s18 =	sadd.s32 $0x200, s17;
	[sflag:s26] =	ssyncadd.s32 $0xFFFFE000  }
0x8e: {  	[tilespmem:s25], [sflag:$0x1] =	stream.indirect.gather [hbm4b:s4+s29], $0x80, s18, s29, $0xb8;
	[tilespmem:$0x1E800] =	vst v63  }
0x8f: {  	_ =	swait.ge [sflag:s9], $0x2000  }
0x90: {  	[sflag:s9] =	ssyncset.done $0x0  }
0x91: {  	s18 =	sadd.s32 $0x1480, s17;
	[sflag:s9] =	ssyncadd.s32 $0xFFFFE000  }
0x92: {  	[spmem:s1] =	stream.indirect.scatter.add.f32 [tilespmem:s31], [sflag:$0x5], $0x80, s18, s29, $0xb8;
	[tilespmem:$0x1E800] =	vst v63  }
0x93: {  	_ =	swait.ge [sflag:s26], $0x2000  }
0x94: {  	[sflag:s26] =	ssyncset.done $0x0  }
0x95: {  	s18 =	sadd.s32 $0x280, s17;
	[sflag:s26] =	ssyncadd.s32 $0xFFFFE000  }
0x96: {  	[tilespmem:s31], [sflag:$0x2] =	stream.indirect.gather [hbm4b:s4+s29], $0x80, s18, s29, $0xb8;
	[tilespmem:$0x1E800] =	vst v63  }
0x97: {  	_ =	swait.ge [sflag:s10], $0x2000  }
0x98: {  	[sflag:s10] =	ssyncset.done $0x0  }
0x99: {  	s18 =	sadd.s32 $0x1500, s17;
	[sflag:s10] =	ssyncadd.s32 $0xFFFFE000  }
0x9a: {  	[spmem:s1] =	stream.indirect.scatter.add.f32 [tilespmem:s3], [sflag:$0x5], $0x80, s18, s29, $0xb8;
	[tilespmem:$0x1E800] =	vst v63  }
0x9b: {  	_ =	swait.ge [sflag:s26], $0x2000  }
0x9c: {  	[sflag:s26] =	ssyncset.done $0x0  }
0x9d: {  	s18 =	sadd.s32 $0x300, s17;
	[sflag:s26] =	ssyncadd.s32 $0xFFFFE000  }
0x9e: {  	[tilespmem:s3], [sflag:$0x3] =	stream.indirect.gather [hbm4b:s4+s29], $0x80, s18, s29, $0xb8;
	[tilespmem:$0x1E800] =	vst v63  }
0x9f: {  	_ =	swait.ge [sflag:s11], $0x2000  }
0xa0: {  	[sflag:s11] =	ssyncset.done $0x0  }
.Ltmp1:
0xa1: {  	s18 =	sadd.s32 $0x1580, s17;
	[sflag:s11] =	ssyncadd.s32 $0xFFFFE000;
	(pc) =	sbr.rel @p0 .LBB2_4-.Ltmp1, $4  }
0xa2: {  	[spmem:s1] =	stream.indirect.scatter.add.f32 [tilespmem:s7], [sflag:$0x5], $0x80, s18, s29, $0xb8;
	[tilespmem:$0x1E800] =	vst v63  }
0xa3: {  	_ =	swait.ge [sflag:s26], $0x2000  }
0xa4: {  	[sflag:s26] =	ssyncset.done $0x0  }
0xa5: {  	s17 =	sadd.s32 $0x380, s17;
	[sflag:s26] =	ssyncadd.s32 $0xFFFFE000  }
0xa6: {  	[tilespmem:s7], [sflag:$0x4] =	stream.indirect.gather [hbm4b:s4+s29], $0x80, s17, s29, $0xb8;
	[tilespmem:$0x1E800] =	vst v63  }
0xa7: {  	_ =	swait.ge [sflag:s8], $0x2000  }
0xa8: {  	[sflag:s8] =	ssyncset.done $0x0  }
0xa9: {  	[sflag:s8] =	ssyncadd.s32 $0xFFFFE000  }
0xaa: {  	[spmem:s1] =	stream.indirect.scatter.add.f32 [tilespmem:s25], [sflag:$0x5], $0x80, s12, s29, $0xb8;
	[tilespmem:$0x1E800] =	vst v63  }
0xab: {  	_ =	swait.ge [sflag:s26], $0x2000  }
0xac: {  	[sflag:s26] =	ssyncset.done $0x0  }
0xad: {  	[sflag:s26] =	ssyncadd.s32 $0xFFFFE000  }
0xae: {  	_ =	swait.ge [sflag:s9], $0x2000  }
0xaf: {  	[sflag:s9] =	ssyncset.done $0x0  }
0xb0: {  	[sflag:s9] =	ssyncadd.s32 $0xFFFFE000  }
0xb1: {  	[spmem:s1] =	stream.indirect.scatter.add.f32 [tilespmem:s31], [sflag:$0x5], $0x80, s13, s29, $0xb8;
	[tilespmem:$0x1E800] =	vst v63  }
0xb2: {  	_ =	swait.ge [sflag:s26], $0x2000  }
0xb3: {  	[sflag:s26] =	ssyncset.done $0x0  }
0xb4: {  	[sflag:s26] =	ssyncadd.s32 $0xFFFFE000  }
0xb5: {  	_ =	swait.ge [sflag:s10], $0x2000  }
0xb6: {  	[sflag:s10] =	ssyncset.done $0x0  }
0xb7: {  	[sflag:s10] =	ssyncadd.s32 $0xFFFFE000  }
0xb8: {  	[spmem:s1] =	stream.indirect.scatter.add.f32 [tilespmem:s3], [sflag:$0x5], $0x80, s14, s29, $0xb8;
	[tilespmem:$0x1E800] =	vst v63  }
0xb9: {  	_ =	swait.ge [sflag:s26], $0x2000  }
0xba: {  	[sflag:s26] =	ssyncset.done $0x0  }
0xbb: {  	[sflag:s26] =	ssyncadd.s32 $0xFFFFE000  }
0xbc: {  	_ =	swait.ge [sflag:s11], $0x2000  }
0xbd: {  	[sflag:s11] =	ssyncset.done $0x0  }
0xbe: {  	[sflag:s11] =	ssyncadd.s32 $0xFFFFE000  }
0xbf: {  	[spmem:s1] =	stream.indirect.scatter.add.f32 [tilespmem:s7], [sflag:$0x5], $0x80, s15, s29, $0xb8;
	[tilespmem:$0x1E800] =	vst v63  }
0xc0: {  	_ =	swait.ge [sflag:s26], $0x2000  }
0xc1: {  	[sflag:s26] =	ssyncset.done $0x0  }
0xc2: {  	s16 =	simm.s32 $0x0;
	s18 =	rddreg [dreg:$0x5];
	[sflag:s26] =	ssyncadd.s32 $0xFFFFE000  }
0xc3: {  	[tilespmem:s16], [sflag:$0x5] =	stream.linear.gather [hbm4b:s18+s16], $0x1400, $0x38;
	[tilespmem:$0x1E800] =	vst v63  }
0xc4: {  	_ =	swait.ge [sflag:s26], $0x1400  }
0xc5: {  	[sflag:s26] =	ssyncset.done $0x0  }
0xc6: {  	s18 =	rddreg [dreg:$0x6];
	[sflag:s26] =	ssyncadd.s32 $0xFFFFEC00  }
0xc7: {  	[tilespmem:s28], [sflag:$0x5] =	stream.linear.gather [hbm4b:s18+s16], $0x1400, $0x38;
	[tilespmem:$0x1E800] =	vst v63  }
0xc8: {  	_ =	swait.ge [sflag:s26], $0x1400  }
0xc9: {  	[sflag:s26] =	ssyncset.done $0x0  }
0xca: {  	[sflag:s26] =	ssyncadd.s32 $0xFFFFEC00  }
0xcb: {  	[tilespmem:s25], [sflag:$0x1] =	stream.indirect.gather [hbm4b:s4+s29], $0x80, s16, s29, $0xb8;
	[tilespmem:$0x1E800] =	vst v63  }
0xcc: {  	_ = 	snop  }
0xcd: {  	[tilespmem:s31], [sflag:$0x2] =	stream.indirect.gather [hbm4b:s4+s29], $0x80, s30, s29, $0xb8;
	[tilespmem:$0x1E800] =	vst v63  }
0xce: {  	_ = 	snop  }
0xcf: {  	[tilespmem:s3], [sflag:$0x3] =	stream.indirect.gather [hbm4b:s4+s29], $0x80, s0, s29, $0xb8;
	[tilespmem:$0x1E800] =	vst v63  }
0xd0: {  	_ = 	snop  }
0xd1: {  	[tilespmem:s7], [sflag:$0x4] =	stream.indirect.gather [hbm4b:s4+s29], $0x80, s6, s29, $0xb8;
	[tilespmem:$0x1E800] =	vst v63  }
0xd2: {  	_ =	swait.ge [sflag:s8], $0x2000  }
0xd3: {  	[sflag:s8] =	ssyncset.done $0x0  }
0xd4: {  	s18 =	simm.s32 $0x1400;
	[sflag:s8] =	ssyncadd.s32 $0xFFFFE000  }
0xd5: {  	[spmem:s1] =	stream.indirect.scatter.add.f32 [tilespmem:s25], [sflag:$0x5], $0x80, s18, s29, $0xb8;
	[tilespmem:$0x1E800] =	vst v63  }
0xd6: {  	_ =	swait.ge [sflag:s26], $0x2000  }
0xd7: {  	[sflag:s26] =	ssyncset.done $0x0  }
0xd8: {  	s17 =	simm.s32 $0x200;
	[sflag:s26] =	ssyncadd.s32 $0xFFFFE000  }
0xd9: {  	[tilespmem:s25], [sflag:$0x1] =	stream.indirect.gather [hbm4b:s4+s29], $0x80, s17, s29, $0xb8;
	[tilespmem:$0x1E800] =	vst v63  }
0xda: {  	_ =	swait.ge [sflag:s9], $0x2000  }
0xdb: {  	[sflag:s9] =	ssyncset.done $0x0  }
0xdc: {  	s18 =	simm.s32 $0x1480;
	[sflag:s9] =	ssyncadd.s32 $0xFFFFE000  }
0xdd: {  	[spmem:s1] =	stream.indirect.scatter.add.f32 [tilespmem:s31], [sflag:$0x5], $0x80, s18, s29, $0xb8;
	[tilespmem:$0x1E800] =	vst v63  }
0xde: {  	_ =	swait.ge [sflag:s26], $0x2000  }
0xdf: {  	[sflag:s26] =	ssyncset.done $0x0  }
0xe0: {  	s17 =	simm.s32 $0x280;
	[sflag:s26] =	ssyncadd.s32 $0xFFFFE000  }
0xe1: {  	[tilespmem:s31], [sflag:$0x2] =	stream.indirect.gather [hbm4b:s4+s29], $0x80, s17, s29, $0xb8;
	[tilespmem:$0x1E800] =	vst v63  }
0xe2: {  	_ =	swait.ge [sflag:s10], $0x2000  }
0xe3: {  	[sflag:s10] =	ssyncset.done $0x0  }
0xe4: {  	s18 =	simm.s32 $0x1500;
	[sflag:s10] =	ssyncadd.s32 $0xFFFFE000  }
0xe5: {  	[spmem:s1] =	stream.indirect.scatter.add.f32 [tilespmem:s3], [sflag:$0x5], $0x80, s18, s29, $0xb8;
	[tilespmem:$0x1E800] =	vst v63  }
0xe6: {  	_ =	swait.ge [sflag:s26], $0x2000  }
0xe7: {  	[sflag:s26] =	ssyncset.done $0x0  }
0xe8: {  	s17 =	simm.s32 $0x300;
	[sflag:s26] =	ssyncadd.s32 $0xFFFFE000  }
0xe9: {  	[tilespmem:s3], [sflag:$0x3] =	stream.indirect.gather [hbm4b:s4+s29], $0x80, s17, s29, $0xb8;
	[tilespmem:$0x1E800] =	vst v63  }
0xea: {  	_ =	swait.ge [sflag:s11], $0x2000  }
0xeb: {  	[sflag:s11] =	ssyncset.done $0x0  }
0xec: {  	s18 =	simm.s32 $0x1580;
	[sflag:s11] =	ssyncadd.s32 $0xFFFFE000  }
0xed: {  	[spmem:s1] =	stream.indirect.scatter.add.f32 [tilespmem:s7], [sflag:$0x5], $0x80, s18, s29, $0xb8;
	[tilespmem:$0x1E800] =	vst v63  }
0xee: {  	_ =	swait.ge [sflag:s26], $0x2000  }
0xef: {  	[sflag:s26] =	ssyncset.done $0x0  }
0xf0: {  	s16 =	simm.s32 $0x800;
	s17 =	simm.s32 $0x380;
	[sflag:s26] =	ssyncadd.s32 $0xFFFFE000  }
.LBB2_6:
0xf1: {  	[tilespmem:s7], [sflag:$0x4] =	stream.indirect.gather [hbm4b:s4+s29], $0x80, s17, s29, $0xb8;
	[tilespmem:$0x1E800] =	vst v63  }
0xf2: {  	s17 =	smov.u32 s16  }
0xf3: {  	p0 =	sne.s32 s16, $0x4000;
	s16 =	sadd.s32 $0x800, s16;
	_ =	swait.ge [sflag:s8], $0x2000  }
0xf4: {  	s17 =	sshra.s32 s17, $0x2;
	[sflag:s8] =	ssyncset.done $0x0  }
0xf5: {  	s18 =	sadd.s32 $0x1400, s17;
	[sflag:s8] =	ssyncadd.s32 $0xFFFFE000  }
0xf6: {  	[spmem:s1] =	stream.indirect.scatter.add.f32 [tilespmem:s25], [sflag:$0x5], $0x80, s18, s29, $0xb8;
	[tilespmem:$0x1E800] =	vst v63  }
0xf7: {  	_ =	swait.ge [sflag:s26], $0x2000  }
0xf8: {  	[sflag:s26] =	ssyncset.done $0x0  }
0xf9: {  	s18 =	sadd.s32 $0x200, s17;
	[sflag:s26] =	ssyncadd.s32 $0xFFFFE000  }
0xfa: {  	[tilespmem:s25], [sflag:$0x1] =	stream.indirect.gather [hbm4b:s4+s29], $0x80, s18, s29, $0xb8;
	[tilespmem:$0x1E800] =	vst v63  }
0xfb: {  	_ =	swait.ge [sflag:s9], $0x2000  }
0xfc: {  	[sflag:s9] =	ssyncset.done $0x0  }
0xfd: {  	s18 =	sadd.s32 $0x1480, s17;
	[sflag:s9] =	ssyncadd.s32 $0xFFFFE000  }
0xfe: {  	[spmem:s1] =	stream.indirect.scatter.add.f32 [tilespmem:s31], [sflag:$0x5], $0x80, s18, s29, $0xb8;
	[tilespmem:$0x1E800] =	vst v63  }
0xff: {  	_ =	swait.ge [sflag:s26], $0x2000  }
0x100: {  	[sflag:s26] =	ssyncset.done $0x0  }
0x101: {  	s18 =	sadd.s32 $0x280, s17;
	[sflag:s26] =	ssyncadd.s32 $0xFFFFE000  }
0x102: {  	[tilespmem:s31], [sflag:$0x2] =	stream.indirect.gather [hbm4b:s4+s29], $0x80, s18, s29, $0xb8;
	[tilespmem:$0x1E800] =	vst v63  }
0x103: {  	_ =	swait.ge [sflag:s10], $0x2000  }
0x104: {  	[sflag:s10] =	ssyncset.done $0x0  }
0x105: {  	s18 =	sadd.s32 $0x1500, s17;
	[sflag:s10] =	ssyncadd.s32 $0xFFFFE000  }
0x106: {  	[spmem:s1] =	stream.indirect.scatter.add.f32 [tilespmem:s3], [sflag:$0x5], $0x80, s18, s29, $0xb8;
	[tilespmem:$0x1E800] =	vst v63  }
0x107: {  	_ =	swait.ge [sflag:s26], $0x2000  }
0x108: {  	[sflag:s26] =	ssyncset.done $0x0  }
0x109: {  	s18 =	sadd.s32 $0x300, s17;
	[sflag:s26] =	ssyncadd.s32 $0xFFFFE000  }
0x10a: {  	[tilespmem:s3], [sflag:$0x3] =	stream.indirect.gather [hbm4b:s4+s29], $0x80, s18, s29, $0xb8;
	[tilespmem:$0x1E800] =	vst v63  }
0x10b: {  	_ =	swait.ge [sflag:s11], $0x2000  }
0x10c: {  	[sflag:s11] =	ssyncset.done $0x0  }
.Ltmp2:
0x10d: {  	s18 =	sadd.s32 $0x1580, s17;
	[sflag:s11] =	ssyncadd.s32 $0xFFFFE000;
	(pc) =	sbr.rel @p0 .LBB2_6-.Ltmp2, $4  }
0x10e: {  	[spmem:s1] =	stream.indirect.scatter.add.f32 [tilespmem:s7], [sflag:$0x5], $0x80, s18, s29, $0xb8;
	[tilespmem:$0x1E800] =	vst v63  }
0x10f: {  	_ =	swait.ge [sflag:s26], $0x2000  }
0x110: {  	[sflag:s26] =	ssyncset.done $0x0  }
0x111: {  	s17 =	sadd.s32 $0x380, s17;
	[sflag:s26] =	ssyncadd.s32 $0xFFFFE000  }
0x112: {  	[tilespmem:s7], [sflag:$0x4] =	stream.indirect.gather [hbm4b:s4+s29], $0x80, s17, s29, $0xb8;
	[tilespmem:$0x1E800] =	vst v63  }
0x113: {  	_ =	swait.ge [sflag:s8], $0x2000  }
0x114: {  	[sflag:s8] =	ssyncset.done $0x0  }
0x115: {  	[sflag:s8] =	ssyncadd.s32 $0xFFFFE000  }
0x116: {  	[spmem:s1] =	stream.indirect.scatter.add.f32 [tilespmem:s25], [sflag:$0x5], $0x80, s12, s29, $0xb8;
	[tilespmem:$0x1E800] =	vst v63  }
0x117: {  	_ =	swait.ge [sflag:s26], $0x2000  }
0x118: {  	[sflag:s26] =	ssyncset.done $0x0  }
0x119: {  	[sflag:s26] =	ssyncadd.s32 $0xFFFFE000  }
0x11a: {  	_ =	swait.ge [sflag:s9], $0x2000  }
0x11b: {  	[sflag:s9] =	ssyncset.done $0x0  }
0x11c: {  	[sflag:s9] =	ssyncadd.s32 $0xFFFFE000  }
0x11d: {  	[spmem:s1] =	stream.indirect.scatter.add.f32 [tilespmem:s31], [sflag:$0x5], $0x80, s13, s29, $0xb8;
	[tilespmem:$0x1E800] =	vst v63  }
0x11e: {  	_ =	swait.ge [sflag:s26], $0x2000  }
0x11f: {  	[sflag:s26] =	ssyncset.done $0x0  }
0x120: {  	[sflag:s26] =	ssyncadd.s32 $0xFFFFE000  }
0x121: {  	_ =	swait.ge [sflag:s10], $0x2000  }
0x122: {  	[sflag:s10] =	ssyncset.done $0x0  }
0x123: {  	[sflag:s10] =	ssyncadd.s32 $0xFFFFE000  }
0x124: {  	[spmem:s1] =	stream.indirect.scatter.add.f32 [tilespmem:s3], [sflag:$0x5], $0x80, s14, s29, $0xb8;
	[tilespmem:$0x1E800] =	vst v63  }
0x125: {  	_ =	swait.ge [sflag:s26], $0x2000  }
0x126: {  	[sflag:s26] =	ssyncset.done $0x0  }
0x127: {  	[sflag:s26] =	ssyncadd.s32 $0xFFFFE000  }
0x128: {  	_ =	swait.ge [sflag:s11], $0x2000  }
0x129: {  	[sflag:s11] =	ssyncset.done $0x0  }
0x12a: {  	[sflag:s11] =	ssyncadd.s32 $0xFFFFE000  }
0x12b: {  	[spmem:s1] =	stream.indirect.scatter.add.f32 [tilespmem:s7], [sflag:$0x5], $0x80, s15, s29, $0xb8;
	[tilespmem:$0x1E800] =	vst v63  }
0x12c: {  	_ =	swait.ge [sflag:s26], $0x2000  }
0x12d: {  	[sflag:s26] =	ssyncset.done $0x0  }
0x12e: {  	s16 =	simm.s32 $0x0;
	s18 =	rddreg [dreg:$0x7];
	[sflag:s26] =	ssyncadd.s32 $0xFFFFE000  }
0x12f: {  	[tilespmem:s16], [sflag:$0x5] =	stream.linear.gather [hbm4b:s18+s16], $0x1400, $0x38;
	[tilespmem:$0x1E800] =	vst v63  }
0x130: {  	_ =	swait.ge [sflag:s26], $0x1400  }
0x131: {  	[sflag:s26] =	ssyncset.done $0x0  }
0x132: {  	s18 =	rddreg [dreg:$0x8];
	[sflag:s26] =	ssyncadd.s32 $0xFFFFEC00  }
0x133: {  	[tilespmem:s28], [sflag:$0x5] =	stream.linear.gather [hbm4b:s18+s16], $0x1400, $0x38;
	[tilespmem:$0x1E800] =	vst v63  }
0x134: {  	_ =	swait.ge [sflag:s26], $0x1400  }
0x135: {  	[sflag:s26] =	ssyncset.done $0x0  }
0x136: {  	[sflag:s26] =	ssyncadd.s32 $0xFFFFEC00  }
0x137: {  	[tilespmem:s25], [sflag:$0x1] =	stream.indirect.gather [hbm4b:s4+s29], $0x80, s16, s29, $0xb8;
	[tilespmem:$0x1E800] =	vst v63  }
0x138: {  	_ = 	snop  }
0x139: {  	[tilespmem:s31], [sflag:$0x2] =	stream.indirect.gather [hbm4b:s4+s29], $0x80, s30, s29, $0xb8;
	[tilespmem:$0x1E800] =	vst v63  }
0x13a: {  	_ = 	snop  }
0x13b: {  	[tilespmem:s3], [sflag:$0x3] =	stream.indirect.gather [hbm4b:s4+s29], $0x80, s0, s29, $0xb8;
	[tilespmem:$0x1E800] =	vst v63  }
0x13c: {  	_ = 	snop  }
0x13d: {  	[tilespmem:s7], [sflag:$0x4] =	stream.indirect.gather [hbm4b:s4+s29], $0x80, s6, s29, $0xb8;
	[tilespmem:$0x1E800] =	vst v63  }
0x13e: {  	_ =	swait.ge [sflag:s8], $0x2000  }
0x13f: {  	[sflag:s8] =	ssyncset.done $0x0  }
0x140: {  	s18 =	simm.s32 $0x1400;
	[sflag:s8] =	ssyncadd.s32 $0xFFFFE000  }
0x141: {  	[spmem:s1] =	stream.indirect.scatter.add.f32 [tilespmem:s25], [sflag:$0x5], $0x80, s18, s29, $0xb8;
	[tilespmem:$0x1E800] =	vst v63  }
0x142: {  	_ =	swait.ge [sflag:s26], $0x2000  }
0x143: {  	[sflag:s26] =	ssyncset.done $0x0  }
0x144: {  	s17 =	simm.s32 $0x200;
	[sflag:s26] =	ssyncadd.s32 $0xFFFFE000  }
0x145: {  	[tilespmem:s25], [sflag:$0x1] =	stream.indirect.gather [hbm4b:s4+s29], $0x80, s17, s29, $0xb8;
	[tilespmem:$0x1E800] =	vst v63  }
0x146: {  	_ =	swait.ge [sflag:s9], $0x2000  }
0x147: {  	[sflag:s9] =	ssyncset.done $0x0  }
0x148: {  	s18 =	simm.s32 $0x1480;
	[sflag:s9] =	ssyncadd.s32 $0xFFFFE000  }
0x149: {  	[spmem:s1] =	stream.indirect.scatter.add.f32 [tilespmem:s31], [sflag:$0x5], $0x80, s18, s29, $0xb8;
	[tilespmem:$0x1E800] =	vst v63  }
0x14a: {  	_ =	swait.ge [sflag:s26], $0x2000  }
0x14b: {  	[sflag:s26] =	ssyncset.done $0x0  }
0x14c: {  	s17 =	simm.s32 $0x280;
	[sflag:s26] =	ssyncadd.s32 $0xFFFFE000  }
0x14d: {  	[tilespmem:s31], [sflag:$0x2] =	stream.indirect.gather [hbm4b:s4+s29], $0x80, s17, s29, $0xb8;
	[tilespmem:$0x1E800] =	vst v63  }
0x14e: {  	_ =	swait.ge [sflag:s10], $0x2000  }
0x14f: {  	[sflag:s10] =	ssyncset.done $0x0  }
0x150: {  	s18 =	simm.s32 $0x1500;
	[sflag:s10] =	ssyncadd.s32 $0xFFFFE000  }
0x151: {  	[spmem:s1] =	stream.indirect.scatter.add.f32 [tilespmem:s3], [sflag:$0x5], $0x80, s18, s29, $0xb8;
	[tilespmem:$0x1E800] =	vst v63  }
0x152: {  	_ =	swait.ge [sflag:s26], $0x2000  }
0x153: {  	[sflag:s26] =	ssyncset.done $0x0  }
0x154: {  	s17 =	simm.s32 $0x300;
	[sflag:s26] =	ssyncadd.s32 $0xFFFFE000  }
0x155: {  	[tilespmem:s3], [sflag:$0x3] =	stream.indirect.gather [hbm4b:s4+s29], $0x80, s17, s29, $0xb8;
	[tilespmem:$0x1E800] =	vst v63  }
0x156: {  	_ =	swait.ge [sflag:s11], $0x2000  }
0x157: {  	[sflag:s11] =	ssyncset.done $0x0  }
0x158: {  	s18 =	simm.s32 $0x1580;
	[sflag:s11] =	ssyncadd.s32 $0xFFFFE000  }
0x159: {  	[spmem:s1] =	stream.indirect.scatter.add.f32 [tilespmem:s7], [sflag:$0x5], $0x80, s18, s29, $0xb8;
	[tilespmem:$0x1E800] =	vst v63  }
0x15a: {  	_ =	swait.ge [sflag:s26], $0x2000  }
0x15b: {  	[sflag:s26] =	ssyncset.done $0x0  }
0x15c: {  	s16 =	simm.s32 $0x800;
	s17 =	simm.s32 $0x380;
	[sflag:s26] =	ssyncadd.s32 $0xFFFFE000  }
.LBB2_8:
0x15d: {  	[tilespmem:s7], [sflag:$0x4] =	stream.indirect.gather [hbm4b:s4+s29], $0x80, s17, s29, $0xb8;
	[tilespmem:$0x1E800] =	vst v63  }
0x15e: {  	s17 =	smov.u32 s16  }
0x15f: {  	p0 =	sne.s32 s16, $0x4000;
	s16 =	sadd.s32 $0x800, s16;
	_ =	swait.ge [sflag:s8], $0x2000  }
0x160: {  	s17 =	sshra.s32 s17, $0x2;
	[sflag:s8] =	ssyncset.done $0x0  }
0x161: {  	s18 =	sadd.s32 $0x1400, s17;
	[sflag:s8] =	ssyncadd.s32 $0xFFFFE000  }
0x162: {  	[spmem:s1] =	stream.indirect.scatter.add.f32 [tilespmem:s25], [sflag:$0x5], $0x80, s18, s29, $0xb8;
	[tilespmem:$0x1E800] =	vst v63  }
0x163: {  	_ =	swait.ge [sflag:s26], $0x2000  }
0x164: {  	[sflag:s26] =	ssyncset.done $0x0  }
0x165: {  	s18 =	sadd.s32 $0x200, s17;
	[sflag:s26] =	ssyncadd.s32 $0xFFFFE000  }
0x166: {  	[tilespmem:s25], [sflag:$0x1] =	stream.indirect.gather [hbm4b:s4+s29], $0x80, s18, s29, $0xb8;
	[tilespmem:$0x1E800] =	vst v63  }
0x167: {  	_ =	swait.ge [sflag:s9], $0x2000  }
0x168: {  	[sflag:s9] =	ssyncset.done $0x0  }
0x169: {  	s18 =	sadd.s32 $0x1480, s17;
	[sflag:s9] =	ssyncadd.s32 $0xFFFFE000  }
0x16a: {  	[spmem:s1] =	stream.indirect.scatter.add.f32 [tilespmem:s31], [sflag:$0x5], $0x80, s18, s29, $0xb8;
	[tilespmem:$0x1E800] =	vst v63  }
0x16b: {  	_ =	swait.ge [sflag:s26], $0x2000  }
0x16c: {  	[sflag:s26] =	ssyncset.done $0x0  }
0x16d: {  	s18 =	sadd.s32 $0x280, s17;
	[sflag:s26] =	ssyncadd.s32 $0xFFFFE000  }
0x16e: {  	[tilespmem:s31], [sflag:$0x2] =	stream.indirect.gather [hbm4b:s4+s29], $0x80, s18, s29, $0xb8;
	[tilespmem:$0x1E800] =	vst v63  }
0x16f: {  	_ =	swait.ge [sflag:s10], $0x2000  }
0x170: {  	[sflag:s10] =	ssyncset.done $0x0  }
0x171: {  	s18 =	sadd.s32 $0x1500, s17;
	[sflag:s10] =	ssyncadd.s32 $0xFFFFE000  }
0x172: {  	[spmem:s1] =	stream.indirect.scatter.add.f32 [tilespmem:s3], [sflag:$0x5], $0x80, s18, s29, $0xb8;
	[tilespmem:$0x1E800] =	vst v63  }
0x173: {  	_ =	swait.ge [sflag:s26], $0x2000  }
0x174: {  	[sflag:s26] =	ssyncset.done $0x0  }
0x175: {  	s18 =	sadd.s32 $0x300, s17;
	[sflag:s26] =	ssyncadd.s32 $0xFFFFE000  }
0x176: {  	[tilespmem:s3], [sflag:$0x3] =	stream.indirect.gather [hbm4b:s4+s29], $0x80, s18, s29, $0xb8;
	[tilespmem:$0x1E800] =	vst v63  }
0x177: {  	_ =	swait.ge [sflag:s11], $0x2000  }
0x178: {  	[sflag:s11] =	ssyncset.done $0x0  }
.Ltmp3:
0x179: {  	s18 =	sadd.s32 $0x1580, s17;
	[sflag:s11] =	ssyncadd.s32 $0xFFFFE000;
	(pc) =	sbr.rel @p0 .LBB2_8-.Ltmp3, $4  }
0x17a: {  	[spmem:s1] =	stream.indirect.scatter.add.f32 [tilespmem:s7], [sflag:$0x5], $0x80, s18, s29, $0xb8;
	[tilespmem:$0x1E800] =	vst v63  }
0x17b: {  	_ =	swait.ge [sflag:s26], $0x2000  }
0x17c: {  	[sflag:s26] =	ssyncset.done $0x0  }
0x17d: {  	s17 =	sadd.s32 $0x380, s17;
	[sflag:s26] =	ssyncadd.s32 $0xFFFFE000  }
0x17e: {  	[tilespmem:s7], [sflag:$0x4] =	stream.indirect.gather [hbm4b:s4+s29], $0x80, s17, s29, $0xb8;
	[tilespmem:$0x1E800] =	vst v63  }
0x17f: {  	_ =	swait.ge [sflag:s8], $0x2000  }
0x180: {  	[sflag:s8] =	ssyncset.done $0x0  }
0x181: {  	[sflag:s8] =	ssyncadd.s32 $0xFFFFE000  }
0x182: {  	[spmem:s1] =	stream.indirect.scatter.add.f32 [tilespmem:s25], [sflag:$0x5], $0x80, s12, s29, $0xb8;
	[tilespmem:$0x1E800] =	vst v63  }
0x183: {  	_ =	swait.ge [sflag:s26], $0x2000  }
0x184: {  	[sflag:s26] =	ssyncset.done $0x0  }
0x185: {  	[sflag:s26] =	ssyncadd.s32 $0xFFFFE000  }
0x186: {  	_ =	swait.ge [sflag:s9], $0x2000  }
0x187: {  	[sflag:s9] =	ssyncset.done $0x0  }
0x188: {  	[sflag:s9] =	ssyncadd.s32 $0xFFFFE000  }
0x189: {  	[spmem:s1] =	stream.indirect.scatter.add.f32 [tilespmem:s31], [sflag:$0x5], $0x80, s13, s29, $0xb8;
	[tilespmem:$0x1E800] =	vst v63  }
0x18a: {  	_ =	swait.ge [sflag:s26], $0x2000  }
0x18b: {  	[sflag:s26] =	ssyncset.done $0x0  }
0x18c: {  	[sflag:s26] =	ssyncadd.s32 $0xFFFFE000  }
0x18d: {  	_ =	swait.ge [sflag:s10], $0x2000  }
0x18e: {  	[sflag:s10] =	ssyncset.done $0x0  }
0x18f: {  	[sflag:s10] =	ssyncadd.s32 $0xFFFFE000  }
0x190: {  	[spmem:s1] =	stream.indirect.scatter.add.f32 [tilespmem:s3], [sflag:$0x5], $0x80, s14, s29, $0xb8;
	[tilespmem:$0x1E800] =	vst v63  }
0x191: {  	_ =	swait.ge [sflag:s26], $0x2000  }
0x192: {  	[sflag:s26] =	ssyncset.done $0x0  }
0x193: {  	[sflag:s26] =	ssyncadd.s32 $0xFFFFE000  }
0x194: {  	_ =	swait.ge [sflag:s11], $0x2000  }
0x195: {  	[sflag:s11] =	ssyncset.done $0x0  }
0x196: {  	[sflag:s11] =	ssyncadd.s32 $0xFFFFE000  }
0x197: {  	[spmem:s1] =	stream.indirect.scatter.add.f32 [tilespmem:s7], [sflag:$0x5], $0x80, s15, s29, $0xb8;
	[tilespmem:$0x1E800] =	vst v63  }
0x198: {  	_ =	swait.ge [sflag:s26], $0x2000  }
0x199: {  	[sflag:s26] =	ssyncset.done $0x0  }
0x19a: {  	s16 =	simm.s32 $0x0;
	s18 =	rddreg [dreg:$0x9];
	[sflag:s26] =	ssyncadd.s32 $0xFFFFE000  }
0x19b: {  	[tilespmem:s16], [sflag:$0x5] =	stream.linear.gather [hbm4b:s18+s16], $0x1400, $0x38;
	[tilespmem:$0x1E800] =	vst v63  }
0x19c: {  	_ =	swait.ge [sflag:s26], $0x1400  }
0x19d: {  	[sflag:s26] =	ssyncset.done $0x0  }
0x19e: {  	s18 =	rddreg [dreg:$0xa];
	[sflag:s26] =	ssyncadd.s32 $0xFFFFEC00  }
0x19f: {  	[tilespmem:s28], [sflag:$0x5] =	stream.linear.gather [hbm4b:s18+s16], $0x1400, $0x38;
	[tilespmem:$0x1E800] =	vst v63  }
0x1a0: {  	_ =	swait.ge [sflag:s26], $0x1400  }
0x1a1: {  	[sflag:s26] =	ssyncset.done $0x0  }
0x1a2: {  	[sflag:s26] =	ssyncadd.s32 $0xFFFFEC00  }
0x1a3: {  	[tilespmem:s25], [sflag:$0x1] =	stream.indirect.gather [hbm4b:s4+s29], $0x80, s16, s29, $0xb8;
	[tilespmem:$0x1E800] =	vst v63  }
0x1a4: {  	_ = 	snop  }
0x1a5: {  	[tilespmem:s31], [sflag:$0x2] =	stream.indirect.gather [hbm4b:s4+s29], $0x80, s30, s29, $0xb8;
	[tilespmem:$0x1E800] =	vst v63  }
0x1a6: {  	_ = 	snop  }
0x1a7: {  	[tilespmem:s3], [sflag:$0x3] =	stream.indirect.gather [hbm4b:s4+s29], $0x80, s0, s29, $0xb8;
	[tilespmem:$0x1E800] =	vst v63  }
0x1a8: {  	_ = 	snop  }
0x1a9: {  	[tilespmem:s7], [sflag:$0x4] =	stream.indirect.gather [hbm4b:s4+s29], $0x80, s6, s29, $0xb8;
	[tilespmem:$0x1E800] =	vst v63  }
0x1aa: {  	_ =	swait.ge [sflag:s8], $0x2000  }
0x1ab: {  	[sflag:s8] =	ssyncset.done $0x0  }
0x1ac: {  	s18 =	simm.s32 $0x1400;
	[sflag:s8] =	ssyncadd.s32 $0xFFFFE000  }
0x1ad: {  	[spmem:s1] =	stream.indirect.scatter.add.f32 [tilespmem:s25], [sflag:$0x5], $0x80, s18, s29, $0xb8;
	[tilespmem:$0x1E800] =	vst v63  }
0x1ae: {  	_ =	swait.ge [sflag:s26], $0x2000  }
0x1af: {  	[sflag:s26] =	ssyncset.done $0x0  }
0x1b0: {  	s17 =	simm.s32 $0x200;
	[sflag:s26] =	ssyncadd.s32 $0xFFFFE000  }
0x1b1: {  	[tilespmem:s25], [sflag:$0x1] =	stream.indirect.gather [hbm4b:s4+s29], $0x80, s17, s29, $0xb8;
	[tilespmem:$0x1E800] =	vst v63  }
0x1b2: {  	_ =	swait.ge [sflag:s9], $0x2000  }
0x1b3: {  	[sflag:s9] =	ssyncset.done $0x0  }
0x1b4: {  	s18 =	simm.s32 $0x1480;
	[sflag:s9] =	ssyncadd.s32 $0xFFFFE000  }
0x1b5: {  	[spmem:s1] =	stream.indirect.scatter.add.f32 [tilespmem:s31], [sflag:$0x5], $0x80, s18, s29, $0xb8;
	[tilespmem:$0x1E800] =	vst v63  }
0x1b6: {  	_ =	swait.ge [sflag:s26], $0x2000  }
0x1b7: {  	[sflag:s26] =	ssyncset.done $0x0  }
0x1b8: {  	s17 =	simm.s32 $0x280;
	[sflag:s26] =	ssyncadd.s32 $0xFFFFE000  }
0x1b9: {  	[tilespmem:s31], [sflag:$0x2] =	stream.indirect.gather [hbm4b:s4+s29], $0x80, s17, s29, $0xb8;
	[tilespmem:$0x1E800] =	vst v63  }
0x1ba: {  	_ =	swait.ge [sflag:s10], $0x2000  }
0x1bb: {  	[sflag:s10] =	ssyncset.done $0x0  }
0x1bc: {  	s18 =	simm.s32 $0x1500;
	[sflag:s10] =	ssyncadd.s32 $0xFFFFE000  }
0x1bd: {  	[spmem:s1] =	stream.indirect.scatter.add.f32 [tilespmem:s3], [sflag:$0x5], $0x80, s18, s29, $0xb8;
	[tilespmem:$0x1E800] =	vst v63  }
0x1be: {  	_ =	swait.ge [sflag:s26], $0x2000  }
0x1bf: {  	[sflag:s26] =	ssyncset.done $0x0  }
0x1c0: {  	s17 =	simm.s32 $0x300;
	[sflag:s26] =	ssyncadd.s32 $0xFFFFE000  }
0x1c1: {  	[tilespmem:s3], [sflag:$0x3] =	stream.indirect.gather [hbm4b:s4+s29], $0x80, s17, s29, $0xb8;
	[tilespmem:$0x1E800] =	vst v63  }
0x1c2: {  	_ =	swait.ge [sflag:s11], $0x2000  }
0x1c3: {  	[sflag:s11] =	ssyncset.done $0x0  }
0x1c4: {  	s18 =	simm.s32 $0x1580;
	[sflag:s11] =	ssyncadd.s32 $0xFFFFE000  }
0x1c5: {  	[spmem:s1] =	stream.indirect.scatter.add.f32 [tilespmem:s7], [sflag:$0x5], $0x80, s18, s29, $0xb8;
	[tilespmem:$0x1E800] =	vst v63  }
0x1c6: {  	_ =	swait.ge [sflag:s26], $0x2000  }
0x1c7: {  	[sflag:s26] =	ssyncset.done $0x0  }
0x1c8: {  	s16 =	simm.s32 $0x800;
	s17 =	simm.s32 $0x380;
	[sflag:s26] =	ssyncadd.s32 $0xFFFFE000  }
.LBB2_10:
0x1c9: {  	[tilespmem:s7], [sflag:$0x4] =	stream.indirect.gather [hbm4b:s4+s29], $0x80, s17, s29, $0xb8;
	[tilespmem:$0x1E800] =	vst v63  }
0x1ca: {  	s17 =	smov.u32 s16  }
0x1cb: {  	p0 =	sne.s32 s16, $0x4000;
	s16 =	sadd.s32 $0x800, s16;
	_ =	swait.ge [sflag:s8], $0x2000  }
0x1cc: {  	s17 =	sshra.s32 s17, $0x2;
	[sflag:s8] =	ssyncset.done $0x0  }
0x1cd: {  	s18 =	sadd.s32 $0x1400, s17;
	[sflag:s8] =	ssyncadd.s32 $0xFFFFE000  }
0x1ce: {  	[spmem:s1] =	stream.indirect.scatter.add.f32 [tilespmem:s25], [sflag:$0x5], $0x80, s18, s29, $0xb8;
	[tilespmem:$0x1E800] =	vst v63  }
0x1cf: {  	_ =	swait.ge [sflag:s26], $0x2000  }
0x1d0: {  	[sflag:s26] =	ssyncset.done $0x0  }
0x1d1: {  	s18 =	sadd.s32 $0x200, s17;
	[sflag:s26] =	ssyncadd.s32 $0xFFFFE000  }
0x1d2: {  	[tilespmem:s25], [sflag:$0x1] =	stream.indirect.gather [hbm4b:s4+s29], $0x80, s18, s29, $0xb8;
	[tilespmem:$0x1E800] =	vst v63  }
0x1d3: {  	_ =	swait.ge [sflag:s9], $0x2000  }
0x1d4: {  	[sflag:s9] =	ssyncset.done $0x0  }
0x1d5: {  	s18 =	sadd.s32 $0x1480, s17;
	[sflag:s9] =	ssyncadd.s32 $0xFFFFE000  }
0x1d6: {  	[spmem:s1] =	stream.indirect.scatter.add.f32 [tilespmem:s31], [sflag:$0x5], $0x80, s18, s29, $0xb8;
	[tilespmem:$0x1E800] =	vst v63  }
0x1d7: {  	_ =	swait.ge [sflag:s26], $0x2000  }
0x1d8: {  	[sflag:s26] =	ssyncset.done $0x0  }
0x1d9: {  	s18 =	sadd.s32 $0x280, s17;
	[sflag:s26] =	ssyncadd.s32 $0xFFFFE000  }
0x1da: {  	[tilespmem:s31], [sflag:$0x2] =	stream.indirect.gather [hbm4b:s4+s29], $0x80, s18, s29, $0xb8;
	[tilespmem:$0x1E800] =	vst v63  }
0x1db: {  	_ =	swait.ge [sflag:s10], $0x2000  }
0x1dc: {  	[sflag:s10] =	ssyncset.done $0x0  }
0x1dd: {  	s18 =	sadd.s32 $0x1500, s17;
	[sflag:s10] =	ssyncadd.s32 $0xFFFFE000  }
0x1de: {  	[spmem:s1] =	stream.indirect.scatter.add.f32 [tilespmem:s3], [sflag:$0x5], $0x80, s18, s29, $0xb8;
	[tilespmem:$0x1E800] =	vst v63  }
0x1df: {  	_ =	swait.ge [sflag:s26], $0x2000  }
0x1e0: {  	[sflag:s26] =	ssyncset.done $0x0  }
0x1e1: {  	s18 =	sadd.s32 $0x300, s17;
	[sflag:s26] =	ssyncadd.s32 $0xFFFFE000  }
0x1e2: {  	[tilespmem:s3], [sflag:$0x3] =	stream.indirect.gather [hbm4b:s4+s29], $0x80, s18, s29, $0xb8;
	[tilespmem:$0x1E800] =	vst v63  }
0x1e3: {  	_ =	swait.ge [sflag:s11], $0x2000  }
0x1e4: {  	[sflag:s11] =	ssyncset.done $0x0  }
.Ltmp4:
0x1e5: {  	s18 =	sadd.s32 $0x1580, s17;
	[sflag:s11] =	ssyncadd.s32 $0xFFFFE000;
	(pc) =	sbr.rel @p0 .LBB2_10-.Ltmp4, $4  }
0x1e6: {  	[spmem:s1] =	stream.indirect.scatter.add.f32 [tilespmem:s7], [sflag:$0x5], $0x80, s18, s29, $0xb8;
	[tilespmem:$0x1E800] =	vst v63  }
0x1e7: {  	_ =	swait.ge [sflag:s26], $0x2000  }
0x1e8: {  	[sflag:s26] =	ssyncset.done $0x0  }
0x1e9: {  	s17 =	sadd.s32 $0x380, s17;
	[sflag:s26] =	ssyncadd.s32 $0xFFFFE000  }
0x1ea: {  	[tilespmem:s7], [sflag:$0x4] =	stream.indirect.gather [hbm4b:s4+s29], $0x80, s17, s29, $0xb8;
	[tilespmem:$0x1E800] =	vst v63  }
0x1eb: {  	_ =	swait.ge [sflag:s8], $0x2000  }
0x1ec: {  	[sflag:s8] =	ssyncset.done $0x0  }
0x1ed: {  	[sflag:s8] =	ssyncadd.s32 $0xFFFFE000  }
0x1ee: {  	[spmem:s1] =	stream.indirect.scatter.add.f32 [tilespmem:s25], [sflag:$0x5], $0x80, s12, s29, $0xb8;
	[tilespmem:$0x1E800] =	vst v63  }
0x1ef: {  	_ =	swait.ge [sflag:s26], $0x2000  }
0x1f0: {  	[sflag:s26] =	ssyncset.done $0x0  }
0x1f1: {  	[sflag:s26] =	ssyncadd.s32 $0xFFFFE000  }
0x1f2: {  	_ =	swait.ge [sflag:s9], $0x2000  }
0x1f3: {  	[sflag:s9] =	ssyncset.done $0x0  }
0x1f4: {  	[sflag:s9] =	ssyncadd.s32 $0xFFFFE000  }
0x1f5: {  	[spmem:s1] =	stream.indirect.scatter.add.f32 [tilespmem:s31], [sflag:$0x5], $0x80, s13, s29, $0xb8;
	[tilespmem:$0x1E800] =	vst v63  }
0x1f6: {  	_ =	swait.ge [sflag:s26], $0x2000  }
0x1f7: {  	[sflag:s26] =	ssyncset.done $0x0  }
0x1f8: {  	[sflag:s26] =	ssyncadd.s32 $0xFFFFE000  }
0x1f9: {  	_ =	swait.ge [sflag:s10], $0x2000  }
0x1fa: {  	[sflag:s10] =	ssyncset.done $0x0  }
0x1fb: {  	[sflag:s10] =	ssyncadd.s32 $0xFFFFE000  }
0x1fc: {  	[spmem:s1] =	stream.indirect.scatter.add.f32 [tilespmem:s3], [sflag:$0x5], $0x80, s14, s29, $0xb8;
	[tilespmem:$0x1E800] =	vst v63  }
0x1fd: {  	_ =	swait.ge [sflag:s26], $0x2000  }
0x1fe: {  	[sflag:s26] =	ssyncset.done $0x0  }
0x1ff: {  	[sflag:s26] =	ssyncadd.s32 $0xFFFFE000  }
0x200: {  	_ =	swait.ge [sflag:s11], $0x2000  }
0x201: {  	[sflag:s11] =	ssyncset.done $0x0  }
0x202: {  	[sflag:s11] =	ssyncadd.s32 $0xFFFFE000  }
0x203: {  	[spmem:s1] =	stream.indirect.scatter.add.f32 [tilespmem:s7], [sflag:$0x5], $0x80, s15, s29, $0xb8;
	[tilespmem:$0x1E800] =	vst v63  }
0x204: {  	_ =	swait.ge [sflag:s26], $0x2000  }
0x205: {  	s16 =	stileid.u32;
	[sflag:s26] =	ssyncset.done $0x0  }
0x206: {  	s16 =	sshll.u32 s16, $0x6;
	[sflag:s26] =	ssyncadd.s32 $0xFFFFE000  }
0x207: {  	s18 =	sshrl.u32 s5, $0x3;
	s16 =	sor.u32 $0x1C05, s16;
	[bflag:$0x0] =	sbarrier.arrive $0xFFFF  }
0x208: {  	[hbm:s24], [sflag:s16] =	dma.local [spmem:s18], $0x2800  }
0x209: {  	_ =	swait.ge [sflag:s26], $0x2800  }
0x20a: {  	s2 =	sadd.s32 $0x1, s2;
	s18 =	rddreg [dreg:$0xb]  }
0x20b: {  	p0 =	sne.s32 s2, s18  }
.Ltmp5:
0x20c: {  	_ = 	snop;
	(pc) =	sbr.rel @p0 .LBB2_1-.Ltmp5, $3  }
0x20d: {  	_ =	sdelay $0x1  }
0x20e: {  	[sflag:s26] =	ssyncset.done $0x0  }
0x20f: {  	[sflag:s26] =	ssyncadd.s32 $0xFFFFD800  }
0x210: {  	_ =	sfence.sel $0x180000  }
0x211: {  	[bflag:$0x0] =	sbarrier.arrive $0xFFFF  }
0x212: {  	_ =	strace $0x9000004A  }
0x213: {  	s0 =	stileid.u32;
	[bflag:$0x2] =	sbarrier.arrive $0xFFFF  }
0x214: {  	p0 =	sne.s32 s0, $0x0;
	s0 =	rddreg [dreg:$0x2]  }
0x215: {  	s0 =	sadd.s32 @!p0 $0x100000, s0  }
0x216: {  	[sflag:s0] =	ssyncadd.tile.s32 @!p0 $0x1;
	_ =	shalt  }
.Lfunc_end2:
_tile_overlayer_lowered:
.L_overlay_start_2:
0x217: {  	(tag) =	ssettag $0x2  }
0x218: {  	s0 =	rddreg [dreg:$0x0];
	s2 =	stileid.u32  }
0x219: {  	s1 =	rddreg [dreg:$0x1];
	p0 =	sne.s32 s2, $0x0  }
0x21a: {  	s3 =	rddreg [dreg:$0x2];
	[bflag:$0x3] =	sbarrier.arrive $0xFFFF;
	s2 =	simm.s32 @!p0 $0x1C05  }
0x21b: {  	[timem:s3], [sflag:s2] =	dma.local @!p0 [hbm:s0], s1  }
0x21c: {  	s0 =	simm.s32 @!p0 $0x5  }
0x21d: {  	_ =	swait.ge @!p0 [sflag:s0], s1  }
0x21e: {  	s1 =	ssub.s32 @!p0 $0x0, s1;
	[sflag:s0] =	ssyncset.done @!p0 $0x0  }
0x21f: {  	[sflag:s0] =	ssyncadd.s32 @!p0 s1  }
0x220: {  	[bflag:$0x3] =	sbarrier.arrive $0xFFFF  }
0x221: {  	_ =	shalt  }

// kernel: kernel.15.cloned.1.call-start
scs
__scs_entry_jumppad:
0x0: {  	(pc) =	sbr.rel $0x88, $3  }
0x1: {  	(tag) =	ssettag $0x0;
	lr =	simm.s32 $0x1  }
0x2: {  	[smem:$0x3F98] =	sst lr;
	_ =	strace $0xD0000000  }
0x3: {  	_ = 	snop  }
0x4: {  	_ = 	snop  }
0x5: {  	_ = 	snop  }
0x6: {  	_ = 	snop  }
0x7: {  	_ = 	snop  }
__scs_overlays_trampoline_lowered:
0x8: {  	[smem:$0x3FA7] =	sst s0  }
0x9: {  	[smem:$0x3FA8] =	sst s1  }
0xa: {  	[smem:$0x3FA9] =	sst s2  }
0xb: {  	[smem:$0x3FAA] =	sst s3  }
0xc: {  	[smem:$0x3FAB] =	sst s4  }
0xd: {  	[smem:$0x3FAC] =	sst s5  }
0xe: {  	[smem:$0x3FAD] =	sst s6  }
0xf: {  	[smem:$0x3FAE] =	sst s7  }
0x10: {  	[smem:$0x3FAF] =	sst s8  }
0x11: {  	[smem:$0x3FB0] =	sst s9;
	s0 =	simm.s32 @!p0 $0x0  }
0x12: {  	s1 =	sld [smem:$0x3F96];
	s0 =	simm.s32 @p0 $0x1  }
0x13: {  	[smem:$0x3FB1] =	sst s0;
	s0 =	simm.s32 @!p1 $0x0  }
0x14: {  	s2 =	sld [smem:$0x3F95];
	s0 =	simm.s32 @p1 $0x1  }
0x15: {  	[smem:$0x3FB2] =	sst s0;
	s0 =	simm.s32 @!p2 $0x0  }
0x16: {  	s3 =	sld [smem:$0x3FDB];
	s0 =	simm.s32 @p2 $0x1  }
0x17: {  	s4 =	simm.s32 $0x1BF5;
	[smem:$0x3FB4] =	sst s0  }
0x18: {  	s0 =	sld [smem:$0x3F97];
	_ =	swait.ge [sflag:s4], $0x0  }
0x19: {  	s7 =	sld [smem:$0x3F98]  }
0x1a: {  	s8 =	sadd.s32 $0xFFFFE003, lr  }
0x1b: {  	s9 =	sadd.s32 $0xFFFFFEF7, lr;
	s5 =	simm.s32 $0xFFFFFFFF;
	p2 =	slt.u32 s8, $0xFFFFF086  }
0x1c: {  	p1 =	slt.u32 s9, $0xF7A;
	s5 =	simm.s32 @!p2 $0x0  }
0x1d: {  	s5 =	simm.s32 @p1 $0x1;
	p0 =	seq.s32 s7, s2  }
0x1e: {  	s7 =	smul.u32 @!p0 $0xF7A, s2;
	p2 =	seq.s32 @!p0 s5, $0x0  }
0x1f: {  	s9 =	smul.u32 $0xF7A, s1;
	s8 =	simm.s32 @!p0 $0x1BF5;
	p2 =	por !p2, p0  }
0x20: {  	[sflag:s8] =	ssyncset.s32 @!p0 $0xFFFFF086;
	s6 =	sadd.s32 @!p0 s3, s7;
	s7 =	simm.s32 @!p0 $0x108  }
0x21: {  	s3 =	sadd.s32 s3, s9;
	s6 =	sadd.s32 @!p0 $0x88, s6;
	s7 =	simm.s32 @p2 $0x1082  }
0x22: {  	[simem:s7], [sflag:s8] =	dma.local @!p0 [hbm:s6], $0xF7A  }
0x23: {  	s9 =	sor.u32 $0xD0000000, s2;
	s6 =	simm.s32 $0x108;
	_ =	swait.ge @!p0 [sflag:s8], $0x0  }
0x24: {  	s3 =	sadd.s32 $0x88, s3;
	s6 =	simm.s32 @!p1 $0x1082;
	[sflag:s4] =	ssyncset.s32 $0xFFFFF086  }
0x25: {  	[simem:s6], [sflag:s4] =	dma.local [hbm:s3], $0xF7A  }
0x26: {  	[smem:$0x3F98] =	sst s1;
	(tag) =	ssettag s2;
	_ =	strace s9  }
0x27: {  	s1 =	sld [smem:$0x3FA8]  }
0x28: {  	s2 =	sld [smem:$0x3FA9]  }
0x29: {  	s4 =	sld [smem:$0x3FAB]  }
0x2a: {  	p0 =	seq.s32 s5, $0x0;
	s5 =	sld [smem:$0x3FAC]  }
0x2b: {  	s6 =	sld [smem:$0x3FAD]  }
0x2c: {  	s7 =	sld [smem:$0x3FAE]  }
0x2d: {  	s3 =	simm.s32 $0x108;
	s8 =	sld [smem:$0x3FAF]  }
0x2e: {  	s3 =	simm.s32 @!p0 $0x1082;
	s9 =	sld [smem:$0x3FB0]  }
0x2f: {  	lr =	sadd.s32 s0, s3;
	s0 =	sld [smem:$0x3FA7]  }
0x30: {  	s3 =	sld [smem:$0x3FAA]  }
0x31: {  	[smem:$0x3FB3] =	sst s10  }
0x32: {  	s10 =	sld [smem:$0x3FB1];
	_ =	sdelay $0x3  }
0x33: {  	p0 =	seq.s32 s10, $0x1;
	s10 =	sld [smem:$0x3FB3];
	_ =	sdelay $0x3  }
0x34: {  	[smem:$0x3FB3] =	sst s10  }
0x35: {  	s10 =	sld [smem:$0x3FB2];
	_ =	sdelay $0x3  }
0x36: {  	p1 =	seq.s32 s10, $0x1;
	s10 =	sld [smem:$0x3FB3];
	_ =	sdelay $0x3  }
0x37: {  	[smem:$0x3FB3] =	sst s10  }
0x38: {  	s10 =	sld [smem:$0x3FB4]  }
0x39: {  	_ = 	snop;
	(pc) =	sbr.ind lr, $3  }
0x3a: {  	_ = 	snop  }
0x3b: {  	_ = 	snop  }
0x3c: {  	p2 =	seq.s32 s10, $0x1;
	s10 =	sld [smem:$0x3FB3]  }
0x3d: {  	_ =	shalt  }
0x3e: {  	_ =	shalt  }
0x3f: {  	_ =	shalt  }
0x40: {  	_ =	shalt  }
0x41: {  	_ =	shalt  }
0x42: {  	_ =	shalt  }
0x43: {  	_ =	shalt  }
0x44: {  	_ =	shalt  }
0x45: {  	_ =	shalt  }
0x46: {  	_ =	shalt  }
0x47: {  	_ =	shalt  }
0x48: {  	_ =	shalt  }
0x49: {  	_ =	shalt  }
0x4a: {  	_ =	shalt  }
0x4b: {  	_ =	shalt  }
0x4c: {  	_ =	shalt  }
0x4d: {  	_ =	shalt  }
0x4e: {  	_ =	shalt  }
0x4f: {  	_ =	shalt  }
0x50: {  	_ =	shalt  }
0x51: {  	_ =	shalt  }
0x52: {  	_ =	shalt  }
0x53: {  	_ =	shalt  }
0x54: {  	_ =	shalt  }
0x55: {  	_ =	shalt  }
0x56: {  	_ =	shalt  }
0x57: {  	_ =	shalt  }
0x58: {  	_ =	shalt  }
0x59: {  	_ =	shalt  }
0x5a: {  	_ =	shalt  }
0x5b: {  	_ =	shalt  }
0x5c: {  	_ =	shalt  }
0x5d: {  	_ =	shalt  }
0x5e: {  	_ =	shalt  }
0x5f: {  	_ =	shalt  }
0x60: {  	_ =	shalt  }
0x61: {  	_ =	shalt  }
0x62: {  	_ =	shalt  }
0x63: {  	_ =	shalt  }
0x64: {  	_ =	shalt  }
0x65: {  	_ =	shalt  }
0x66: {  	_ =	shalt  }
0x67: {  	_ =	shalt  }
0x68: {  	_ =	shalt  }
0x69: {  	_ =	shalt  }
0x6a: {  	_ =	shalt  }
0x6b: {  	_ =	shalt  }
0x6c: {  	_ =	shalt  }
0x6d: {  	_ =	shalt  }
0x6e: {  	_ =	shalt  }
0x6f: {  	_ =	shalt  }
0x70: {  	_ =	shalt  }
0x71: {  	_ =	shalt  }
0x72: {  	_ =	shalt  }
0x73: {  	_ =	shalt  }
0x74: {  	_ =	shalt  }
0x75: {  	_ =	shalt  }
0x76: {  	_ =	shalt  }
0x77: {  	_ =	shalt  }
0x78: {  	_ =	shalt  }
0x79: {  	_ =	shalt  }
0x7a: {  	_ =	shalt  }
0x7b: {  	_ =	shalt  }
0x7c: {  	_ =	shalt  }
0x7d: {  	_ =	shalt  }
0x7e: {  	_ =	shalt  }
0x7f: {  	_ =	shalt  }
0x80: {  	_ =	shalt  }
0x81: {  	_ =	shalt  }
0x82: {  	_ =	shalt  }
0x83: {  	_ =	shalt  }
0x84: {  	_ =	shalt  }
0x85: {  	_ =	shalt  }
0x86: {  	_ =	shalt  }
0x87: {  	_ =	shalt  }
.Lfunc_end0:
.L_simem_size_0:
called_computation.2_lowered:
.L_overlay_start_0:
0x88: {  	s2 =	sld [smem:$0x3FD9]  }
0x89: {  	s3 =	sld [smem:$0x3FFE];
	_ =	sdelay $0x1  }
0x8a: {  	s1 =	srdreg.scid  }
0x8b: {  	s0 =	sand.u32 $0x1, s1  }
0x8c: {  	s16 =	sshll.u32 s0, $0xA;
	s2 =	sadd.s32 s3, s2  }
0x8d: {  	s2 =	sadd.s32 s2, s16  }
0x8e: {  	[smem:$0x3FBF] =	sst s2  }
0x8f: {  	_ = 	snop  }
0x90: {  	(tm) =	ssettm $0x1  }
0x91: {  	s17 =	sld [smem:$0x3FFB];
	_ =	sdelay $0x3  }
0x92: {  	_ =	strace s17  }
0x93: {  	s2 =	sld [smem:$0x3FFC];
	_ =	sdelay $0x3  }
0x94: {  	_ =	strace s2  }
0x95: {  	s2 =	sld [smem:$0x3FFD];
	_ =	sdelay $0x3  }
0x96: {  	_ =	strace s2  }
0x97: {  	_ =	strace $0x8FFFFFFF  }
0x98: {  	s18 =	sld [smem:$0x3FDB];
	_ =	sdelay $0x1  }
0x99: {  	s19 =	simm.s32 $_scs_section_size  }
0x9a: {  	s4 =	simm.s32 $_size__tile_overlayer_lowered;
	s5 =	simm.s32 $_tile_overlayer_lowered  }
0x9b: {  	s22 =	simm.s32 $0x1BFF;
	s21 =	sshll.u32 s5, $0x1;
	s2 =	sadd.s32 s19, s18  }
0x9c: {  	s6 =	simm.s32 $0x0;
	s20 =	sshll.u32 s4, $0x1;
	s4 =	sadd.s32 s21, s2  }
0x9d: {  	[timem:s6], [sflag:s22] =	dma.local [hbm:s4], s20  }
0x9e: {  	_ =	swait.ge [sflag:s22], s20  }
0x9f: {  	s3 =	ssub.s32 $0x0, s20;
	[sflag:s22] =	ssyncset.done $0x0  }
0xa0: {  	[sflag:s22] =	ssyncadd.s32 s3;
	_ =	sdelay $0x1  }
0xa1: {  	s23 =	simm.s32 $0x1B8B  }
0xa2: {  	_ =	swait.ge [sflag:s23], $0x1  }
0xa3: {  	[sflag:s23] =	ssyncset.done $0x0  }
0xa4: {  	s25 =	simm.s32 $0x1B8E;
	s24 =	sld [smem:$0x3FFE];
	[sflag:s23] =	ssyncadd.s32 $0xFFFFFFFF  }
0xa5: {  	s26 =	simm.s32 $execute0_lowered;
	[smem:$0x3FD2] =	sst s25  }
0xa6: {  	s4 =	sshll.u32 s26, $0x1;
	_ =	strace $0x8000004C;
	[dreg:$0x1] =	wrdreg $0xFFFFFFFF  }
0xa7: {  	s28 =	simm.s32 $_size_execute0_lowered;
	s2 =	sadd.s32 s2, s4;
	[dreg:$0x0] =	wrdreg $0x0  }
0xa8: {  	s4 =	sshll.u32 s28, $0x1;
	[dreg:$0x2] =	wrdreg s2  }
0xa9: {  	[dreg:$0x3] =	wrdreg s4  }
0xaa: {  	[dreg:$0x4] =	wrdreg $0xC0  }
0xab: {  	_ =	task [dreg:s6], $0x5FFFF  }
0xac: {  	[dreg:$0x1] =	wrdreg $0xFFFFFFFF  }
0xad: {  	[dreg:$0x0] =	wrdreg $0x60  }
0xae: {  	[dreg:$0x2] =	wrdreg s24  }
0xaf: {  	[dreg:$0x3] =	wrdreg $0xA8000  }
0xb0: {  	[dreg:$0x4] =	wrdreg $0x9  }
0xb1: {  	_ =	task.clear_ibuf [dreg:s6], $0x5FFFF;
	_ =	strace $0x9000004C  }
0xb2: {  	s29 =	simm.s32 $0x9;
	_ =	strace $0x8000004E  }
0xb3: {  	_ =	swait.ge [sflag:s29], $0x1  }
0xb4: {  	[sflag:s29] =	ssyncadd.s32 $0xFFFFFFFF  }
0xb5: {  	_ =	strace $0x9000004E  }
0xb6: {  	_ =	sfence  }
0xb7: {  	s30 =	sld [smem:$0x0];
	_ =	sdelay $0x2  }
0xb8: {  	s31 =	sshll.u32 s1, $0xD;
	s1 =	sshrl.u32 s1, $0x2  }
0xb9: {  	s3 =	sand.u32 $0x4000, s31;
	s1 =	sadd.s32 s1, s30  }
0xba: {  	s0 =	sor.u32 s3, s0;
	s1 =	sshll.u32 s1, $0x11  }
0xbb: {  	s0 =	sor.u32 s1, s0  }
0xbc: {  	s0 =	sadd.s32 $0x8F2B, s0  }
0xbd: {  	[sflag:s0] =	ssyncadd.remote.s32 $0x1  }
0xbe: {  	_ =	sfence.sel $0xFFFF  }
0xbf: {  	[dreg:$0x0] =	wrdreg $0xFFFFFFFF;
	(pc) =	sbr.abs _section_cstart, $3  }
0xc0: {  	[dreg:$0x1] =	wrdreg $0xFFFFFFFF  }
0xc1: {  	_ =	task.clear_ibuf [dreg:s6], $0x2FFFF;
	_ =	strace $0x9FFFFFFF  }
0xc2: {  	(tm) =	ssettm $0x7FFFFFFF  }
0xc3: {  	_ =	shalt  }
tec
execute0_lowered:
.L_overlay_start_1:
0x0: {  	(tag) =	ssettag $0x1  }
0x1: {  	s0 =	rddreg [dreg:$0x0]  }
0x2: {  	s1 =	rddreg [dreg:$0x1];
	s2 =	simm.s32 $0x0;
	s3 =	srdreg.scid  }
0x3: {  	s11 =	stileid.u32;
	s28 =	simm.s32 $0x1400;
	s29 =	simm.s32 $0x40  }
0x4: {  	s30 =	simm.s32 $0x80;
	s31 =	simm.s32 $0x4800;
	[smem:$0x7FF] =	sst s2  }
0x5: {  	s4 =	sadd.s32 $0x3200, s0;
	s3 =	sand.u32 $0x1, s3;
	s6 =	sadd.s32 $0x71200, s0  }
0x6: {  	s7 =	sshll.u32 s11, $0x1;
	s8 =	sadd.s32 $0x5D200, s0;
	s9 =	smul.u32 $0x50000, s11  }
0x7: {  	s18 =	smul.u32 $0x2800, s11;
	s11 =	simm.s32 $0x4;
	_ =	strace $0x8000004D  }
0x8: {  	s5 =	smul.u32 $0x28000, s3;
	s7 =	sor.u32 s3, s7;
	s3 =	ssub.s32 $0x2, s3  }
0x9: {  	s10 =	smul.u32 $0x5000, s7;
	s24 =	sshrl.u32 s3, $0x1;
	s9 =	sshrl.u32 s9, $0x2  }
0xa: {  	s7 =	smul.u32 $0xA00, s7;
	s0 =	sadd.s32 s5, s0;
	s3 =	ssub.s32 s3, s24  }
0xb: {  	s5 =	sadd.s32 s9, s1;
	s9 =	simm.s32 $0x2;
	s25 =	sshrl.u32 s10, $0x3  }
0xc: {  	s26 =	sadd.s32 s6, s7;
	s7 =	sadd.s32 s8, s7;
	s0 =	sadd.s32 $0x85200, s0  }
0xd: {  	s3 =	smax.u32 s3, $0x1;
	s23 =	sadd.s32 $0x2000, s5;
	s24 =	sadd.s32 $0x4000, s5  }
0xe: {  	s19 =	sadd.s32 $0xA000, s5;
	s20 =	sadd.s32 $0xC000, s5;
	[dreg:$0x3] =	wrdreg s26  }
0xf: {  	s21 =	sadd.s32 $0xE000, s5;
	s22 =	sadd.s32 $0x10000, s5;
	[dreg:$0x4] =	wrdreg s7  }
0x10: {  	s10 =	simm.s32 $0x3;
	s12 =	sadd.s32 $0x280, s25;
	[dreg:$0xb] =	wrdreg s3  }
0x11: {  	s14 =	sadd.s32 $0x500, s25;
	s16 =	sadd.s32 $0x780, s25;
	[dreg:$0xc] =	wrdreg s23  }
0x12: {  	[dreg:$0xd] =	wrdreg s24;
	s25 =	sadd.s32 $0x6000, s5;
	s26 =	sadd.s32 $0x8000, s5  }
0x13: {  	s23 =	sadd.s32 $0x12000, s5;
	s24 =	sadd.s32 s18, s0;
	[dreg:$0xe] =	wrdreg s25  }
0x14: {  	s0 =	simm.s32 $0x100;
	s13 =	sadd.s32 s6, s12;
	[dreg:$0xf] =	wrdreg s26  }
0x15: {  	s3 =	simm.s32 $0x6800;
	s7 =	sadd.s32 s8, s12;
	[dreg:$0x5] =	wrdreg s13  }
0x16: {  	s15 =	sadd.s32 s6, s14;
	s6 =	sadd.s32 s6, s16;
	[dreg:$0x6] =	wrdreg s7  }
0x17: {  	s17 =	sadd.s32 s8, s16;
	s25 =	simm.s32 $0x2800;
	[dreg:$0x7] =	wrdreg s15  }
0x18: {  	s26 =	simm.s32 $0x5;
	s12 =	simm.s32 $0x2600;
	[dreg:$0x9] =	wrdreg s6  }
0x19: {  	s7 =	sadd.s32 s8, s14;
	[dreg:$0xa] =	wrdreg s17;
	s6 =	simm.s32 $0x180  }
0x1a: {  	s8 =	simm.s32 $0x1;
	s13 =	simm.s32 $0x2680;
	s14 =	simm.s32 $0x2700  }
0x1b: {  	v0 =	vimm.f32 $0.0e+00;
	s15 =	simm.s32 $0x2780;
	[dreg:$0x8] =	wrdreg s7;
	s7 =	simm.s32 $0x8800  }
.LBB2_1:
0x1c: {  	s16 =	simm.s32 $0x0;
	s17 =	simm.s32 $0x200  }
.LBB2_2:
0x1d: {  	p0 =	sne.s32 s17, $0x7E00;
	[tilespmem:s16+$0x2870] =	vst v0  }
0x1e: {  	[tilespmem:s16+$0x2800] =	vst v0  }
0x1f: {  	[tilespmem:s16+$0x2810] =	vst v0  }
.Ltmp0:
0x20: {  	[tilespmem:s16+$0x2820] =	vst v0;
	(pc) =	sbr.rel @p0 .LBB2_2-.Ltmp0, $4  }
0x21: {  	[tilespmem:s16+$0x2830] =	vst v0  }
0x22: {  	[tilespmem:s16+$0x2840] =	vst v0  }
0x23: {  	[tilespmem:s16+$0x2850] =	vst v0  }
0x24: {  	[tilespmem:s16+$0x2860] =	vst v0;
	s16 =	sshra.s32 s17, $0x2;
	s17 =	sadd.s32 $0x200, s17  }
0x25: {  	[tilespmem:s16+$0x2870] =	vst v0  }
0x26: {  	[tilespmem:s16+$0x2800] =	vst v0  }
0x27: {  	[tilespmem:s16+$0x2810] =	vst v0  }
0x28: {  	[tilespmem:s16+$0x2820] =	vst v0  }
0x29: {  	[tilespmem:s16+$0x2830] =	vst v0  }
0x2a: {  	[tilespmem:s16+$0x2840] =	vst v0  }
0x2b: {  	[tilespmem:s16+$0x2850] =	vst v0  }
0x2c: {  	[tilespmem:s16+$0x2860] =	vst v0  }
0x2d: {  	[spmem:s5] =	stream.linear.scatter [tilespmem:s25], [sflag:$0x5], $0x2000, $0x38;
	[tilespmem:$0x1E800] =	vst v63  }
0x2e: {  	_ =	swait.ge [sflag:s26], $0x2000  }
0x2f: {  	[sflag:s26] =	ssyncset.done $0x0  }
0x30: {  	s18 =	rddreg [dreg:$0xc];
	[sflag:s26] =	ssyncadd.s32 $0xFFFFE000  }
0x31: {  	[spmem:s18] =	stream.linear.scatter [tilespmem:s25], [sflag:$0x5], $0x2000, $0x38;
	[tilespmem:$0x1E800] =	vst v63  }
0x32: {  	_ =	swait.ge [sflag:s26], $0x2000  }
0x33: {  	[sflag:s26] =	ssyncset.done $0x0  }
0x34: {  	s17 =	rddreg [dreg:$0xd];
	[sflag:s26] =	ssyncadd.s32 $0xFFFFE000  }
0x35: {  	[spmem:s17] =	stream.linear.scatter [tilespmem:s25], [sflag:$0x5], $0x2000, $0x38;
	[tilespmem:$0x1E800] =	vst v63  }
0x36: {  	_ =	swait.ge [sflag:s26], $0x2000  }
0x37: {  	[sflag:s26] =	ssyncset.done $0x0  }
0x38: {  	s18 =	rddreg [dreg:$0xe];
	[sflag:s26] =	ssyncadd.s32 $0xFFFFE000  }
0x39: {  	[spmem:s18] =	stream.linear.scatter [tilespmem:s25], [sflag:$0x5], $0x2000, $0x38;
	[tilespmem:$0x1E800] =	vst v63  }
0x3a: {  	_ =	swait.ge [sflag:s26], $0x2000  }
0x3b: {  	[sflag:s26] =	ssyncset.done $0x0  }
0x3c: {  	s17 =	rddreg [dreg:$0xf];
	[sflag:s26] =	ssyncadd.s32 $0xFFFFE000  }
0x3d: {  	[spmem:s17] =	stream.linear.scatter [tilespmem:s25], [sflag:$0x5], $0x2000, $0x38;
	[tilespmem:$0x1E800] =	vst v63  }
0x3e: {  	_ =	swait.ge [sflag:s26], $0x2000  }
0x3f: {  	[sflag:s26] =	ssyncset.done $0x0  }
0x40: {  	[sflag:s26] =	ssyncadd.s32 $0xFFFFE000  }
0x41: {  	[spmem:s19] =	stream.linear.scatter [tilespmem:s25], [sflag:$0x5], $0x2000, $0x38;
	[tilespmem:$0x1E800] =	vst v63  }
0x42: {  	_ =	swait.ge [sflag:s26], $0x2000  }
0x43: {  	[sflag:s26] =	ssyncset.done $0x0  }
0x44: {  	[sflag:s26] =	ssyncadd.s32 $0xFFFFE000  }
0x45: {  	[spmem:s20] =	stream.linear.scatter [tilespmem:s25], [sflag:$0x5], $0x2000, $0x38;
	[tilespmem:$0x1E800] =	vst v63  }
0x46: {  	_ =	swait.ge [sflag:s26], $0x2000  }
0x47: {  	[sflag:s26] =	ssyncset.done $0x0  }
0x48: {  	[sflag:s26] =	ssyncadd.s32 $0xFFFFE000  }
0x49: {  	[spmem:s21] =	stream.linear.scatter [tilespmem:s25], [sflag:$0x5], $0x2000, $0x38;
	[tilespmem:$0x1E800] =	vst v63  }
0x4a: {  	_ =	swait.ge [sflag:s26], $0x2000  }
0x4b: {  	[sflag:s26] =	ssyncset.done $0x0  }
0x4c: {  	[sflag:s26] =	ssyncadd.s32 $0xFFFFE000  }
0x4d: {  	[spmem:s22] =	stream.linear.scatter [tilespmem:s25], [sflag:$0x5], $0x2000, $0x38;
	[tilespmem:$0x1E800] =	vst v63  }
0x4e: {  	_ =	swait.ge [sflag:s26], $0x2000  }
0x4f: {  	[sflag:s26] =	ssyncset.done $0x0  }
0x50: {  	[sflag:s26] =	ssyncadd.s32 $0xFFFFE000  }
0x51: {  	[spmem:s23] =	stream.linear.scatter [tilespmem:s25], [sflag:$0x5], $0x2000, $0x38;
	[tilespmem:$0x1E800] =	vst v63  }
0x52: {  	_ =	swait.ge [sflag:s26], $0x2000  }
0x53: {  	[sflag:s26] =	ssyncset.done $0x0  }
0x54: {  	[sflag:s26] =	ssyncadd.s32 $0xFFFFE000  }
0x55: {  	[bflag:$0x0] =	sbarrier.arrive $0xFFFF  }
0x56: {  	s16 =	simm.s32 $0x0;
	s17 =	rddreg [dreg:$0x3]  }
0x57: {  	[tilespmem:s16], [sflag:$0x5] =	stream.linear.gather [hbm4b:s17+s16], $0x1400, $0x38;
	[tilespmem:$0x1E800] =	vst v63  }
0x58: {  	_ =	swait.ge [sflag:s26], $0x1400  }
0x59: {  	[sflag:s26] =	ssyncset.done $0x0  }
0x5a: {  	s18 =	rddreg [dreg:$0x4];
	[sflag:s26] =	ssyncadd.s32 $0xFFFFEC00  }
0x5b: {  	[tilespmem:s28], [sflag:$0x5] =	stream.linear.gather [hbm4b:s18+s16], $0x1400, $0x38;
	[tilespmem:$0x1E800] =	vst v63  }
0x5c: {  	_ =	swait.ge [sflag:s26], $0x1400  }
0x5d: {  	[sflag:s26] =	ssyncset.done $0x0  }
0x5e: {  	[sflag:s26] =	ssyncadd.s32 $0xFFFFEC00  }
0x5f: {  	[tilespmem:s25], [sflag:$0x1] =	stream.indirect.gather [hbm4b:s4+s29], $0x80, s16, s29, $0xb8;
	[tilespmem:$0x1E800] =	vst v63  }
0x60: {  	_ = 	snop  }
0x61: {  	[tilespmem:s31], [sflag:$0x2] =	stream.indirect.gather [hbm4b:s4+s29], $0x80, s30, s29, $0xb8;
	[tilespmem:$0x1E800] =	vst v63  }
0x62: {  	_ = 	snop  }
0x63: {  	[tilespmem:s3], [sflag:$0x3] =	stream.indirect.gather [hbm4b:s4+s29], $0x80, s0, s29, $0xb8;
	[tilespmem:$0x1E800] =	vst v63  }
0x64: {  	_ = 	snop  }
0x65: {  	[tilespmem:s7], [sflag:$0x4] =	stream.indirect.gather [hbm4b:s4+s29], $0x80, s6, s29, $0xb8;
	[tilespmem:$0x1E800] =	vst v63  }
0x66: {  	_ =	swait.ge [sflag:s8], $0x2000  }
0x67: {  	[sflag:s8] =	ssyncset.done $0x0  }
0x68: {  	s18 =	simm.s32 $0x1400;
	[sflag:s8] =	ssyncadd.s32 $0xFFFFE000  }
0x69: {  	[spmem:s1] =	stream.indirect.scatter.add.f32 [tilespmem:s25], [sflag:$0x5], $0x80, s18, s29, $0xb8;
	[tilespmem:$0x1E800] =	vst v63  }
0x6a: {  	_ =	swait.ge [sflag:s26], $0x2000  }
0x6b: {  	[sflag:s26] =	ssyncset.done $0x0  }
0x6c: {  	s17 =	simm.s32 $0x200;
	[sflag:s26] =	ssyncadd.s32 $0xFFFFE000  }
0x6d: {  	[tilespmem:s25], [sflag:$0x1] =	stream.indirect.gather [hbm4b:s4+s29], $0x80, s17, s29, $0xb8;
	[tilespmem:$0x1E800] =	vst v63  }
0x6e: {  	_ =	swait.ge [sflag:s9], $0x2000  }
0x6f: {  	[sflag:s9] =	ssyncset.done $0x0  }
0x70: {  	s18 =	simm.s32 $0x1480;
	[sflag:s9] =	ssyncadd.s32 $0xFFFFE000  }
0x71: {  	[spmem:s1] =	stream.indirect.scatter.add.f32 [tilespmem:s31], [sflag:$0x5], $0x80, s18, s29, $0xb8;
	[tilespmem:$0x1E800] =	vst v63  }
0x72: {  	_ =	swait.ge [sflag:s26], $0x2000  }
0x73: {  	[sflag:s26] =	ssyncset.done $0x0  }
0x74: {  	s17 =	simm.s32 $0x280;
	[sflag:s26] =	ssyncadd.s32 $0xFFFFE000  }
0x75: {  	[tilespmem:s31], [sflag:$0x2] =	stream.indirect.gather [hbm4b:s4+s29], $0x80, s17, s29, $0xb8;
	[tilespmem:$0x1E800] =	vst v63  }
0x76: {  	_ =	swait.ge [sflag:s10], $0x2000  }
0x77: {  	[sflag:s10] =	ssyncset.done $0x0  }
0x78: {  	s18 =	simm.s32 $0x1500;
	[sflag:s10] =	ssyncadd.s32 $0xFFFFE000  }
0x79: {  	[spmem:s1] =	stream.indirect.scatter.add.f32 [tilespmem:s3], [sflag:$0x5], $0x80, s18, s29, $0xb8;
	[tilespmem:$0x1E800] =	vst v63  }
0x7a: {  	_ =	swait.ge [sflag:s26], $0x2000  }
0x7b: {  	[sflag:s26] =	ssyncset.done $0x0  }
0x7c: {  	s17 =	simm.s32 $0x300;
	[sflag:s26] =	ssyncadd.s32 $0xFFFFE000  }
0x7d: {  	[tilespmem:s3], [sflag:$0x3] =	stream.indirect.gather [hbm4b:s4+s29], $0x80, s17, s29, $0xb8;
	[tilespmem:$0x1E800] =	vst v63  }
0x7e: {  	_ =	swait.ge [sflag:s11], $0x2000  }
0x7f: {  	[sflag:s11] =	ssyncset.done $0x0  }
0x80: {  	s18 =	simm.s32 $0x1580;
	[sflag:s11] =	ssyncadd.s32 $0xFFFFE000  }
0x81: {  	[spmem:s1] =	stream.indirect.scatter.add.f32 [tilespmem:s7], [sflag:$0x5], $0x80, s18, s29, $0xb8;
	[tilespmem:$0x1E800] =	vst v63  }
0x82: {  	_ =	swait.ge [sflag:s26], $0x2000  }
0x83: {  	[sflag:s26] =	ssyncset.done $0x0  }
0x84: {  	s16 =	simm.s32 $0x800;
	s17 =	simm.s32 $0x380;
	[sflag:s26] =	ssyncadd.s32 $0xFFFFE000  }
.LBB2_4:
0x85: {  	[tilespmem:s7], [sflag:$0x4] =	stream.indirect.gather [hbm4b:s4+s29], $0x80, s17, s29, $0xb8;
	[tilespmem:$0x1E800] =	vst v63  }
0x86: {  	s17 =	smov.u32 s16  }
0x87: {  	p0 =	sne.s32 s16, $0x4000;
	s16 =	sadd.s32 $0x800, s16;
	_ =	swait.ge [sflag:s8], $0x2000  }
0x88: {  	s17 =	sshra.s32 s17, $0x2;
	[sflag:s8] =	ssyncset.done $0x0  }
0x89: {  	s18 =	sadd.s32 $0x1400, s17;
	[sflag:s8] =	ssyncadd.s32 $0xFFFFE000  }
0x8a: {  	[spmem:s1] =	stream.indirect.scatter.add.f32 [tilespmem:s25], [sflag:$0x5], $0x80, s18, s29, $0xb8;
	[tilespmem:$0x1E800] =	vst v63  }
0x8b: {  	_ =	swait.ge [sflag:s26], $0x2000  }
0x8c: {  	[sflag:s26] =	ssyncset.done $0x0  }
0x8d: {  	s18 =	sadd.s32 $0x200, s17;
	[sflag:s26] =	ssyncadd.s32 $0xFFFFE000  }
0x8e: {  	[tilespmem:s25], [sflag:$0x1] =	stream.indirect.gather [hbm4b:s4+s29], $0x80, s18, s29, $0xb8;
	[tilespmem:$0x1E800] =	vst v63  }
0x8f: {  	_ =	swait.ge [sflag:s9], $0x2000  }
0x90: {  	[sflag:s9] =	ssyncset.done $0x0  }
0x91: {  	s18 =	sadd.s32 $0x1480, s17;
	[sflag:s9] =	ssyncadd.s32 $0xFFFFE000  }
0x92: {  	[spmem:s1] =	stream.indirect.scatter.add.f32 [tilespmem:s31], [sflag:$0x5], $0x80, s18, s29, $0xb8;
	[tilespmem:$0x1E800] =	vst v63  }
0x93: {  	_ =	swait.ge [sflag:s26], $0x2000  }
0x94: {  	[sflag:s26] =	ssyncset.done $0x0  }
0x95: {  	s18 =	sadd.s32 $0x280, s17;
	[sflag:s26] =	ssyncadd.s32 $0xFFFFE000  }
0x96: {  	[tilespmem:s31], [sflag:$0x2] =	stream.indirect.gather [hbm4b:s4+s29], $0x80, s18, s29, $0xb8;
	[tilespmem:$0x1E800] =	vst v63  }
0x97: {  	_ =	swait.ge [sflag:s10], $0x2000  }
0x98: {  	[sflag:s10] =	ssyncset.done $0x0  }
0x99: {  	s18 =	sadd.s32 $0x1500, s17;
	[sflag:s10] =	ssyncadd.s32 $0xFFFFE000  }
0x9a: {  	[spmem:s1] =	stream.indirect.scatter.add.f32 [tilespmem:s3], [sflag:$0x5], $0x80, s18, s29, $0xb8;
	[tilespmem:$0x1E800] =	vst v63  }
0x9b: {  	_ =	swait.ge [sflag:s26], $0x2000  }
0x9c: {  	[sflag:s26] =	ssyncset.done $0x0  }
0x9d: {  	s18 =	sadd.s32 $0x300, s17;
	[sflag:s26] =	ssyncadd.s32 $0xFFFFE000  }
0x9e: {  	[tilespmem:s3], [sflag:$0x3] =	stream.indirect.gather [hbm4b:s4+s29], $0x80, s18, s29, $0xb8;
	[tilespmem:$0x1E800] =	vst v63  }
0x9f: {  	_ =	swait.ge [sflag:s11], $0x2000  }
0xa0: {  	[sflag:s11] =	ssyncset.done $0x0  }
.Ltmp1:
0xa1: {  	s18 =	sadd.s32 $0x1580, s17;
	[sflag:s11] =	ssyncadd.s32 $0xFFFFE000;
	(pc) =	sbr.rel @p0 .LBB2_4-.Ltmp1, $4  }
0xa2: {  	[spmem:s1] =	stream.indirect.scatter.add.f32 [tilespmem:s7], [sflag:$0x5], $0x80, s18, s29, $0xb8;
	[tilespmem:$0x1E800] =	vst v63  }
0xa3: {  	_ =	swait.ge [sflag:s26], $0x2000  }
0xa4: {  	[sflag:s26] =	ssyncset.done $0x0  }
0xa5: {  	s17 =	sadd.s32 $0x380, s17;
	[sflag:s26] =	ssyncadd.s32 $0xFFFFE000  }
0xa6: {  	[tilespmem:s7], [sflag:$0x4] =	stream.indirect.gather [hbm4b:s4+s29], $0x80, s17, s29, $0xb8;
	[tilespmem:$0x1E800] =	vst v63  }
0xa7: {  	_ =	swait.ge [sflag:s8], $0x2000  }
0xa8: {  	[sflag:s8] =	ssyncset.done $0x0  }
0xa9: {  	[sflag:s8] =	ssyncadd.s32 $0xFFFFE000  }
0xaa: {  	[spmem:s1] =	stream.indirect.scatter.add.f32 [tilespmem:s25], [sflag:$0x5], $0x80, s12, s29, $0xb8;
	[tilespmem:$0x1E800] =	vst v63  }
0xab: {  	_ =	swait.ge [sflag:s26], $0x2000  }
0xac: {  	[sflag:s26] =	ssyncset.done $0x0  }
0xad: {  	[sflag:s26] =	ssyncadd.s32 $0xFFFFE000  }
0xae: {  	_ =	swait.ge [sflag:s9], $0x2000  }
0xaf: {  	[sflag:s9] =	ssyncset.done $0x0  }
0xb0: {  	[sflag:s9] =	ssyncadd.s32 $0xFFFFE000  }
0xb1: {  	[spmem:s1] =	stream.indirect.scatter.add.f32 [tilespmem:s31], [sflag:$0x5], $0x80, s13, s29, $0xb8;
	[tilespmem:$0x1E800] =	vst v63  }
0xb2: {  	_ =	swait.ge [sflag:s26], $0x2000  }
0xb3: {  	[sflag:s26] =	ssyncset.done $0x0  }
0xb4: {  	[sflag:s26] =	ssyncadd.s32 $0xFFFFE000  }
0xb5: {  	_ =	swait.ge [sflag:s10], $0x2000  }
0xb6: {  	[sflag:s10] =	ssyncset.done $0x0  }
0xb7: {  	[sflag:s10] =	ssyncadd.s32 $0xFFFFE000  }
0xb8: {  	[spmem:s1] =	stream.indirect.scatter.add.f32 [tilespmem:s3], [sflag:$0x5], $0x80, s14, s29, $0xb8;
	[tilespmem:$0x1E800] =	vst v63  }
0xb9: {  	_ =	swait.ge [sflag:s26], $0x2000  }
0xba: {  	[sflag:s26] =	ssyncset.done $0x0  }
0xbb: {  	[sflag:s26] =	ssyncadd.s32 $0xFFFFE000  }
0xbc: {  	_ =	swait.ge [sflag:s11], $0x2000  }
0xbd: {  	[sflag:s11] =	ssyncset.done $0x0  }
0xbe: {  	[sflag:s11] =	ssyncadd.s32 $0xFFFFE000  }
0xbf: {  	[spmem:s1] =	stream.indirect.scatter.add.f32 [tilespmem:s7], [sflag:$0x5], $0x80, s15, s29, $0xb8;
	[tilespmem:$0x1E800] =	vst v63  }
0xc0: {  	_ =	swait.ge [sflag:s26], $0x2000  }
0xc1: {  	[sflag:s26] =	ssyncset.done $0x0  }
0xc2: {  	s16 =	simm.s32 $0x0;
	s18 =	rddreg [dreg:$0x5];
	[sflag:s26] =	ssyncadd.s32 $0xFFFFE000  }
0xc3: {  	[tilespmem:s16], [sflag:$0x5] =	stream.linear.gather [hbm4b:s18+s16], $0x1400, $0x38;
	[tilespmem:$0x1E800] =	vst v63  }
0xc4: {  	_ =	swait.ge [sflag:s26], $0x1400  }
0xc5: {  	[sflag:s26] =	ssyncset.done $0x0  }
0xc6: {  	s18 =	rddreg [dreg:$0x6];
	[sflag:s26] =	ssyncadd.s32 $0xFFFFEC00  }
0xc7: {  	[tilespmem:s28], [sflag:$0x5] =	stream.linear.gather [hbm4b:s18+s16], $0x1400, $0x38;
	[tilespmem:$0x1E800] =	vst v63  }
0xc8: {  	_ =	swait.ge [sflag:s26], $0x1400  }
0xc9: {  	[sflag:s26] =	ssyncset.done $0x0  }
0xca: {  	[sflag:s26] =	ssyncadd.s32 $0xFFFFEC00  }
0xcb: {  	[tilespmem:s25], [sflag:$0x1] =	stream.indirect.gather [hbm4b:s4+s29], $0x80, s16, s29, $0xb8;
	[tilespmem:$0x1E800] =	vst v63  }
0xcc: {  	_ = 	snop  }
0xcd: {  	[tilespmem:s31], [sflag:$0x2] =	stream.indirect.gather [hbm4b:s4+s29], $0x80, s30, s29, $0xb8;
	[tilespmem:$0x1E800] =	vst v63  }
0xce: {  	_ = 	snop  }
0xcf: {  	[tilespmem:s3], [sflag:$0x3] =	stream.indirect.gather [hbm4b:s4+s29], $0x80, s0, s29, $0xb8;
	[tilespmem:$0x1E800] =	vst v63  }
0xd0: {  	_ = 	snop  }
0xd1: {  	[tilespmem:s7], [sflag:$0x4] =	stream.indirect.gather [hbm4b:s4+s29], $0x80, s6, s29, $0xb8;
	[tilespmem:$0x1E800] =	vst v63  }
0xd2: {  	_ =	swait.ge [sflag:s8], $0x2000  }
0xd3: {  	[sflag:s8] =	ssyncset.done $0x0  }
0xd4: {  	s18 =	simm.s32 $0x1400;
	[sflag:s8] =	ssyncadd.s32 $0xFFFFE000  }
0xd5: {  	[spmem:s1] =	stream.indirect.scatter.add.f32 [tilespmem:s25], [sflag:$0x5], $0x80, s18, s29, $0xb8;
	[tilespmem:$0x1E800] =	vst v63  }
0xd6: {  	_ =	swait.ge [sflag:s26], $0x2000  }
0xd7: {  	[sflag:s26] =	ssyncset.done $0x0  }
0xd8: {  	s17 =	simm.s32 $0x200;
	[sflag:s26] =	ssyncadd.s32 $0xFFFFE000  }
0xd9: {  	[tilespmem:s25], [sflag:$0x1] =	stream.indirect.gather [hbm4b:s4+s29], $0x80, s17, s29, $0xb8;
	[tilespmem:$0x1E800] =	vst v63  }
0xda: {  	_ =	swait.ge [sflag:s9], $0x2000  }
0xdb: {  	[sflag:s9] =	ssyncset.done $0x0  }
0xdc: {  	s18 =	simm.s32 $0x1480;
	[sflag:s9] =	ssyncadd.s32 $0xFFFFE000  }
0xdd: {  	[spmem:s1] =	stream.indirect.scatter.add.f32 [tilespmem:s31], [sflag:$0x5], $0x80, s18, s29, $0xb8;
	[tilespmem:$0x1E800] =	vst v63  }
0xde: {  	_ =	swait.ge [sflag:s26], $0x2000  }
0xdf: {  	[sflag:s26] =	ssyncset.done $0x0  }
0xe0: {  	s17 =	simm.s32 $0x280;
	[sflag:s26] =	ssyncadd.s32 $0xFFFFE000  }
0xe1: {  	[tilespmem:s31], [sflag:$0x2] =	stream.indirect.gather [hbm4b:s4+s29], $0x80, s17, s29, $0xb8;
	[tilespmem:$0x1E800] =	vst v63  }
0xe2: {  	_ =	swait.ge [sflag:s10], $0x2000  }
0xe3: {  	[sflag:s10] =	ssyncset.done $0x0  }
0xe4: {  	s18 =	simm.s32 $0x1500;
	[sflag:s10] =	ssyncadd.s32 $0xFFFFE000  }
0xe5: {  	[spmem:s1] =	stream.indirect.scatter.add.f32 [tilespmem:s3], [sflag:$0x5], $0x80, s18, s29, $0xb8;
	[tilespmem:$0x1E800] =	vst v63  }
0xe6: {  	_ =	swait.ge [sflag:s26], $0x2000  }
0xe7: {  	[sflag:s26] =	ssyncset.done $0x0  }
0xe8: {  	s17 =	simm.s32 $0x300;
	[sflag:s26] =	ssyncadd.s32 $0xFFFFE000  }
0xe9: {  	[tilespmem:s3], [sflag:$0x3] =	stream.indirect.gather [hbm4b:s4+s29], $0x80, s17, s29, $0xb8;
	[tilespmem:$0x1E800] =	vst v63  }
0xea: {  	_ =	swait.ge [sflag:s11], $0x2000  }
0xeb: {  	[sflag:s11] =	ssyncset.done $0x0  }
0xec: {  	s18 =	simm.s32 $0x1580;
	[sflag:s11] =	ssyncadd.s32 $0xFFFFE000  }
0xed: {  	[spmem:s1] =	stream.indirect.scatter.add.f32 [tilespmem:s7], [sflag:$0x5], $0x80, s18, s29, $0xb8;
	[tilespmem:$0x1E800] =	vst v63  }
0xee: {  	_ =	swait.ge [sflag:s26], $0x2000  }
0xef: {  	[sflag:s26] =	ssyncset.done $0x0  }
0xf0: {  	s16 =	simm.s32 $0x800;
	s17 =	simm.s32 $0x380;
	[sflag:s26] =	ssyncadd.s32 $0xFFFFE000  }
.LBB2_6:
0xf1: {  	[tilespmem:s7], [sflag:$0x4] =	stream.indirect.gather [hbm4b:s4+s29], $0x80, s17, s29, $0xb8;
	[tilespmem:$0x1E800] =	vst v63  }
0xf2: {  	s17 =	smov.u32 s16  }
0xf3: {  	p0 =	sne.s32 s16, $0x4000;
	s16 =	sadd.s32 $0x800, s16;
	_ =	swait.ge [sflag:s8], $0x2000  }
0xf4: {  	s17 =	sshra.s32 s17, $0x2;
	[sflag:s8] =	ssyncset.done $0x0  }
0xf5: {  	s18 =	sadd.s32 $0x1400, s17;
	[sflag:s8] =	ssyncadd.s32 $0xFFFFE000  }
0xf6: {  	[spmem:s1] =	stream.indirect.scatter.add.f32 [tilespmem:s25], [sflag:$0x5], $0x80, s18, s29, $0xb8;
	[tilespmem:$0x1E800] =	vst v63  }
0xf7: {  	_ =	swait.ge [sflag:s26], $0x2000  }
0xf8: {  	[sflag:s26] =	ssyncset.done $0x0  }
0xf9: {  	s18 =	sadd.s32 $0x200, s17;
	[sflag:s26] =	ssyncadd.s32 $0xFFFFE000  }
0xfa: {  	[tilespmem:s25], [sflag:$0x1] =	stream.indirect.gather [hbm4b:s4+s29], $0x80, s18, s29, $0xb8;
	[tilespmem:$0x1E800] =	vst v63  }
0xfb: {  	_ =	swait.ge [sflag:s9], $0x2000  }
0xfc: {  	[sflag:s9] =	ssyncset.done $0x0  }
0xfd: {  	s18 =	sadd.s32 $0x1480, s17;
	[sflag:s9] =	ssyncadd.s32 $0xFFFFE000  }
0xfe: {  	[spmem:s1] =	stream.indirect.scatter.add.f32 [tilespmem:s31], [sflag:$0x5], $0x80, s18, s29, $0xb8;
	[tilespmem:$0x1E800] =	vst v63  }
0xff: {  	_ =	swait.ge [sflag:s26], $0x2000  }
0x100: {  	[sflag:s26] =	ssyncset.done $0x0  }
0x101: {  	s18 =	sadd.s32 $0x280, s17;
	[sflag:s26] =	ssyncadd.s32 $0xFFFFE000  }
0x102: {  	[tilespmem:s31], [sflag:$0x2] =	stream.indirect.gather [hbm4b:s4+s29], $0x80, s18, s29, $0xb8;
	[tilespmem:$0x1E800] =	vst v63  }
0x103: {  	_ =	swait.ge [sflag:s10], $0x2000  }
0x104: {  	[sflag:s10] =	ssyncset.done $0x0  }
0x105: {  	s18 =	sadd.s32 $0x1500, s17;
	[sflag:s10] =	ssyncadd.s32 $0xFFFFE000  }
0x106: {  	[spmem:s1] =	stream.indirect.scatter.add.f32 [tilespmem:s3], [sflag:$0x5], $0x80, s18, s29, $0xb8;
	[tilespmem:$0x1E800] =	vst v63  }
0x107: {  	_ =	swait.ge [sflag:s26], $0x2000  }
0x108: {  	[sflag:s26] =	ssyncset.done $0x0  }
0x109: {  	s18 =	sadd.s32 $0x300, s17;
	[sflag:s26] =	ssyncadd.s32 $0xFFFFE000  }
0x10a: {  	[tilespmem:s3], [sflag:$0x3] =	stream.indirect.gather [hbm4b:s4+s29], $0x80, s18, s29, $0xb8;
	[tilespmem:$0x1E800] =	vst v63  }
0x10b: {  	_ =	swait.ge [sflag:s11], $0x2000  }
0x10c: {  	[sflag:s11] =	ssyncset.done $0x0  }
.Ltmp2:
0x10d: {  	s18 =	sadd.s32 $0x1580, s17;
	[sflag:s11] =	ssyncadd.s32 $0xFFFFE000;
	(pc) =	sbr.rel @p0 .LBB2_6-.Ltmp2, $4  }
0x10e: {  	[spmem:s1] =	stream.indirect.scatter.add.f32 [tilespmem:s7], [sflag:$0x5], $0x80, s18, s29, $0xb8;
	[tilespmem:$0x1E800] =	vst v63  }
0x10f: {  	_ =	swait.ge [sflag:s26], $0x2000  }
0x110: {  	[sflag:s26] =	ssyncset.done $0x0  }
0x111: {  	s17 =	sadd.s32 $0x380, s17;
	[sflag:s26] =	ssyncadd.s32 $0xFFFFE000  }
0x112: {  	[tilespmem:s7], [sflag:$0x4] =	stream.indirect.gather [hbm4b:s4+s29], $0x80, s17, s29, $0xb8;
	[tilespmem:$0x1E800] =	vst v63  }
0x113: {  	_ =	swait.ge [sflag:s8], $0x2000  }
0x114: {  	[sflag:s8] =	ssyncset.done $0x0  }
0x115: {  	[sflag:s8] =	ssyncadd.s32 $0xFFFFE000  }
0x116: {  	[spmem:s1] =	stream.indirect.scatter.add.f32 [tilespmem:s25], [sflag:$0x5], $0x80, s12, s29, $0xb8;
	[tilespmem:$0x1E800] =	vst v63  }
0x117: {  	_ =	swait.ge [sflag:s26], $0x2000  }
0x118: {  	[sflag:s26] =	ssyncset.done $0x0  }
0x119: {  	[sflag:s26] =	ssyncadd.s32 $0xFFFFE000  }
0x11a: {  	_ =	swait.ge [sflag:s9], $0x2000  }
0x11b: {  	[sflag:s9] =	ssyncset.done $0x0  }
0x11c: {  	[sflag:s9] =	ssyncadd.s32 $0xFFFFE000  }
0x11d: {  	[spmem:s1] =	stream.indirect.scatter.add.f32 [tilespmem:s31], [sflag:$0x5], $0x80, s13, s29, $0xb8;
	[tilespmem:$0x1E800] =	vst v63  }
0x11e: {  	_ =	swait.ge [sflag:s26], $0x2000  }
0x11f: {  	[sflag:s26] =	ssyncset.done $0x0  }
0x120: {  	[sflag:s26] =	ssyncadd.s32 $0xFFFFE000  }
0x121: {  	_ =	swait.ge [sflag:s10], $0x2000  }
0x122: {  	[sflag:s10] =	ssyncset.done $0x0  }
0x123: {  	[sflag:s10] =	ssyncadd.s32 $0xFFFFE000  }
0x124: {  	[spmem:s1] =	stream.indirect.scatter.add.f32 [tilespmem:s3], [sflag:$0x5], $0x80, s14, s29, $0xb8;
	[tilespmem:$0x1E800] =	vst v63  }
0x125: {  	_ =	swait.ge [sflag:s26], $0x2000  }
0x126: {  	[sflag:s26] =	ssyncset.done $0x0  }
0x127: {  	[sflag:s26] =	ssyncadd.s32 $0xFFFFE000  }
0x128: {  	_ =	swait.ge [sflag:s11], $0x2000  }
0x129: {  	[sflag:s11] =	ssyncset.done $0x0  }
0x12a: {  	[sflag:s11] =	ssyncadd.s32 $0xFFFFE000  }
0x12b: {  	[spmem:s1] =	stream.indirect.scatter.add.f32 [tilespmem:s7], [sflag:$0x5], $0x80, s15, s29, $0xb8;
	[tilespmem:$0x1E800] =	vst v63  }
0x12c: {  	_ =	swait.ge [sflag:s26], $0x2000  }
0x12d: {  	[sflag:s26] =	ssyncset.done $0x0  }
0x12e: {  	s16 =	simm.s32 $0x0;
	s18 =	rddreg [dreg:$0x7];
	[sflag:s26] =	ssyncadd.s32 $0xFFFFE000  }
0x12f: {  	[tilespmem:s16], [sflag:$0x5] =	stream.linear.gather [hbm4b:s18+s16], $0x1400, $0x38;
	[tilespmem:$0x1E800] =	vst v63  }
0x130: {  	_ =	swait.ge [sflag:s26], $0x1400  }
0x131: {  	[sflag:s26] =	ssyncset.done $0x0  }
0x132: {  	s18 =	rddreg [dreg:$0x8];
	[sflag:s26] =	ssyncadd.s32 $0xFFFFEC00  }
0x133: {  	[tilespmem:s28], [sflag:$0x5] =	stream.linear.gather [hbm4b:s18+s16], $0x1400, $0x38;
	[tilespmem:$0x1E800] =	vst v63  }
0x134: {  	_ =	swait.ge [sflag:s26], $0x1400  }
0x135: {  	[sflag:s26] =	ssyncset.done $0x0  }
0x136: {  	[sflag:s26] =	ssyncadd.s32 $0xFFFFEC00  }
0x137: {  	[tilespmem:s25], [sflag:$0x1] =	stream.indirect.gather [hbm4b:s4+s29], $0x80, s16, s29, $0xb8;
	[tilespmem:$0x1E800] =	vst v63  }
0x138: {  	_ = 	snop  }
0x139: {  	[tilespmem:s31], [sflag:$0x2] =	stream.indirect.gather [hbm4b:s4+s29], $0x80, s30, s29, $0xb8;
	[tilespmem:$0x1E800] =	vst v63  }
0x13a: {  	_ = 	snop  }
0x13b: {  	[tilespmem:s3], [sflag:$0x3] =	stream.indirect.gather [hbm4b:s4+s29], $0x80, s0, s29, $0xb8;
	[tilespmem:$0x1E800] =	vst v63  }
0x13c: {  	_ = 	snop  }
0x13d: {  	[tilespmem:s7], [sflag:$0x4] =	stream.indirect.gather [hbm4b:s4+s29], $0x80, s6, s29, $0xb8;
	[tilespmem:$0x1E800] =	vst v63  }
0x13e: {  	_ =	swait.ge [sflag:s8], $0x2000  }
0x13f: {  	[sflag:s8] =	ssyncset.done $0x0  }
0x140: {  	s18 =	simm.s32 $0x1400;
	[sflag:s8] =	ssyncadd.s32 $0xFFFFE000  }
0x141: {  	[spmem:s1] =	stream.indirect.scatter.add.f32 [tilespmem:s25], [sflag:$0x5], $0x80, s18, s29, $0xb8;
	[tilespmem:$0x1E800] =	vst v63  }
0x142: {  	_ =	swait.ge [sflag:s26], $0x2000  }
0x143: {  	[sflag:s26] =	ssyncset.done $0x0  }
0x144: {  	s17 =	simm.s32 $0x200;
	[sflag:s26] =	ssyncadd.s32 $0xFFFFE000  }
0x145: {  	[tilespmem:s25], [sflag:$0x1] =	stream.indirect.gather [hbm4b:s4+s29], $0x80, s17, s29, $0xb8;
	[tilespmem:$0x1E800] =	vst v63  }
0x146: {  	_ =	swait.ge [sflag:s9], $0x2000  }
0x147: {  	[sflag:s9] =	ssyncset.done $0x0  }
0x148: {  	s18 =	simm.s32 $0x1480;
	[sflag:s9] =	ssyncadd.s32 $0xFFFFE000  }
0x149: {  	[spmem:s1] =	stream.indirect.scatter.add.f32 [tilespmem:s31], [sflag:$0x5], $0x80, s18, s29, $0xb8;
	[tilespmem:$0x1E800] =	vst v63  }
0x14a: {  	_ =	swait.ge [sflag:s26], $0x2000  }
0x14b: {  	[sflag:s26] =	ssyncset.done $0x0  }
0x14c: {  	s17 =	simm.s32 $0x280;
	[sflag:s26] =	ssyncadd.s32 $0xFFFFE000  }
0x14d: {  	[tilespmem:s31], [sflag:$0x2] =	stream.indirect.gather [hbm4b:s4+s29], $0x80, s17, s29, $0xb8;
	[tilespmem:$0x1E800] =	vst v63  }
0x14e: {  	_ =	swait.ge [sflag:s10], $0x2000  }
0x14f: {  	[sflag:s10] =	ssyncset.done $0x0  }
0x150: {  	s18 =	simm.s32 $0x1500;
	[sflag:s10] =	ssyncadd.s32 $0xFFFFE000  }
0x151: {  	[spmem:s1] =	stream.indirect.scatter.add.f32 [tilespmem:s3], [sflag:$0x5], $0x80, s18, s29, $0xb8;
	[tilespmem:$0x1E800] =	vst v63  }
0x152: {  	_ =	swait.ge [sflag:s26], $0x2000  }
0x153: {  	[sflag:s26] =	ssyncset.done $0x0  }
0x154: {  	s17 =	simm.s32 $0x300;
	[sflag:s26] =	ssyncadd.s32 $0xFFFFE000  }
0x155: {  	[tilespmem:s3], [sflag:$0x3] =	stream.indirect.gather [hbm4b:s4+s29], $0x80, s17, s29, $0xb8;
	[tilespmem:$0x1E800] =	vst v63  }
0x156: {  	_ =	swait.ge [sflag:s11], $0x2000  }
0x157: {  	[sflag:s11] =	ssyncset.done $0x0  }
0x158: {  	s18 =	simm.s32 $0x1580;
	[sflag:s11] =	ssyncadd.s32 $0xFFFFE000  }
0x159: {  	[spmem:s1] =	stream.indirect.scatter.add.f32 [tilespmem:s7], [sflag:$0x5], $0x80, s18, s29, $0xb8;
	[tilespmem:$0x1E800] =	vst v63  }
0x15a: {  	_ =	swait.ge [sflag:s26], $0x2000  }
0x15b: {  	[sflag:s26] =	ssyncset.done $0x0  }
0x15c: {  	s16 =	simm.s32 $0x800;
	s17 =	simm.s32 $0x380;
	[sflag:s26] =	ssyncadd.s32 $0xFFFFE000  }
.LBB2_8:
0x15d: {  	[tilespmem:s7], [sflag:$0x4] =	stream.indirect.gather [hbm4b:s4+s29], $0x80, s17, s29, $0xb8;
	[tilespmem:$0x1E800] =	vst v63  }
0x15e: {  	s17 =	smov.u32 s16  }
0x15f: {  	p0 =	sne.s32 s16, $0x4000;
	s16 =	sadd.s32 $0x800, s16;
	_ =	swait.ge [sflag:s8], $0x2000  }
0x160: {  	s17 =	sshra.s32 s17, $0x2;
	[sflag:s8] =	ssyncset.done $0x0  }
0x161: {  	s18 =	sadd.s32 $0x1400, s17;
	[sflag:s8] =	ssyncadd.s32 $0xFFFFE000  }
0x162: {  	[spmem:s1] =	stream.indirect.scatter.add.f32 [tilespmem:s25], [sflag:$0x5], $0x80, s18, s29, $0xb8;
	[tilespmem:$0x1E800] =	vst v63  }
0x163: {  	_ =	swait.ge [sflag:s26], $0x2000  }
0x164: {  	[sflag:s26] =	ssyncset.done $0x0  }
0x165: {  	s18 =	sadd.s32 $0x200, s17;
	[sflag:s26] =	ssyncadd.s32 $0xFFFFE000  }
0x166: {  	[tilespmem:s25], [sflag:$0x1] =	stream.indirect.gather [hbm4b:s4+s29], $0x80, s18, s29, $0xb8;
	[tilespmem:$0x1E800] =	vst v63  }
0x167: {  	_ =	swait.ge [sflag:s9], $0x2000  }
0x168: {  	[sflag:s9] =	ssyncset.done $0x0  }
0x169: {  	s18 =	sadd.s32 $0x1480, s17;
	[sflag:s9] =	ssyncadd.s32 $0xFFFFE000  }
0x16a: {  	[spmem:s1] =	stream.indirect.scatter.add.f32 [tilespmem:s31], [sflag:$0x5], $0x80, s18, s29, $0xb8;
	[tilespmem:$0x1E800] =	vst v63  }
0x16b: {  	_ =	swait.ge [sflag:s26], $0x2000  }
0x16c: {  	[sflag:s26] =	ssyncset.done $0x0  }
0x16d: {  	s18 =	sadd.s32 $0x280, s17;
	[sflag:s26] =	ssyncadd.s32 $0xFFFFE000  }
0x16e: {  	[tilespmem:s31], [sflag:$0x2] =	stream.indirect.gather [hbm4b:s4+s29], $0x80, s18, s29, $0xb8;
	[tilespmem:$0x1E800] =	vst v63  }
0x16f: {  	_ =	swait.ge [sflag:s10], $0x2000  }
0x170: {  	[sflag:s10] =	ssyncset.done $0x0  }
0x171: {  	s18 =	sadd.s32 $0x1500, s17;
	[sflag:s10] =	ssyncadd.s32 $0xFFFFE000  }
0x172: {  	[spmem:s1] =	stream.indirect.scatter.add.f32 [tilespmem:s3], [sflag:$0x5], $0x80, s18, s29, $0xb8;
	[tilespmem:$0x1E800] =	vst v63  }
0x173: {  	_ =	swait.ge [sflag:s26], $0x2000  }
0x174: {  	[sflag:s26] =	ssyncset.done $0x0  }
0x175: {  	s18 =	sadd.s32 $0x300, s17;
	[sflag:s26] =	ssyncadd.s32 $0xFFFFE000  }
0x176: {  	[tilespmem:s3], [sflag:$0x3] =	stream.indirect.gather [hbm4b:s4+s29], $0x80, s18, s29, $0xb8;
	[tilespmem:$0x1E800] =	vst v63  }
0x177: {  	_ =	swait.ge [sflag:s11], $0x2000  }
0x178: {  	[sflag:s11] =	ssyncset.done $0x0  }
.Ltmp3:
0x179: {  	s18 =	sadd.s32 $0x1580, s17;
	[sflag:s11] =	ssyncadd.s32 $0xFFFFE000;
	(pc) =	sbr.rel @p0 .LBB2_8-.Ltmp3, $4  }
0x17a: {  	[spmem:s1] =	stream.indirect.scatter.add.f32 [tilespmem:s7], [sflag:$0x5], $0x80, s18, s29, $0xb8;
	[tilespmem:$0x1E800] =	vst v63  }
0x17b: {  	_ =	swait.ge [sflag:s26], $0x2000  }
0x17c: {  	[sflag:s26] =	ssyncset.done $0x0  }
0x17d: {  	s17 =	sadd.s32 $0x380, s17;
	[sflag:s26] =	ssyncadd.s32 $0xFFFFE000  }
0x17e: {  	[tilespmem:s7], [sflag:$0x4] =	stream.indirect.gather [hbm4b:s4+s29], $0x80, s17, s29, $0xb8;
	[tilespmem:$0x1E800] =	vst v63  }
0x17f: {  	_ =	swait.ge [sflag:s8], $0x2000  }
0x180: {  	[sflag:s8] =	ssyncset.done $0x0  }
0x181: {  	[sflag:s8] =	ssyncadd.s32 $0xFFFFE000  }
0x182: {  	[spmem:s1] =	stream.indirect.scatter.add.f32 [tilespmem:s25], [sflag:$0x5], $0x80, s12, s29, $0xb8;
	[tilespmem:$0x1E800] =	vst v63  }
0x183: {  	_ =	swait.ge [sflag:s26], $0x2000  }
0x184: {  	[sflag:s26] =	ssyncset.done $0x0  }
0x185: {  	[sflag:s26] =	ssyncadd.s32 $0xFFFFE000  }
0x186: {  	_ =	swait.ge [sflag:s9], $0x2000  }
0x187: {  	[sflag:s9] =	ssyncset.done $0x0  }
0x188: {  	[sflag:s9] =	ssyncadd.s32 $0xFFFFE000  }
0x189: {  	[spmem:s1] =	stream.indirect.scatter.add.f32 [tilespmem:s31], [sflag:$0x5], $0x80, s13, s29, $0xb8;
	[tilespmem:$0x1E800] =	vst v63  }
0x18a: {  	_ =	swait.ge [sflag:s26], $0x2000  }
0x18b: {  	[sflag:s26] =	ssyncset.done $0x0  }
0x18c: {  	[sflag:s26] =	ssyncadd.s32 $0xFFFFE000  }
0x18d: {  	_ =	swait.ge [sflag:s10], $0x2000  }
0x18e: {  	[sflag:s10] =	ssyncset.done $0x0  }
0x18f: {  	[sflag:s10] =	ssyncadd.s32 $0xFFFFE000  }
0x190: {  	[spmem:s1] =	stream.indirect.scatter.add.f32 [tilespmem:s3], [sflag:$0x5], $0x80, s14, s29, $0xb8;
	[tilespmem:$0x1E800] =	vst v63  }
0x191: {  	_ =	swait.ge [sflag:s26], $0x2000  }
0x192: {  	[sflag:s26] =	ssyncset.done $0x0  }
0x193: {  	[sflag:s26] =	ssyncadd.s32 $0xFFFFE000  }
0x194: {  	_ =	swait.ge [sflag:s11], $0x2000  }
0x195: {  	[sflag:s11] =	ssyncset.done $0x0  }
0x196: {  	[sflag:s11] =	ssyncadd.s32 $0xFFFFE000  }
0x197: {  	[spmem:s1] =	stream.indirect.scatter.add.f32 [tilespmem:s7], [sflag:$0x5], $0x80, s15, s29, $0xb8;
	[tilespmem:$0x1E800] =	vst v63  }
0x198: {  	_ =	swait.ge [sflag:s26], $0x2000  }
0x199: {  	[sflag:s26] =	ssyncset.done $0x0  }
0x19a: {  	s16 =	simm.s32 $0x0;
	s18 =	rddreg [dreg:$0x9];
	[sflag:s26] =	ssyncadd.s32 $0xFFFFE000  }
0x19b: {  	[tilespmem:s16], [sflag:$0x5] =	stream.linear.gather [hbm4b:s18+s16], $0x1400, $0x38;
	[tilespmem:$0x1E800] =	vst v63  }
0x19c: {  	_ =	swait.ge [sflag:s26], $0x1400  }
0x19d: {  	[sflag:s26] =	ssyncset.done $0x0  }
0x19e: {  	s18 =	rddreg [dreg:$0xa];
	[sflag:s26] =	ssyncadd.s32 $0xFFFFEC00  }
0x19f: {  	[tilespmem:s28], [sflag:$0x5] =	stream.linear.gather [hbm4b:s18+s16], $0x1400, $0x38;
	[tilespmem:$0x1E800] =	vst v63  }
0x1a0: {  	_ =	swait.ge [sflag:s26], $0x1400  }
0x1a1: {  	[sflag:s26] =	ssyncset.done $0x0  }
0x1a2: {  	[sflag:s26] =	ssyncadd.s32 $0xFFFFEC00  }
0x1a3: {  	[tilespmem:s25], [sflag:$0x1] =	stream.indirect.gather [hbm4b:s4+s29], $0x80, s16, s29, $0xb8;
	[tilespmem:$0x1E800] =	vst v63  }
0x1a4: {  	_ = 	snop  }
0x1a5: {  	[tilespmem:s31], [sflag:$0x2] =	stream.indirect.gather [hbm4b:s4+s29], $0x80, s30, s29, $0xb8;
	[tilespmem:$0x1E800] =	vst v63  }
0x1a6: {  	_ = 	snop  }
0x1a7: {  	[tilespmem:s3], [sflag:$0x3] =	stream.indirect.gather [hbm4b:s4+s29], $0x80, s0, s29, $0xb8;
	[tilespmem:$0x1E800] =	vst v63  }
0x1a8: {  	_ = 	snop  }
0x1a9: {  	[tilespmem:s7], [sflag:$0x4] =	stream.indirect.gather [hbm4b:s4+s29], $0x80, s6, s29, $0xb8;
	[tilespmem:$0x1E800] =	vst v63  }
0x1aa: {  	_ =	swait.ge [sflag:s8], $0x2000  }
0x1ab: {  	[sflag:s8] =	ssyncset.done $0x0  }
0x1ac: {  	s18 =	simm.s32 $0x1400;
	[sflag:s8] =	ssyncadd.s32 $0xFFFFE000  }
0x1ad: {  	[spmem:s1] =	stream.indirect.scatter.add.f32 [tilespmem:s25], [sflag:$0x5], $0x80, s18, s29, $0xb8;
	[tilespmem:$0x1E800] =	vst v63  }
0x1ae: {  	_ =	swait.ge [sflag:s26], $0x2000  }
0x1af: {  	[sflag:s26] =	ssyncset.done $0x0  }
0x1b0: {  	s17 =	simm.s32 $0x200;
	[sflag:s26] =	ssyncadd.s32 $0xFFFFE000  }
0x1b1: {  	[tilespmem:s25], [sflag:$0x1] =	stream.indirect.gather [hbm4b:s4+s29], $0x80, s17, s29, $0xb8;
	[tilespmem:$0x1E800] =	vst v63  }
0x1b2: {  	_ =	swait.ge [sflag:s9], $0x2000  }
0x1b3: {  	[sflag:s9] =	ssyncset.done $0x0  }
0x1b4: {  	s18 =	simm.s32 $0x1480;
	[sflag:s9] =	ssyncadd.s32 $0xFFFFE000  }
0x1b5: {  	[spmem:s1] =	stream.indirect.scatter.add.f32 [tilespmem:s31], [sflag:$0x5], $0x80, s18, s29, $0xb8;
	[tilespmem:$0x1E800] =	vst v63  }
0x1b6: {  	_ =	swait.ge [sflag:s26], $0x2000  }
0x1b7: {  	[sflag:s26] =	ssyncset.done $0x0  }
0x1b8: {  	s17 =	simm.s32 $0x280;
	[sflag:s26] =	ssyncadd.s32 $0xFFFFE000  }
0x1b9: {  	[tilespmem:s31], [sflag:$0x2] =	stream.indirect.gather [hbm4b:s4+s29], $0x80, s17, s29, $0xb8;
	[tilespmem:$0x1E800] =	vst v63  }
0x1ba: {  	_ =	swait.ge [sflag:s10], $0x2000  }
0x1bb: {  	[sflag:s10] =	ssyncset.done $0x0  }
0x1bc: {  	s18 =	simm.s32 $0x1500;
	[sflag:s10] =	ssyncadd.s32 $0xFFFFE000  }
0x1bd: {  	[spmem:s1] =	stream.indirect.scatter.add.f32 [tilespmem:s3], [sflag:$0x5], $0x80, s18, s29, $0xb8;
	[tilespmem:$0x1E800] =	vst v63  }
0x1be: {  	_ =	swait.ge [sflag:s26], $0x2000  }
0x1bf: {  	[sflag:s26] =	ssyncset.done $0x0  }
0x1c0: {  	s17 =	simm.s32 $0x300;
	[sflag:s26] =	ssyncadd.s32 $0xFFFFE000  }
0x1c1: {  	[tilespmem:s3], [sflag:$0x3] =	stream.indirect.gather [hbm4b:s4+s29], $0x80, s17, s29, $0xb8;
	[tilespmem:$0x1E800] =	vst v63  }
0x1c2: {  	_ =	swait.ge [sflag:s11], $0x2000  }
0x1c3: {  	[sflag:s11] =	ssyncset.done $0x0  }
0x1c4: {  	s18 =	simm.s32 $0x1580;
	[sflag:s11] =	ssyncadd.s32 $0xFFFFE000  }
0x1c5: {  	[spmem:s1] =	stream.indirect.scatter.add.f32 [tilespmem:s7], [sflag:$0x5], $0x80, s18, s29, $0xb8;
	[tilespmem:$0x1E800] =	vst v63  }
0x1c6: {  	_ =	swait.ge [sflag:s26], $0x2000  }
0x1c7: {  	[sflag:s26] =	ssyncset.done $0x0  }
0x1c8: {  	s16 =	simm.s32 $0x800;
	s17 =	simm.s32 $0x380;
	[sflag:s26] =	ssyncadd.s32 $0xFFFFE000  }
.LBB2_10:
0x1c9: {  	[tilespmem:s7], [sflag:$0x4] =	stream.indirect.gather [hbm4b:s4+s29], $0x80, s17, s29, $0xb8;
	[tilespmem:$0x1E800] =	vst v63  }
0x1ca: {  	s17 =	smov.u32 s16  }
0x1cb: {  	p0 =	sne.s32 s16, $0x4000;
	s16 =	sadd.s32 $0x800, s16;
	_ =	swait.ge [sflag:s8], $0x2000  }
0x1cc: {  	s17 =	sshra.s32 s17, $0x2;
	[sflag:s8] =	ssyncset.done $0x0  }
0x1cd: {  	s18 =	sadd.s32 $0x1400, s17;
	[sflag:s8] =	ssyncadd.s32 $0xFFFFE000  }
0x1ce: {  	[spmem:s1] =	stream.indirect.scatter.add.f32 [tilespmem:s25], [sflag:$0x5], $0x80, s18, s29, $0xb8;
	[tilespmem:$0x1E800] =	vst v63  }
0x1cf: {  	_ =	swait.ge [sflag:s26], $0x2000  }
0x1d0: {  	[sflag:s26] =	ssyncset.done $0x0  }
0x1d1: {  	s18 =	sadd.s32 $0x200, s17;
	[sflag:s26] =	ssyncadd.s32 $0xFFFFE000  }
0x1d2: {  	[tilespmem:s25], [sflag:$0x1] =	stream.indirect.gather [hbm4b:s4+s29], $0x80, s18, s29, $0xb8;
	[tilespmem:$0x1E800] =	vst v63  }
0x1d3: {  	_ =	swait.ge [sflag:s9], $0x2000  }
0x1d4: {  	[sflag:s9] =	ssyncset.done $0x0  }
0x1d5: {  	s18 =	sadd.s32 $0x1480, s17;
	[sflag:s9] =	ssyncadd.s32 $0xFFFFE000  }
0x1d6: {  	[spmem:s1] =	stream.indirect.scatter.add.f32 [tilespmem:s31], [sflag:$0x5], $0x80, s18, s29, $0xb8;
	[tilespmem:$0x1E800] =	vst v63  }
0x1d7: {  	_ =	swait.ge [sflag:s26], $0x2000  }
0x1d8: {  	[sflag:s26] =	ssyncset.done $0x0  }
0x1d9: {  	s18 =	sadd.s32 $0x280, s17;
	[sflag:s26] =	ssyncadd.s32 $0xFFFFE000  }
0x1da: {  	[tilespmem:s31], [sflag:$0x2] =	stream.indirect.gather [hbm4b:s4+s29], $0x80, s18, s29, $0xb8;
	[tilespmem:$0x1E800] =	vst v63  }
0x1db: {  	_ =	swait.ge [sflag:s10], $0x2000  }
0x1dc: {  	[sflag:s10] =	ssyncset.done $0x0  }
0x1dd: {  	s18 =	sadd.s32 $0x1500, s17;
	[sflag:s10] =	ssyncadd.s32 $0xFFFFE000  }
0x1de: {  	[spmem:s1] =	stream.indirect.scatter.add.f32 [tilespmem:s3], [sflag:$0x5], $0x80, s18, s29, $0xb8;
	[tilespmem:$0x1E800] =	vst v63  }
0x1df: {  	_ =	swait.ge [sflag:s26], $0x2000  }
0x1e0: {  	[sflag:s26] =	ssyncset.done $0x0  }
0x1e1: {  	s18 =	sadd.s32 $0x300, s17;
	[sflag:s26] =	ssyncadd.s32 $0xFFFFE000  }
0x1e2: {  	[tilespmem:s3], [sflag:$0x3] =	stream.indirect.gather [hbm4b:s4+s29], $0x80, s18, s29, $0xb8;
	[tilespmem:$0x1E800] =	vst v63  }
0x1e3: {  	_ =	swait.ge [sflag:s11], $0x2000  }
0x1e4: {  	[sflag:s11] =	ssyncset.done $0x0  }
.Ltmp4:
0x1e5: {  	s18 =	sadd.s32 $0x1580, s17;
	[sflag:s11] =	ssyncadd.s32 $0xFFFFE000;
	(pc) =	sbr.rel @p0 .LBB2_10-.Ltmp4, $4  }
0x1e6: {  	[spmem:s1] =	stream.indirect.scatter.add.f32 [tilespmem:s7], [sflag:$0x5], $0x80, s18, s29, $0xb8;
	[tilespmem:$0x1E800] =	vst v63  }
0x1e7: {  	_ =	swait.ge [sflag:s26], $0x2000  }
0x1e8: {  	[sflag:s26] =	ssyncset.done $0x0  }
0x1e9: {  	s17 =	sadd.s32 $0x380, s17;
	[sflag:s26] =	ssyncadd.s32 $0xFFFFE000  }
0x1ea: {  	[tilespmem:s7], [sflag:$0x4] =	stream.indirect.gather [hbm4b:s4+s29], $0x80, s17, s29, $0xb8;
	[tilespmem:$0x1E800] =	vst v63  }
0x1eb: {  	_ =	swait.ge [sflag:s8], $0x2000  }
0x1ec: {  	[sflag:s8] =	ssyncset.done $0x0  }
0x1ed: {  	[sflag:s8] =	ssyncadd.s32 $0xFFFFE000  }
0x1ee: {  	[spmem:s1] =	stream.indirect.scatter.add.f32 [tilespmem:s25], [sflag:$0x5], $0x80, s12, s29, $0xb8;
	[tilespmem:$0x1E800] =	vst v63  }
0x1ef: {  	_ =	swait.ge [sflag:s26], $0x2000  }
0x1f0: {  	[sflag:s26] =	ssyncset.done $0x0  }
0x1f1: {  	[sflag:s26] =	ssyncadd.s32 $0xFFFFE000  }
0x1f2: {  	_ =	swait.ge [sflag:s9], $0x2000  }
0x1f3: {  	[sflag:s9] =	ssyncset.done $0x0  }
0x1f4: {  	[sflag:s9] =	ssyncadd.s32 $0xFFFFE000  }
0x1f5: {  	[spmem:s1] =	stream.indirect.scatter.add.f32 [tilespmem:s31], [sflag:$0x5], $0x80, s13, s29, $0xb8;
	[tilespmem:$0x1E800] =	vst v63  }
0x1f6: {  	_ =	swait.ge [sflag:s26], $0x2000  }
0x1f7: {  	[sflag:s26] =	ssyncset.done $0x0  }
0x1f8: {  	[sflag:s26] =	ssyncadd.s32 $0xFFFFE000  }
0x1f9: {  	_ =	swait.ge [sflag:s10], $0x2000  }
0x1fa: {  	[sflag:s10] =	ssyncset.done $0x0  }
0x1fb: {  	[sflag:s10] =	ssyncadd.s32 $0xFFFFE000  }
0x1fc: {  	[spmem:s1] =	stream.indirect.scatter.add.f32 [tilespmem:s3], [sflag:$0x5], $0x80, s14, s29, $0xb8;
	[tilespmem:$0x1E800] =	vst v63  }
0x1fd: {  	_ =	swait.ge [sflag:s26], $0x2000  }
0x1fe: {  	[sflag:s26] =	ssyncset.done $0x0  }
0x1ff: {  	[sflag:s26] =	ssyncadd.s32 $0xFFFFE000  }
0x200: {  	_ =	swait.ge [sflag:s11], $0x2000  }
0x201: {  	[sflag:s11] =	ssyncset.done $0x0  }
0x202: {  	[sflag:s11] =	ssyncadd.s32 $0xFFFFE000  }
0x203: {  	[spmem:s1] =	stream.indirect.scatter.add.f32 [tilespmem:s7], [sflag:$0x5], $0x80, s15, s29, $0xb8;
	[tilespmem:$0x1E800] =	vst v63  }
0x204: {  	_ =	swait.ge [sflag:s26], $0x2000  }
0x205: {  	s16 =	stileid.u32;
	[sflag:s26] =	ssyncset.done $0x0  }
0x206: {  	s16 =	sshll.u32 s16, $0x6;
	[sflag:s26] =	ssyncadd.s32 $0xFFFFE000  }
0x207: {  	s18 =	sshrl.u32 s5, $0x3;
	s16 =	sor.u32 $0x1C05, s16;
	[bflag:$0x0] =	sbarrier.arrive $0xFFFF  }
0x208: {  	[hbm:s24], [sflag:s16] =	dma.local [spmem:s18], $0x2800  }
0x209: {  	_ =	swait.ge [sflag:s26], $0x2800  }
0x20a: {  	s2 =	sadd.s32 $0x1, s2;
	s18 =	rddreg [dreg:$0xb]  }
0x20b: {  	p0 =	sne.s32 s2, s18  }
.Ltmp5:
0x20c: {  	_ = 	snop;
	(pc) =	sbr.rel @p0 .LBB2_1-.Ltmp5, $3  }
0x20d: {  	_ =	sdelay $0x1  }
0x20e: {  	[sflag:s26] =	ssyncset.done $0x0  }
0x20f: {  	[sflag:s26] =	ssyncadd.s32 $0xFFFFD800  }
0x210: {  	_ =	sfence.sel $0x180000  }
0x211: {  	[bflag:$0x0] =	sbarrier.arrive $0xFFFF  }
0x212: {  	_ =	strace $0x9000004D  }
0x213: {  	s0 =	stileid.u32;
	[bflag:$0x2] =	sbarrier.arrive $0xFFFF  }
0x214: {  	p0 =	sne.s32 s0, $0x0;
	s0 =	rddreg [dreg:$0x2]  }
0x215: {  	s0 =	sadd.s32 @!p0 $0x100000, s0  }
0x216: {  	[sflag:s0] =	ssyncadd.tile.s32 @!p0 $0x1;
	_ =	shalt  }
.Lfunc_end2:
_tile_overlayer_lowered:
.L_overlay_start_2:
0x217: {  	(tag) =	ssettag $0x2  }
0x218: {  	s0 =	rddreg [dreg:$0x0];
	s2 =	stileid.u32  }
0x219: {  	s1 =	rddreg [dreg:$0x1];
	p0 =	sne.s32 s2, $0x0  }
0x21a: {  	s3 =	rddreg [dreg:$0x2];
	[bflag:$0x3] =	sbarrier.arrive $0xFFFF;
	s2 =	simm.s32 @!p0 $0x1C05  }
0x21b: {  	[timem:s3], [sflag:s2] =	dma.local @!p0 [hbm:s0], s1  }
0x21c: {  	s0 =	simm.s32 @!p0 $0x5  }
0x21d: {  	_ =	swait.ge @!p0 [sflag:s0], s1  }
0x21e: {  	s1 =	ssub.s32 @!p0 $0x0, s1;
	[sflag:s0] =	ssyncset.done @!p0 $0x0  }
0x21f: {  	[sflag:s0] =	ssyncadd.s32 @!p0 s1  }
0x220: {  	[bflag:$0x3] =	sbarrier.arrive $0xFFFF  }
0x221: {  	_ =	shalt  }

// kernel: kernel.9.cloned.1.call-start
scs
__scs_entry_jumppad:
0x0: {  	(pc) =	sbr.rel $0x88, $3  }
0x1: {  	(tag) =	ssettag $0x0;
	lr =	simm.s32 $0x1  }
0x2: {  	[smem:$0x3F98] =	sst lr;
	_ =	strace $0xD0000000  }
0x3: {  	_ = 	snop  }
0x4: {  	_ = 	snop  }
0x5: {  	_ = 	snop  }
0x6: {  	_ = 	snop  }
0x7: {  	_ = 	snop  }
__scs_overlays_trampoline_lowered:
0x8: {  	[smem:$0x3FA7] =	sst s0  }
0x9: {  	[smem:$0x3FA8] =	sst s1  }
0xa: {  	[smem:$0x3FA9] =	sst s2  }
0xb: {  	[smem:$0x3FAA] =	sst s3  }
0xc: {  	[smem:$0x3FAB] =	sst s4  }
0xd: {  	[smem:$0x3FAC] =	sst s5  }
0xe: {  	[smem:$0x3FAD] =	sst s6  }
0xf: {  	[smem:$0x3FAE] =	sst s7  }
0x10: {  	[smem:$0x3FAF] =	sst s8  }
0x11: {  	[smem:$0x3FB0] =	sst s9;
	s0 =	simm.s32 @!p0 $0x0  }
0x12: {  	s1 =	sld [smem:$0x3F96];
	s0 =	simm.s32 @p0 $0x1  }
0x13: {  	[smem:$0x3FB1] =	sst s0;
	s0 =	simm.s32 @!p1 $0x0  }
0x14: {  	s2 =	sld [smem:$0x3F95];
	s0 =	simm.s32 @p1 $0x1  }
0x15: {  	[smem:$0x3FB2] =	sst s0;
	s0 =	simm.s32 @!p2 $0x0  }
0x16: {  	s3 =	sld [smem:$0x3FDB];
	s0 =	simm.s32 @p2 $0x1  }
0x17: {  	s4 =	simm.s32 $0x1BF5;
	[smem:$0x3FB4] =	sst s0  }
0x18: {  	s0 =	sld [smem:$0x3F97];
	_ =	swait.ge [sflag:s4], $0x0  }
0x19: {  	s7 =	sld [smem:$0x3F98]  }
0x1a: {  	s8 =	sadd.s32 $0xFFFFE003, lr  }
0x1b: {  	s9 =	sadd.s32 $0xFFFFFEF7, lr;
	s5 =	simm.s32 $0xFFFFFFFF;
	p2 =	slt.u32 s8, $0xFFFFF086  }
0x1c: {  	p1 =	slt.u32 s9, $0xF7A;
	s5 =	simm.s32 @!p2 $0x0  }
0x1d: {  	s5 =	simm.s32 @p1 $0x1;
	p0 =	seq.s32 s7, s2  }
0x1e: {  	s7 =	smul.u32 @!p0 $0xF7A, s2;
	p2 =	seq.s32 @!p0 s5, $0x0  }
0x1f: {  	s9 =	smul.u32 $0xF7A, s1;
	s8 =	simm.s32 @!p0 $0x1BF5;
	p2 =	por !p2, p0  }
0x20: {  	[sflag:s8] =	ssyncset.s32 @!p0 $0xFFFFF086;
	s6 =	sadd.s32 @!p0 s3, s7;
	s7 =	simm.s32 @!p0 $0x108  }
0x21: {  	s3 =	sadd.s32 s3, s9;
	s6 =	sadd.s32 @!p0 $0x88, s6;
	s7 =	simm.s32 @p2 $0x1082  }
0x22: {  	[simem:s7], [sflag:s8] =	dma.local @!p0 [hbm:s6], $0xF7A  }
0x23: {  	s9 =	sor.u32 $0xD0000000, s2;
	s6 =	simm.s32 $0x108;
	_ =	swait.ge @!p0 [sflag:s8], $0x0  }
0x24: {  	s3 =	sadd.s32 $0x88, s3;
	s6 =	simm.s32 @!p1 $0x1082;
	[sflag:s4] =	ssyncset.s32 $0xFFFFF086  }
0x25: {  	[simem:s6], [sflag:s4] =	dma.local [hbm:s3], $0xF7A  }
0x26: {  	[smem:$0x3F98] =	sst s1;
	(tag) =	ssettag s2;
	_ =	strace s9  }
0x27: {  	s1 =	sld [smem:$0x3FA8]  }
0x28: {  	s2 =	sld [smem:$0x3FA9]  }
0x29: {  	s4 =	sld [smem:$0x3FAB]  }
0x2a: {  	p0 =	seq.s32 s5, $0x0;
	s5 =	sld [smem:$0x3FAC]  }
0x2b: {  	s6 =	sld [smem:$0x3FAD]  }
0x2c: {  	s7 =	sld [smem:$0x3FAE]  }
0x2d: {  	s3 =	simm.s32 $0x108;
	s8 =	sld [smem:$0x3FAF]  }
0x2e: {  	s3 =	simm.s32 @!p0 $0x1082;
	s9 =	sld [smem:$0x3FB0]  }
0x2f: {  	lr =	sadd.s32 s0, s3;
	s0 =	sld [smem:$0x3FA7]  }
0x30: {  	s3 =	sld [smem:$0x3FAA]  }
0x31: {  	[smem:$0x3FB3] =	sst s10  }
0x32: {  	s10 =	sld [smem:$0x3FB1];
	_ =	sdelay $0x3  }
0x33: {  	p0 =	seq.s32 s10, $0x1;
	s10 =	sld [smem:$0x3FB3];
	_ =	sdelay $0x3  }
0x34: {  	[smem:$0x3FB3] =	sst s10  }
0x35: {  	s10 =	sld [smem:$0x3FB2];
	_ =	sdelay $0x3  }
0x36: {  	p1 =	seq.s32 s10, $0x1;
	s10 =	sld [smem:$0x3FB3];
	_ =	sdelay $0x3  }
0x37: {  	[smem:$0x3FB3] =	sst s10  }
0x38: {  	s10 =	sld [smem:$0x3FB4]  }
0x39: {  	_ = 	snop;
	(pc) =	sbr.ind lr, $3  }
0x3a: {  	_ = 	snop  }
0x3b: {  	_ = 	snop  }
0x3c: {  	p2 =	seq.s32 s10, $0x1;
	s10 =	sld [smem:$0x3FB3]  }
0x3d: {  	_ =	shalt  }
0x3e: {  	_ =	shalt  }
0x3f: {  	_ =	shalt  }
0x40: {  	_ =	shalt  }
0x41: {  	_ =	shalt  }
0x42: {  	_ =	shalt  }
0x43: {  	_ =	shalt  }
0x44: {  	_ =	shalt  }
0x45: {  	_ =	shalt  }
0x46: {  	_ =	shalt  }
0x47: {  	_ =	shalt  }
0x48: {  	_ =	shalt  }
0x49: {  	_ =	shalt  }
0x4a: {  	_ =	shalt  }
0x4b: {  	_ =	shalt  }
0x4c: {  	_ =	shalt  }
0x4d: {  	_ =	shalt  }
0x4e: {  	_ =	shalt  }
0x4f: {  	_ =	shalt  }
0x50: {  	_ =	shalt  }
0x51: {  	_ =	shalt  }
0x52: {  	_ =	shalt  }
0x53: {  	_ =	shalt  }
0x54: {  	_ =	shalt  }
0x55: {  	_ =	shalt  }
0x56: {  	_ =	shalt  }
0x57: {  	_ =	shalt  }
0x58: {  	_ =	shalt  }
0x59: {  	_ =	shalt  }
0x5a: {  	_ =	shalt  }
0x5b: {  	_ =	shalt  }
0x5c: {  	_ =	shalt  }
0x5d: {  	_ =	shalt  }
0x5e: {  	_ =	shalt  }
0x5f: {  	_ =	shalt  }
0x60: {  	_ =	shalt  }
0x61: {  	_ =	shalt  }
0x62: {  	_ =	shalt  }
0x63: {  	_ =	shalt  }
0x64: {  	_ =	shalt  }
0x65: {  	_ =	shalt  }
0x66: {  	_ =	shalt  }
0x67: {  	_ =	shalt  }
0x68: {  	_ =	shalt  }
0x69: {  	_ =	shalt  }
0x6a: {  	_ =	shalt  }
0x6b: {  	_ =	shalt  }
0x6c: {  	_ =	shalt  }
0x6d: {  	_ =	shalt  }
0x6e: {  	_ =	shalt  }
0x6f: {  	_ =	shalt  }
0x70: {  	_ =	shalt  }
0x71: {  	_ =	shalt  }
0x72: {  	_ =	shalt  }
0x73: {  	_ =	shalt  }
0x74: {  	_ =	shalt  }
0x75: {  	_ =	shalt  }
0x76: {  	_ =	shalt  }
0x77: {  	_ =	shalt  }
0x78: {  	_ =	shalt  }
0x79: {  	_ =	shalt  }
0x7a: {  	_ =	shalt  }
0x7b: {  	_ =	shalt  }
0x7c: {  	_ =	shalt  }
0x7d: {  	_ =	shalt  }
0x7e: {  	_ =	shalt  }
0x7f: {  	_ =	shalt  }
0x80: {  	_ =	shalt  }
0x81: {  	_ =	shalt  }
0x82: {  	_ =	shalt  }
0x83: {  	_ =	shalt  }
0x84: {  	_ =	shalt  }
0x85: {  	_ =	shalt  }
0x86: {  	_ =	shalt  }
0x87: {  	_ =	shalt  }
.Lfunc_end0:
.L_simem_size_0:
called_computation_lowered:
.L_overlay_start_0:
0x88: {  	s2 =	sld [smem:$0x3FD9]  }
0x89: {  	s3 =	sld [smem:$0x3FFE];
	_ =	sdelay $0x1  }
0x8a: {  	s1 =	srdreg.scid  }
0x8b: {  	s0 =	sand.u32 $0x1, s1  }
0x8c: {  	s16 =	sshll.u32 s0, $0xA;
	s2 =	sadd.s32 s3, s2  }
0x8d: {  	s2 =	sadd.s32 s2, s16  }
0x8e: {  	[smem:$0x3FBF] =	sst s2  }
0x8f: {  	_ = 	snop  }
0x90: {  	(tm) =	ssettm $0x1  }
0x91: {  	s17 =	sld [smem:$0x3FFB];
	_ =	sdelay $0x3  }
0x92: {  	_ =	strace s17  }
0x93: {  	s2 =	sld [smem:$0x3FFC];
	_ =	sdelay $0x3  }
0x94: {  	_ =	strace s2  }
0x95: {  	s2 =	sld [smem:$0x3FFD];
	_ =	sdelay $0x3  }
0x96: {  	_ =	strace s2  }
0x97: {  	_ =	strace $0x8FFFFFFF  }
0x98: {  	s18 =	sld [smem:$0x3FDB];
	_ =	sdelay $0x1  }
0x99: {  	s19 =	simm.s32 $_scs_section_size  }
0x9a: {  	s4 =	simm.s32 $_size__tile_overlayer_lowered;
	s5 =	simm.s32 $_tile_overlayer_lowered  }
0x9b: {  	s22 =	simm.s32 $0x1BFF;
	s21 =	sshll.u32 s5, $0x1;
	s2 =	sadd.s32 s19, s18  }
0x9c: {  	s6 =	simm.s32 $0x0;
	s20 =	sshll.u32 s4, $0x1;
	s4 =	sadd.s32 s21, s2  }
0x9d: {  	[timem:s6], [sflag:s22] =	dma.local [hbm:s4], s20  }
0x9e: {  	_ =	swait.ge [sflag:s22], s20  }
0x9f: {  	s3 =	ssub.s32 $0x0, s20;
	[sflag:s22] =	ssyncset.done $0x0  }
0xa0: {  	[sflag:s22] =	ssyncadd.s32 s3;
	_ =	sdelay $0x1  }
0xa1: {  	s23 =	simm.s32 $0x1B8B  }
0xa2: {  	_ =	swait.ge [sflag:s23], $0x1  }
0xa3: {  	[sflag:s23] =	ssyncset.done $0x0  }
0xa4: {  	s25 =	simm.s32 $0x1B8E;
	s24 =	sld [smem:$0x3FFE];
	[sflag:s23] =	ssyncadd.s32 $0xFFFFFFFF  }
0xa5: {  	s26 =	simm.s32 $execute0_lowered;
	[smem:$0x3FD2] =	sst s25  }
0xa6: {  	s4 =	sshll.u32 s26, $0x1;
	_ =	strace $0x80000046;
	[dreg:$0x1] =	wrdreg $0xFFFFFFFF  }
0xa7: {  	s28 =	simm.s32 $_size_execute0_lowered;
	s2 =	sadd.s32 s2, s4;
	[dreg:$0x0] =	wrdreg $0x0  }
0xa8: {  	s4 =	sshll.u32 s28, $0x1;
	[dreg:$0x2] =	wrdreg s2  }
0xa9: {  	[dreg:$0x3] =	wrdreg s4  }
0xaa: {  	[dreg:$0x4] =	wrdreg $0xC0  }
0xab: {  	_ =	task [dreg:s6], $0x5FFFF  }
0xac: {  	[dreg:$0x1] =	wrdreg $0xFFFFFFFF  }
0xad: {  	[dreg:$0x0] =	wrdreg $0x60  }
0xae: {  	[dreg:$0x2] =	wrdreg s24  }
0xaf: {  	[dreg:$0x3] =	wrdreg $0x68000  }
0xb0: {  	[dreg:$0x4] =	wrdreg $0x9  }
0xb1: {  	_ =	task.clear_ibuf [dreg:s6], $0x5FFFF;
	_ =	strace $0x90000046  }
0xb2: {  	s29 =	simm.s32 $0x9;
	_ =	strace $0x80000048  }
0xb3: {  	_ =	swait.ge [sflag:s29], $0x1  }
0xb4: {  	[sflag:s29] =	ssyncadd.s32 $0xFFFFFFFF  }
0xb5: {  	_ =	strace $0x90000048  }
0xb6: {  	_ =	sfence  }
0xb7: {  	s30 =	sld [smem:$0x0];
	_ =	sdelay $0x2  }
0xb8: {  	s31 =	sshll.u32 s1, $0xD;
	s1 =	sshrl.u32 s1, $0x2  }
0xb9: {  	s3 =	sand.u32 $0x4000, s31;
	s1 =	sadd.s32 s1, s30  }
0xba: {  	s0 =	sor.u32 s3, s0;
	s1 =	sshll.u32 s1, $0x11  }
0xbb: {  	s0 =	sor.u32 s1, s0  }
0xbc: {  	s0 =	sadd.s32 $0x8F2B, s0  }
0xbd: {  	[sflag:s0] =	ssyncadd.remote.s32 $0x1  }
0xbe: {  	_ =	sfence.sel $0xFFFF  }
0xbf: {  	[dreg:$0x0] =	wrdreg $0xFFFFFFFF;
	(pc) =	sbr.abs _section_cstart, $3  }
0xc0: {  	[dreg:$0x1] =	wrdreg $0xFFFFFFFF  }
0xc1: {  	_ =	task.clear_ibuf [dreg:s6], $0x2FFFF;
	_ =	strace $0x9FFFFFFF  }
0xc2: {  	(tm) =	ssettm $0x7FFFFFFF  }
0xc3: {  	_ =	shalt  }
tec
execute0_lowered:
.L_overlay_start_1:
0x0: {  	(tag) =	ssettag $0x1  }
0x1: {  	s1 =	srdreg.scid  }
0x2: {  	s0 =	stileid.u32;
	s4 =	rddreg [dreg:$0x0]  }
0x3: {  	s2 =	rddreg [dreg:$0x1];
	s3 =	simm.s32 $0x0;
	s11 =	simm.s32 $0x2800  }
0x4: {  	s12 =	simm.s32 $0x1;
	s13 =	simm.s32 $0x80;
	s5 =	sand.u32 $0x1, s1  }
0x5: {  	s31 =	sshll.u32 s0, $0x1;
	s1 =	rddreg [dreg:$0x2];
	s7 =	smul.u32 $0x50000, s0  }
0x6: {  	[smem:$0x7FF] =	sst s3;
	s15 =	smul.u32 $0x2800, s0;
	s16 =	sshll.u32 s0, $0x6  }
0x7: {  	s6 =	sor.u32 s5, s31;
	s8 =	smul.u32 $0x28000, s5;
	s5 =	ssub.s32 $0x2, s5  }
0x8: {  	_ =	strace $0x80000047;
	s6 =	smul.u32 $0x500, s6;
	s9 =	sshrl.u32 s5, $0x1  }
0x9: {  	s7 =	sshrl.u32 s7, $0x2;
	s8 =	sadd.s32 s8, s4;
	s9 =	ssub.s32 s5, s9  }
0xa: {  	s6 =	sadd.s32 s6, s4;
	s4 =	sadd.s32 s7, s2;
	s14 =	sadd.s32 $0xD200, s8  }
0xb: {  	s5 =	sadd.s32 $0x3200, s6;
	s6 =	smax.u32 s9, $0x1;
	s7 =	sadd.s32 $0x4000, s4  }
0xc: {  	s8 =	sadd.s32 $0x8000, s4;
	s9 =	sadd.s32 $0xC000, s4;
	s10 =	sadd.s32 $0x10000, s4  }
0xd: {  	v0 =	vimm.f32 $0.0e+00;
	v1 =	vimm.f32 $1.000000000e+00;
	s14 =	sadd.s32 s15, s14;
	s15 =	sor.u32 $0x1C01, s16;
	s16 =	sshrl.u32 s4, $0x3  }
.LBB2_1:
0xe: {  	s17 =	simm.s32 $0x0;
	s18 =	simm.s32 $0x200  }
.LBB2_2:
0xf: {  	p0 =	sne.s32 s18, $0xFE00;
	[tilespmem:s17+$0x2870] =	vst v0  }
0x10: {  	[tilespmem:s17+$0x2800] =	vst v0  }
0x11: {  	[tilespmem:s17+$0x2810] =	vst v0  }
.Ltmp0:
0x12: {  	[tilespmem:s17+$0x2820] =	vst v0;
	(pc) =	sbr.rel @p0 .LBB2_2-.Ltmp0, $4  }
0x13: {  	[tilespmem:s17+$0x2830] =	vst v0  }
0x14: {  	[tilespmem:s17+$0x2840] =	vst v0  }
0x15: {  	[tilespmem:s17+$0x2850] =	vst v0  }
0x16: {  	[tilespmem:s17+$0x2860] =	vst v0;
	s17 =	sshra.s32 s18, $0x2;
	s18 =	sadd.s32 $0x200, s18  }
0x17: {  	[tilespmem:s17+$0x2870] =	vst v0  }
0x18: {  	[tilespmem:s17+$0x2800] =	vst v0  }
0x19: {  	[tilespmem:s17+$0x2810] =	vst v0  }
0x1a: {  	[tilespmem:s17+$0x2820] =	vst v0  }
0x1b: {  	[tilespmem:s17+$0x2830] =	vst v0  }
0x1c: {  	[tilespmem:s17+$0x2840] =	vst v0  }
0x1d: {  	[tilespmem:s17+$0x2850] =	vst v0  }
0x1e: {  	[tilespmem:s17+$0x2860] =	vst v0  }
0x1f: {  	[spmem:s4] =	stream.linear.scatter [tilespmem:s11], [sflag:$0x1], $0x4000, $0x38;
	[tilespmem:$0x1A800] =	vst v63  }
0x20: {  	_ =	swait.ge [sflag:s12], $0x4000  }
0x21: {  	[sflag:s12] =	ssyncset.done $0x0  }
0x22: {  	[sflag:s12] =	ssyncadd.s32 $0xFFFFC000  }
0x23: {  	[spmem:s7] =	stream.linear.scatter [tilespmem:s11], [sflag:$0x1], $0x4000, $0x38;
	[tilespmem:$0x1A800] =	vst v63  }
0x24: {  	_ =	swait.ge [sflag:s12], $0x4000  }
0x25: {  	[sflag:s12] =	ssyncset.done $0x0  }
0x26: {  	[sflag:s12] =	ssyncadd.s32 $0xFFFFC000  }
0x27: {  	[spmem:s8] =	stream.linear.scatter [tilespmem:s11], [sflag:$0x1], $0x4000, $0x38;
	[tilespmem:$0x1A800] =	vst v63  }
0x28: {  	_ =	swait.ge [sflag:s12], $0x4000  }
0x29: {  	[sflag:s12] =	ssyncset.done $0x0  }
0x2a: {  	[sflag:s12] =	ssyncadd.s32 $0xFFFFC000  }
0x2b: {  	[spmem:s9] =	stream.linear.scatter [tilespmem:s11], [sflag:$0x1], $0x4000, $0x38;
	[tilespmem:$0x1A800] =	vst v63  }
0x2c: {  	_ =	swait.ge [sflag:s12], $0x4000  }
0x2d: {  	[sflag:s12] =	ssyncset.done $0x0  }
0x2e: {  	[sflag:s12] =	ssyncadd.s32 $0xFFFFC000  }
0x2f: {  	[spmem:s10] =	stream.linear.scatter [tilespmem:s11], [sflag:$0x1], $0x4000, $0x38;
	[tilespmem:$0x1A800] =	vst v63  }
0x30: {  	_ =	swait.ge [sflag:s12], $0x4000  }
0x31: {  	[sflag:s12] =	ssyncset.done $0x0  }
0x32: {  	s17 =	simm.s32 $0x0;
	s18 =	simm.s32 $0x200;
	[sflag:s12] =	ssyncadd.s32 $0xFFFFC000  }
.LBB2_4:
0x33: {  	p0 =	sne.s32 s18, $0xFE00;
	[tilespmem:s17+$0x2870] =	vst v1  }
0x34: {  	[tilespmem:s17+$0x2800] =	vst v1  }
0x35: {  	[tilespmem:s17+$0x2810] =	vst v1  }
.Ltmp1:
0x36: {  	[tilespmem:s17+$0x2820] =	vst v1;
	(pc) =	sbr.rel @p0 .LBB2_4-.Ltmp1, $4  }
0x37: {  	[tilespmem:s17+$0x2830] =	vst v1  }
0x38: {  	[tilespmem:s17+$0x2840] =	vst v1  }
0x39: {  	[tilespmem:s17+$0x2850] =	vst v1  }
0x3a: {  	[tilespmem:s17+$0x2860] =	vst v1;
	s17 =	sshra.s32 s18, $0x2;
	s18 =	sadd.s32 $0x200, s18  }
0x3b: {  	[tilespmem:s17+$0x2870] =	vst v1  }
0x3c: {  	[tilespmem:s17+$0x2800] =	vst v1  }
0x3d: {  	[tilespmem:s17+$0x2810] =	vst v1  }
0x3e: {  	[tilespmem:s17+$0x2820] =	vst v1  }
0x3f: {  	[tilespmem:s17+$0x2830] =	vst v1  }
0x40: {  	[tilespmem:s17+$0x2840] =	vst v1  }
0x41: {  	[tilespmem:s17+$0x2850] =	vst v1  }
0x42: {  	[tilespmem:s17+$0x2860] =	vst v1;
	s30 =	simm.s32 $0x0  }
0x43: {  	[tilespmem:s30], [sflag:$0x1] =	stream.linear.gather [hbm4b:s5+s30], $0x2800, $0x38;
	[tilespmem:$0x1A800] =	vst v63  }
0x44: {  	_ =	swait.ge [sflag:s12], $0x2800  }
0x45: {  	[sflag:s12] =	ssyncset.done $0x0  }
0x46: {  	[sflag:s12] =	ssyncadd.s32 $0xFFFFD800  }
0x47: {  	s31 =	simm.s32 $0x0;
	[bflag:$0x0] =	sbarrier.arrive $0xFFFF  }
0x48: {  	[spmem:s2] =	stream.indirect.scatter.add.f32 [tilespmem:s11], [sflag:$0x1], $0x80, s31, s13, $0xb8;
	[tilespmem:$0x1A800] =	vst v63  }
0x49: {  	_ =	swait.ge [sflag:s12], $0x4000  }
0x4a: {  	s17 =	simm.s32 $0x200;
	[sflag:s12] =	ssyncset.done $0x0  }
.LBB2_6:
0x4b: {  	s18 =	sshra.s32 s17, $0x2;
	[sflag:s12] =	ssyncadd.s32 $0xFFFFC000;
	p0 =	sne.s32 s17, $0x9E00  }
0x4c: {  	[spmem:s2] =	stream.indirect.scatter.add.f32 [tilespmem:s11], [sflag:$0x1], $0x80, s18, s13, $0xb8;
	[tilespmem:$0x1A800] =	vst v63  }
.Ltmp2:
0x4d: {  	_ = 	snop;
	(pc) =	sbr.rel @p0 .LBB2_6-.Ltmp2, $4  }
0x4e: {  	_ = 	snop  }
0x4f: {  	s17 =	sadd.s32 $0x200, s17  }
0x50: {  	_ =	swait.ge [sflag:s12], $0x4000  }
0x51: {  	[sflag:s12] =	ssyncset.done $0x0  }
0x52: {  	s3 =	sadd.s32 $0x1, s3  }
0x53: {  	[sflag:s12] =	ssyncadd.s32 $0xFFFFC000;
	p0 =	sne.s32 s3, s6  }
.Ltmp3:
0x54: {  	[bflag:$0x0] =	sbarrier.arrive $0xFFFF;
	(pc) =	sbr.rel @p0 .LBB2_1-.Ltmp3, $4  }
0x55: {  	[hbm:s14], [sflag:s15] =	dma.local [spmem:s16], $0x2800  }
0x56: {  	_ =	swait.ge [sflag:s12], $0x2800  }
0x57: {  	[sflag:s12] =	ssyncset.done $0x0  }
0x58: {  	[sflag:s12] =	ssyncadd.s32 $0xFFFFD800  }
0x59: {  	_ =	sfence.sel $0x180000  }
0x5a: {  	[bflag:$0x0] =	sbarrier.arrive $0xFFFF  }
0x5b: {  	p0 =	sne.s32 s0, $0x0;
	_ =	strace $0x90000047  }
0x5c: {  	s0 =	sadd.s32 @!p0 $0x100000, s1;
	[bflag:$0x2] =	sbarrier.arrive $0xFFFF  }
0x5d: {  	[sflag:s0] =	ssyncadd.tile.s32 @!p0 $0x1;
	_ =	shalt  }
.Lfunc_end2:
_tile_overlayer_lowered:
.L_overlay_start_2:
0x5e: {  	(tag) =	ssettag $0x2  }
0x5f: {  	s0 =	rddreg [dreg:$0x0];
	s2 =	stileid.u32  }
0x60: {  	s1 =	rddreg [dreg:$0x1];
	p0 =	sne.s32 s2, $0x0  }
0x61: {  	s3 =	rddreg [dreg:$0x2];
	[bflag:$0x3] =	sbarrier.arrive $0xFFFF;
	s2 =	simm.s32 @!p0 $0x1C01  }
0x62: {  	[timem:s3], [sflag:s2] =	dma.local @!p0 [hbm:s0], s1  }
0x63: {  	s0 =	simm.s32 @!p0 $0x1  }
0x64: {  	_ =	swait.ge @!p0 [sflag:s0], s1  }
0x65: {  	s1 =	ssub.s32 @!p0 $0x0, s1;
	[sflag:s0] =	ssyncset.done @!p0 $0x0  }
0x66: {  	[sflag:s0] =	ssyncadd.s32 @!p0 s1  }
0x67: {  	[bflag:$0x3] =	sbarrier.arrive $0xFFFF  }
0x68: {  	_ =	shalt  }

</sc_bundles>
